<compile_context>
chip_gen: v7x
topology: tpu7x:2x2x1
jax: 0.10.2.dev20260603
libtpu: 0.0.44.dev20260713+nightly
codegen_flags: <defaults>
</compile_context>

<pallas_src>
import functools

import jax
import jax.numpy as jnp
from jax import lax
from jax.experimental import pallas as pl
from jax.experimental.pallas import tpu as pltpu
from jax.experimental.pallas import tpu_sc as plsc

N = 10000
D = 128
E = 320000
NC = 2
NS = 16
NW = NC * NS
ROWS = E // 128
RPW = ROWS // NW
EXTRA = ROWS - RPW * NW
PB = 26
NPH = RPW // PB
CC = 2000
RPT = N // NS
ZC = 125


def _seg_sum_builder(with_cnt):
  mesh = plsc.VectorSubcoreMesh(core_axis_name="c", subcore_axis_name="s")
  out_type = [jax.ShapeDtypeStruct((NC, N, D), jnp.float32)]
  scratch = [
      pltpu.VMEM((PB, 128), jnp.int32),
      pltpu.VMEM((PB, 128), jnp.int32),
      pltpu.VMEM((PB, 128), jnp.int32),
      pltpu.VMEM((PB, 128), jnp.int32),
      pltpu.VMEM((128, D), jnp.float32),
      pltpu.VMEM((128, D), jnp.float32),
      pltpu.VMEM_SHARED((N, D), jnp.float32),
      pltpu.SemaphoreType.DMA,
      pltpu.SemaphoreType.DMA,
      pltpu.SemaphoreType.DMA,
      pltpu.SemaphoreType.DMA,
  ]
  if with_cnt:
    out_type.append(jax.ShapeDtypeStruct((NC, N), jnp.float32))
    scratch += [
        pltpu.VMEM((128,), jnp.float32),
        pltpu.VMEM((CC,), jnp.float32),
        pltpu.VMEM_SHARED((N,), jnp.float32),
    ]

  def body(x_hbm, src_hbm, dst_hbm, agg_out, *rest):
    if with_cnt:
      (cnt_out, sidx, didx, sidx2, didx2, rows, rows2, agg_sh,
       sem, sem_s, sem_c, sem_p, ones_v, cnt_v, cnt_sh) = rest
    else:
      (sidx, didx, sidx2, didx2, rows, rows2, agg_sh,
       sem, sem_s, sem_c, sem_p) = rest
    c = lax.axis_index("c")
    s = lax.axis_index("s")
    w = c * NS + s
    zero16 = jnp.zeros((16,), jnp.float32)
    base = w * RPW
    slabs = [(sidx, didx), (sidx2, didx2)]

    def slab_start(ph):
      off = base + ph * PB
      si, di = slabs[ph % 2]
      pltpu.async_copy(src_hbm.at[pl.ds(off, PB)], si, sem_p)
      pltpu.async_copy(dst_hbm.at[pl.ds(off, PB)], di, sem_p)

    def slab_wait(ph):
      off = base + ph * PB
      si, di = slabs[ph % 2]
      pltpu.make_async_copy(src_hbm.at[pl.ds(off, PB)], si, sem_p).wait()
      pltpu.make_async_copy(dst_hbm.at[pl.ds(off, PB)], di, sem_p).wait()

    slab_start(0)
    slab_start(1)

    @pl.loop(0, ZC)
    def _(r):
      for j in range(D // 16):
        rows[r, pl.ds(j * 16, 16)] = zero16

    for j in range(RPT // ZC):
      pltpu.sync_copy(rows.at[pl.ds(0, ZC)],
                      agg_sh.at[pl.ds(s * RPT + j * ZC, ZC)])

    if with_cnt:
      one16 = jnp.ones((16,), jnp.float32)

      @pl.loop(0, 128 // 16)
      def _(i):
        ones_v[pl.ds(i * 16, 16)] = one16

      @pl.when(s == 0)
      def _():
        @pl.loop(0, CC // 16)
        def _(i):
          cnt_v[pl.ds(i * 16, 16)] = zero16
        for j in range(N // CC):
          pltpu.sync_copy(cnt_v, cnt_sh.at[pl.ds(j * CC, CC)])

    plsc.subcore_barrier()

    for ph in range(NPH):
      si, di = slabs[ph % 2]

      def g_start(j, buf, si=si):
        pltpu.async_copy(x_hbm.at[si.at[j]], buf, sem)

      def g_wait(j, buf, si=si):
        pltpu.make_async_copy(x_hbm.at[si.at[j]], buf, sem).wait()

      def s_start(j, buf, di=di):
        pltpu.async_copy(buf, agg_sh.at[di.at[j]], sem_s, add=True)

      def s_wait(buf, di=di):
        pltpu.make_async_copy(buf, agg_sh.at[di.at[0]], sem_s).wait()

      slab_wait(ph)
      g_start(0, rows)

      @pl.loop(0, PB // 2)
      def _(t):
        j0 = 2 * t
        g_wait(j0, rows)
        @pl.when(t > 0)
        def _():
          s_wait(rows2)
        g_start(j0 + 1, rows2)
        s_start(j0, rows)
        if with_cnt:
          pltpu.async_copy(ones_v, cnt_sh.at[di.at[j0]], sem_c, add=True)
        g_wait(j0 + 1, rows2)
        s_wait(rows)
        @pl.when(t < PB // 2 - 1)
        def _():
          g_start(j0 + 2, rows)
        s_start(j0 + 1, rows2)
        if with_cnt:
          pltpu.async_copy(ones_v, cnt_sh.at[di.at[j0 + 1]], sem_c,
                           add=True)

      s_wait(rows2)
      if with_cnt:
        pltpu.make_async_copy(x_hbm.at[pl.ds(0, PB)],
                              rows.at[pl.ds(0, PB)], sem_c).wait()
      if ph + 2 < NPH:
        slab_start(ph + 2)

    @pl.when(w < EXTRA)
    def _():
      off = RPW * NW + w
      pltpu.sync_copy(src_hbm.at[pl.ds(off, 1)], sidx.at[pl.ds(0, 1)])
      pltpu.sync_copy(dst_hbm.at[pl.ds(off, 1)], didx.at[pl.ds(0, 1)])
      pltpu.async_copy(x_hbm.at[sidx.at[0]], rows, sem).wait()
      pltpu.sync_copy(rows, agg_sh.at[didx.at[0]], add=True)
      if with_cnt:
        pltpu.sync_copy(ones_v, cnt_sh.at[didx.at[0]], add=True)

    plsc.subcore_barrier()

    for j in range(RPT // ZC):
      r0 = s * RPT + j * ZC
      pltpu.sync_copy(agg_sh.at[pl.ds(r0, ZC)], rows.at[pl.ds(0, ZC)])
      pltpu.sync_copy(rows.at[pl.ds(0, ZC)], agg_out.at[c, pl.ds(r0, ZC)])
    if with_cnt:
      @pl.when(s == 0)
      def _():
        for j in range(N // CC):
          pltpu.sync_copy(cnt_sh.at[pl.ds(j * CC, CC)], cnt_v)
          pltpu.sync_copy(cnt_v, cnt_out.at[c, pl.ds(j * CC, CC)])

  return pl.kernel(
      body, out_type=out_type, mesh=mesh, scratch_types=scratch,
      compiler_params=pltpu.CompilerParams(use_tc_tiling_on_sc=False))


_seg_sum_cnt = _seg_sum_builder(True)
_seg_sum = _seg_sum_builder(False)

_BLK = 1000


def _matT(a, w):
  return jax.lax.dot_general(a, w, (((1,), (1,)), ((), ())),
                             preferred_element_type=jnp.float32)


def _root_body(x, wr, b, o):
  o[...] = _matT(x[...], wr[...]) + b[...]


def _root(xin, wr, b):
  return pl.pallas_call(
      _root_body,
      grid=(N // _BLK,),
      in_specs=[
          pl.BlockSpec((_BLK, D), lambda i: (i, 0)),
          pl.BlockSpec((D, D), lambda i: (0, 0)),
          pl.BlockSpec((1, D), lambda i: (0, 0)),
      ],
      out_specs=pl.BlockSpec((_BLK, D), lambda i: (i, 0)),
      out_shape=jax.ShapeDtypeStruct((N, D), jnp.float32),
  )(xin, wr, b)


def _layer_body(aggp, cntp, xr, wl, o, *, relu):
  agg = aggp[0] + aggp[1]
  cnt = jnp.maximum(cntp[0] + cntp[1], 1.0)
  mean = agg / cnt
  h = _matT(mean, wl[...]) + xr[...]
  if relu:
    h = jnp.maximum(h, 0.0)
  o[...] = h


def _layer(aggp, cntp, xr, wl, relu):
  return pl.pallas_call(
      functools.partial(_layer_body, relu=relu),
      grid=(N // _BLK,),
      in_specs=[
          pl.BlockSpec((NC, _BLK, D), lambda i: (0, i, 0)),
          pl.BlockSpec((NC, _BLK, 1), lambda i: (0, i, 0)),
          pl.BlockSpec((_BLK, D), lambda i: (i, 0)),
          pl.BlockSpec((D, D), lambda i: (0, 0)),
      ],
      out_specs=pl.BlockSpec((_BLK, D), lambda i: (i, 0)),
      out_shape=jax.ShapeDtypeStruct((N, D), jnp.float32),
  )(aggp, cntp, xr, wl)


def kernel(x, edge_index, W1l, W1r, b1, W2l, W2r, b2):
  src = edge_index[0].reshape(ROWS, 128)
  dst = edge_index[1].reshape(ROWS, 128)
  agg1, cntp = _seg_sum_cnt(x, src, dst)
  xr1 = _root(x, W1r, b1.reshape(1, D))
  cntp = cntp.reshape(NC, N, 1)
  h = _layer(agg1, cntp, xr1, W1l, True)
  (agg2,) = _seg_sum(h, src, dst)
  hr2 = _root(h, W2r, b2.reshape(1, D))
  return _layer(agg2, cntp, hr2, W2l, False)

# --- scband reference (transcript-rebuilt; emitter-appended) ---
"""Pipeline reference for scband-graph-embedder-40587440947286 (READ-ONLY COPY).

The authoritative reference and input builder live on the scoring server;
editing this copy changes nothing except your own understanding.
"""

import jax, jax.numpy as jnp
import numpy as np

N = 10000
E = 320000
D_IN = 128
D_HID = 128
D_OUT = 128


def setup_inputs(seed: int = 0) -> dict:
    key = jax.random.key(seed)
    ks = jax.random.split(key, 10)
    x = jax.random.normal(ks[0], (N, D_IN), dtype=jnp.float32)
    edge_index = jax.random.randint(ks[1], (2, E), 0, N, dtype=jnp.int32)
    s1 = 1.0 / np.sqrt(D_IN)
    s2 = 1.0 / np.sqrt(D_HID)
    W1l = jax.random.uniform(ks[2], (D_HID, D_IN), jnp.float32, -s1, s1)
    W1r = jax.random.uniform(ks[3], (D_HID, D_IN), jnp.float32, -s1, s1)
    b1 = jax.random.uniform(ks[4], (D_HID,), jnp.float32, -s1, s1)
    W2l = jax.random.uniform(ks[5], (D_OUT, D_HID), jnp.float32, -s2, s2)
    W2r = jax.random.uniform(ks[6], (D_OUT, D_HID), jnp.float32, -s2, s2)
    b2 = jax.random.uniform(ks[7], (D_OUT,), jnp.float32, -s2, s2)
    return {"x": x, "edge_index": edge_index, "W1l": W1l, "W1r": W1r, "b1": b1, "W2l": W2l, "W2r": W2r, "b2": b2}


def _sage_conv(x, edge_index, Wl, Wr, b):
    # PyG SAGEConv with mean aggregation and root weight:
    #   out = lin_l(mean_{j in N(i)} x_j) + lin_r(x_i) + bias
    src = edge_index[0]
    dst = edge_index[1]
    msgs = jnp.take(x, src, axis=0)  # gather source node features
    n = x.shape[0]
    agg = jax.ops.segment_sum(msgs, dst, num_segments=n)
    cnt = jax.ops.segment_sum(jnp.ones((msgs.shape[0], 1), x.dtype), dst, num_segments=n)
    mean = agg / jnp.maximum(cnt, 1.0)
    return mean @ Wl.T + x @ Wr.T + b


def reference(x, edge_index, W1l, W1r, b1, W2l, W2r, b2):
    h = _sage_conv(x, edge_index, W1l, W1r, b1)
    h = jax.nn.relu(h)
    out = _sage_conv(h, edge_index, W2l, W2r, b2)
    return out

if __name__ == "__main__":
    import jax
    _d = setup_inputs()
    print(jax.jit(kernel)(*tuple(_d.values())))

</pallas_src>

<mosaic_0001>
#map = affine_map<(d0, d1) -> (0, 0)>
#map1 = affine_map<(d0, d1) -> (0, 0, 0)>
module attributes {stable_mosaic.version = 14 : i64} {
  func.func @body(%arg0: i32, %arg1: i32, %arg2: memref<10000x128xf32, #tpu.memory_space<hbm>>, %arg3: memref<2500x128xi32, #tpu.memory_space<hbm>>, %arg4: memref<2500x128xi32, #tpu.memory_space<hbm>>, %arg5: memref<2x10000x128xf32, #tpu.memory_space<hbm>>, %arg6: memref<26x128xi32, #tpu.memory_space<vmem>>, %arg7: memref<26x128xi32, #tpu.memory_space<vmem>>, %arg8: memref<26x128xi32, #tpu.memory_space<vmem>>, %arg9: memref<26x128xi32, #tpu.memory_space<vmem>>, %arg10: memref<128x128xf32, #tpu.memory_space<vmem>>, %arg11: memref<128x128xf32, #tpu.memory_space<vmem>>, %arg12: memref<10000x128xf32, #tpu.memory_space<vmem_shared>>, %arg13: memref<!tpu.dma_semaphore, #tpu.memory_space<semaphore_mem>>, %arg14: memref<!tpu.dma_semaphore, #tpu.memory_space<semaphore_mem>>, %arg15: memref<!tpu.dma_semaphore, #tpu.memory_space<semaphore_mem>>, %arg16: memref<!tpu.dma_semaphore, #tpu.memory_space<semaphore_mem>>) attributes {dimension_semantics = [#tpu.dimension_semantics<core_parallel>, #tpu.dimension_semantics<subcore_parallel>], iteration_bounds = array<i64: 2, 16>, scalar_prefetch = 0 : i64, scratch_operands = 11 : i64, tpu.core_type = #tpu.core_type<sc_vector_subcore>, window_params = [{transform_indices = #map}, {transform_indices = #map}, {transform_indices = #map}, {transform_indices = #map1}]} {
    %mul3A = arith.constant 16 : i32
    %mul3A_0 = arith.muli %arg0, %mul3A : i32
    %add3A = arith.addi %mul3A_0, %arg1 : i32
    %broadcast_in_dim3A = arith.constant 0.000000e+00 : f32
    %broadcast_in_dim3A_1 = vector.broadcast %broadcast_in_dim3A : f32 to vector<16xf32>
    %mul3A_2 = arith.constant 78 : i32
    %mul3A_3 = arith.muli %add3A, %mul3A_2 : i32
    %add3A_4 = arith.constant 0 : i32
    %add3A_5 = arith.addi %mul3A_3, %add3A_4 : i32
    %dma_start3A = arith.constant 0 : i32
    %dma_start3A_6 = tpu.memref_slice %arg3[%add3A_5, %dma_start3A] : memref<2500x128xi32, #tpu.memory_space<hbm>> -> memref<26x128xi32, #tpu.memory_space<hbm>>
    %dma_start3A_7 = arith.constant 0 : i32
    %dma_start3A_8 = tpu.memref_slice %arg3[%add3A_5, %dma_start3A_7] : memref<2500x128xi32, #tpu.memory_space<hbm>> -> memref<26x128xi32, #tpu.memory_space<hbm>>
    tpu.enqueue_dma source(%dma_start3A_8 : memref<26x128xi32, #tpu.memory_space<hbm>>) target(%arg6 : memref<26x128xi32, #tpu.memory_space<vmem>>) target_semaphore(%arg16 : memref<!tpu.dma_semaphore, #tpu.memory_space<semaphore_mem>>)
    %dma_start3A_9 = arith.constant 0 : i32
    %dma_start3A_10 = tpu.memref_slice %arg4[%add3A_5, %dma_start3A_9] : memref<2500x128xi32, #tpu.memory_space<hbm>> -> memref<26x128xi32, #tpu.memory_space<hbm>>
    %dma_start3A_11 = arith.constant 0 : i32
    %dma_start3A_12 = tpu.memref_slice %arg4[%add3A_5, %dma_start3A_11] : memref<2500x128xi32, #tpu.memory_space<hbm>> -> memref<26x128xi32, #tpu.memory_space<hbm>>
    tpu.enqueue_dma source(%dma_start3A_12 : memref<26x128xi32, #tpu.memory_space<hbm>>) target(%arg7 : memref<26x128xi32, #tpu.memory_space<vmem>>) target_semaphore(%arg16 : memref<!tpu.dma_semaphore, #tpu.memory_space<semaphore_mem>>)
    %add3A_13 = arith.constant 26 : i32
    %add3A_14 = arith.addi %mul3A_3, %add3A_13 : i32
    %dma_start3A_15 = arith.constant 0 : i32
    %dma_start3A_16 = tpu.memref_slice %arg3[%add3A_14, %dma_start3A_15] : memref<2500x128xi32, #tpu.memory_space<hbm>> -> memref<26x128xi32, #tpu.memory_space<hbm>>
    %dma_start3A_17 = arith.constant 0 : i32
    %dma_start3A_18 = tpu.memref_slice %arg3[%add3A_14, %dma_start3A_17] : memref<2500x128xi32, #tpu.memory_space<hbm>> -> memref<26x128xi32, #tpu.memory_space<hbm>>
    tpu.enqueue_dma source(%dma_start3A_18 : memref<26x128xi32, #tpu.memory_space<hbm>>) target(%arg8 : memref<26x128xi32, #tpu.memory_space<vmem>>) target_semaphore(%arg16 : memref<!tpu.dma_semaphore, #tpu.memory_space<semaphore_mem>>)
    %dma_start3A_19 = arith.constant 0 : i32
    %dma_start3A_20 = tpu.memref_slice %arg4[%add3A_14, %dma_start3A_19] : memref<2500x128xi32, #tpu.memory_space<hbm>> -> memref<26x128xi32, #tpu.memory_space<hbm>>
    %dma_start3A_21 = arith.constant 0 : i32
    %dma_start3A_22 = tpu.memref_slice %arg4[%add3A_14, %dma_start3A_21] : memref<2500x128xi32, #tpu.memory_space<hbm>> -> memref<26x128xi32, #tpu.memory_space<hbm>>
    tpu.enqueue_dma source(%dma_start3A_22 : memref<26x128xi32, #tpu.memory_space<hbm>>) target(%arg9 : memref<26x128xi32, #tpu.memory_space<vmem>>) target_semaphore(%arg16 : memref<!tpu.dma_semaphore, #tpu.memory_space<semaphore_mem>>)
    %scan3A = arith.constant 0 : i32
    %scan3A_23 = arith.constant 125 : i32
    %scan3A_24 = arith.addi %scan3A, %scan3A_23 : i32
    %scan3A_25 = arith.constant 1 : i32
    scf.for %scan3A_166 = %scan3A to %scan3A_24 step %scan3A_25  : i32 {
      %mul3A_167 = arith.constant 1 : i32
      %mul3A_168 = arith.muli %scan3A_166, %mul3A_167 : i32
      %add3A_169 = arith.constant 0 : i32
      %add3A_170 = arith.addi %add3A_169, %mul3A_168 : i32
      %swap3A = arith.index_cast %add3A_170 : i32 to index
      %swap3A_171 = arith.constant 0 : index
      %swap3A_172 = tpu.vector_load %arg10[%swap3A, %swap3A_171] {strides = array<i32>} : memref<128x128xf32, #tpu.memory_space<vmem>>, vector<1x16xf32>,
      %swap3A_173 = vector.shape_cast %swap3A_172 : vector<1x16xf32> to vector<16xf32>
      %swap3A_174 = vector.shape_cast %broadcast_in_dim3A_1 : vector<16xf32> to vector<1x16xf32>
      tpu.vector_store %arg10[%swap3A, %swap3A_171], %swap3A_174 {strides = array<i32>} : memref<128x128xf32, #tpu.memory_space<vmem>>, vector<1x16xf32>,
      %swap3A_175 = arith.index_cast %add3A_170 : i32 to index
      %swap3A_176 = arith.constant 16 : index
      %swap3A_177 = tpu.vector_load %arg10[%swap3A_175, %swap3A_176] {strides = array<i32>} : memref<128x128xf32, #tpu.memory_space<vmem>>, vector<1x16xf32>,
      %swap3A_178 = vector.shape_cast %swap3A_177 : vector<1x16xf32> to vector<16xf32>
      %swap3A_179 = vector.shape_cast %broadcast_in_dim3A_1 : vector<16xf32> to vector<1x16xf32>
      tpu.vector_store %arg10[%swap3A_175, %swap3A_176], %swap3A_179 {strides = array<i32>} : memref<128x128xf32, #tpu.memory_space<vmem>>, vector<1x16xf32>,
      %swap3A_180 = arith.index_cast %add3A_170 : i32 to index
      %swap3A_181 = arith.constant 32 : index
      %swap3A_182 = tpu.vector_load %arg10[%swap3A_180, %swap3A_181] {strides = array<i32>} : memref<128x128xf32, #tpu.memory_space<vmem>>, vector<1x16xf32>,
      %swap3A_183 = vector.shape_cast %swap3A_182 : vector<1x16xf32> to vector<16xf32>
      %swap3A_184 = vector.shape_cast %broadcast_in_dim3A_1 : vector<16xf32> to vector<1x16xf32>
      tpu.vector_store %arg10[%swap3A_180, %swap3A_181], %swap3A_184 {strides = array<i32>} : memref<128x128xf32, #tpu.memory_space<vmem>>, vector<1x16xf32>,
      %swap3A_185 = arith.index_cast %add3A_170 : i32 to index
      %swap3A_186 = arith.constant 48 : index
      %swap3A_187 = tpu.vector_load %arg10[%swap3A_185, %swap3A_186] {strides = array<i32>} : memref<128x128xf32, #tpu.memory_space<vmem>>, vector<1x16xf32>,
      %swap3A_188 = vector.shape_cast %swap3A_187 : vector<1x16xf32> to vector<16xf32>
      %swap3A_189 = vector.shape_cast %broadcast_in_dim3A_1 : vector<16xf32> to vector<1x16xf32>
      tpu.vector_store %arg10[%swap3A_185, %swap3A_186], %swap3A_189 {strides = array<i32>} : memref<128x128xf32, #tpu.memory_space<vmem>>, vector<1x16xf32>,
      %swap3A_190 = arith.index_cast %add3A_170 : i32 to index
      %swap3A_191 = arith.constant 64 : index
      %swap3A_192 = tpu.vector_load %arg10[%swap3A_190, %swap3A_191] {strides = array<i32>} : memref<128x128xf32, #tpu.memory_space<vmem>>, vector<1x16xf32>,
      %swap3A_193 = vector.shape_cast %swap3A_192 : vector<1x16xf32> to vector<16xf32>
      %swap3A_194 = vector.shape_cast %broadcast_in_dim3A_1 : vector<16xf32> to vector<1x16xf32>
      tpu.vector_store %arg10[%swap3A_190, %swap3A_191], %swap3A_194 {strides = array<i32>} : memref<128x128xf32, #tpu.memory_space<vmem>>, vector<1x16xf32>,
      %swap3A_195 = arith.index_cast %add3A_170 : i32 to index
      %swap3A_196 = arith.constant 80 : index
      %swap3A_197 = tpu.vector_load %arg10[%swap3A_195, %swap3A_196] {strides = array<i32>} : memref<128x128xf32, #tpu.memory_space<vmem>>, vector<1x16xf32>,
      %swap3A_198 = vector.shape_cast %swap3A_197 : vector<1x16xf32> to vector<16xf32>
      %swap3A_199 = vector.shape_cast %broadcast_in_dim3A_1 : vector<16xf32> to vector<1x16xf32>
      tpu.vector_store %arg10[%swap3A_195, %swap3A_196], %swap3A_199 {strides = array<i32>} : memref<128x128xf32, #tpu.memory_space<vmem>>, vector<1x16xf32>,
      %swap3A_200 = arith.index_cast %add3A_170 : i32 to index
      %swap3A_201 = arith.constant 96 : index
      %swap3A_202 = tpu.vector_load %arg10[%swap3A_200, %swap3A_201] {strides = array<i32>} : memref<128x128xf32, #tpu.memory_space<vmem>>, vector<1x16xf32>,
      %swap3A_203 = vector.shape_cast %swap3A_202 : vector<1x16xf32> to vector<16xf32>
      %swap3A_204 = vector.shape_cast %broadcast_in_dim3A_1 : vector<16xf32> to vector<1x16xf32>
      tpu.vector_store %arg10[%swap3A_200, %swap3A_201], %swap3A_204 {strides = array<i32>} : memref<128x128xf32, #tpu.memory_space<vmem>>, vector<1x16xf32>,
      %swap3A_205 = arith.index_cast %add3A_170 : i32 to index
      %swap3A_206 = arith.constant 112 : index
      %swap3A_207 = tpu.vector_load %arg10[%swap3A_205, %swap3A_206] {strides = array<i32>} : memref<128x128xf32, #tpu.memory_space<vmem>>, vector<1x16xf32>,
      %swap3A_208 = vector.shape_cast %swap3A_207 : vector<1x16xf32> to vector<16xf32>
      %swap3A_209 = vector.shape_cast %broadcast_in_dim3A_1 : vector<16xf32> to vector<1x16xf32>
      tpu.vector_store %arg10[%swap3A_205, %swap3A_206], %swap3A_209 {strides = array<i32>} : memref<128x128xf32, #tpu.memory_space<vmem>>, vector<1x16xf32>,
    }
    %scan3A_26 = arith.constant 125 : i32
    %mul3A_27 = arith.constant 625 : i32
    %mul3A_28 = arith.muli %arg1, %mul3A_27 : i32
    %add3A_29 = arith.constant 0 : i32
    %add3A_30 = arith.addi %mul3A_28, %add3A_29 : i32
    "tpu.region"() ({
      %run_scoped3A = tpu.sem_alloc : memref<!tpu.dma_semaphore, #tpu.memory_space<semaphore_mem>>
      %dma_start3A_166 = arith.constant 0 : i32
      %dma_start3A_167 = arith.constant 0 : i32
      %dma_start3A_168 = tpu.memref_slice %arg10[%dma_start3A_166, %dma_start3A_167] : memref<128x128xf32, #tpu.memory_space<vmem>> -> memref<125x128xf32, #tpu.memory_space<vmem>>
      %dma_start3A_169 = arith.constant 0 : i32
      %dma_start3A_170 = tpu.memref_slice %arg12[%add3A_30, %dma_start3A_169] : memref<10000x128xf32, #tpu.memory_space<vmem_shared>> -> memref<125x128xf32, #tpu.memory_space<vmem_shared>>
      %dma_start3A_171 = arith.constant 0 : i32
      %dma_start3A_172 = tpu.memref_slice %arg12[%add3A_30, %dma_start3A_171] : memref<10000x128xf32, #tpu.memory_space<vmem_shared>> -> memref<125x128xf32, #tpu.memory_space<vmem_shared>>
      %dma_start3A_173 = arith.constant 0 : i32
      %dma_start3A_174 = arith.constant 0 : i32
      %dma_start3A_175 = tpu.memref_slice %arg10[%dma_start3A_173, %dma_start3A_174] : memref<128x128xf32, #tpu.memory_space<vmem>> -> memref<125x128xf32, #tpu.memory_space<vmem>>
      tpu.enqueue_dma source(%dma_start3A_175 : memref<125x128xf32, #tpu.memory_space<vmem>>) target(%dma_start3A_172 : memref<125x128xf32, #tpu.memory_space<vmem_shared>>) target_semaphore(%run_scoped3A : memref<!tpu.dma_semaphore, #tpu.memory_space<semaphore_mem>>)
      %dma_wait3A_176 = arith.constant 0 : i32
      %dma_wait3A_177 = arith.constant 0 : i32
      %dma_wait3A_178 = tpu.memref_slice %arg10[%dma_wait3A_176, %dma_wait3A_177] : memref<128x128xf32, #tpu.memory_space<vmem>> -> memref<125x128xf32, #tpu.memory_space<vmem>>
      %dma_wait3A_179 = arith.constant 0 : i32
      %dma_wait3A_180 = tpu.memref_slice %arg12[%add3A_30, %dma_wait3A_179] : memref<10000x128xf32, #tpu.memory_space<vmem_shared>> -> memref<125x128xf32, #tpu.memory_space<vmem_shared>>
      %dma_wait3A_181 = arith.constant 0 : i32
      %dma_wait3A_182 = tpu.memref_slice %arg12[%add3A_30, %dma_wait3A_181] : memref<10000x128xf32, #tpu.memory_space<vmem_shared>> -> memref<125x128xf32, #tpu.memory_space<vmem_shared>>
      %dma_wait3A_183 = arith.constant 0 : i32
      %dma_wait3A_184 = arith.constant 0 : i32
      %dma_wait3A_185 = tpu.memref_slice %arg10[%dma_wait3A_183, %dma_wait3A_184] : memref<128x128xf32, #tpu.memory_space<vmem>> -> memref<125x128xf32, #tpu.memory_space<vmem>>
      tpu.wait_dma2 semaphore(%run_scoped3A : memref<!tpu.dma_semaphore, #tpu.memory_space<semaphore_mem>>) src(%dma_wait3A_185 : memref<125x128xf32, #tpu.memory_space<vmem>>) dst(%dma_wait3A_182 : memref<125x128xf32, #tpu.memory_space<vmem_shared>>)
      tpu.yield
    }) : () -> ()
    %mul3A_31 = arith.constant 625 : i32
    %mul3A_32 = arith.muli %arg1, %mul3A_31 : i32
    %add3A_33 = arith.constant 125 : i32
    %add3A_34 = arith.addi %mul3A_32, %add3A_33 : i32
    "tpu.region"() ({
      %run_scoped3A = tpu.sem_alloc : memref<!tpu.dma_semaphore, #tpu.memory_space<semaphore_mem>>
      %dma_start3A_166 = arith.constant 0 : i32
      %dma_start3A_167 = arith.constant 0 : i32
      %dma_start3A_168 = tpu.memref_slice %arg10[%dma_start3A_166, %dma_start3A_167] : memref<128x128xf32, #tpu.memory_space<vmem>> -> memref<125x128xf32, #tpu.memory_space<vmem>>
      %dma_start3A_169 = arith.constant 0 : i32
      %dma_start3A_170 = tpu.memref_slice %arg12[%add3A_34, %dma_start3A_169] : memref<10000x128xf32, #tpu.memory_space<vmem_shared>> -> memref<125x128xf32, #tpu.memory_space<vmem_shared>>
      %dma_start3A_171 = arith.constant 0 : i32
      %dma_start3A_172 = tpu.memref_slice %arg12[%add3A_34, %dma_start3A_171] : memref<10000x128xf32, #tpu.memory_space<vmem_shared>> -> memref<125x128xf32, #tpu.memory_space<vmem_shared>>
      %dma_start3A_173 = arith.constant 0 : i32
      %dma_start3A_174 = arith.constant 0 : i32
      %dma_start3A_175 = tpu.memref_slice %arg10[%dma_start3A_173, %dma_start3A_174] : memref<128x128xf32, #tpu.memory_space<vmem>> -> memref<125x128xf32, #tpu.memory_space<vmem>>
      tpu.enqueue_dma source(%dma_start3A_175 : memref<125x128xf32, #tpu.memory_space<vmem>>) target(%dma_start3A_172 : memref<125x128xf32, #tpu.memory_space<vmem_shared>>) target_semaphore(%run_scoped3A : memref<!tpu.dma_semaphore, #tpu.memory_space<semaphore_mem>>)
      %dma_wait3A_176 = arith.constant 0 : i32
      %dma_wait3A_177 = arith.constant 0 : i32
      %dma_wait3A_178 = tpu.memref_slice %arg10[%dma_wait3A_176, %dma_wait3A_177] : memref<128x128xf32, #tpu.memory_space<vmem>> -> memref<125x128xf32, #tpu.memory_space<vmem>>
      %dma_wait3A_179 = arith.constant 0 : i32
      %dma_wait3A_180 = tpu.memref_slice %arg12[%add3A_34, %dma_wait3A_179] : memref<10000x128xf32, #tpu.memory_space<vmem_shared>> -> memref<125x128xf32, #tpu.memory_space<vmem_shared>>
      %dma_wait3A_181 = arith.constant 0 : i32
      %dma_wait3A_182 = tpu.memref_slice %arg12[%add3A_34, %dma_wait3A_181] : memref<10000x128xf32, #tpu.memory_space<vmem_shared>> -> memref<125x128xf32, #tpu.memory_space<vmem_shared>>
      %dma_wait3A_183 = arith.constant 0 : i32
      %dma_wait3A_184 = arith.constant 0 : i32
      %dma_wait3A_185 = tpu.memref_slice %arg10[%dma_wait3A_183, %dma_wait3A_184] : memref<128x128xf32, #tpu.memory_space<vmem>> -> memref<125x128xf32, #tpu.memory_space<vmem>>
      tpu.wait_dma2 semaphore(%run_scoped3A : memref<!tpu.dma_semaphore, #tpu.memory_space<semaphore_mem>>) src(%dma_wait3A_185 : memref<125x128xf32, #tpu.memory_space<vmem>>) dst(%dma_wait3A_182 : memref<125x128xf32, #tpu.memory_space<vmem_shared>>)
      tpu.yield
    }) : () -> ()
    %mul3A_35 = arith.constant 625 : i32
    %mul3A_36 = arith.muli %arg1, %mul3A_35 : i32
    %add3A_37 = arith.constant 250 : i32
    %add3A_38 = arith.addi %mul3A_36, %add3A_37 : i32
    "tpu.region"() ({
      %run_scoped3A = tpu.sem_alloc : memref<!tpu.dma_semaphore, #tpu.memory_space<semaphore_mem>>
      %dma_start3A_166 = arith.constant 0 : i32
      %dma_start3A_167 = arith.constant 0 : i32
      %dma_start3A_168 = tpu.memref_slice %arg10[%dma_start3A_166, %dma_start3A_167] : memref<128x128xf32, #tpu.memory_space<vmem>> -> memref<125x128xf32, #tpu.memory_space<vmem>>
      %dma_start3A_169 = arith.constant 0 : i32
      %dma_start3A_170 = tpu.memref_slice %arg12[%add3A_38, %dma_start3A_169] : memref<10000x128xf32, #tpu.memory_space<vmem_shared>> -> memref<125x128xf32, #tpu.memory_space<vmem_shared>>
      %dma_start3A_171 = arith.constant 0 : i32
      %dma_start3A_172 = tpu.memref_slice %arg12[%add3A_38, %dma_start3A_171] : memref<10000x128xf32, #tpu.memory_space<vmem_shared>> -> memref<125x128xf32, #tpu.memory_space<vmem_shared>>
      %dma_start3A_173 = arith.constant 0 : i32
      %dma_start3A_174 = arith.constant 0 : i32
      %dma_start3A_175 = tpu.memref_slice %arg10[%dma_start3A_173, %dma_start3A_174] : memref<128x128xf32, #tpu.memory_space<vmem>> -> memref<125x128xf32, #tpu.memory_space<vmem>>
      tpu.enqueue_dma source(%dma_start3A_175 : memref<125x128xf32, #tpu.memory_space<vmem>>) target(%dma_start3A_172 : memref<125x128xf32, #tpu.memory_space<vmem_shared>>) target_semaphore(%run_scoped3A : memref<!tpu.dma_semaphore, #tpu.memory_space<semaphore_mem>>)
      %dma_wait3A_176 = arith.constant 0 : i32
      %dma_wait3A_177 = arith.constant 0 : i32
      %dma_wait3A_178 = tpu.memref_slice %arg10[%dma_wait3A_176, %dma_wait3A_177] : memref<128x128xf32, #tpu.memory_space<vmem>> -> memref<125x128xf32, #tpu.memory_space<vmem>>
      %dma_wait3A_179 = arith.constant 0 : i32
      %dma_wait3A_180 = tpu.memref_slice %arg12[%add3A_38, %dma_wait3A_179] : memref<10000x128xf32, #tpu.memory_space<vmem_shared>> -> memref<125x128xf32, #tpu.memory_space<vmem_shared>>
      %dma_wait3A_181 = arith.constant 0 : i32
      %dma_wait3A_182 = tpu.memref_slice %arg12[%add3A_38, %dma_wait3A_181] : memref<10000x128xf32, #tpu.memory_space<vmem_shared>> -> memref<125x128xf32, #tpu.memory_space<vmem_shared>>
      %dma_wait3A_183 = arith.constant 0 : i32
      %dma_wait3A_184 = arith.constant 0 : i32
      %dma_wait3A_185 = tpu.memref_slice %arg10[%dma_wait3A_183, %dma_wait3A_184] : memref<128x128xf32, #tpu.memory_space<vmem>> -> memref<125x128xf32, #tpu.memory_space<vmem>>
      tpu.wait_dma2 semaphore(%run_scoped3A : memref<!tpu.dma_semaphore, #tpu.memory_space<semaphore_mem>>) src(%dma_wait3A_185 : memref<125x128xf32, #tpu.memory_space<vmem>>) dst(%dma_wait3A_182 : memref<125x128xf32, #tpu.memory_space<vmem_shared>>)
      tpu.yield
    }) : () -> ()
    %mul3A_39 = arith.constant 625 : i32
    %mul3A_40 = arith.muli %arg1, %mul3A_39 : i32
    %add3A_41 = arith.constant 375 : i32
    %add3A_42 = arith.addi %mul3A_40, %add3A_41 : i32
    "tpu.region"() ({
      %run_scoped3A = tpu.sem_alloc : memref<!tpu.dma_semaphore, #tpu.memory_space<semaphore_mem>>
      %dma_start3A_166 = arith.constant 0 : i32
      %dma_start3A_167 = arith.constant 0 : i32
      %dma_start3A_168 = tpu.memref_slice %arg10[%dma_start3A_166, %dma_start3A_167] : memref<128x128xf32, #tpu.memory_space<vmem>> -> memref<125x128xf32, #tpu.memory_space<vmem>>
      %dma_start3A_169 = arith.constant 0 : i32
      %dma_start3A_170 = tpu.memref_slice %arg12[%add3A_42, %dma_start3A_169] : memref<10000x128xf32, #tpu.memory_space<vmem_shared>> -> memref<125x128xf32, #tpu.memory_space<vmem_shared>>
      %dma_start3A_171 = arith.constant 0 : i32
      %dma_start3A_172 = tpu.memref_slice %arg12[%add3A_42, %dma_start3A_171] : memref<10000x128xf32, #tpu.memory_space<vmem_shared>> -> memref<125x128xf32, #tpu.memory_space<vmem_shared>>
      %dma_start3A_173 = arith.constant 0 : i32
      %dma_start3A_174 = arith.constant 0 : i32
      %dma_start3A_175 = tpu.memref_slice %arg10[%dma_start3A_173, %dma_start3A_174] : memref<128x128xf32, #tpu.memory_space<vmem>> -> memref<125x128xf32, #tpu.memory_space<vmem>>
      tpu.enqueue_dma source(%dma_start3A_175 : memref<125x128xf32, #tpu.memory_space<vmem>>) target(%dma_start3A_172 : memref<125x128xf32, #tpu.memory_space<vmem_shared>>) target_semaphore(%run_scoped3A : memref<!tpu.dma_semaphore, #tpu.memory_space<semaphore_mem>>)
      %dma_wait3A_176 = arith.constant 0 : i32
      %dma_wait3A_177 = arith.constant 0 : i32
      %dma_wait3A_178 = tpu.memref_slice %arg10[%dma_wait3A_176, %dma_wait3A_177] : memref<128x128xf32, #tpu.memory_space<vmem>> -> memref<125x128xf32, #tpu.memory_space<vmem>>
      %dma_wait3A_179 = arith.constant 0 : i32
      %dma_wait3A_180 = tpu.memref_slice %arg12[%add3A_42, %dma_wait3A_179] : memref<10000x128xf32, #tpu.memory_space<vmem_shared>> -> memref<125x128xf32, #tpu.memory_space<vmem_shared>>
      %dma_wait3A_181 = arith.constant 0 : i32
      %dma_wait3A_182 = tpu.memref_slice %arg12[%add3A_42, %dma_wait3A_181] : memref<10000x128xf32, #tpu.memory_space<vmem_shared>> -> memref<125x128xf32, #tpu.memory_space<vmem_shared>>
      %dma_wait3A_183 = arith.constant 0 : i32
      %dma_wait3A_184 = arith.constant 0 : i32
      %dma_wait3A_185 = tpu.memref_slice %arg10[%dma_wait3A_183, %dma_wait3A_184] : memref<128x128xf32, #tpu.memory_space<vmem>> -> memref<125x128xf32, #tpu.memory_space<vmem>>
      tpu.wait_dma2 semaphore(%run_scoped3A : memref<!tpu.dma_semaphore, #tpu.memory_space<semaphore_mem>>) src(%dma_wait3A_185 : memref<125x128xf32, #tpu.memory_space<vmem>>) dst(%dma_wait3A_182 : memref<125x128xf32, #tpu.memory_space<vmem_shared>>)
      tpu.yield
    }) : () -> ()
    %mul3A_43 = arith.constant 625 : i32
    %mul3A_44 = arith.muli %arg1, %mul3A_43 : i32
    %add3A_45 = arith.constant 500 : i32
    %add3A_46 = arith.addi %mul3A_44, %add3A_45 : i32
    "tpu.region"() ({
      %run_scoped3A = tpu.sem_alloc : memref<!tpu.dma_semaphore, #tpu.memory_space<semaphore_mem>>
      %dma_start3A_166 = arith.constant 0 : i32
      %dma_start3A_167 = arith.constant 0 : i32
      %dma_start3A_168 = tpu.memref_slice %arg10[%dma_start3A_166, %dma_start3A_167] : memref<128x128xf32, #tpu.memory_space<vmem>> -> memref<125x128xf32, #tpu.memory_space<vmem>>
      %dma_start3A_169 = arith.constant 0 : i32
      %dma_start3A_170 = tpu.memref_slice %arg12[%add3A_46, %dma_start3A_169] : memref<10000x128xf32, #tpu.memory_space<vmem_shared>> -> memref<125x128xf32, #tpu.memory_space<vmem_shared>>
      %dma_start3A_171 = arith.constant 0 : i32
      %dma_start3A_172 = tpu.memref_slice %arg12[%add3A_46, %dma_start3A_171] : memref<10000x128xf32, #tpu.memory_space<vmem_shared>> -> memref<125x128xf32, #tpu.memory_space<vmem_shared>>
      %dma_start3A_173 = arith.constant 0 : i32
      %dma_start3A_174 = arith.constant 0 : i32
      %dma_start3A_175 = tpu.memref_slice %arg10[%dma_start3A_173, %dma_start3A_174] : memref<128x128xf32, #tpu.memory_space<vmem>> -> memref<125x128xf32, #tpu.memory_space<vmem>>
      tpu.enqueue_dma source(%dma_start3A_175 : memref<125x128xf32, #tpu.memory_space<vmem>>) target(%dma_start3A_172 : memref<125x128xf32, #tpu.memory_space<vmem_shared>>) target_semaphore(%run_scoped3A : memref<!tpu.dma_semaphore, #tpu.memory_space<semaphore_mem>>)
      %dma_wait3A_176 = arith.constant 0 : i32
      %dma_wait3A_177 = arith.constant 0 : i32
      %dma_wait3A_178 = tpu.memref_slice %arg10[%dma_wait3A_176, %dma_wait3A_177] : memref<128x128xf32, #tpu.memory_space<vmem>> -> memref<125x128xf32, #tpu.memory_space<vmem>>
      %dma_wait3A_179 = arith.constant 0 : i32
      %dma_wait3A_180 = tpu.memref_slice %arg12[%add3A_46, %dma_wait3A_179] : memref<10000x128xf32, #tpu.memory_space<vmem_shared>> -> memref<125x128xf32, #tpu.memory_space<vmem_shared>>
      %dma_wait3A_181 = arith.constant 0 : i32
      %dma_wait3A_182 = tpu.memref_slice %arg12[%add3A_46, %dma_wait3A_181] : memref<10000x128xf32, #tpu.memory_space<vmem_shared>> -> memref<125x128xf32, #tpu.memory_space<vmem_shared>>
      %dma_wait3A_183 = arith.constant 0 : i32
      %dma_wait3A_184 = arith.constant 0 : i32
      %dma_wait3A_185 = tpu.memref_slice %arg10[%dma_wait3A_183, %dma_wait3A_184] : memref<128x128xf32, #tpu.memory_space<vmem>> -> memref<125x128xf32, #tpu.memory_space<vmem>>
      tpu.wait_dma2 semaphore(%run_scoped3A : memref<!tpu.dma_semaphore, #tpu.memory_space<semaphore_mem>>) src(%dma_wait3A_185 : memref<125x128xf32, #tpu.memory_space<vmem>>) dst(%dma_wait3A_182 : memref<125x128xf32, #tpu.memory_space<vmem_shared>>)
      tpu.yield
    }) : () -> ()
    %barrier3A = arith.constant 0 : index
    tpu.barrier barrier_id(%barrier3A)
    %add3A_47 = arith.constant 0 : i32
    %add3A_48 = arith.addi %mul3A_3, %add3A_47 : i32
    %dma_wait3A = arith.constant 0 : i32
    %dma_wait3A_49 = tpu.memref_slice %arg3[%add3A_48, %dma_wait3A] : memref<2500x128xi32, #tpu.memory_space<hbm>> -> memref<26x128xi32, #tpu.memory_space<hbm>>
    %dma_wait3A_50 = arith.constant 0 : i32
    %dma_wait3A_51 = tpu.memref_slice %arg3[%add3A_48, %dma_wait3A_50] : memref<2500x128xi32, #tpu.memory_space<hbm>> -> memref<26x128xi32, #tpu.memory_space<hbm>>
    tpu.wait_dma2 semaphore(%arg16 : memref<!tpu.dma_semaphore, #tpu.memory_space<semaphore_mem>>) src(%dma_wait3A_51 : memref<26x128xi32, #tpu.memory_space<hbm>>) dst(%arg6 : memref<26x128xi32, #tpu.memory_space<vmem>>)
    %dma_wait3A_52 = arith.constant 0 : i32
    %dma_wait3A_53 = tpu.memref_slice %arg4[%add3A_48, %dma_wait3A_52] : memref<2500x128xi32, #tpu.memory_space<hbm>> -> memref<26x128xi32, #tpu.memory_space<hbm>>
    %dma_wait3A_54 = arith.constant 0 : i32
    %dma_wait3A_55 = tpu.memref_slice %arg4[%add3A_48, %dma_wait3A_54] : memref<2500x128xi32, #tpu.memory_space<hbm>> -> memref<26x128xi32, #tpu.memory_space<hbm>>
    tpu.wait_dma2 semaphore(%arg16 : memref<!tpu.dma_semaphore, #tpu.memory_space<semaphore_mem>>) src(%dma_wait3A_55 : memref<26x128xi32, #tpu.memory_space<hbm>>) dst(%arg7 : memref<26x128xi32, #tpu.memory_space<vmem>>)
    %dma_start3A_56 = arith.constant 0 : i32
    %dma_start3A_57 = arith.constant 0 : i32
    %dma_start3A_58 = tpu.memref_slice %arg6[%dma_start3A_56, %dma_start3A_57] : memref<26x128xi32, #tpu.memory_space<vmem>> -> memref<1x128xi32, #tpu.memory_space<vmem>>
    %dma_start3A_59 = tpu.memref_squeeze %dma_start3A_58 : memref<1x128xi32, #tpu.memory_space<vmem>> -> memref<128xi32, #tpu.memory_space<vmem>>
    %dma_start3A_60 = arith.constant 0 : i32
    %dma_start3A_61 = arith.constant 0 : i32
    %dma_start3A_62 = tpu.memref_slice %arg2[%dma_start3A_60, %dma_start3A_61] : memref<10000x128xf32, #tpu.memory_space<hbm>> -> memref<10000x128xf32, #tpu.memory_space<hbm>>
    tpu.enqueue_indirect_dma source(%dma_start3A_62 : memref<10000x128xf32, #tpu.memory_space<hbm>>) target(%arg10 : memref<128x128xf32, #tpu.memory_space<vmem>>) offsets(%dma_start3A_59 : memref<128xi32, #tpu.memory_space<vmem>>) semaphore(%arg13 : memref<!tpu.dma_semaphore, #tpu.memory_space<semaphore_mem>>)
    %scan3A_63 = arith.constant 0 : i32
    %scan3A_64 = arith.constant 13 : i32
    %scan3A_65 = arith.addi %scan3A_63, %scan3A_64 : i32
    %scan3A_66 = arith.constant 1 : i32
    scf.for %scan3A_166 = %scan3A_63 to %scan3A_65 step %scan3A_66  : i32 {
      %mul3A_167 = arith.constant 1 : i32
      %mul3A_168 = arith.muli %scan3A_166, %mul3A_167 : i32
      %add3A_169 = arith.constant 0 : i32
      %add3A_170 = arith.addi %add3A_169, %mul3A_168 : i32
      %mul3A_171 = arith.constant 2 : i32
      %mul3A_172 = arith.muli %mul3A_171, %add3A_170 : i32
      %dma_wait3A_173 = arith.constant 0 : i32
      %dma_wait3A_174 = tpu.memref_slice %arg6[%mul3A_172, %dma_wait3A_173] : memref<26x128xi32, #tpu.memory_space<vmem>> -> memref<1x128xi32, #tpu.memory_space<vmem>>
      %dma_wait3A_175 = tpu.memref_squeeze %dma_wait3A_174 : memref<1x128xi32, #tpu.memory_space<vmem>> -> memref<128xi32, #tpu.memory_space<vmem>>
      %dma_wait3A_176 = arith.constant 0 : i32
      %dma_wait3A_177 = arith.constant 0 : i32
      %dma_wait3A_178 = tpu.memref_slice %arg2[%dma_wait3A_176, %dma_wait3A_177] : memref<10000x128xf32, #tpu.memory_space<hbm>> -> memref<10000x128xf32, #tpu.memory_space<hbm>>
      tpu.wait_indirect_dma semaphore(%arg13 : memref<!tpu.dma_semaphore, #tpu.memory_space<semaphore_mem>>) src(%dma_wait3A_178 : memref<10000x128xf32, #tpu.memory_space<hbm>>) dst(%arg10 : memref<128x128xf32, #tpu.memory_space<vmem>>)
      %gt3A = arith.constant 0 : i32
      %gt3A_179 = arith.cmpi sgt, %add3A_170, %gt3A : i32
      %convert_element_type3A_180 = arith.extui %gt3A_179 : i1 to i32
      %cond3A_181 = arith.constant 0 : i32
      %cond3A_182 = arith.cmpi ne, %convert_element_type3A_180, %cond3A_181 : i32
      scf.if %cond3A_182 {
        %dma_wait3A_225 = arith.constant 0 : i32
        %dma_wait3A_226 = arith.constant 0 : i32
        %dma_wait3A_227 = tpu.memref_slice %arg7[%dma_wait3A_225, %dma_wait3A_226] : memref<26x128xi32, #tpu.memory_space<vmem>> -> memref<1x128xi32, #tpu.memory_space<vmem>>
        %dma_wait3A_228 = tpu.memref_squeeze %dma_wait3A_227 : memref<1x128xi32, #tpu.memory_space<vmem>> -> memref<128xi32, #tpu.memory_space<vmem>>
        %dma_wait3A_229 = arith.constant 0 : i32
        %dma_wait3A_230 = arith.constant 0 : i32
        %dma_wait3A_231 = tpu.memref_slice %arg12[%dma_wait3A_229, %dma_wait3A_230] : memref<10000x128xf32, #tpu.memory_space<vmem_shared>> -> memref<10000x128xf32, #tpu.memory_space<vmem_shared>>
        tpu.wait_indirect_dma semaphore(%arg14 : memref<!tpu.dma_semaphore, #tpu.memory_space<semaphore_mem>>) src(%arg11 : memref<128x128xf32, #tpu.memory_space<vmem>>) dst(%dma_wait3A_231 : memref<10000x128xf32, #tpu.memory_space<vmem_shared>>)
      } else {
      }
      %add3A_183 = arith.constant 1 : i32
      %add3A_184 = arith.addi %mul3A_172, %add3A_183 : i32
      %dma_start3A_185 = arith.constant 0 : i32
      %dma_start3A_186 = tpu.memref_slice %arg6[%add3A_184, %dma_start3A_185] : memref<26x128xi32, #tpu.memory_space<vmem>> -> memref<1x128xi32, #tpu.memory_space<vmem>>
      %dma_start3A_187 = tpu.memref_squeeze %dma_start3A_186 : memref<1x128xi32, #tpu.memory_space<vmem>> -> memref<128xi32, #tpu.memory_space<vmem>>
      %dma_start3A_188 = arith.constant 0 : i32
      %dma_start3A_189 = arith.constant 0 : i32
      %dma_start3A_190 = tpu.memref_slice %arg2[%dma_start3A_188, %dma_start3A_189] : memref<10000x128xf32, #tpu.memory_space<hbm>> -> memref<10000x128xf32, #tpu.memory_space<hbm>>
      tpu.enqueue_indirect_dma source(%dma_start3A_190 : memref<10000x128xf32, #tpu.memory_space<hbm>>) target(%arg11 : memref<128x128xf32, #tpu.memory_space<vmem>>) offsets(%dma_start3A_187 : memref<128xi32, #tpu.memory_space<vmem>>) semaphore(%arg13 : memref<!tpu.dma_semaphore, #tpu.memory_space<semaphore_mem>>)
      %dma_start3A_191 = arith.constant 0 : i32
      %dma_start3A_192 = tpu.memref_slice %arg7[%mul3A_172, %dma_start3A_191] : memref<26x128xi32, #tpu.memory_space<vmem>> -> memref<1x128xi32, #tpu.memory_space<vmem>>
      %dma_start3A_193 = tpu.memref_squeeze %dma_start3A_192 : memref<1x128xi32, #tpu.memory_space<vmem>> -> memref<128xi32, #tpu.memory_space<vmem>>
      %dma_start3A_194 = arith.constant 0 : i32
      %dma_start3A_195 = arith.constant 0 : i32
      %dma_start3A_196 = tpu.memref_slice %arg12[%dma_start3A_194, %dma_start3A_195] : memref<10000x128xf32, #tpu.memory_space<vmem_shared>> -> memref<10000x128xf32, #tpu.memory_space<vmem_shared>>
      tpu.enqueue_indirect_dma source(%arg10 : memref<128x128xf32, #tpu.memory_space<vmem>>) target(%dma_start3A_196 : memref<10000x128xf32, #tpu.memory_space<vmem_shared>>) offsets(%dma_start3A_193 : memref<128xi32, #tpu.memory_space<vmem>>) semaphore(%arg14 : memref<!tpu.dma_semaphore, #tpu.memory_space<semaphore_mem>>) {add = true}
      %add3A_197 = arith.constant 1 : i32
      %add3A_198 = arith.addi %mul3A_172, %add3A_197 : i32
      %dma_wait3A_199 = arith.constant 0 : i32
      %dma_wait3A_200 = tpu.memref_slice %arg6[%add3A_198, %dma_wait3A_199] : memref<26x128xi32, #tpu.memory_space<vmem>> -> memref<1x128xi32, #tpu.memory_space<vmem>>
      %dma_wait3A_201 = tpu.memref_squeeze %dma_wait3A_200 : memref<1x128xi32, #tpu.memory_space<vmem>> -> memref<128xi32, #tpu.memory_space<vmem>>
      %dma_wait3A_202 = arith.constant 0 : i32
      %dma_wait3A_203 = arith.constant 0 : i32
      %dma_wait3A_204 = tpu.memref_slice %arg2[%dma_wait3A_202, %dma_wait3A_203] : memref<10000x128xf32, #tpu.memory_space<hbm>> -> memref<10000x128xf32, #tpu.memory_space<hbm>>
      tpu.wait_indirect_dma semaphore(%arg13 : memref<!tpu.dma_semaphore, #tpu.memory_space<semaphore_mem>>) src(%dma_wait3A_204 : memref<10000x128xf32, #tpu.memory_space<hbm>>) dst(%arg11 : memref<128x128xf32, #tpu.memory_space<vmem>>)
      %dma_wait3A_205 = arith.constant 0 : i32
      %dma_wait3A_206 = arith.constant 0 : i32
      %dma_wait3A_207 = tpu.memref_slice %arg7[%dma_wait3A_205, %dma_wait3A_206] : memref<26x128xi32, #tpu.memory_space<vmem>> -> memref<1x128xi32, #tpu.memory_space<vmem>>
      %dma_wait3A_208 = tpu.memref_squeeze %dma_wait3A_207 : memref<1x128xi32, #tpu.memory_space<vmem>> -> memref<128xi32, #tpu.memory_space<vmem>>
      %dma_wait3A_209 = arith.constant 0 : i32
      %dma_wait3A_210 = arith.constant 0 : i32
      %dma_wait3A_211 = tpu.memref_slice %arg12[%dma_wait3A_209, %dma_wait3A_210] : memref<10000x128xf32, #tpu.memory_space<vmem_shared>> -> memref<10000x128xf32, #tpu.memory_space<vmem_shared>>
      tpu.wait_indirect_dma semaphore(%arg14 : memref<!tpu.dma_semaphore, #tpu.memory_space<semaphore_mem>>) src(%arg10 : memref<128x128xf32, #tpu.memory_space<vmem>>) dst(%dma_wait3A_211 : memref<10000x128xf32, #tpu.memory_space<vmem_shared>>)
      %lt3A_212 = arith.constant 12 : i32
      %lt3A_213 = arith.cmpi slt, %add3A_170, %lt3A_212 : i32
      %convert_element_type3A_214 = arith.extui %lt3A_213 : i1 to i32
      %cond3A_215 = arith.constant 0 : i32
      %cond3A_216 = arith.cmpi ne, %convert_element_type3A_214, %cond3A_215 : i32
      scf.if %cond3A_216 {
        %add3A_225 = arith.constant 2 : i32
        %add3A_226 = arith.addi %mul3A_172, %add3A_225 : i32
        %dma_start3A_227 = arith.constant 0 : i32
        %dma_start3A_228 = tpu.memref_slice %arg6[%add3A_226, %dma_start3A_227] : memref<26x128xi32, #tpu.memory_space<vmem>> -> memref<1x128xi32, #tpu.memory_space<vmem>>
        %dma_start3A_229 = tpu.memref_squeeze %dma_start3A_228 : memref<1x128xi32, #tpu.memory_space<vmem>> -> memref<128xi32, #tpu.memory_space<vmem>>
        %dma_start3A_230 = arith.constant 0 : i32
        %dma_start3A_231 = arith.constant 0 : i32
        %dma_start3A_232 = tpu.memref_slice %arg2[%dma_start3A_230, %dma_start3A_231] : memref<10000x128xf32, #tpu.memory_space<hbm>> -> memref<10000x128xf32, #tpu.memory_space<hbm>>
        tpu.enqueue_indirect_dma source(%dma_start3A_232 : memref<10000x128xf32, #tpu.memory_space<hbm>>) target(%arg10 : memref<128x128xf32, #tpu.memory_space<vmem>>) offsets(%dma_start3A_229 : memref<128xi32, #tpu.memory_space<vmem>>) semaphore(%arg13 : memref<!tpu.dma_semaphore, #tpu.memory_space<semaphore_mem>>)
      } else {
      }
      %add3A_217 = arith.constant 1 : i32
      %add3A_218 = arith.addi %mul3A_172, %add3A_217 : i32
      %dma_start3A_219 = arith.constant 0 : i32
      %dma_start3A_220 = tpu.memref_slice %arg7[%add3A_218, %dma_start3A_219] : memref<26x128xi32, #tpu.memory_space<vmem>> -> memref<1x128xi32, #tpu.memory_space<vmem>>
      %dma_start3A_221 = tpu.memref_squeeze %dma_start3A_220 : memref<1x128xi32, #tpu.memory_space<vmem>> -> memref<128xi32, #tpu.memory_space<vmem>>
      %dma_start3A_222 = arith.constant 0 : i32
      %dma_start3A_223 = arith.constant 0 : i32
      %dma_start3A_224 = tpu.memref_slice %arg12[%dma_start3A_222, %dma_start3A_223] : memref<10000x128xf32, #tpu.memory_space<vmem_shared>> -> memref<10000x128xf32, #tpu.memory_space<vmem_shared>>
      tpu.enqueue_indirect_dma source(%arg11 : memref<128x128xf32, #tpu.memory_space<vmem>>) target(%dma_start3A_224 : memref<10000x128xf32, #tpu.memory_space<vmem_shared>>) offsets(%dma_start3A_221 : memref<128xi32, #tpu.memory_space<vmem>>) semaphore(%arg14 : memref<!tpu.dma_semaphore, #tpu.memory_space<semaphore_mem>>) {add = true}
    }
    %scan3A_67 = arith.constant 13 : i32
    %dma_wait3A_68 = arith.constant 0 : i32
    %dma_wait3A_69 = arith.constant 0 : i32
    %dma_wait3A_70 = tpu.memref_slice %arg7[%dma_wait3A_68, %dma_wait3A_69] : memref<26x128xi32, #tpu.memory_space<vmem>> -> memref<1x128xi32, #tpu.memory_space<vmem>>
    %dma_wait3A_71 = tpu.memref_squeeze %dma_wait3A_70 : memref<1x128xi32, #tpu.memory_space<vmem>> -> memref<128xi32, #tpu.memory_space<vmem>>
    %dma_wait3A_72 = arith.constant 0 : i32
    %dma_wait3A_73 = arith.constant 0 : i32
    %dma_wait3A_74 = tpu.memref_slice %arg12[%dma_wait3A_72, %dma_wait3A_73] : memref<10000x128xf32, #tpu.memory_space<vmem_shared>> -> memref<10000x128xf32, #tpu.memory_space<vmem_shared>>
    tpu.wait_indirect_dma semaphore(%arg14 : memref<!tpu.dma_semaphore, #tpu.memory_space<semaphore_mem>>) src(%arg11 : memref<128x128xf32, #tpu.memory_space<vmem>>) dst(%dma_wait3A_74 : memref<10000x128xf32, #tpu.memory_space<vmem_shared>>)
    %add3A_75 = arith.constant 52 : i32
    %add3A_76 = arith.addi %mul3A_3, %add3A_75 : i32
    %dma_start3A_77 = arith.constant 0 : i32
    %dma_start3A_78 = tpu.memref_slice %arg3[%add3A_76, %dma_start3A_77] : memref<2500x128xi32, #tpu.memory_space<hbm>> -> memref<26x128xi32, #tpu.memory_space<hbm>>
    %dma_start3A_79 = arith.constant 0 : i32
    %dma_start3A_80 = tpu.memref_slice %arg3[%add3A_76, %dma_start3A_79] : memref<2500x128xi32, #tpu.memory_space<hbm>> -> memref<26x128xi32, #tpu.memory_space<hbm>>
    tpu.enqueue_dma source(%dma_start3A_80 : memref<26x128xi32, #tpu.memory_space<hbm>>) target(%arg6 : memref<26x128xi32, #tpu.memory_space<vmem>>) target_semaphore(%arg16 : memref<!tpu.dma_semaphore, #tpu.memory_space<semaphore_mem>>)
    %dma_start3A_81 = arith.constant 0 : i32
    %dma_start3A_82 = tpu.memref_slice %arg4[%add3A_76, %dma_start3A_81] : memref<2500x128xi32, #tpu.memory_space<hbm>> -> memref<26x128xi32, #tpu.memory_space<hbm>>
    %dma_start3A_83 = arith.constant 0 : i32
    %dma_start3A_84 = tpu.memref_slice %arg4[%add3A_76, %dma_start3A_83] : memref<2500x128xi32, #tpu.memory_space<hbm>> -> memref<26x128xi32, #tpu.memory_space<hbm>>
    tpu.enqueue_dma source(%dma_start3A_84 : memref<26x128xi32, #tpu.memory_space<hbm>>) target(%arg7 : memref<26x128xi32, #tpu.memory_space<vmem>>) target_semaphore(%arg16 : memref<!tpu.dma_semaphore, #tpu.memory_space<semaphore_mem>>)
    %add3A_85 = arith.constant 26 : i32
    %add3A_86 = arith.addi %mul3A_3, %add3A_85 : i32
    %dma_wait3A_87 = arith.constant 0 : i32
    %dma_wait3A_88 = tpu.memref_slice %arg3[%add3A_86, %dma_wait3A_87] : memref<2500x128xi32, #tpu.memory_space<hbm>> -> memref<26x128xi32, #tpu.memory_space<hbm>>
    %dma_wait3A_89 = arith.constant 0 : i32
    %dma_wait3A_90 = tpu.memref_slice %arg3[%add3A_86, %dma_wait3A_89] : memref<2500x128xi32, #tpu.memory_space<hbm>> -> memref<26x128xi32, #tpu.memory_space<hbm>>
    tpu.wait_dma2 semaphore(%arg16 : memref<!tpu.dma_semaphore, #tpu.memory_space<semaphore_mem>>) src(%dma_wait3A_90 : memref<26x128xi32, #tpu.memory_space<hbm>>) dst(%arg8 : memref<26x128xi32, #tpu.memory_space<vmem>>)
    %dma_wait3A_91 = arith.constant 0 : i32
    %dma_wait3A_92 = tpu.memref_slice %arg4[%add3A_86, %dma_wait3A_91] : memref<2500x128xi32, #tpu.memory_space<hbm>> -> memref<26x128xi32, #tpu.memory_space<hbm>>
    %dma_wait3A_93 = arith.constant 0 : i32
    %dma_wait3A_94 = tpu.memref_slice %arg4[%add3A_86, %dma_wait3A_93] : memref<2500x128xi32, #tpu.memory_space<hbm>> -> memref<26x128xi32, #tpu.memory_space<hbm>>
    tpu.wait_dma2 semaphore(%arg16 : memref<!tpu.dma_semaphore, #tpu.memory_space<semaphore_mem>>) src(%dma_wait3A_94 : memref<26x128xi32, #tpu.memory_space<hbm>>) dst(%arg9 : memref<26x128xi32, #tpu.memory_space<vmem>>)
    %dma_start3A_95 = arith.constant 0 : i32
    %dma_start3A_96 = arith.constant 0 : i32
    %dma_start3A_97 = tpu.memref_slice %arg8[%dma_start3A_95, %dma_start3A_96] : memref<26x128xi32, #tpu.memory_space<vmem>> -> memref<1x128xi32, #tpu.memory_space<vmem>>
    %dma_start3A_98 = tpu.memref_squeeze %dma_start3A_97 : memref<1x128xi32, #tpu.memory_space<vmem>> -> memref<128xi32, #tpu.memory_space<vmem>>
    %dma_start3A_99 = arith.constant 0 : i32
    %dma_start3A_100 = arith.constant 0 : i32
    %dma_start3A_101 = tpu.memref_slice %arg2[%dma_start3A_99, %dma_start3A_100] : memref<10000x128xf32, #tpu.memory_space<hbm>> -> memref<10000x128xf32, #tpu.memory_space<hbm>>
    tpu.enqueue_indirect_dma source(%dma_start3A_101 : memref<10000x128xf32, #tpu.memory_space<hbm>>) target(%arg10 : memref<128x128xf32, #tpu.memory_space<vmem>>) offsets(%dma_start3A_98 : memref<128xi32, #tpu.memory_space<vmem>>) semaphore(%arg13 : memref<!tpu.dma_semaphore, #tpu.memory_space<semaphore_mem>>)
    %scan3A_102 = arith.constant 0 : i32
    %scan3A_103 = arith.constant 13 : i32
    %scan3A_104 = arith.addi %scan3A_102, %scan3A_103 : i32
    %scan3A_105 = arith.constant 1 : i32
    scf.for %scan3A_166 = %scan3A_102 to %scan3A_104 step %scan3A_105  : i32 {
      %mul3A_167 = arith.constant 1 : i32
      %mul3A_168 = arith.muli %scan3A_166, %mul3A_167 : i32
      %add3A_169 = arith.constant 0 : i32
      %add3A_170 = arith.addi %add3A_169, %mul3A_168 : i32
      %mul3A_171 = arith.constant 2 : i32
      %mul3A_172 = arith.muli %mul3A_171, %add3A_170 : i32
      %dma_wait3A_173 = arith.constant 0 : i32
      %dma_wait3A_174 = tpu.memref_slice %arg8[%mul3A_172, %dma_wait3A_173] : memref<26x128xi32, #tpu.memory_space<vmem>> -> memref<1x128xi32, #tpu.memory_space<vmem>>
      %dma_wait3A_175 = tpu.memref_squeeze %dma_wait3A_174 : memref<1x128xi32, #tpu.memory_space<vmem>> -> memref<128xi32, #tpu.memory_space<vmem>>
      %dma_wait3A_176 = arith.constant 0 : i32
      %dma_wait3A_177 = arith.constant 0 : i32
      %dma_wait3A_178 = tpu.memref_slice %arg2[%dma_wait3A_176, %dma_wait3A_177] : memref<10000x128xf32, #tpu.memory_space<hbm>> -> memref<10000x128xf32, #tpu.memory_space<hbm>>
      tpu.wait_indirect_dma semaphore(%arg13 : memref<!tpu.dma_semaphore, #tpu.memory_space<semaphore_mem>>) src(%dma_wait3A_178 : memref<10000x128xf32, #tpu.memory_space<hbm>>) dst(%arg10 : memref<128x128xf32, #tpu.memory_space<vmem>>)
      %gt3A = arith.constant 0 : i32
      %gt3A_179 = arith.cmpi sgt, %add3A_170, %gt3A : i32
      %convert_element_type3A_180 = arith.extui %gt3A_179 : i1 to i32
      %cond3A_181 = arith.constant 0 : i32
      %cond3A_182 = arith.cmpi ne, %convert_element_type3A_180, %cond3A_181 : i32
      scf.if %cond3A_182 {
        %dma_wait3A_225 = arith.constant 0 : i32
        %dma_wait3A_226 = arith.constant 0 : i32
        %dma_wait3A_227 = tpu.memref_slice %arg9[%dma_wait3A_225, %dma_wait3A_226] : memref<26x128xi32, #tpu.memory_space<vmem>> -> memref<1x128xi32, #tpu.memory_space<vmem>>
        %dma_wait3A_228 = tpu.memref_squeeze %dma_wait3A_227 : memref<1x128xi32, #tpu.memory_space<vmem>> -> memref<128xi32, #tpu.memory_space<vmem>>
        %dma_wait3A_229 = arith.constant 0 : i32
        %dma_wait3A_230 = arith.constant 0 : i32
        %dma_wait3A_231 = tpu.memref_slice %arg12[%dma_wait3A_229, %dma_wait3A_230] : memref<10000x128xf32, #tpu.memory_space<vmem_shared>> -> memref<10000x128xf32, #tpu.memory_space<vmem_shared>>
        tpu.wait_indirect_dma semaphore(%arg14 : memref<!tpu.dma_semaphore, #tpu.memory_space<semaphore_mem>>) src(%arg11 : memref<128x128xf32, #tpu.memory_space<vmem>>) dst(%dma_wait3A_231 : memref<10000x128xf32, #tpu.memory_space<vmem_shared>>)
      } else {
      }
      %add3A_183 = arith.constant 1 : i32
      %add3A_184 = arith.addi %mul3A_172, %add3A_183 : i32
      %dma_start3A_185 = arith.constant 0 : i32
      %dma_start3A_186 = tpu.memref_slice %arg8[%add3A_184, %dma_start3A_185] : memref<26x128xi32, #tpu.memory_space<vmem>> -> memref<1x128xi32, #tpu.memory_space<vmem>>
      %dma_start3A_187 = tpu.memref_squeeze %dma_start3A_186 : memref<1x128xi32, #tpu.memory_space<vmem>> -> memref<128xi32, #tpu.memory_space<vmem>>
      %dma_start3A_188 = arith.constant 0 : i32
      %dma_start3A_189 = arith.constant 0 : i32
      %dma_start3A_190 = tpu.memref_slice %arg2[%dma_start3A_188, %dma_start3A_189] : memref<10000x128xf32, #tpu.memory_space<hbm>> -> memref<10000x128xf32, #tpu.memory_space<hbm>>
      tpu.enqueue_indirect_dma source(%dma_start3A_190 : memref<10000x128xf32, #tpu.memory_space<hbm>>) target(%arg11 : memref<128x128xf32, #tpu.memory_space<vmem>>) offsets(%dma_start3A_187 : memref<128xi32, #tpu.memory_space<vmem>>) semaphore(%arg13 : memref<!tpu.dma_semaphore, #tpu.memory_space<semaphore_mem>>)
      %dma_start3A_191 = arith.constant 0 : i32
      %dma_start3A_192 = tpu.memref_slice %arg9[%mul3A_172, %dma_start3A_191] : memref<26x128xi32, #tpu.memory_space<vmem>> -> memref<1x128xi32, #tpu.memory_space<vmem>>
      %dma_start3A_193 = tpu.memref_squeeze %dma_start3A_192 : memref<1x128xi32, #tpu.memory_space<vmem>> -> memref<128xi32, #tpu.memory_space<vmem>>
      %dma_start3A_194 = arith.constant 0 : i32
      %dma_start3A_195 = arith.constant 0 : i32
      %dma_start3A_196 = tpu.memref_slice %arg12[%dma_start3A_194, %dma_start3A_195] : memref<10000x128xf32, #tpu.memory_space<vmem_shared>> -> memref<10000x128xf32, #tpu.memory_space<vmem_shared>>
      tpu.enqueue_indirect_dma source(%arg10 : memref<128x128xf32, #tpu.memory_space<vmem>>) target(%dma_start3A_196 : memref<10000x128xf32, #tpu.memory_space<vmem_shared>>) offsets(%dma_start3A_193 : memref<128xi32, #tpu.memory_space<vmem>>) semaphore(%arg14 : memref<!tpu.dma_semaphore, #tpu.memory_space<semaphore_mem>>) {add = true}
      %add3A_197 = arith.constant 1 : i32
      %add3A_198 = arith.addi %mul3A_172, %add3A_197 : i32
      %dma_wait3A_199 = arith.constant 0 : i32
      %dma_wait3A_200 = tpu.memref_slice %arg8[%add3A_198, %dma_wait3A_199] : memref<26x128xi32, #tpu.memory_space<vmem>> -> memref<1x128xi32, #tpu.memory_space<vmem>>
      %dma_wait3A_201 = tpu.memref_squeeze %dma_wait3A_200 : memref<1x128xi32, #tpu.memory_space<vmem>> -> memref<128xi32, #tpu.memory_space<vmem>>
      %dma_wait3A_202 = arith.constant 0 : i32
      %dma_wait3A_203 = arith.constant 0 : i32
      %dma_wait3A_204 = tpu.memref_slice %arg2[%dma_wait3A_202, %dma_wait3A_203] : memref<10000x128xf32, #tpu.memory_space<hbm>> -> memref<10000x128xf32, #tpu.memory_space<hbm>>
      tpu.wait_indirect_dma semaphore(%arg13 : memref<!tpu.dma_semaphore, #tpu.memory_space<semaphore_mem>>) src(%dma_wait3A_204 : memref<10000x128xf32, #tpu.memory_space<hbm>>) dst(%arg11 : memref<128x128xf32, #tpu.memory_space<vmem>>)
      %dma_wait3A_205 = arith.constant 0 : i32
      %dma_wait3A_206 = arith.constant 0 : i32
      %dma_wait3A_207 = tpu.memref_slice %arg9[%dma_wait3A_205, %dma_wait3A_206] : memref<26x128xi32, #tpu.memory_space<vmem>> -> memref<1x128xi32, #tpu.memory_space<vmem>>
      %dma_wait3A_208 = tpu.memref_squeeze %dma_wait3A_207 : memref<1x128xi32, #tpu.memory_space<vmem>> -> memref<128xi32, #tpu.memory_space<vmem>>
      %dma_wait3A_209 = arith.constant 0 : i32
      %dma_wait3A_210 = arith.constant 0 : i32
      %dma_wait3A_211 = tpu.memref_slice %arg12[%dma_wait3A_209, %dma_wait3A_210] : memref<10000x128xf32, #tpu.memory_space<vmem_shared>> -> memref<10000x128xf32, #tpu.memory_space<vmem_shared>>
      tpu.wait_indirect_dma semaphore(%arg14 : memref<!tpu.dma_semaphore, #tpu.memory_space<semaphore_mem>>) src(%arg10 : memref<128x128xf32, #tpu.memory_space<vmem>>) dst(%dma_wait3A_211 : memref<10000x128xf32, #tpu.memory_space<vmem_shared>>)
      %lt3A_212 = arith.constant 12 : i32
      %lt3A_213 = arith.cmpi slt, %add3A_170, %lt3A_212 : i32
      %convert_element_type3A_214 = arith.extui %lt3A_213 : i1 to i32
      %cond3A_215 = arith.constant 0 : i32
      %cond3A_216 = arith.cmpi ne, %convert_element_type3A_214, %cond3A_215 : i32
      scf.if %cond3A_216 {
        %add3A_225 = arith.constant 2 : i32
        %add3A_226 = arith.addi %mul3A_172, %add3A_225 : i32
        %dma_start3A_227 = arith.constant 0 : i32
        %dma_start3A_228 = tpu.memref_slice %arg8[%add3A_226, %dma_start3A_227] : memref<26x128xi32, #tpu.memory_space<vmem>> -> memref<1x128xi32, #tpu.memory_space<vmem>>
        %dma_start3A_229 = tpu.memref_squeeze %dma_start3A_228 : memref<1x128xi32, #tpu.memory_space<vmem>> -> memref<128xi32, #tpu.memory_space<vmem>>
        %dma_start3A_230 = arith.constant 0 : i32
        %dma_start3A_231 = arith.constant 0 : i32
        %dma_start3A_232 = tpu.memref_slice %arg2[%dma_start3A_230, %dma_start3A_231] : memref<10000x128xf32, #tpu.memory_space<hbm>> -> memref<10000x128xf32, #tpu.memory_space<hbm>>
        tpu.enqueue_indirect_dma source(%dma_start3A_232 : memref<10000x128xf32, #tpu.memory_space<hbm>>) target(%arg10 : memref<128x128xf32, #tpu.memory_space<vmem>>) offsets(%dma_start3A_229 : memref<128xi32, #tpu.memory_space<vmem>>) semaphore(%arg13 : memref<!tpu.dma_semaphore, #tpu.memory_space<semaphore_mem>>)
      } else {
      }
      %add3A_217 = arith.constant 1 : i32
      %add3A_218 = arith.addi %mul3A_172, %add3A_217 : i32
      %dma_start3A_219 = arith.constant 0 : i32
      %dma_start3A_220 = tpu.memref_slice %arg9[%add3A_218, %dma_start3A_219] : memref<26x128xi32, #tpu.memory_space<vmem>> -> memref<1x128xi32, #tpu.memory_space<vmem>>
      %dma_start3A_221 = tpu.memref_squeeze %dma_start3A_220 : memref<1x128xi32, #tpu.memory_space<vmem>> -> memref<128xi32, #tpu.memory_space<vmem>>
      %dma_start3A_222 = arith.constant 0 : i32
      %dma_start3A_223 = arith.constant 0 : i32
      %dma_start3A_224 = tpu.memref_slice %arg12[%dma_start3A_222, %dma_start3A_223] : memref<10000x128xf32, #tpu.memory_space<vmem_shared>> -> memref<10000x128xf32, #tpu.memory_space<vmem_shared>>
      tpu.enqueue_indirect_dma source(%arg11 : memref<128x128xf32, #tpu.memory_space<vmem>>) target(%dma_start3A_224 : memref<10000x128xf32, #tpu.memory_space<vmem_shared>>) offsets(%dma_start3A_221 : memref<128xi32, #tpu.memory_space<vmem>>) semaphore(%arg14 : memref<!tpu.dma_semaphore, #tpu.memory_space<semaphore_mem>>) {add = true}
    }
    %scan3A_106 = arith.constant 13 : i32
    %dma_wait3A_107 = arith.constant 0 : i32
    %dma_wait3A_108 = arith.constant 0 : i32
    %dma_wait3A_109 = tpu.memref_slice %arg9[%dma_wait3A_107, %dma_wait3A_108] : memref<26x128xi32, #tpu.memory_space<vmem>> -> memref<1x128xi32, #tpu.memory_space<vmem>>
    %dma_wait3A_110 = tpu.memref_squeeze %dma_wait3A_109 : memref<1x128xi32, #tpu.memory_space<vmem>> -> memref<128xi32, #tpu.memory_space<vmem>>
    %dma_wait3A_111 = arith.constant 0 : i32
    %dma_wait3A_112 = arith.constant 0 : i32
    %dma_wait3A_113 = tpu.memref_slice %arg12[%dma_wait3A_111, %dma_wait3A_112] : memref<10000x128xf32, #tpu.memory_space<vmem_shared>> -> memref<10000x128xf32, #tpu.memory_space<vmem_shared>>
    tpu.wait_indirect_dma semaphore(%arg14 : memref<!tpu.dma_semaphore, #tpu.memory_space<semaphore_mem>>) src(%arg11 : memref<128x128xf32, #tpu.memory_space<vmem>>) dst(%dma_wait3A_113 : memref<10000x128xf32, #tpu.memory_space<vmem_shared>>)
    %add3A_114 = arith.constant 52 : i32
    %add3A_115 = arith.addi %mul3A_3, %add3A_114 : i32
    %dma_wait3A_116 = arith.constant 0 : i32
    %dma_wait3A_117 = tpu.memref_slice %arg3[%add3A_115, %dma_wait3A_116] : memref<2500x128xi32, #tpu.memory_space<hbm>> -> memref<26x128xi32, #tpu.memory_space<hbm>>
    %dma_wait3A_118 = arith.constant 0 : i32
    %dma_wait3A_119 = tpu.memref_slice %arg3[%add3A_115, %dma_wait3A_118] : memref<2500x128xi32, #tpu.memory_space<hbm>> -> memref<26x128xi32, #tpu.memory_space<hbm>>
    tpu.wait_dma2 semaphore(%arg16 : memref<!tpu.dma_semaphore, #tpu.memory_space<semaphore_mem>>) src(%dma_wait3A_119 : memref<26x128xi32, #tpu.memory_space<hbm>>) dst(%arg6 : memref<26x128xi32, #tpu.memory_space<vmem>>)
    %dma_wait3A_120 = arith.constant 0 : i32
    %dma_wait3A_121 = tpu.memref_slice %arg4[%add3A_115, %dma_wait3A_120] : memref<2500x128xi32, #tpu.memory_space<hbm>> -> memref<26x128xi32, #tpu.memory_space<hbm>>
    %dma_wait3A_122 = arith.constant 0 : i32
    %dma_wait3A_123 = tpu.memref_slice %arg4[%add3A_115, %dma_wait3A_122] : memref<2500x128xi32, #tpu.memory_space<hbm>> -> memref<26x128xi32, #tpu.memory_space<hbm>>
    tpu.wait_dma2 semaphore(%arg16 : memref<!tpu.dma_semaphore, #tpu.memory_space<semaphore_mem>>) src(%dma_wait3A_123 : memref<26x128xi32, #tpu.memory_space<hbm>>) dst(%arg7 : memref<26x128xi32, #tpu.memory_space<vmem>>)
    %dma_start3A_124 = arith.constant 0 : i32
    %dma_start3A_125 = arith.constant 0 : i32
    %dma_start3A_126 = tpu.memref_slice %arg6[%dma_start3A_124, %dma_start3A_125] : memref<26x128xi32, #tpu.memory_space<vmem>> -> memref<1x128xi32, #tpu.memory_space<vmem>>
    %dma_start3A_127 = tpu.memref_squeeze %dma_start3A_126 : memref<1x128xi32, #tpu.memory_space<vmem>> -> memref<128xi32, #tpu.memory_space<vmem>>
    %dma_start3A_128 = arith.constant 0 : i32
    %dma_start3A_129 = arith.constant 0 : i32
    %dma_start3A_130 = tpu.memref_slice %arg2[%dma_start3A_128, %dma_start3A_129] : memref<10000x128xf32, #tpu.memory_space<hbm>> -> memref<10000x128xf32, #tpu.memory_space<hbm>>
    tpu.enqueue_indirect_dma source(%dma_start3A_130 : memref<10000x128xf32, #tpu.memory_space<hbm>>) target(%arg10 : memref<128x128xf32, #tpu.memory_space<vmem>>) offsets(%dma_start3A_127 : memref<128xi32, #tpu.memory_space<vmem>>) semaphore(%arg13 : memref<!tpu.dma_semaphore, #tpu.memory_space<semaphore_mem>>)
    %scan3A_131 = arith.constant 0 : i32
    %scan3A_132 = arith.constant 13 : i32
    %scan3A_133 = arith.addi %scan3A_131, %scan3A_132 : i32
    %scan3A_134 = arith.constant 1 : i32
    scf.for %scan3A_166 = %scan3A_131 to %scan3A_133 step %scan3A_134  : i32 {
      %mul3A_167 = arith.constant 1 : i32
      %mul3A_168 = arith.muli %scan3A_166, %mul3A_167 : i32
      %add3A_169 = arith.constant 0 : i32
      %add3A_170 = arith.addi %add3A_169, %mul3A_168 : i32
      %mul3A_171 = arith.constant 2 : i32
      %mul3A_172 = arith.muli %mul3A_171, %add3A_170 : i32
      %dma_wait3A_173 = arith.constant 0 : i32
      %dma_wait3A_174 = tpu.memref_slice %arg6[%mul3A_172, %dma_wait3A_173] : memref<26x128xi32, #tpu.memory_space<vmem>> -> memref<1x128xi32, #tpu.memory_space<vmem>>
      %dma_wait3A_175 = tpu.memref_squeeze %dma_wait3A_174 : memref<1x128xi32, #tpu.memory_space<vmem>> -> memref<128xi32, #tpu.memory_space<vmem>>
      %dma_wait3A_176 = arith.constant 0 : i32
      %dma_wait3A_177 = arith.constant 0 : i32
      %dma_wait3A_178 = tpu.memref_slice %arg2[%dma_wait3A_176, %dma_wait3A_177] : memref<10000x128xf32, #tpu.memory_space<hbm>> -> memref<10000x128xf32, #tpu.memory_space<hbm>>
      tpu.wait_indirect_dma semaphore(%arg13 : memref<!tpu.dma_semaphore, #tpu.memory_space<semaphore_mem>>) src(%dma_wait3A_178 : memref<10000x128xf32, #tpu.memory_space<hbm>>) dst(%arg10 : memref<128x128xf32, #tpu.memory_space<vmem>>)
      %gt3A = arith.constant 0 : i32
      %gt3A_179 = arith.cmpi sgt, %add3A_170, %gt3A : i32
      %convert_element_type3A_180 = arith.extui %gt3A_179 : i1 to i32
      %cond3A_181 = arith.constant 0 : i32
      %cond3A_182 = arith.cmpi ne, %convert_element_type3A_180, %cond3A_181 : i32
      scf.if %cond3A_182 {
        %dma_wait3A_225 = arith.constant 0 : i32
        %dma_wait3A_226 = arith.constant 0 : i32
        %dma_wait3A_227 = tpu.memref_slice %arg7[%dma_wait3A_225, %dma_wait3A_226] : memref<26x128xi32, #tpu.memory_space<vmem>> -> memref<1x128xi32, #tpu.memory_space<vmem>>
        %dma_wait3A_228 = tpu.memref_squeeze %dma_wait3A_227 : memref<1x128xi32, #tpu.memory_space<vmem>> -> memref<128xi32, #tpu.memory_space<vmem>>
        %dma_wait3A_229 = arith.constant 0 : i32
        %dma_wait3A_230 = arith.constant 0 : i32
        %dma_wait3A_231 = tpu.memref_slice %arg12[%dma_wait3A_229, %dma_wait3A_230] : memref<10000x128xf32, #tpu.memory_space<vmem_shared>> -> memref<10000x128xf32, #tpu.memory_space<vmem_shared>>
        tpu.wait_indirect_dma semaphore(%arg14 : memref<!tpu.dma_semaphore, #tpu.memory_space<semaphore_mem>>) src(%arg11 : memref<128x128xf32, #tpu.memory_space<vmem>>) dst(%dma_wait3A_231 : memref<10000x128xf32, #tpu.memory_space<vmem_shared>>)
      } else {
      }
      %add3A_183 = arith.constant 1 : i32
      %add3A_184 = arith.addi %mul3A_172, %add3A_183 : i32
      %dma_start3A_185 = arith.constant 0 : i32
      %dma_start3A_186 = tpu.memref_slice %arg6[%add3A_184, %dma_start3A_185] : memref<26x128xi32, #tpu.memory_space<vmem>> -> memref<1x128xi32, #tpu.memory_space<vmem>>
      %dma_start3A_187 = tpu.memref_squeeze %dma_start3A_186 : memref<1x128xi32, #tpu.memory_space<vmem>> -> memref<128xi32, #tpu.memory_space<vmem>>
      %dma_start3A_188 = arith.constant 0 : i32
      %dma_start3A_189 = arith.constant 0 : i32
      %dma_start3A_190 = tpu.memref_slice %arg2[%dma_start3A_188, %dma_start3A_189] : memref<10000x128xf32, #tpu.memory_space<hbm>> -> memref<10000x128xf32, #tpu.memory_space<hbm>>
      tpu.enqueue_indirect_dma source(%dma_start3A_190 : memref<10000x128xf32, #tpu.memory_space<hbm>>) target(%arg11 : memref<128x128xf32, #tpu.memory_space<vmem>>) offsets(%dma_start3A_187 : memref<128xi32, #tpu.memory_space<vmem>>) semaphore(%arg13 : memref<!tpu.dma_semaphore, #tpu.memory_space<semaphore_mem>>)
      %dma_start3A_191 = arith.constant 0 : i32
      %dma_start3A_192 = tpu.memref_slice %arg7[%mul3A_172, %dma_start3A_191] : memref<26x128xi32, #tpu.memory_space<vmem>> -> memref<1x128xi32, #tpu.memory_space<vmem>>
      %dma_start3A_193 = tpu.memref_squeeze %dma_start3A_192 : memref<1x128xi32, #tpu.memory_space<vmem>> -> memref<128xi32, #tpu.memory_space<vmem>>
      %dma_start3A_194 = arith.constant 0 : i32
      %dma_start3A_195 = arith.constant 0 : i32
      %dma_start3A_196 = tpu.memref_slice %arg12[%dma_start3A_194, %dma_start3A_195] : memref<10000x128xf32, #tpu.memory_space<vmem_shared>> -> memref<10000x128xf32, #tpu.memory_space<vmem_shared>>
      tpu.enqueue_indirect_dma source(%arg10 : memref<128x128xf32, #tpu.memory_space<vmem>>) target(%dma_start3A_196 : memref<10000x128xf32, #tpu.memory_space<vmem_shared>>) offsets(%dma_start3A_193 : memref<128xi32, #tpu.memory_space<vmem>>) semaphore(%arg14 : memref<!tpu.dma_semaphore, #tpu.memory_space<semaphore_mem>>) {add = true}
      %add3A_197 = arith.constant 1 : i32
      %add3A_198 = arith.addi %mul3A_172, %add3A_197 : i32
      %dma_wait3A_199 = arith.constant 0 : i32
      %dma_wait3A_200 = tpu.memref_slice %arg6[%add3A_198, %dma_wait3A_199] : memref<26x128xi32, #tpu.memory_space<vmem>> -> memref<1x128xi32, #tpu.memory_space<vmem>>
      %dma_wait3A_201 = tpu.memref_squeeze %dma_wait3A_200 : memref<1x128xi32, #tpu.memory_space<vmem>> -> memref<128xi32, #tpu.memory_space<vmem>>
      %dma_wait3A_202 = arith.constant 0 : i32
      %dma_wait3A_203 = arith.constant 0 : i32
      %dma_wait3A_204 = tpu.memref_slice %arg2[%dma_wait3A_202, %dma_wait3A_203] : memref<10000x128xf32, #tpu.memory_space<hbm>> -> memref<10000x128xf32, #tpu.memory_space<hbm>>
      tpu.wait_indirect_dma semaphore(%arg13 : memref<!tpu.dma_semaphore, #tpu.memory_space<semaphore_mem>>) src(%dma_wait3A_204 : memref<10000x128xf32, #tpu.memory_space<hbm>>) dst(%arg11 : memref<128x128xf32, #tpu.memory_space<vmem>>)
      %dma_wait3A_205 = arith.constant 0 : i32
      %dma_wait3A_206 = arith.constant 0 : i32
      %dma_wait3A_207 = tpu.memref_slice %arg7[%dma_wait3A_205, %dma_wait3A_206] : memref<26x128xi32, #tpu.memory_space<vmem>> -> memref<1x128xi32, #tpu.memory_space<vmem>>
      %dma_wait3A_208 = tpu.memref_squeeze %dma_wait3A_207 : memref<1x128xi32, #tpu.memory_space<vmem>> -> memref<128xi32, #tpu.memory_space<vmem>>
      %dma_wait3A_209 = arith.constant 0 : i32
      %dma_wait3A_210 = arith.constant 0 : i32
      %dma_wait3A_211 = tpu.memref_slice %arg12[%dma_wait3A_209, %dma_wait3A_210] : memref<10000x128xf32, #tpu.memory_space<vmem_shared>> -> memref<10000x128xf32, #tpu.memory_space<vmem_shared>>
      tpu.wait_indirect_dma semaphore(%arg14 : memref<!tpu.dma_semaphore, #tpu.memory_space<semaphore_mem>>) src(%arg10 : memref<128x128xf32, #tpu.memory_space<vmem>>) dst(%dma_wait3A_211 : memref<10000x128xf32, #tpu.memory_space<vmem_shared>>)
      %lt3A_212 = arith.constant 12 : i32
      %lt3A_213 = arith.cmpi slt, %add3A_170, %lt3A_212 : i32
      %convert_element_type3A_214 = arith.extui %lt3A_213 : i1 to i32
      %cond3A_215 = arith.constant 0 : i32
      %cond3A_216 = arith.cmpi ne, %convert_element_type3A_214, %cond3A_215 : i32
      scf.if %cond3A_216 {
        %add3A_225 = arith.constant 2 : i32
        %add3A_226 = arith.addi %mul3A_172, %add3A_225 : i32
        %dma_start3A_227 = arith.constant 0 : i32
        %dma_start3A_228 = tpu.memref_slice %arg6[%add3A_226, %dma_start3A_227] : memref<26x128xi32, #tpu.memory_space<vmem>> -> memref<1x128xi32, #tpu.memory_space<vmem>>
        %dma_start3A_229 = tpu.memref_squeeze %dma_start3A_228 : memref<1x128xi32, #tpu.memory_space<vmem>> -> memref<128xi32, #tpu.memory_space<vmem>>
        %dma_start3A_230 = arith.constant 0 : i32
        %dma_start3A_231 = arith.constant 0 : i32
        %dma_start3A_232 = tpu.memref_slice %arg2[%dma_start3A_230, %dma_start3A_231] : memref<10000x128xf32, #tpu.memory_space<hbm>> -> memref<10000x128xf32, #tpu.memory_space<hbm>>
        tpu.enqueue_indirect_dma source(%dma_start3A_232 : memref<10000x128xf32, #tpu.memory_space<hbm>>) target(%arg10 : memref<128x128xf32, #tpu.memory_space<vmem>>) offsets(%dma_start3A_229 : memref<128xi32, #tpu.memory_space<vmem>>) semaphore(%arg13 : memref<!tpu.dma_semaphore, #tpu.memory_space<semaphore_mem>>)
      } else {
      }
      %add3A_217 = arith.constant 1 : i32
      %add3A_218 = arith.addi %mul3A_172, %add3A_217 : i32
      %dma_start3A_219 = arith.constant 0 : i32
      %dma_start3A_220 = tpu.memref_slice %arg7[%add3A_218, %dma_start3A_219] : memref<26x128xi32, #tpu.memory_space<vmem>> -> memref<1x128xi32, #tpu.memory_space<vmem>>
      %dma_start3A_221 = tpu.memref_squeeze %dma_start3A_220 : memref<1x128xi32, #tpu.memory_space<vmem>> -> memref<128xi32, #tpu.memory_space<vmem>>
      %dma_start3A_222 = arith.constant 0 : i32
      %dma_start3A_223 = arith.constant 0 : i32
      %dma_start3A_224 = tpu.memref_slice %arg12[%dma_start3A_222, %dma_start3A_223] : memref<10000x128xf32, #tpu.memory_space<vmem_shared>> -> memref<10000x128xf32, #tpu.memory_space<vmem_shared>>
      tpu.enqueue_indirect_dma source(%arg11 : memref<128x128xf32, #tpu.memory_space<vmem>>) target(%dma_start3A_224 : memref<10000x128xf32, #tpu.memory_space<vmem_shared>>) offsets(%dma_start3A_221 : memref<128xi32, #tpu.memory_space<vmem>>) semaphore(%arg14 : memref<!tpu.dma_semaphore, #tpu.memory_space<semaphore_mem>>) {add = true}
    }
    %scan3A_135 = arith.constant 13 : i32
    %dma_wait3A_136 = arith.constant 0 : i32
    %dma_wait3A_137 = arith.constant 0 : i32
    %dma_wait3A_138 = tpu.memref_slice %arg7[%dma_wait3A_136, %dma_wait3A_137] : memref<26x128xi32, #tpu.memory_space<vmem>> -> memref<1x128xi32, #tpu.memory_space<vmem>>
    %dma_wait3A_139 = tpu.memref_squeeze %dma_wait3A_138 : memref<1x128xi32, #tpu.memory_space<vmem>> -> memref<128xi32, #tpu.memory_space<vmem>>
    %dma_wait3A_140 = arith.constant 0 : i32
    %dma_wait3A_141 = arith.constant 0 : i32
    %dma_wait3A_142 = tpu.memref_slice %arg12[%dma_wait3A_140, %dma_wait3A_141] : memref<10000x128xf32, #tpu.memory_space<vmem_shared>> -> memref<10000x128xf32, #tpu.memory_space<vmem_shared>>
    tpu.wait_indirect_dma semaphore(%arg14 : memref<!tpu.dma_semaphore, #tpu.memory_space<semaphore_mem>>) src(%arg11 : memref<128x128xf32, #tpu.memory_space<vmem>>) dst(%dma_wait3A_142 : memref<10000x128xf32, #tpu.memory_space<vmem_shared>>)
    %lt3A = arith.constant 4 : i32
    %lt3A_143 = arith.cmpi slt, %add3A, %lt3A : i32
    %convert_element_type3A = arith.extui %lt3A_143 : i1 to i32
    %cond3A = arith.constant 0 : i32
    %cond3A_144 = arith.cmpi ne, %convert_element_type3A, %cond3A : i32
    scf.if %cond3A_144 {
      %add3A_166 = arith.constant 2496 : i32
      %add3A_167 = arith.addi %add3A_166, %add3A : i32
      "tpu.region"() ({
        %run_scoped3A_182 = tpu.sem_alloc : memref<!tpu.dma_semaphore, #tpu.memory_space<semaphore_mem>>
        %dma_start3A_183 = arith.constant 0 : i32
        %dma_start3A_184 = arith.constant 0 : i32
        %dma_start3A_185 = tpu.memref_slice %arg6[%dma_start3A_183, %dma_start3A_184] : memref<26x128xi32, #tpu.memory_space<vmem>> -> memref<1x128xi32, #tpu.memory_space<vmem>>
        %dma_start3A_186 = arith.constant 0 : i32
        %dma_start3A_187 = tpu.memref_slice %arg3[%add3A_167, %dma_start3A_186] : memref<2500x128xi32, #tpu.memory_space<hbm>> -> memref<1x128xi32, #tpu.memory_space<hbm>>
        %dma_start3A_188 = arith.constant 0 : i32
        %dma_start3A_189 = arith.constant 0 : i32
        %dma_start3A_190 = tpu.memref_slice %arg6[%dma_start3A_188, %dma_start3A_189] : memref<26x128xi32, #tpu.memory_space<vmem>> -> memref<1x128xi32, #tpu.memory_space<vmem>>
        %dma_start3A_191 = arith.constant 0 : i32
        %dma_start3A_192 = tpu.memref_slice %arg3[%add3A_167, %dma_start3A_191] : memref<2500x128xi32, #tpu.memory_space<hbm>> -> memref<1x128xi32, #tpu.memory_space<hbm>>
        tpu.enqueue_dma source(%dma_start3A_192 : memref<1x128xi32, #tpu.memory_space<hbm>>) target(%dma_start3A_190 : memref<1x128xi32, #tpu.memory_space<vmem>>) target_semaphore(%run_scoped3A_182 : memref<!tpu.dma_semaphore, #tpu.memory_space<semaphore_mem>>)
        %dma_wait3A_193 = arith.constant 0 : i32
        %dma_wait3A_194 = arith.constant 0 : i32
        %dma_wait3A_195 = tpu.memref_slice %arg6[%dma_wait3A_193, %dma_wait3A_194] : memref<26x128xi32, #tpu.memory_space<vmem>> -> memref<1x128xi32, #tpu.memory_space<vmem>>
        %dma_wait3A_196 = arith.constant 0 : i32
        %dma_wait3A_197 = tpu.memref_slice %arg3[%add3A_167, %dma_wait3A_196] : memref<2500x128xi32, #tpu.memory_space<hbm>> -> memref<1x128xi32, #tpu.memory_space<hbm>>
        %dma_wait3A_198 = arith.constant 0 : i32
        %dma_wait3A_199 = arith.constant 0 : i32
        %dma_wait3A_200 = tpu.memref_slice %arg6[%dma_wait3A_198, %dma_wait3A_199] : memref<26x128xi32, #tpu.memory_space<vmem>> -> memref<1x128xi32, #tpu.memory_space<vmem>>
        %dma_wait3A_201 = arith.constant 0 : i32
        %dma_wait3A_202 = tpu.memref_slice %arg3[%add3A_167, %dma_wait3A_201] : memref<2500x128xi32, #tpu.memory_space<hbm>> -> memref<1x128xi32, #tpu.memory_space<hbm>>
        tpu.wait_dma2 semaphore(%run_scoped3A_182 : memref<!tpu.dma_semaphore, #tpu.memory_space<semaphore_mem>>) src(%dma_wait3A_202 : memref<1x128xi32, #tpu.memory_space<hbm>>) dst(%dma_wait3A_200 : memref<1x128xi32, #tpu.memory_space<vmem>>)
        tpu.yield
      }) : () -> ()
      "tpu.region"() ({
        %run_scoped3A_182 = tpu.sem_alloc : memref<!tpu.dma_semaphore, #tpu.memory_space<semaphore_mem>>
        %dma_start3A_183 = arith.constant 0 : i32
        %dma_start3A_184 = arith.constant 0 : i32
        %dma_start3A_185 = tpu.memref_slice %arg7[%dma_start3A_183, %dma_start3A_184] : memref<26x128xi32, #tpu.memory_space<vmem>> -> memref<1x128xi32, #tpu.memory_space<vmem>>
        %dma_start3A_186 = arith.constant 0 : i32
        %dma_start3A_187 = tpu.memref_slice %arg4[%add3A_167, %dma_start3A_186] : memref<2500x128xi32, #tpu.memory_space<hbm>> -> memref<1x128xi32, #tpu.memory_space<hbm>>
        %dma_start3A_188 = arith.constant 0 : i32
        %dma_start3A_189 = arith.constant 0 : i32
        %dma_start3A_190 = tpu.memref_slice %arg7[%dma_start3A_188, %dma_start3A_189] : memref<26x128xi32, #tpu.memory_space<vmem>> -> memref<1x128xi32, #tpu.memory_space<vmem>>
        %dma_start3A_191 = arith.constant 0 : i32
        %dma_start3A_192 = tpu.memref_slice %arg4[%add3A_167, %dma_start3A_191] : memref<2500x128xi32, #tpu.memory_space<hbm>> -> memref<1x128xi32, #tpu.memory_space<hbm>>
        tpu.enqueue_dma source(%dma_start3A_192 : memref<1x128xi32, #tpu.memory_space<hbm>>) target(%dma_start3A_190 : memref<1x128xi32, #tpu.memory_space<vmem>>) target_semaphore(%run_scoped3A_182 : memref<!tpu.dma_semaphore, #tpu.memory_space<semaphore_mem>>)
        %dma_wait3A_193 = arith.constant 0 : i32
        %dma_wait3A_194 = arith.constant 0 : i32
        %dma_wait3A_195 = tpu.memref_slice %arg7[%dma_wait3A_193, %dma_wait3A_194] : memref<26x128xi32, #tpu.memory_space<vmem>> -> memref<1x128xi32, #tpu.memory_space<vmem>>
        %dma_wait3A_196 = arith.constant 0 : i32
        %dma_wait3A_197 = tpu.memref_slice %arg4[%add3A_167, %dma_wait3A_196] : memref<2500x128xi32, #tpu.memory_space<hbm>> -> memref<1x128xi32, #tpu.memory_space<hbm>>
        %dma_wait3A_198 = arith.constant 0 : i32
        %dma_wait3A_199 = arith.constant 0 : i32
        %dma_wait3A_200 = tpu.memref_slice %arg7[%dma_wait3A_198, %dma_wait3A_199] : memref<26x128xi32, #tpu.memory_space<vmem>> -> memref<1x128xi32, #tpu.memory_space<vmem>>
        %dma_wait3A_201 = arith.constant 0 : i32
        %dma_wait3A_202 = tpu.memref_slice %arg4[%add3A_167, %dma_wait3A_201] : memref<2500x128xi32, #tpu.memory_space<hbm>> -> memref<1x128xi32, #tpu.memory_space<hbm>>
        tpu.wait_dma2 semaphore(%run_scoped3A_182 : memref<!tpu.dma_semaphore, #tpu.memory_space<semaphore_mem>>) src(%dma_wait3A_202 : memref<1x128xi32, #tpu.memory_space<hbm>>) dst(%dma_wait3A_200 : memref<1x128xi32, #tpu.memory_space<vmem>>)
        tpu.yield
      }) : () -> ()
      %dma_start3A_168 = arith.constant 0 : i32
      %dma_start3A_169 = arith.constant 0 : i32
      %dma_start3A_170 = tpu.memref_slice %arg6[%dma_start3A_168, %dma_start3A_169] : memref<26x128xi32, #tpu.memory_space<vmem>> -> memref<1x128xi32, #tpu.memory_space<vmem>>
      %dma_start3A_171 = tpu.memref_squeeze %dma_start3A_170 : memref<1x128xi32, #tpu.memory_space<vmem>> -> memref<128xi32, #tpu.memory_space<vmem>>
      %dma_start3A_172 = arith.constant 0 : i32
      %dma_start3A_173 = arith.constant 0 : i32
      %dma_start3A_174 = tpu.memref_slice %arg2[%dma_start3A_172, %dma_start3A_173] : memref<10000x128xf32, #tpu.memory_space<hbm>> -> memref<10000x128xf32, #tpu.memory_space<hbm>>
      tpu.enqueue_indirect_dma source(%dma_start3A_174 : memref<10000x128xf32, #tpu.memory_space<hbm>>) target(%arg10 : memref<128x128xf32, #tpu.memory_space<vmem>>) offsets(%dma_start3A_171 : memref<128xi32, #tpu.memory_space<vmem>>) semaphore(%arg13 : memref<!tpu.dma_semaphore, #tpu.memory_space<semaphore_mem>>)
      %dma_wait3A_175 = arith.constant 0 : i32
      %dma_wait3A_176 = arith.constant 0 : i32
      %dma_wait3A_177 = tpu.memref_slice %arg6[%dma_wait3A_175, %dma_wait3A_176] : memref<26x128xi32, #tpu.memory_space<vmem>> -> memref<1x128xi32, #tpu.memory_space<vmem>>
      %dma_wait3A_178 = tpu.memref_squeeze %dma_wait3A_177 : memref<1x128xi32, #tpu.memory_space<vmem>> -> memref<128xi32, #tpu.memory_space<vmem>>
      %dma_wait3A_179 = arith.constant 0 : i32
      %dma_wait3A_180 = arith.constant 0 : i32
      %dma_wait3A_181 = tpu.memref_slice %arg2[%dma_wait3A_179, %dma_wait3A_180] : memref<10000x128xf32, #tpu.memory_space<hbm>> -> memref<10000x128xf32, #tpu.memory_space<hbm>>
      tpu.wait_indirect_dma semaphore(%arg13 : memref<!tpu.dma_semaphore, #tpu.memory_space<semaphore_mem>>) src(%dma_wait3A_181 : memref<10000x128xf32, #tpu.memory_space<hbm>>) dst(%arg10 : memref<128x128xf32, #tpu.memory_space<vmem>>)
      %run_scoped3A = arith.constant 0 : i32
      "tpu.region"() ({
        %run_scoped3A_182 = tpu.sem_alloc : memref<!tpu.dma_semaphore, #tpu.memory_space<semaphore_mem>>
        %dma_start3A_183 = arith.constant 0 : i32
        %dma_start3A_184 = tpu.memref_slice %arg7[%run_scoped3A, %dma_start3A_183] : memref<26x128xi32, #tpu.memory_space<vmem>> -> memref<1x128xi32, #tpu.memory_space<vmem>>
        %dma_start3A_185 = tpu.memref_squeeze %dma_start3A_184 : memref<1x128xi32, #tpu.memory_space<vmem>> -> memref<128xi32, #tpu.memory_space<vmem>>
        %dma_start3A_186 = arith.constant 0 : i32
        %dma_start3A_187 = arith.constant 0 : i32
        %dma_start3A_188 = tpu.memref_slice %arg12[%dma_start3A_186, %dma_start3A_187] : memref<10000x128xf32, #tpu.memory_space<vmem_shared>> -> memref<10000x128xf32, #tpu.memory_space<vmem_shared>>
        tpu.enqueue_indirect_dma source(%arg10 : memref<128x128xf32, #tpu.memory_space<vmem>>) target(%dma_start3A_188 : memref<10000x128xf32, #tpu.memory_space<vmem_shared>>) offsets(%dma_start3A_185 : memref<128xi32, #tpu.memory_space<vmem>>) semaphore(%run_scoped3A_182 : memref<!tpu.dma_semaphore, #tpu.memory_space<semaphore_mem>>) {add = true}
        %dma_wait3A_189 = arith.constant 0 : i32
        %dma_wait3A_190 = tpu.memref_slice %arg7[%run_scoped3A, %dma_wait3A_189] : memref<26x128xi32, #tpu.memory_space<vmem>> -> memref<1x128xi32, #tpu.memory_space<vmem>>
        %dma_wait3A_191 = tpu.memref_squeeze %dma_wait3A_190 : memref<1x128xi32, #tpu.memory_space<vmem>> -> memref<128xi32, #tpu.memory_space<vmem>>
        %dma_wait3A_192 = arith.constant 0 : i32
        %dma_wait3A_193 = arith.constant 0 : i32
        %dma_wait3A_194 = tpu.memref_slice %arg12[%dma_wait3A_192, %dma_wait3A_193] : memref<10000x128xf32, #tpu.memory_space<vmem_shared>> -> memref<10000x128xf32, #tpu.memory_space<vmem_shared>>
        tpu.wait_indirect_dma semaphore(%run_scoped3A_182 : memref<!tpu.dma_semaphore, #tpu.memory_space<semaphore_mem>>) src(%arg10 : memref<128x128xf32, #tpu.memory_space<vmem>>) dst(%dma_wait3A_194 : memref<10000x128xf32, #tpu.memory_space<vmem_shared>>)
        tpu.yield
      }) : () -> ()
    } else {
    }
    %barrier3A_145 = arith.constant 0 : index
    tpu.barrier barrier_id(%barrier3A_145)
    %mul3A_146 = arith.constant 625 : i32
    %mul3A_147 = arith.muli %arg1, %mul3A_146 : i32
    %add3A_148 = arith.constant 0 : i32
    %add3A_149 = arith.addi %mul3A_147, %add3A_148 : i32
    "tpu.region"() ({
      %run_scoped3A = tpu.sem_alloc : memref<!tpu.dma_semaphore, #tpu.memory_space<semaphore_mem>>
      %dma_start3A_166 = arith.constant 0 : i32
      %dma_start3A_167 = arith.constant 0 : i32
      %dma_start3A_168 = tpu.memref_slice %arg10[%dma_start3A_166, %dma_start3A_167] : memref<128x128xf32, #tpu.memory_space<vmem>> -> memref<125x128xf32, #tpu.memory_space<vmem>>
      %dma_start3A_169 = arith.constant 0 : i32
      %dma_start3A_170 = tpu.memref_slice %arg12[%add3A_149, %dma_start3A_169] : memref<10000x128xf32, #tpu.memory_space<vmem_shared>> -> memref<125x128xf32, #tpu.memory_space<vmem_shared>>
      %dma_start3A_171 = arith.constant 0 : i32
      %dma_start3A_172 = arith.constant 0 : i32
      %dma_start3A_173 = tpu.memref_slice %arg10[%dma_start3A_171, %dma_start3A_172] : memref<128x128xf32, #tpu.memory_space<vmem>> -> memref<125x128xf32, #tpu.memory_space<vmem>>
      %dma_start3A_174 = arith.constant 0 : i32
      %dma_start3A_175 = tpu.memref_slice %arg12[%add3A_149, %dma_start3A_174] : memref<10000x128xf32, #tpu.memory_space<vmem_shared>> -> memref<125x128xf32, #tpu.memory_space<vmem_shared>>
      tpu.enqueue_dma source(%dma_start3A_175 : memref<125x128xf32, #tpu.memory_space<vmem_shared>>) target(%dma_start3A_173 : memref<125x128xf32, #tpu.memory_space<vmem>>) target_semaphore(%run_scoped3A : memref<!tpu.dma_semaphore, #tpu.memory_space<semaphore_mem>>)
      %dma_wait3A_176 = arith.constant 0 : i32
      %dma_wait3A_177 = arith.constant 0 : i32
      %dma_wait3A_178 = tpu.memref_slice %arg10[%dma_wait3A_176, %dma_wait3A_177] : memref<128x128xf32, #tpu.memory_space<vmem>> -> memref<125x128xf32, #tpu.memory_space<vmem>>
      %dma_wait3A_179 = arith.constant 0 : i32
      %dma_wait3A_180 = tpu.memref_slice %arg12[%add3A_149, %dma_wait3A_179] : memref<10000x128xf32, #tpu.memory_space<vmem_shared>> -> memref<125x128xf32, #tpu.memory_space<vmem_shared>>
      %dma_wait3A_181 = arith.constant 0 : i32
      %dma_wait3A_182 = arith.constant 0 : i32
      %dma_wait3A_183 = tpu.memref_slice %arg10[%dma_wait3A_181, %dma_wait3A_182] : memref<128x128xf32, #tpu.memory_space<vmem>> -> memref<125x128xf32, #tpu.memory_space<vmem>>
      %dma_wait3A_184 = arith.constant 0 : i32
      %dma_wait3A_185 = tpu.memref_slice %arg12[%add3A_149, %dma_wait3A_184] : memref<10000x128xf32, #tpu.memory_space<vmem_shared>> -> memref<125x128xf32, #tpu.memory_space<vmem_shared>>
      tpu.wait_dma2 semaphore(%run_scoped3A : memref<!tpu.dma_semaphore, #tpu.memory_space<semaphore_mem>>) src(%dma_wait3A_185 : memref<125x128xf32, #tpu.memory_space<vmem_shared>>) dst(%dma_wait3A_183 : memref<125x128xf32, #tpu.memory_space<vmem>>)
      tpu.yield
    }) : () -> ()
    "tpu.region"() ({
      %run_scoped3A = tpu.sem_alloc : memref<!tpu.dma_semaphore, #tpu.memory_space<semaphore_mem>>
      %dma_start3A_166 = arith.constant 0 : i32
      %dma_start3A_167 = arith.constant 0 : i32
      %dma_start3A_168 = tpu.memref_slice %arg10[%dma_start3A_166, %dma_start3A_167] : memref<128x128xf32, #tpu.memory_space<vmem>> -> memref<125x128xf32, #tpu.memory_space<vmem>>
      %dma_start3A_169 = arith.constant 0 : i32
      %dma_start3A_170 = tpu.memref_slice %arg5[%arg0, %add3A_149, %dma_start3A_169] : memref<2x10000x128xf32, #tpu.memory_space<hbm>> -> memref<1x125x128xf32, #tpu.memory_space<hbm>>
      %dma_start3A_171 = tpu.memref_squeeze %dma_start3A_170 : memref<1x125x128xf32, #tpu.memory_space<hbm>> -> memref<125x128xf32, #tpu.memory_space<hbm>>
      %dma_start3A_172 = arith.constant 0 : i32
      %dma_start3A_173 = tpu.memref_slice %arg5[%arg0, %add3A_149, %dma_start3A_172] : memref<2x10000x128xf32, #tpu.memory_space<hbm>> -> memref<1x125x128xf32, #tpu.memory_space<hbm>>
      %dma_start3A_174 = tpu.memref_squeeze %dma_start3A_173 : memref<1x125x128xf32, #tpu.memory_space<hbm>> -> memref<125x128xf32, #tpu.memory_space<hbm>>
      %dma_start3A_175 = arith.constant 0 : i32
      %dma_start3A_176 = arith.constant 0 : i32
      %dma_start3A_177 = tpu.memref_slice %arg10[%dma_start3A_175, %dma_start3A_176] : memref<128x128xf32, #tpu.memory_space<vmem>> -> memref<125x128xf32, #tpu.memory_space<vmem>>
      tpu.enqueue_dma source(%dma_start3A_177 : memref<125x128xf32, #tpu.memory_space<vmem>>) target(%dma_start3A_174 : memref<125x128xf32, #tpu.memory_space<hbm>>) target_semaphore(%run_scoped3A : memref<!tpu.dma_semaphore, #tpu.memory_space<semaphore_mem>>)
      %dma_wait3A_178 = arith.constant 0 : i32
      %dma_wait3A_179 = arith.constant 0 : i32
      %dma_wait3A_180 = tpu.memref_slice %arg10[%dma_wait3A_178, %dma_wait3A_179] : memref<128x128xf32, #tpu.memory_space<vmem>> -> memref<125x128xf32, #tpu.memory_space<vmem>>
      %dma_wait3A_181 = arith.constant 0 : i32
      %dma_wait3A_182 = tpu.memref_slice %arg5[%arg0, %add3A_149, %dma_wait3A_181] : memref<2x10000x128xf32, #tpu.memory_space<hbm>> -> memref<1x125x128xf32, #tpu.memory_space<hbm>>
      %dma_wait3A_183 = tpu.memref_squeeze %dma_wait3A_182 : memref<1x125x128xf32, #tpu.memory_space<hbm>> -> memref<125x128xf32, #tpu.memory_space<hbm>>
      %dma_wait3A_184 = arith.constant 0 : i32
      %dma_wait3A_185 = tpu.memref_slice %arg5[%arg0, %add3A_149, %dma_wait3A_184] : memref<2x10000x128xf32, #tpu.memory_space<hbm>> -> memref<1x125x128xf32, #tpu.memory_space<hbm>>
      %dma_wait3A_186 = tpu.memref_squeeze %dma_wait3A_185 : memref<1x125x128xf32, #tpu.memory_space<hbm>> -> memref<125x128xf32, #tpu.memory_space<hbm>>
      %dma_wait3A_187 = arith.constant 0 : i32
      %dma_wait3A_188 = arith.constant 0 : i32
      %dma_wait3A_189 = tpu.memref_slice %arg10[%dma_wait3A_187, %dma_wait3A_188] : memref<128x128xf32, #tpu.memory_space<vmem>> -> memref<125x128xf32, #tpu.memory_space<vmem>>
      tpu.wait_dma2 semaphore(%run_scoped3A : memref<!tpu.dma_semaphore, #tpu.memory_space<semaphore_mem>>) src(%dma_wait3A_189 : memref<125x128xf32, #tpu.memory_space<vmem>>) dst(%dma_wait3A_186 : memref<125x128xf32, #tpu.memory_space<hbm>>)
      tpu.yield
    }) : () -> ()
    %mul3A_150 = arith.constant 625 : i32
    %mul3A_151 = arith.muli %arg1, %mul3A_150 : i32
    %add3A_152 = arith.constant 125 : i32
    %add3A_153 = arith.addi %mul3A_151, %add3A_152 : i32
    "tpu.region"() ({
      %run_scoped3A = tpu.sem_alloc : memref<!tpu.dma_semaphore, #tpu.memory_space<semaphore_mem>>
      %dma_start3A_166 = arith.constant 0 : i32
      %dma_start3A_167 = arith.constant 0 : i32
      %dma_start3A_168 = tpu.memref_slice %arg10[%dma_start3A_166, %dma_start3A_167] : memref<128x128xf32, #tpu.memory_space<vmem>> -> memref<125x128xf32, #tpu.memory_space<vmem>>
      %dma_start3A_169 = arith.constant 0 : i32
      %dma_start3A_170 = tpu.memref_slice %arg12[%add3A_153, %dma_start3A_169] : memref<10000x128xf32, #tpu.memory_space<vmem_shared>> -> memref<125x128xf32, #tpu.memory_space<vmem_shared>>
      %dma_start3A_171 = arith.constant 0 : i32
      %dma_start3A_172 = arith.constant 0 : i32
      %dma_start3A_173 = tpu.memref_slice %arg10[%dma_start3A_171, %dma_start3A_172] : memref<128x128xf32, #tpu.memory_space<vmem>> -> memref<125x128xf32, #tpu.memory_space<vmem>>
      %dma_start3A_174 = arith.constant 0 : i32
      %dma_start3A_175 = tpu.memref_slice %arg12[%add3A_153, %dma_start3A_174] : memref<10000x128xf32, #tpu.memory_space<vmem_shared>> -> memref<125x128xf32, #tpu.memory_space<vmem_shared>>
      tpu.enqueue_dma source(%dma_start3A_175 : memref<125x128xf32, #tpu.memory_space<vmem_shared>>) target(%dma_start3A_173 : memref<125x128xf32, #tpu.memory_space<vmem>>) target_semaphore(%run_scoped3A : memref<!tpu.dma_semaphore, #tpu.memory_space<semaphore_mem>>)
      %dma_wait3A_176 = arith.constant 0 : i32
      %dma_wait3A_177 = arith.constant 0 : i32
      %dma_wait3A_178 = tpu.memref_slice %arg10[%dma_wait3A_176, %dma_wait3A_177] : memref<128x128xf32, #tpu.memory_space<vmem>> -> memref<125x128xf32, #tpu.memory_space<vmem>>
      %dma_wait3A_179 = arith.constant 0 : i32
      %dma_wait3A_180 = tpu.memref_slice %arg12[%add3A_153, %dma_wait3A_179] : memref<10000x128xf32, #tpu.memory_space<vmem_shared>> -> memref<125x128xf32, #tpu.memory_space<vmem_shared>>
      %dma_wait3A_181 = arith.constant 0 : i32
      %dma_wait3A_182 = arith.constant 0 : i32
      %dma_wait3A_183 = tpu.memref_slice %arg10[%dma_wait3A_181, %dma_wait3A_182] : memref<128x128xf32, #tpu.memory_space<vmem>> -> memref<125x128xf32, #tpu.memory_space<vmem>>
      %dma_wait3A_184 = arith.constant 0 : i32
      %dma_wait3A_185 = tpu.memref_slice %arg12[%add3A_153, %dma_wait3A_184] : memref<10000x128xf32, #tpu.memory_space<vmem_shared>> -> memref<125x128xf32, #tpu.memory_space<vmem_shared>>
      tpu.wait_dma2 semaphore(%run_scoped3A : memref<!tpu.dma_semaphore, #tpu.memory_space<semaphore_mem>>) src(%dma_wait3A_185 : memref<125x128xf32, #tpu.memory_space<vmem_shared>>) dst(%dma_wait3A_183 : memref<125x128xf32, #tpu.memory_space<vmem>>)
      tpu.yield
    }) : () -> ()
    "tpu.region"() ({
      %run_scoped3A = tpu.sem_alloc : memref<!tpu.dma_semaphore, #tpu.memory_space<semaphore_mem>>
      %dma_start3A_166 = arith.constant 0 : i32
      %dma_start3A_167 = arith.constant 0 : i32
      %dma_start3A_168 = tpu.memref_slice %arg10[%dma_start3A_166, %dma_start3A_167] : memref<128x128xf32, #tpu.memory_space<vmem>> -> memref<125x128xf32, #tpu.memory_space<vmem>>
      %dma_start3A_169 = arith.constant 0 : i32
      %dma_start3A_170 = tpu.memref_slice %arg5[%arg0, %add3A_153, %dma_start3A_169] : memref<2x10000x128xf32, #tpu.memory_space<hbm>> -> memref<1x125x128xf32, #tpu.memory_space<hbm>>
      %dma_start3A_171 = tpu.memref_squeeze %dma_start3A_170 : memref<1x125x128xf32, #tpu.memory_space<hbm>> -> memref<125x128xf32, #tpu.memory_space<hbm>>
      %dma_start3A_172 = arith.constant 0 : i32
      %dma_start3A_173 = tpu.memref_slice %arg5[%arg0, %add3A_153, %dma_start3A_172] : memref<2x10000x128xf32, #tpu.memory_space<hbm>> -> memref<1x125x128xf32, #tpu.memory_space<hbm>>
      %dma_start3A_174 = tpu.memref_squeeze %dma_start3A_173 : memref<1x125x128xf32, #tpu.memory_space<hbm>> -> memref<125x128xf32, #tpu.memory_space<hbm>>
      %dma_start3A_175 = arith.constant 0 : i32
      %dma_start3A_176 = arith.constant 0 : i32
      %dma_start3A_177 = tpu.memref_slice %arg10[%dma_start3A_175, %dma_start3A_176] : memref<128x128xf32, #tpu.memory_space<vmem>> -> memref<125x128xf32, #tpu.memory_space<vmem>>
      tpu.enqueue_dma source(%dma_start3A_177 : memref<125x128xf32, #tpu.memory_space<vmem>>) target(%dma_start3A_174 : memref<125x128xf32, #tpu.memory_space<hbm>>) target_semaphore(%run_scoped3A : memref<!tpu.dma_semaphore, #tpu.memory_space<semaphore_mem>>)
      %dma_wait3A_178 = arith.constant 0 : i32
      %dma_wait3A_179 = arith.constant 0 : i32
      %dma_wait3A_180 = tpu.memref_slice %arg10[%dma_wait3A_178, %dma_wait3A_179] : memref<128x128xf32, #tpu.memory_space<vmem>> -> memref<125x128xf32, #tpu.memory_space<vmem>>
      %dma_wait3A_181 = arith.constant 0 : i32
      %dma_wait3A_182 = tpu.memref_slice %arg5[%arg0, %add3A_153, %dma_wait3A_181] : memref<2x10000x128xf32, #tpu.memory_space<hbm>> -> memref<1x125x128xf32, #tpu.memory_space<hbm>>
      %dma_wait3A_183 = tpu.memref_squeeze %dma_wait3A_182 : memref<1x125x128xf32, #tpu.memory_space<hbm>> -> memref<125x128xf32, #tpu.memory_space<hbm>>
      %dma_wait3A_184 = arith.constant 0 : i32
      %dma_wait3A_185 = tpu.memref_slice %arg5[%arg0, %add3A_153, %dma_wait3A_184] : memref<2x10000x128xf32, #tpu.memory_space<hbm>> -> memref<1x125x128xf32, #tpu.memory_space<hbm>>
      %dma_wait3A_186 = tpu.memref_squeeze %dma_wait3A_185 : memref<1x125x128xf32, #tpu.memory_space<hbm>> -> memref<125x128xf32, #tpu.memory_space<hbm>>
      %dma_wait3A_187 = arith.constant 0 : i32
      %dma_wait3A_188 = arith.constant 0 : i32
      %dma_wait3A_189 = tpu.memref_slice %arg10[%dma_wait3A_187, %dma_wait3A_188] : memref<128x128xf32, #tpu.memory_space<vmem>> -> memref<125x128xf32, #tpu.memory_space<vmem>>
      tpu.wait_dma2 semaphore(%run_scoped3A : memref<!tpu.dma_semaphore, #tpu.memory_space<semaphore_mem>>) src(%dma_wait3A_189 : memref<125x128xf32, #tpu.memory_space<vmem>>) dst(%dma_wait3A_186 : memref<125x128xf32, #tpu.memory_space<hbm>>)
      tpu.yield
    }) : () -> ()
    %mul3A_154 = arith.constant 625 : i32
    %mul3A_155 = arith.muli %arg1, %mul3A_154 : i32
    %add3A_156 = arith.constant 250 : i32
    %add3A_157 = arith.addi %mul3A_155, %add3A_156 : i32
    "tpu.region"() ({
      %run_scoped3A = tpu.sem_alloc : memref<!tpu.dma_semaphore, #tpu.memory_space<semaphore_mem>>
      %dma_start3A_166 = arith.constant 0 : i32
      %dma_start3A_167 = arith.constant 0 : i32
      %dma_start3A_168 = tpu.memref_slice %arg10[%dma_start3A_166, %dma_start3A_167] : memref<128x128xf32, #tpu.memory_space<vmem>> -> memref<125x128xf32, #tpu.memory_space<vmem>>
      %dma_start3A_169 = arith.constant 0 : i32
      %dma_start3A_170 = tpu.memref_slice %arg12[%add3A_157, %dma_start3A_169] : memref<10000x128xf32, #tpu.memory_space<vmem_shared>> -> memref<125x128xf32, #tpu.memory_space<vmem_shared>>
      %dma_start3A_171 = arith.constant 0 : i32
      %dma_start3A_172 = arith.constant 0 : i32
      %dma_start3A_173 = tpu.memref_slice %arg10[%dma_start3A_171, %dma_start3A_172] : memref<128x128xf32, #tpu.memory_space<vmem>> -> memref<125x128xf32, #tpu.memory_space<vmem>>
      %dma_start3A_174 = arith.constant 0 : i32
      %dma_start3A_175 = tpu.memref_slice %arg12[%add3A_157, %dma_start3A_174] : memref<10000x128xf32, #tpu.memory_space<vmem_shared>> -> memref<125x128xf32, #tpu.memory_space<vmem_shared>>
      tpu.enqueue_dma source(%dma_start3A_175 : memref<125x128xf32, #tpu.memory_space<vmem_shared>>) target(%dma_start3A_173 : memref<125x128xf32, #tpu.memory_space<vmem>>) target_semaphore(%run_scoped3A : memref<!tpu.dma_semaphore, #tpu.memory_space<semaphore_mem>>)
      %dma_wait3A_176 = arith.constant 0 : i32
      %dma_wait3A_177 = arith.constant 0 : i32
      %dma_wait3A_178 = tpu.memref_slice %arg10[%dma_wait3A_176, %dma_wait3A_177] : memref<128x128xf32, #tpu.memory_space<vmem>> -> memref<125x128xf32, #tpu.memory_space<vmem>>
      %dma_wait3A_179 = arith.constant 0 : i32
      %dma_wait3A_180 = tpu.memref_slice %arg12[%add3A_157, %dma_wait3A_179] : memref<10000x128xf32, #tpu.memory_space<vmem_shared>> -> memref<125x128xf32, #tpu.memory_space<vmem_shared>>
      %dma_wait3A_181 = arith.constant 0 : i32
      %dma_wait3A_182 = arith.constant 0 : i32
      %dma_wait3A_183 = tpu.memref_slice %arg10[%dma_wait3A_181, %dma_wait3A_182] : memref<128x128xf32, #tpu.memory_space<vmem>> -> memref<125x128xf32, #tpu.memory_space<vmem>>
      %dma_wait3A_184 = arith.constant 0 : i32
      %dma_wait3A_185 = tpu.memref_slice %arg12[%add3A_157, %dma_wait3A_184] : memref<10000x128xf32, #tpu.memory_space<vmem_shared>> -> memref<125x128xf32, #tpu.memory_space<vmem_shared>>
      tpu.wait_dma2 semaphore(%run_scoped3A : memref<!tpu.dma_semaphore, #tpu.memory_space<semaphore_mem>>) src(%dma_wait3A_185 : memref<125x128xf32, #tpu.memory_space<vmem_shared>>) dst(%dma_wait3A_183 : memref<125x128xf32, #tpu.memory_space<vmem>>)
      tpu.yield
    }) : () -> ()
    "tpu.region"() ({
      %run_scoped3A = tpu.sem_alloc : memref<!tpu.dma_semaphore, #tpu.memory_space<semaphore_mem>>
      %dma_start3A_166 = arith.constant 0 : i32
      %dma_start3A_167 = arith.constant 0 : i32
      %dma_start3A_168 = tpu.memref_slice %arg10[%dma_start3A_166, %dma_start3A_167] : memref<128x128xf32, #tpu.memory_space<vmem>> -> memref<125x128xf32, #tpu.memory_space<vmem>>
      %dma_start3A_169 = arith.constant 0 : i32
      %dma_start3A_170 = tpu.memref_slice %arg5[%arg0, %add3A_157, %dma_start3A_169] : memref<2x10000x128xf32, #tpu.memory_space<hbm>> -> memref<1x125x128xf32, #tpu.memory_space<hbm>>
      %dma_start3A_171 = tpu.memref_squeeze %dma_start3A_170 : memref<1x125x128xf32, #tpu.memory_space<hbm>> -> memref<125x128xf32, #tpu.memory_space<hbm>>
      %dma_start3A_172 = arith.constant 0 : i32
      %dma_start3A_173 = tpu.memref_slice %arg5[%arg0, %add3A_157, %dma_start3A_172] : memref<2x10000x128xf32, #tpu.memory_space<hbm>> -> memref<1x125x128xf32, #tpu.memory_space<hbm>>
      %dma_start3A_174 = tpu.memref_squeeze %dma_start3A_173 : memref<1x125x128xf32, #tpu.memory_space<hbm>> -> memref<125x128xf32, #tpu.memory_space<hbm>>
      %dma_start3A_175 = arith.constant 0 : i32
      %dma_start3A_176 = arith.constant 0 : i32
      %dma_start3A_177 = tpu.memref_slice %arg10[%dma_start3A_175, %dma_start3A_176] : memref<128x128xf32, #tpu.memory_space<vmem>> -> memref<125x128xf32, #tpu.memory_space<vmem>>
      tpu.enqueue_dma source(%dma_start3A_177 : memref<125x128xf32, #tpu.memory_space<vmem>>) target(%dma_start3A_174 : memref<125x128xf32, #tpu.memory_space<hbm>>) target_semaphore(%run_scoped3A : memref<!tpu.dma_semaphore, #tpu.memory_space<semaphore_mem>>)
      %dma_wait3A_178 = arith.constant 0 : i32
      %dma_wait3A_179 = arith.constant 0 : i32
      %dma_wait3A_180 = tpu.memref_slice %arg10[%dma_wait3A_178, %dma_wait3A_179] : memref<128x128xf32, #tpu.memory_space<vmem>> -> memref<125x128xf32, #tpu.memory_space<vmem>>
      %dma_wait3A_181 = arith.constant 0 : i32
      %dma_wait3A_182 = tpu.memref_slice %arg5[%arg0, %add3A_157, %dma_wait3A_181] : memref<2x10000x128xf32, #tpu.memory_space<hbm>> -> memref<1x125x128xf32, #tpu.memory_space<hbm>>
      %dma_wait3A_183 = tpu.memref_squeeze %dma_wait3A_182 : memref<1x125x128xf32, #tpu.memory_space<hbm>> -> memref<125x128xf32, #tpu.memory_space<hbm>>
      %dma_wait3A_184 = arith.constant 0 : i32
      %dma_wait3A_185 = tpu.memref_slice %arg5[%arg0, %add3A_157, %dma_wait3A_184] : memref<2x10000x128xf32, #tpu.memory_space<hbm>> -> memref<1x125x128xf32, #tpu.memory_space<hbm>>
      %dma_wait3A_186 = tpu.memref_squeeze %dma_wait3A_185 : memref<1x125x128xf32, #tpu.memory_space<hbm>> -> memref<125x128xf32, #tpu.memory_space<hbm>>
      %dma_wait3A_187 = arith.constant 0 : i32
      %dma_wait3A_188 = arith.constant 0 : i32
      %dma_wait3A_189 = tpu.memref_slice %arg10[%dma_wait3A_187, %dma_wait3A_188] : memref<128x128xf32, #tpu.memory_space<vmem>> -> memref<125x128xf32, #tpu.memory_space<vmem>>
      tpu.wait_dma2 semaphore(%run_scoped3A : memref<!tpu.dma_semaphore, #tpu.memory_space<semaphore_mem>>) src(%dma_wait3A_189 : memref<125x128xf32, #tpu.memory_space<vmem>>) dst(%dma_wait3A_186 : memref<125x128xf32, #tpu.memory_space<hbm>>)
      tpu.yield
    }) : () -> ()
    %mul3A_158 = arith.constant 625 : i32
    %mul3A_159 = arith.muli %arg1, %mul3A_158 : i32
    %add3A_160 = arith.constant 375 : i32
    %add3A_161 = arith.addi %mul3A_159, %add3A_160 : i32
    "tpu.region"() ({
      %run_scoped3A = tpu.sem_alloc : memref<!tpu.dma_semaphore, #tpu.memory_space<semaphore_mem>>
      %dma_start3A_166 = arith.constant 0 : i32
      %dma_start3A_167 = arith.constant 0 : i32
      %dma_start3A_168 = tpu.memref_slice %arg10[%dma_start3A_166, %dma_start3A_167] : memref<128x128xf32, #tpu.memory_space<vmem>> -> memref<125x128xf32, #tpu.memory_space<vmem>>
      %dma_start3A_169 = arith.constant 0 : i32
      %dma_start3A_170 = tpu.memref_slice %arg12[%add3A_161, %dma_start3A_169] : memref<10000x128xf32, #tpu.memory_space<vmem_shared>> -> memref<125x128xf32, #tpu.memory_space<vmem_shared>>
      %dma_start3A_171 = arith.constant 0 : i32
      %dma_start3A_172 = arith.constant 0 : i32
      %dma_start3A_173 = tpu.memref_slice %arg10[%dma_start3A_171, %dma_start3A_172] : memref<128x128xf32, #tpu.memory_space<vmem>> -> memref<125x128xf32, #tpu.memory_space<vmem>>
      %dma_start3A_174 = arith.constant 0 : i32
      %dma_start3A_175 = tpu.memref_slice %arg12[%add3A_161, %dma_start3A_174] : memref<10000x128xf32, #tpu.memory_space<vmem_shared>> -> memref<125x128xf32, #tpu.memory_space<vmem_shared>>
      tpu.enqueue_dma source(%dma_start3A_175 : memref<125x128xf32, #tpu.memory_space<vmem_shared>>) target(%dma_start3A_173 : memref<125x128xf32, #tpu.memory_space<vmem>>) target_semaphore(%run_scoped3A : memref<!tpu.dma_semaphore, #tpu.memory_space<semaphore_mem>>)
      %dma_wait3A_176 = arith.constant 0 : i32
      %dma_wait3A_177 = arith.constant 0 : i32
      %dma_wait3A_178 = tpu.memref_slice %arg10[%dma_wait3A_176, %dma_wait3A_177] : memref<128x128xf32, #tpu.memory_space<vmem>> -> memref<125x128xf32, #tpu.memory_space<vmem>>
      %dma_wait3A_179 = arith.constant 0 : i32
      %dma_wait3A_180 = tpu.memref_slice %arg12[%add3A_161, %dma_wait3A_179] : memref<10000x128xf32, #tpu.memory_space<vmem_shared>> -> memref<125x128xf32, #tpu.memory_space<vmem_shared>>
      %dma_wait3A_181 = arith.constant 0 : i32
      %dma_wait3A_182 = arith.constant 0 : i32
      %dma_wait3A_183 = tpu.memref_slice %arg10[%dma_wait3A_181, %dma_wait3A_182] : memref<128x128xf32, #tpu.memory_space<vmem>> -> memref<125x128xf32, #tpu.memory_space<vmem>>
      %dma_wait3A_184 = arith.constant 0 : i32
      %dma_wait3A_185 = tpu.memref_slice %arg12[%add3A_161, %dma_wait3A_184] : memref<10000x128xf32, #tpu.memory_space<vmem_shared>> -> memref<125x128xf32, #tpu.memory_space<vmem_shared>>
      tpu.wait_dma2 semaphore(%run_scoped3A : memref<!tpu.dma_semaphore, #tpu.memory_space<semaphore_mem>>) src(%dma_wait3A_185 : memref<125x128xf32, #tpu.memory_space<vmem_shared>>) dst(%dma_wait3A_183 : memref<125x128xf32, #tpu.memory_space<vmem>>)
      tpu.yield
    }) : () -> ()
    "tpu.region"() ({
      %run_scoped3A = tpu.sem_alloc : memref<!tpu.dma_semaphore, #tpu.memory_space<semaphore_mem>>
      %dma_start3A_166 = arith.constant 0 : i32
      %dma_start3A_167 = arith.constant 0 : i32
      %dma_start3A_168 = tpu.memref_slice %arg10[%dma_start3A_166, %dma_start3A_167] : memref<128x128xf32, #tpu.memory_space<vmem>> -> memref<125x128xf32, #tpu.memory_space<vmem>>
      %dma_start3A_169 = arith.constant 0 : i32
      %dma_start3A_170 = tpu.memref_slice %arg5[%arg0, %add3A_161, %dma_start3A_169] : memref<2x10000x128xf32, #tpu.memory_space<hbm>> -> memref<1x125x128xf32, #tpu.memory_space<hbm>>
      %dma_start3A_171 = tpu.memref_squeeze %dma_start3A_170 : memref<1x125x128xf32, #tpu.memory_space<hbm>> -> memref<125x128xf32, #tpu.memory_space<hbm>>
      %dma_start3A_172 = arith.constant 0 : i32
      %dma_start3A_173 = tpu.memref_slice %arg5[%arg0, %add3A_161, %dma_start3A_172] : memref<2x10000x128xf32, #tpu.memory_space<hbm>> -> memref<1x125x128xf32, #tpu.memory_space<hbm>>
      %dma_start3A_174 = tpu.memref_squeeze %dma_start3A_173 : memref<1x125x128xf32, #tpu.memory_space<hbm>> -> memref<125x128xf32, #tpu.memory_space<hbm>>
      %dma_start3A_175 = arith.constant 0 : i32
      %dma_start3A_176 = arith.constant 0 : i32
      %dma_start3A_177 = tpu.memref_slice %arg10[%dma_start3A_175, %dma_start3A_176] : memref<128x128xf32, #tpu.memory_space<vmem>> -> memref<125x128xf32, #tpu.memory_space<vmem>>
      tpu.enqueue_dma source(%dma_start3A_177 : memref<125x128xf32, #tpu.memory_space<vmem>>) target(%dma_start3A_174 : memref<125x128xf32, #tpu.memory_space<hbm>>) target_semaphore(%run_scoped3A : memref<!tpu.dma_semaphore, #tpu.memory_space<semaphore_mem>>)
      %dma_wait3A_178 = arith.constant 0 : i32
      %dma_wait3A_179 = arith.constant 0 : i32
      %dma_wait3A_180 = tpu.memref_slice %arg10[%dma_wait3A_178, %dma_wait3A_179] : memref<128x128xf32, #tpu.memory_space<vmem>> -> memref<125x128xf32, #tpu.memory_space<vmem>>
      %dma_wait3A_181 = arith.constant 0 : i32
      %dma_wait3A_182 = tpu.memref_slice %arg5[%arg0, %add3A_161, %dma_wait3A_181] : memref<2x10000x128xf32, #tpu.memory_space<hbm>> -> memref<1x125x128xf32, #tpu.memory_space<hbm>>
      %dma_wait3A_183 = tpu.memref_squeeze %dma_wait3A_182 : memref<1x125x128xf32, #tpu.memory_space<hbm>> -> memref<125x128xf32, #tpu.memory_space<hbm>>
      %dma_wait3A_184 = arith.constant 0 : i32
      %dma_wait3A_185 = tpu.memref_slice %arg5[%arg0, %add3A_161, %dma_wait3A_184] : memref<2x10000x128xf32, #tpu.memory_space<hbm>> -> memref<1x125x128xf32, #tpu.memory_space<hbm>>
      %dma_wait3A_186 = tpu.memref_squeeze %dma_wait3A_185 : memref<1x125x128xf32, #tpu.memory_space<hbm>> -> memref<125x128xf32, #tpu.memory_space<hbm>>
      %dma_wait3A_187 = arith.constant 0 : i32
      %dma_wait3A_188 = arith.constant 0 : i32
      %dma_wait3A_189 = tpu.memref_slice %arg10[%dma_wait3A_187, %dma_wait3A_188] : memref<128x128xf32, #tpu.memory_space<vmem>> -> memref<125x128xf32, #tpu.memory_space<vmem>>
      tpu.wait_dma2 semaphore(%run_scoped3A : memref<!tpu.dma_semaphore, #tpu.memory_space<semaphore_mem>>) src(%dma_wait3A_189 : memref<125x128xf32, #tpu.memory_space<vmem>>) dst(%dma_wait3A_186 : memref<125x128xf32, #tpu.memory_space<hbm>>)
      tpu.yield
    }) : () -> ()
    %mul3A_162 = arith.constant 625 : i32
    %mul3A_163 = arith.muli %arg1, %mul3A_162 : i32
    %add3A_164 = arith.constant 500 : i32
    %add3A_165 = arith.addi %mul3A_163, %add3A_164 : i32
    "tpu.region"() ({
      %run_scoped3A = tpu.sem_alloc : memref<!tpu.dma_semaphore, #tpu.memory_space<semaphore_mem>>
      %dma_start3A_166 = arith.constant 0 : i32
      %dma_start3A_167 = arith.constant 0 : i32
      %dma_start3A_168 = tpu.memref_slice %arg10[%dma_start3A_166, %dma_start3A_167] : memref<128x128xf32, #tpu.memory_space<vmem>> -> memref<125x128xf32, #tpu.memory_space<vmem>>
      %dma_start3A_169 = arith.constant 0 : i32
      %dma_start3A_170 = tpu.memref_slice %arg12[%add3A_165, %dma_start3A_169] : memref<10000x128xf32, #tpu.memory_space<vmem_shared>> -> memref<125x128xf32, #tpu.memory_space<vmem_shared>>
      %dma_start3A_171 = arith.constant 0 : i32
      %dma_start3A_172 = arith.constant 0 : i32
      %dma_start3A_173 = tpu.memref_slice %arg10[%dma_start3A_171, %dma_start3A_172] : memref<128x128xf32, #tpu.memory_space<vmem>> -> memref<125x128xf32, #tpu.memory_space<vmem>>
      %dma_start3A_174 = arith.constant 0 : i32
      %dma_start3A_175 = tpu.memref_slice %arg12[%add3A_165, %dma_start3A_174] : memref<10000x128xf32, #tpu.memory_space<vmem_shared>> -> memref<125x128xf32, #tpu.memory_space<vmem_shared>>
      tpu.enqueue_dma source(%dma_start3A_175 : memref<125x128xf32, #tpu.memory_space<vmem_shared>>) target(%dma_start3A_173 : memref<125x128xf32, #tpu.memory_space<vmem>>) target_semaphore(%run_scoped3A : memref<!tpu.dma_semaphore, #tpu.memory_space<semaphore_mem>>)
      %dma_wait3A_176 = arith.constant 0 : i32
      %dma_wait3A_177 = arith.constant 0 : i32
      %dma_wait3A_178 = tpu.memref_slice %arg10[%dma_wait3A_176, %dma_wait3A_177] : memref<128x128xf32, #tpu.memory_space<vmem>> -> memref<125x128xf32, #tpu.memory_space<vmem>>
      %dma_wait3A_179 = arith.constant 0 : i32
      %dma_wait3A_180 = tpu.memref_slice %arg12[%add3A_165, %dma_wait3A_179] : memref<10000x128xf32, #tpu.memory_space<vmem_shared>> -> memref<125x128xf32, #tpu.memory_space<vmem_shared>>
      %dma_wait3A_181 = arith.constant 0 : i32
      %dma_wait3A_182 = arith.constant 0 : i32
      %dma_wait3A_183 = tpu.memref_slice %arg10[%dma_wait3A_181, %dma_wait3A_182] : memref<128x128xf32, #tpu.memory_space<vmem>> -> memref<125x128xf32, #tpu.memory_space<vmem>>
      %dma_wait3A_184 = arith.constant 0 : i32
      %dma_wait3A_185 = tpu.memref_slice %arg12[%add3A_165, %dma_wait3A_184] : memref<10000x128xf32, #tpu.memory_space<vmem_shared>> -> memref<125x128xf32, #tpu.memory_space<vmem_shared>>
      tpu.wait_dma2 semaphore(%run_scoped3A : memref<!tpu.dma_semaphore, #tpu.memory_space<semaphore_mem>>) src(%dma_wait3A_185 : memref<125x128xf32, #tpu.memory_space<vmem_shared>>) dst(%dma_wait3A_183 : memref<125x128xf32, #tpu.memory_space<vmem>>)
      tpu.yield
    }) : () -> ()
    "tpu.region"() ({
      %run_scoped3A = tpu.sem_alloc : memref<!tpu.dma_semaphore, #tpu.memory_space<semaphore_mem>>
      %dma_start3A_166 = arith.constant 0 : i32
      %dma_start3A_167 = arith.constant 0 : i32
      %dma_start3A_168 = tpu.memref_slice %arg10[%dma_start3A_166, %dma_start3A_167] : memref<128x128xf32, #tpu.memory_space<vmem>> -> memref<125x128xf32, #tpu.memory_space<vmem>>
      %dma_start3A_169 = arith.constant 0 : i32
      %dma_start3A_170 = tpu.memref_slice %arg5[%arg0, %add3A_165, %dma_start3A_169] : memref<2x10000x128xf32, #tpu.memory_space<hbm>> -> memref<1x125x128xf32, #tpu.memory_space<hbm>>
      %dma_start3A_171 = tpu.memref_squeeze %dma_start3A_170 : memref<1x125x128xf32, #tpu.memory_space<hbm>> -> memref<125x128xf32, #tpu.memory_space<hbm>>
      %dma_start3A_172 = arith.constant 0 : i32
      %dma_start3A_173 = tpu.memref_slice %arg5[%arg0, %add3A_165, %dma_start3A_172] : memref<2x10000x128xf32, #tpu.memory_space<hbm>> -> memref<1x125x128xf32, #tpu.memory_space<hbm>>
      %dma_start3A_174 = tpu.memref_squeeze %dma_start3A_173 : memref<1x125x128xf32, #tpu.memory_space<hbm>> -> memref<125x128xf32, #tpu.memory_space<hbm>>
      %dma_start3A_175 = arith.constant 0 : i32
      %dma_start3A_176 = arith.constant 0 : i32
      %dma_start3A_177 = tpu.memref_slice %arg10[%dma_start3A_175, %dma_start3A_176] : memref<128x128xf32, #tpu.memory_space<vmem>> -> memref<125x128xf32, #tpu.memory_space<vmem>>
      tpu.enqueue_dma source(%dma_start3A_177 : memref<125x128xf32, #tpu.memory_space<vmem>>) target(%dma_start3A_174 : memref<125x128xf32, #tpu.memory_space<hbm>>) target_semaphore(%run_scoped3A : memref<!tpu.dma_semaphore, #tpu.memory_space<semaphore_mem>>)
      %dma_wait3A_178 = arith.constant 0 : i32
      %dma_wait3A_179 = arith.constant 0 : i32
      %dma_wait3A_180 = tpu.memref_slice %arg10[%dma_wait3A_178, %dma_wait3A_179] : memref<128x128xf32, #tpu.memory_space<vmem>> -> memref<125x128xf32, #tpu.memory_space<vmem>>
      %dma_wait3A_181 = arith.constant 0 : i32
      %dma_wait3A_182 = tpu.memref_slice %arg5[%arg0, %add3A_165, %dma_wait3A_181] : memref<2x10000x128xf32, #tpu.memory_space<hbm>> -> memref<1x125x128xf32, #tpu.memory_space<hbm>>
      %dma_wait3A_183 = tpu.memref_squeeze %dma_wait3A_182 : memref<1x125x128xf32, #tpu.memory_space<hbm>> -> memref<125x128xf32, #tpu.memory_space<hbm>>
      %dma_wait3A_184 = arith.constant 0 : i32
      %dma_wait3A_185 = tpu.memref_slice %arg5[%arg0, %add3A_165, %dma_wait3A_184] : memref<2x10000x128xf32, #tpu.memory_space<hbm>> -> memref<1x125x128xf32, #tpu.memory_space<hbm>>
      %dma_wait3A_186 = tpu.memref_squeeze %dma_wait3A_185 : memref<1x125x128xf32, #tpu.memory_space<hbm>> -> memref<125x128xf32, #tpu.memory_space<hbm>>
      %dma_wait3A_187 = arith.constant 0 : i32
      %dma_wait3A_188 = arith.constant 0 : i32
      %dma_wait3A_189 = tpu.memref_slice %arg10[%dma_wait3A_187, %dma_wait3A_188] : memref<128x128xf32, #tpu.memory_space<vmem>> -> memref<125x128xf32, #tpu.memory_space<vmem>>
      tpu.wait_dma2 semaphore(%run_scoped3A : memref<!tpu.dma_semaphore, #tpu.memory_space<semaphore_mem>>) src(%dma_wait3A_189 : memref<125x128xf32, #tpu.memory_space<vmem>>) dst(%dma_wait3A_186 : memref<125x128xf32, #tpu.memory_space<hbm>>)
      tpu.yield
    }) : () -> ()
    return
  }
}

#map = affine_map<(d0, d1) -> (0, 0)>
#map1 = affine_map<(d0, d1) -> (0, 0, 0)>
module attributes {stable_mosaic.version = 14 : i64} {
  func.func @body(%arg0: i32, %arg1: i32, %arg2: memref<10000x128xf32, #tpu.memory_space<hbm>>, %arg3: memref<2500x128xi32, #tpu.memory_space<hbm>>, %arg4: memref<2500x128xi32, #tpu.memory_space<hbm>>, %arg5: memref<2x10000x128xf32, #tpu.memory_space<hbm>>, %arg6: memref<2x10000xf32, #tpu.memory_space<hbm>>, %arg7: memref<26x128xi32, #tpu.memory_space<vmem>>, %arg8: memref<26x128xi32, #tpu.memory_space<vmem>>, %arg9: memref<26x128xi32, #tpu.memory_space<vmem>>, %arg10: memref<26x128xi32, #tpu.memory_space<vmem>>, %arg11: memref<128x128xf32, #tpu.memory_space<vmem>>, %arg12: memref<128x128xf32, #tpu.memory_space<vmem>>, %arg13: memref<10000x128xf32, #tpu.memory_space<vmem_shared>>, %arg14: memref<!tpu.dma_semaphore, #tpu.memory_space<semaphore_mem>>, %arg15: memref<!tpu.dma_semaphore, #tpu.memory_space<semaphore_mem>>, %arg16: memref<!tpu.dma_semaphore, #tpu.memory_space<semaphore_mem>>, %arg17: memref<!tpu.dma_semaphore, #tpu.memory_space<semaphore_mem>>, %arg18: memref<128xf32, #tpu.memory_space<vmem>>, %arg19: memref<2000xf32, #tpu.memory_space<vmem>>, %arg20: memref<10000xf32, #tpu.memory_space<vmem_shared>>) attributes {dimension_semantics = [#tpu.dimension_semantics<core_parallel>, #tpu.dimension_semantics<subcore_parallel>], iteration_bounds = array<i64: 2, 16>, scalar_prefetch = 0 : i64, scratch_operands = 14 : i64, tpu.core_type = #tpu.core_type<sc_vector_subcore>, window_params = [{transform_indices = #map}, {transform_indices = #map}, {transform_indices = #map}, {transform_indices = #map1}, {transform_indices = #map}]} {
    %mul3A = arith.constant 16 : i32
    %mul3A_0 = arith.muli %arg0, %mul3A : i32
    %add3A = arith.addi %mul3A_0, %arg1 : i32
    %broadcast_in_dim3A = arith.constant 0.000000e+00 : f32
    %broadcast_in_dim3A_1 = vector.broadcast %broadcast_in_dim3A : f32 to vector<16xf32>
    %mul3A_2 = arith.constant 78 : i32
    %mul3A_3 = arith.muli %add3A, %mul3A_2 : i32
    %add3A_4 = arith.constant 0 : i32
    %add3A_5 = arith.addi %mul3A_3, %add3A_4 : i32
    %dma_start3A = arith.constant 0 : i32
    %dma_start3A_6 = tpu.memref_slice %arg3[%add3A_5, %dma_start3A] : memref<2500x128xi32, #tpu.memory_space<hbm>> -> memref<26x128xi32, #tpu.memory_space<hbm>>
    %dma_start3A_7 = arith.constant 0 : i32
    %dma_start3A_8 = tpu.memref_slice %arg3[%add3A_5, %dma_start3A_7] : memref<2500x128xi32, #tpu.memory_space<hbm>> -> memref<26x128xi32, #tpu.memory_space<hbm>>
    tpu.enqueue_dma source(%dma_start3A_8 : memref<26x128xi32, #tpu.memory_space<hbm>>) target(%arg7 : memref<26x128xi32, #tpu.memory_space<vmem>>) target_semaphore(%arg17 : memref<!tpu.dma_semaphore, #tpu.memory_space<semaphore_mem>>)
    %dma_start3A_9 = arith.constant 0 : i32
    %dma_start3A_10 = tpu.memref_slice %arg4[%add3A_5, %dma_start3A_9] : memref<2500x128xi32, #tpu.memory_space<hbm>> -> memref<26x128xi32, #tpu.memory_space<hbm>>
    %dma_start3A_11 = arith.constant 0 : i32
    %dma_start3A_12 = tpu.memref_slice %arg4[%add3A_5, %dma_start3A_11] : memref<2500x128xi32, #tpu.memory_space<hbm>> -> memref<26x128xi32, #tpu.memory_space<hbm>>
    tpu.enqueue_dma source(%dma_start3A_12 : memref<26x128xi32, #tpu.memory_space<hbm>>) target(%arg8 : memref<26x128xi32, #tpu.memory_space<vmem>>) target_semaphore(%arg17 : memref<!tpu.dma_semaphore, #tpu.memory_space<semaphore_mem>>)
    %add3A_13 = arith.constant 26 : i32
    %add3A_14 = arith.addi %mul3A_3, %add3A_13 : i32
    %dma_start3A_15 = arith.constant 0 : i32
    %dma_start3A_16 = tpu.memref_slice %arg3[%add3A_14, %dma_start3A_15] : memref<2500x128xi32, #tpu.memory_space<hbm>> -> memref<26x128xi32, #tpu.memory_space<hbm>>
    %dma_start3A_17 = arith.constant 0 : i32
    %dma_start3A_18 = tpu.memref_slice %arg3[%add3A_14, %dma_start3A_17] : memref<2500x128xi32, #tpu.memory_space<hbm>> -> memref<26x128xi32, #tpu.memory_space<hbm>>
    tpu.enqueue_dma source(%dma_start3A_18 : memref<26x128xi32, #tpu.memory_space<hbm>>) target(%arg9 : memref<26x128xi32, #tpu.memory_space<vmem>>) target_semaphore(%arg17 : memref<!tpu.dma_semaphore, #tpu.memory_space<semaphore_mem>>)
    %dma_start3A_19 = arith.constant 0 : i32
    %dma_start3A_20 = tpu.memref_slice %arg4[%add3A_14, %dma_start3A_19] : memref<2500x128xi32, #tpu.memory_space<hbm>> -> memref<26x128xi32, #tpu.memory_space<hbm>>
    %dma_start3A_21 = arith.constant 0 : i32
    %dma_start3A_22 = tpu.memref_slice %arg4[%add3A_14, %dma_start3A_21] : memref<2500x128xi32, #tpu.memory_space<hbm>> -> memref<26x128xi32, #tpu.memory_space<hbm>>
    tpu.enqueue_dma source(%dma_start3A_22 : memref<26x128xi32, #tpu.memory_space<hbm>>) target(%arg10 : memref<26x128xi32, #tpu.memory_space<vmem>>) target_semaphore(%arg17 : memref<!tpu.dma_semaphore, #tpu.memory_space<semaphore_mem>>)
    %scan3A = arith.constant 0 : i32
    %scan3A_23 = arith.constant 125 : i32
    %scan3A_24 = arith.addi %scan3A, %scan3A_23 : i32
    %scan3A_25 = arith.constant 1 : i32
    scf.for %scan3A_218 = %scan3A to %scan3A_24 step %scan3A_25  : i32 {
      %mul3A_219 = arith.constant 1 : i32
      %mul3A_220 = arith.muli %scan3A_218, %mul3A_219 : i32
      %add3A_221 = arith.constant 0 : i32
      %add3A_222 = arith.addi %add3A_221, %mul3A_220 : i32
      %swap3A = arith.index_cast %add3A_222 : i32 to index
      %swap3A_223 = arith.constant 0 : index
      %swap3A_224 = tpu.vector_load %arg11[%swap3A, %swap3A_223] {strides = array<i32>} : memref<128x128xf32, #tpu.memory_space<vmem>>, vector<1x16xf32>,
      %swap3A_225 = vector.shape_cast %swap3A_224 : vector<1x16xf32> to vector<16xf32>
      %swap3A_226 = vector.shape_cast %broadcast_in_dim3A_1 : vector<16xf32> to vector<1x16xf32>
      tpu.vector_store %arg11[%swap3A, %swap3A_223], %swap3A_226 {strides = array<i32>} : memref<128x128xf32, #tpu.memory_space<vmem>>, vector<1x16xf32>,
      %swap3A_227 = arith.index_cast %add3A_222 : i32 to index
      %swap3A_228 = arith.constant 16 : index
      %swap3A_229 = tpu.vector_load %arg11[%swap3A_227, %swap3A_228] {strides = array<i32>} : memref<128x128xf32, #tpu.memory_space<vmem>>, vector<1x16xf32>,
      %swap3A_230 = vector.shape_cast %swap3A_229 : vector<1x16xf32> to vector<16xf32>
      %swap3A_231 = vector.shape_cast %broadcast_in_dim3A_1 : vector<16xf32> to vector<1x16xf32>
      tpu.vector_store %arg11[%swap3A_227, %swap3A_228], %swap3A_231 {strides = array<i32>} : memref<128x128xf32, #tpu.memory_space<vmem>>, vector<1x16xf32>,
      %swap3A_232 = arith.index_cast %add3A_222 : i32 to index
      %swap3A_233 = arith.constant 32 : index
      %swap3A_234 = tpu.vector_load %arg11[%swap3A_232, %swap3A_233] {strides = array<i32>} : memref<128x128xf32, #tpu.memory_space<vmem>>, vector<1x16xf32>,
      %swap3A_235 = vector.shape_cast %swap3A_234 : vector<1x16xf32> to vector<16xf32>
      %swap3A_236 = vector.shape_cast %broadcast_in_dim3A_1 : vector<16xf32> to vector<1x16xf32>
      tpu.vector_store %arg11[%swap3A_232, %swap3A_233], %swap3A_236 {strides = array<i32>} : memref<128x128xf32, #tpu.memory_space<vmem>>, vector<1x16xf32>,
      %swap3A_237 = arith.index_cast %add3A_222 : i32 to index
      %swap3A_238 = arith.constant 48 : index
      %swap3A_239 = tpu.vector_load %arg11[%swap3A_237, %swap3A_238] {strides = array<i32>} : memref<128x128xf32, #tpu.memory_space<vmem>>, vector<1x16xf32>,
      %swap3A_240 = vector.shape_cast %swap3A_239 : vector<1x16xf32> to vector<16xf32>
      %swap3A_241 = vector.shape_cast %broadcast_in_dim3A_1 : vector<16xf32> to vector<1x16xf32>
      tpu.vector_store %arg11[%swap3A_237, %swap3A_238], %swap3A_241 {strides = array<i32>} : memref<128x128xf32, #tpu.memory_space<vmem>>, vector<1x16xf32>,
      %swap3A_242 = arith.index_cast %add3A_222 : i32 to index
      %swap3A_243 = arith.constant 64 : index
      %swap3A_244 = tpu.vector_load %arg11[%swap3A_242, %swap3A_243] {strides = array<i32>} : memref<128x128xf32, #tpu.memory_space<vmem>>, vector<1x16xf32>,
      %swap3A_245 = vector.shape_cast %swap3A_244 : vector<1x16xf32> to vector<16xf32>
      %swap3A_246 = vector.shape_cast %broadcast_in_dim3A_1 : vector<16xf32> to vector<1x16xf32>
      tpu.vector_store %arg11[%swap3A_242, %swap3A_243], %swap3A_246 {strides = array<i32>} : memref<128x128xf32, #tpu.memory_space<vmem>>, vector<1x16xf32>,
      %swap3A_247 = arith.index_cast %add3A_222 : i32 to index
      %swap3A_248 = arith.constant 80 : index
      %swap3A_249 = tpu.vector_load %arg11[%swap3A_247, %swap3A_248] {strides = array<i32>} : memref<128x128xf32, #tpu.memory_space<vmem>>, vector<1x16xf32>,
      %swap3A_250 = vector.shape_cast %swap3A_249 : vector<1x16xf32> to vector<16xf32>
      %swap3A_251 = vector.shape_cast %broadcast_in_dim3A_1 : vector<16xf32> to vector<1x16xf32>
      tpu.vector_store %arg11[%swap3A_247, %swap3A_248], %swap3A_251 {strides = array<i32>} : memref<128x128xf32, #tpu.memory_space<vmem>>, vector<1x16xf32>,
      %swap3A_252 = arith.index_cast %add3A_222 : i32 to index
      %swap3A_253 = arith.constant 96 : index
      %swap3A_254 = tpu.vector_load %arg11[%swap3A_252, %swap3A_253] {strides = array<i32>} : memref<128x128xf32, #tpu.memory_space<vmem>>, vector<1x16xf32>,
      %swap3A_255 = vector.shape_cast %swap3A_254 : vector<1x16xf32> to vector<16xf32>
      %swap3A_256 = vector.shape_cast %broadcast_in_dim3A_1 : vector<16xf32> to vector<1x16xf32>
      tpu.vector_store %arg11[%swap3A_252, %swap3A_253], %swap3A_256 {strides = array<i32>} : memref<128x128xf32, #tpu.memory_space<vmem>>, vector<1x16xf32>,
      %swap3A_257 = arith.index_cast %add3A_222 : i32 to index
      %swap3A_258 = arith.constant 112 : index
      %swap3A_259 = tpu.vector_load %arg11[%swap3A_257, %swap3A_258] {strides = array<i32>} : memref<128x128xf32, #tpu.memory_space<vmem>>, vector<1x16xf32>,
      %swap3A_260 = vector.shape_cast %swap3A_259 : vector<1x16xf32> to vector<16xf32>
      %swap3A_261 = vector.shape_cast %broadcast_in_dim3A_1 : vector<16xf32> to vector<1x16xf32>
      tpu.vector_store %arg11[%swap3A_257, %swap3A_258], %swap3A_261 {strides = array<i32>} : memref<128x128xf32, #tpu.memory_space<vmem>>, vector<1x16xf32>,
    }
    %scan3A_26 = arith.constant 125 : i32
    %mul3A_27 = arith.constant 625 : i32
    %mul3A_28 = arith.muli %arg1, %mul3A_27 : i32
    %add3A_29 = arith.constant 0 : i32
    %add3A_30 = arith.addi %mul3A_28, %add3A_29 : i32
    "tpu.region"() ({
      %run_scoped3A = tpu.sem_alloc : memref<!tpu.dma_semaphore, #tpu.memory_space<semaphore_mem>>
      %dma_start3A_218 = arith.constant 0 : i32
      %dma_start3A_219 = arith.constant 0 : i32
      %dma_start3A_220 = tpu.memref_slice %arg11[%dma_start3A_218, %dma_start3A_219] : memref<128x128xf32, #tpu.memory_space<vmem>> -> memref<125x128xf32, #tpu.memory_space<vmem>>
      %dma_start3A_221 = arith.constant 0 : i32
      %dma_start3A_222 = tpu.memref_slice %arg13[%add3A_30, %dma_start3A_221] : memref<10000x128xf32, #tpu.memory_space<vmem_shared>> -> memref<125x128xf32, #tpu.memory_space<vmem_shared>>
      %dma_start3A_223 = arith.constant 0 : i32
      %dma_start3A_224 = tpu.memref_slice %arg13[%add3A_30, %dma_start3A_223] : memref<10000x128xf32, #tpu.memory_space<vmem_shared>> -> memref<125x128xf32, #tpu.memory_space<vmem_shared>>
      %dma_start3A_225 = arith.constant 0 : i32
      %dma_start3A_226 = arith.constant 0 : i32
      %dma_start3A_227 = tpu.memref_slice %arg11[%dma_start3A_225, %dma_start3A_226] : memref<128x128xf32, #tpu.memory_space<vmem>> -> memref<125x128xf32, #tpu.memory_space<vmem>>
      tpu.enqueue_dma source(%dma_start3A_227 : memref<125x128xf32, #tpu.memory_space<vmem>>) target(%dma_start3A_224 : memref<125x128xf32, #tpu.memory_space<vmem_shared>>) target_semaphore(%run_scoped3A : memref<!tpu.dma_semaphore, #tpu.memory_space<semaphore_mem>>)
      %dma_wait3A_228 = arith.constant 0 : i32
      %dma_wait3A_229 = arith.constant 0 : i32
      %dma_wait3A_230 = tpu.memref_slice %arg11[%dma_wait3A_228, %dma_wait3A_229] : memref<128x128xf32, #tpu.memory_space<vmem>> -> memref<125x128xf32, #tpu.memory_space<vmem>>
      %dma_wait3A_231 = arith.constant 0 : i32
      %dma_wait3A_232 = tpu.memref_slice %arg13[%add3A_30, %dma_wait3A_231] : memref<10000x128xf32, #tpu.memory_space<vmem_shared>> -> memref<125x128xf32, #tpu.memory_space<vmem_shared>>
      %dma_wait3A_233 = arith.constant 0 : i32
      %dma_wait3A_234 = tpu.memref_slice %arg13[%add3A_30, %dma_wait3A_233] : memref<10000x128xf32, #tpu.memory_space<vmem_shared>> -> memref<125x128xf32, #tpu.memory_space<vmem_shared>>
      %dma_wait3A_235 = arith.constant 0 : i32
      %dma_wait3A_236 = arith.constant 0 : i32
      %dma_wait3A_237 = tpu.memref_slice %arg11[%dma_wait3A_235, %dma_wait3A_236] : memref<128x128xf32, #tpu.memory_space<vmem>> -> memref<125x128xf32, #tpu.memory_space<vmem>>
      tpu.wait_dma2 semaphore(%run_scoped3A : memref<!tpu.dma_semaphore, #tpu.memory_space<semaphore_mem>>) src(%dma_wait3A_237 : memref<125x128xf32, #tpu.memory_space<vmem>>) dst(%dma_wait3A_234 : memref<125x128xf32, #tpu.memory_space<vmem_shared>>)
      tpu.yield
    }) : () -> ()
    %mul3A_31 = arith.constant 625 : i32
    %mul3A_32 = arith.muli %arg1, %mul3A_31 : i32
    %add3A_33 = arith.constant 125 : i32
    %add3A_34 = arith.addi %mul3A_32, %add3A_33 : i32
    "tpu.region"() ({
      %run_scoped3A = tpu.sem_alloc : memref<!tpu.dma_semaphore, #tpu.memory_space<semaphore_mem>>
      %dma_start3A_218 = arith.constant 0 : i32
      %dma_start3A_219 = arith.constant 0 : i32
      %dma_start3A_220 = tpu.memref_slice %arg11[%dma_start3A_218, %dma_start3A_219] : memref<128x128xf32, #tpu.memory_space<vmem>> -> memref<125x128xf32, #tpu.memory_space<vmem>>
      %dma_start3A_221 = arith.constant 0 : i32
      %dma_start3A_222 = tpu.memref_slice %arg13[%add3A_34, %dma_start3A_221] : memref<10000x128xf32, #tpu.memory_space<vmem_shared>> -> memref<125x128xf32, #tpu.memory_space<vmem_shared>>
      %dma_start3A_223 = arith.constant 0 : i32
      %dma_start3A_224 = tpu.memref_slice %arg13[%add3A_34, %dma_start3A_223] : memref<10000x128xf32, #tpu.memory_space<vmem_shared>> -> memref<125x128xf32, #tpu.memory_space<vmem_shared>>
      %dma_start3A_225 = arith.constant 0 : i32
      %dma_start3A_226 = arith.constant 0 : i32
      %dma_start3A_227 = tpu.memref_slice %arg11[%dma_start3A_225, %dma_start3A_226] : memref<128x128xf32, #tpu.memory_space<vmem>> -> memref<125x128xf32, #tpu.memory_space<vmem>>
      tpu.enqueue_dma source(%dma_start3A_227 : memref<125x128xf32, #tpu.memory_space<vmem>>) target(%dma_start3A_224 : memref<125x128xf32, #tpu.memory_space<vmem_shared>>) target_semaphore(%run_scoped3A : memref<!tpu.dma_semaphore, #tpu.memory_space<semaphore_mem>>)
      %dma_wait3A_228 = arith.constant 0 : i32
      %dma_wait3A_229 = arith.constant 0 : i32
      %dma_wait3A_230 = tpu.memref_slice %arg11[%dma_wait3A_228, %dma_wait3A_229] : memref<128x128xf32, #tpu.memory_space<vmem>> -> memref<125x128xf32, #tpu.memory_space<vmem>>
      %dma_wait3A_231 = arith.constant 0 : i32
      %dma_wait3A_232 = tpu.memref_slice %arg13[%add3A_34, %dma_wait3A_231] : memref<10000x128xf32, #tpu.memory_space<vmem_shared>> -> memref<125x128xf32, #tpu.memory_space<vmem_shared>>
      %dma_wait3A_233 = arith.constant 0 : i32
      %dma_wait3A_234 = tpu.memref_slice %arg13[%add3A_34, %dma_wait3A_233] : memref<10000x128xf32, #tpu.memory_space<vmem_shared>> -> memref<125x128xf32, #tpu.memory_space<vmem_shared>>
      %dma_wait3A_235 = arith.constant 0 : i32
      %dma_wait3A_236 = arith.constant 0 : i32
      %dma_wait3A_237 = tpu.memref_slice %arg11[%dma_wait3A_235, %dma_wait3A_236] : memref<128x128xf32, #tpu.memory_space<vmem>> -> memref<125x128xf32, #tpu.memory_space<vmem>>
      tpu.wait_dma2 semaphore(%run_scoped3A : memref<!tpu.dma_semaphore, #tpu.memory_space<semaphore_mem>>) src(%dma_wait3A_237 : memref<125x128xf32, #tpu.memory_space<vmem>>) dst(%dma_wait3A_234 : memref<125x128xf32, #tpu.memory_space<vmem_shared>>)
      tpu.yield
    }) : () -> ()
    %mul3A_35 = arith.constant 625 : i32
    %mul3A_36 = arith.muli %arg1, %mul3A_35 : i32
    %add3A_37 = arith.constant 250 : i32
    %add3A_38 = arith.addi %mul3A_36, %add3A_37 : i32
    "tpu.region"() ({
      %run_scoped3A = tpu.sem_alloc : memref<!tpu.dma_semaphore, #tpu.memory_space<semaphore_mem>>
      %dma_start3A_218 = arith.constant 0 : i32
      %dma_start3A_219 = arith.constant 0 : i32
      %dma_start3A_220 = tpu.memref_slice %arg11[%dma_start3A_218, %dma_start3A_219] : memref<128x128xf32, #tpu.memory_space<vmem>> -> memref<125x128xf32, #tpu.memory_space<vmem>>
      %dma_start3A_221 = arith.constant 0 : i32
      %dma_start3A_222 = tpu.memref_slice %arg13[%add3A_38, %dma_start3A_221] : memref<10000x128xf32, #tpu.memory_space<vmem_shared>> -> memref<125x128xf32, #tpu.memory_space<vmem_shared>>
      %dma_start3A_223 = arith.constant 0 : i32
      %dma_start3A_224 = tpu.memref_slice %arg13[%add3A_38, %dma_start3A_223] : memref<10000x128xf32, #tpu.memory_space<vmem_shared>> -> memref<125x128xf32, #tpu.memory_space<vmem_shared>>
      %dma_start3A_225 = arith.constant 0 : i32
      %dma_start3A_226 = arith.constant 0 : i32
      %dma_start3A_227 = tpu.memref_slice %arg11[%dma_start3A_225, %dma_start3A_226] : memref<128x128xf32, #tpu.memory_space<vmem>> -> memref<125x128xf32, #tpu.memory_space<vmem>>
      tpu.enqueue_dma source(%dma_start3A_227 : memref<125x128xf32, #tpu.memory_space<vmem>>) target(%dma_start3A_224 : memref<125x128xf32, #tpu.memory_space<vmem_shared>>) target_semaphore(%run_scoped3A : memref<!tpu.dma_semaphore, #tpu.memory_space<semaphore_mem>>)
      %dma_wait3A_228 = arith.constant 0 : i32
      %dma_wait3A_229 = arith.constant 0 : i32
      %dma_wait3A_230 = tpu.memref_slice %arg11[%dma_wait3A_228, %dma_wait3A_229] : memref<128x128xf32, #tpu.memory_space<vmem>> -> memref<125x128xf32, #tpu.memory_space<vmem>>
      %dma_wait3A_231 = arith.constant 0 : i32
      %dma_wait3A_232 = tpu.memref_slice %arg13[%add3A_38, %dma_wait3A_231] : memref<10000x128xf32, #tpu.memory_space<vmem_shared>> -> memref<125x128xf32, #tpu.memory_space<vmem_shared>>
      %dma_wait3A_233 = arith.constant 0 : i32
      %dma_wait3A_234 = tpu.memref_slice %arg13[%add3A_38, %dma_wait3A_233] : memref<10000x128xf32, #tpu.memory_space<vmem_shared>> -> memref<125x128xf32, #tpu.memory_space<vmem_shared>>
      %dma_wait3A_235 = arith.constant 0 : i32
      %dma_wait3A_236 = arith.constant 0 : i32
      %dma_wait3A_237 = tpu.memref_slice %arg11[%dma_wait3A_235, %dma_wait3A_236] : memref<128x128xf32, #tpu.memory_space<vmem>> -> memref<125x128xf32, #tpu.memory_space<vmem>>
      tpu.wait_dma2 semaphore(%run_scoped3A : memref<!tpu.dma_semaphore, #tpu.memory_space<semaphore_mem>>) src(%dma_wait3A_237 : memref<125x128xf32, #tpu.memory_space<vmem>>) dst(%dma_wait3A_234 : memref<125x128xf32, #tpu.memory_space<vmem_shared>>)
      tpu.yield
    }) : () -> ()
    %mul3A_39 = arith.constant 625 : i32
    %mul3A_40 = arith.muli %arg1, %mul3A_39 : i32
    %add3A_41 = arith.constant 375 : i32
    %add3A_42 = arith.addi %mul3A_40, %add3A_41 : i32
    "tpu.region"() ({
      %run_scoped3A = tpu.sem_alloc : memref<!tpu.dma_semaphore, #tpu.memory_space<semaphore_mem>>
      %dma_start3A_218 = arith.constant 0 : i32
      %dma_start3A_219 = arith.constant 0 : i32
      %dma_start3A_220 = tpu.memref_slice %arg11[%dma_start3A_218, %dma_start3A_219] : memref<128x128xf32, #tpu.memory_space<vmem>> -> memref<125x128xf32, #tpu.memory_space<vmem>>
      %dma_start3A_221 = arith.constant 0 : i32
      %dma_start3A_222 = tpu.memref_slice %arg13[%add3A_42, %dma_start3A_221] : memref<10000x128xf32, #tpu.memory_space<vmem_shared>> -> memref<125x128xf32, #tpu.memory_space<vmem_shared>>
      %dma_start3A_223 = arith.constant 0 : i32
      %dma_start3A_224 = tpu.memref_slice %arg13[%add3A_42, %dma_start3A_223] : memref<10000x128xf32, #tpu.memory_space<vmem_shared>> -> memref<125x128xf32, #tpu.memory_space<vmem_shared>>
      %dma_start3A_225 = arith.constant 0 : i32
      %dma_start3A_226 = arith.constant 0 : i32
      %dma_start3A_227 = tpu.memref_slice %arg11[%dma_start3A_225, %dma_start3A_226] : memref<128x128xf32, #tpu.memory_space<vmem>> -> memref<125x128xf32, #tpu.memory_space<vmem>>
      tpu.enqueue_dma source(%dma_start3A_227 : memref<125x128xf32, #tpu.memory_space<vmem>>) target(%dma_start3A_224 : memref<125x128xf32, #tpu.memory_space<vmem_shared>>) target_semaphore(%run_scoped3A : memref<!tpu.dma_semaphore, #tpu.memory_space<semaphore_mem>>)
      %dma_wait3A_228 = arith.constant 0 : i32
      %dma_wait3A_229 = arith.constant 0 : i32
      %dma_wait3A_230 = tpu.memref_slice %arg11[%dma_wait3A_228, %dma_wait3A_229] : memref<128x128xf32, #tpu.memory_space<vmem>> -> memref<125x128xf32, #tpu.memory_space<vmem>>
      %dma_wait3A_231 = arith.constant 0 : i32
      %dma_wait3A_232 = tpu.memref_slice %arg13[%add3A_42, %dma_wait3A_231] : memref<10000x128xf32, #tpu.memory_space<vmem_shared>> -> memref<125x128xf32, #tpu.memory_space<vmem_shared>>
      %dma_wait3A_233 = arith.constant 0 : i32
      %dma_wait3A_234 = tpu.memref_slice %arg13[%add3A_42, %dma_wait3A_233] : memref<10000x128xf32, #tpu.memory_space<vmem_shared>> -> memref<125x128xf32, #tpu.memory_space<vmem_shared>>
      %dma_wait3A_235 = arith.constant 0 : i32
      %dma_wait3A_236 = arith.constant 0 : i32
      %dma_wait3A_237 = tpu.memref_slice %arg11[%dma_wait3A_235, %dma_wait3A_236] : memref<128x128xf32, #tpu.memory_space<vmem>> -> memref<125x128xf32, #tpu.memory_space<vmem>>
      tpu.wait_dma2 semaphore(%run_scoped3A : memref<!tpu.dma_semaphore, #tpu.memory_space<semaphore_mem>>) src(%dma_wait3A_237 : memref<125x128xf32, #tpu.memory_space<vmem>>) dst(%dma_wait3A_234 : memref<125x128xf32, #tpu.memory_space<vmem_shared>>)
      tpu.yield
    }) : () -> ()
    %mul3A_43 = arith.constant 625 : i32
    %mul3A_44 = arith.muli %arg1, %mul3A_43 : i32
    %add3A_45 = arith.constant 500 : i32
    %add3A_46 = arith.addi %mul3A_44, %add3A_45 : i32
    "tpu.region"() ({
      %run_scoped3A = tpu.sem_alloc : memref<!tpu.dma_semaphore, #tpu.memory_space<semaphore_mem>>
      %dma_start3A_218 = arith.constant 0 : i32
      %dma_start3A_219 = arith.constant 0 : i32
      %dma_start3A_220 = tpu.memref_slice %arg11[%dma_start3A_218, %dma_start3A_219] : memref<128x128xf32, #tpu.memory_space<vmem>> -> memref<125x128xf32, #tpu.memory_space<vmem>>
      %dma_start3A_221 = arith.constant 0 : i32
      %dma_start3A_222 = tpu.memref_slice %arg13[%add3A_46, %dma_start3A_221] : memref<10000x128xf32, #tpu.memory_space<vmem_shared>> -> memref<125x128xf32, #tpu.memory_space<vmem_shared>>
      %dma_start3A_223 = arith.constant 0 : i32
      %dma_start3A_224 = tpu.memref_slice %arg13[%add3A_46, %dma_start3A_223] : memref<10000x128xf32, #tpu.memory_space<vmem_shared>> -> memref<125x128xf32, #tpu.memory_space<vmem_shared>>
      %dma_start3A_225 = arith.constant 0 : i32
      %dma_start3A_226 = arith.constant 0 : i32
      %dma_start3A_227 = tpu.memref_slice %arg11[%dma_start3A_225, %dma_start3A_226] : memref<128x128xf32, #tpu.memory_space<vmem>> -> memref<125x128xf32, #tpu.memory_space<vmem>>
      tpu.enqueue_dma source(%dma_start3A_227 : memref<125x128xf32, #tpu.memory_space<vmem>>) target(%dma_start3A_224 : memref<125x128xf32, #tpu.memory_space<vmem_shared>>) target_semaphore(%run_scoped3A : memref<!tpu.dma_semaphore, #tpu.memory_space<semaphore_mem>>)
      %dma_wait3A_228 = arith.constant 0 : i32
      %dma_wait3A_229 = arith.constant 0 : i32
      %dma_wait3A_230 = tpu.memref_slice %arg11[%dma_wait3A_228, %dma_wait3A_229] : memref<128x128xf32, #tpu.memory_space<vmem>> -> memref<125x128xf32, #tpu.memory_space<vmem>>
      %dma_wait3A_231 = arith.constant 0 : i32
      %dma_wait3A_232 = tpu.memref_slice %arg13[%add3A_46, %dma_wait3A_231] : memref<10000x128xf32, #tpu.memory_space<vmem_shared>> -> memref<125x128xf32, #tpu.memory_space<vmem_shared>>
      %dma_wait3A_233 = arith.constant 0 : i32
      %dma_wait3A_234 = tpu.memref_slice %arg13[%add3A_46, %dma_wait3A_233] : memref<10000x128xf32, #tpu.memory_space<vmem_shared>> -> memref<125x128xf32, #tpu.memory_space<vmem_shared>>
      %dma_wait3A_235 = arith.constant 0 : i32
      %dma_wait3A_236 = arith.constant 0 : i32
      %dma_wait3A_237 = tpu.memref_slice %arg11[%dma_wait3A_235, %dma_wait3A_236] : memref<128x128xf32, #tpu.memory_space<vmem>> -> memref<125x128xf32, #tpu.memory_space<vmem>>
      tpu.wait_dma2 semaphore(%run_scoped3A : memref<!tpu.dma_semaphore, #tpu.memory_space<semaphore_mem>>) src(%dma_wait3A_237 : memref<125x128xf32, #tpu.memory_space<vmem>>) dst(%dma_wait3A_234 : memref<125x128xf32, #tpu.memory_space<vmem_shared>>)
      tpu.yield
    }) : () -> ()
    %broadcast_in_dim3A_47 = arith.constant 1.000000e+00 : f32
    %broadcast_in_dim3A_48 = vector.broadcast %broadcast_in_dim3A_47 : f32 to vector<16xf32>
    %scan3A_49 = arith.constant 0 : i32
    %scan3A_50 = arith.constant 8 : i32
    %scan3A_51 = arith.addi %scan3A_49, %scan3A_50 : i32
    %scan3A_52 = arith.constant 1 : i32
    scf.for %scan3A_218 = %scan3A_49 to %scan3A_51 step %scan3A_52  : i32 {
      %mul3A_219 = arith.constant 1 : i32
      %mul3A_220 = arith.muli %scan3A_218, %mul3A_219 : i32
      %add3A_221 = arith.constant 0 : i32
      %add3A_222 = arith.addi %add3A_221, %mul3A_220 : i32
      %mul3A_223 = arith.constant 16 : i32
      %mul3A_224 = arith.muli %add3A_222, %mul3A_223 : i32
      %swap3A = arith.index_cast %mul3A_224 : i32 to index
      %swap3A_225 = tpu.vector_load %arg18[%swap3A] {strides = array<i32>} : memref<128xf32, #tpu.memory_space<vmem>>, vector<16xf32>,
      %swap3A_226 = vector.shape_cast %swap3A_225 : vector<16xf32> to vector<16xf32>
      %swap3A_227 = vector.shape_cast %broadcast_in_dim3A_48 : vector<16xf32> to vector<16xf32>
      tpu.vector_store %arg18[%swap3A], %swap3A_227 {strides = array<i32>} : memref<128xf32, #tpu.memory_space<vmem>>, vector<16xf32>,
    }
    %scan3A_53 = arith.constant 8 : i32
    %eq3A = arith.constant 0 : i32
    %eq3A_54 = arith.cmpi eq, %arg1, %eq3A : i32
    %convert_element_type3A = arith.extui %eq3A_54 : i1 to i32
    %cond3A = arith.constant 0 : i32
    %cond3A_55 = arith.cmpi ne, %convert_element_type3A, %cond3A : i32
    scf.if %cond3A_55 {
      %scan3A_218 = arith.constant 0 : i32
      %scan3A_219 = arith.constant 125 : i32
      %scan3A_220 = arith.addi %scan3A_218, %scan3A_219 : i32
      %scan3A_221 = arith.constant 1 : i32
      scf.for %scan3A_223 = %scan3A_218 to %scan3A_220 step %scan3A_221  : i32 {
        %mul3A_224 = arith.constant 1 : i32
        %mul3A_225 = arith.muli %scan3A_223, %mul3A_224 : i32
        %add3A_226 = arith.constant 0 : i32
        %add3A_227 = arith.addi %add3A_226, %mul3A_225 : i32
        %mul3A_228 = arith.constant 16 : i32
        %mul3A_229 = arith.muli %add3A_227, %mul3A_228 : i32
        %swap3A = arith.index_cast %mul3A_229 : i32 to index
        %swap3A_230 = tpu.vector_load %arg19[%swap3A] {strides = array<i32>} : memref<2000xf32, #tpu.memory_space<vmem>>, vector<16xf32>,
        %swap3A_231 = vector.shape_cast %swap3A_230 : vector<16xf32> to vector<16xf32>
        %swap3A_232 = vector.shape_cast %broadcast_in_dim3A_1 : vector<16xf32> to vector<16xf32>
        tpu.vector_store %arg19[%swap3A], %swap3A_232 {strides = array<i32>} : memref<2000xf32, #tpu.memory_space<vmem>>, vector<16xf32>,
      }
      %scan3A_222 = arith.constant 125 : i32
      "tpu.region"() ({
        %run_scoped3A = tpu.sem_alloc : memref<!tpu.dma_semaphore, #tpu.memory_space<semaphore_mem>>
        %dma_start3A_223 = arith.constant 0 : i32
        %dma_start3A_224 = tpu.memref_slice %arg20[%dma_start3A_223] : memref<10000xf32, #tpu.memory_space<vmem_shared>> -> memref<2000xf32, #tpu.memory_space<vmem_shared>>
        %dma_start3A_225 = arith.constant 0 : i32
        %dma_start3A_226 = tpu.memref_slice %arg20[%dma_start3A_225] : memref<10000xf32, #tpu.memory_space<vmem_shared>> -> memref<2000xf32, #tpu.memory_space<vmem_shared>>
        tpu.enqueue_dma source(%arg19 : memref<2000xf32, #tpu.memory_space<vmem>>) target(%dma_start3A_226 : memref<2000xf32, #tpu.memory_space<vmem_shared>>) target_semaphore(%run_scoped3A : memref<!tpu.dma_semaphore, #tpu.memory_space<semaphore_mem>>)
        %dma_wait3A_227 = arith.constant 0 : i32
        %dma_wait3A_228 = tpu.memref_slice %arg20[%dma_wait3A_227] : memref<10000xf32, #tpu.memory_space<vmem_shared>> -> memref<2000xf32, #tpu.memory_space<vmem_shared>>
        %dma_wait3A_229 = arith.constant 0 : i32
        %dma_wait3A_230 = tpu.memref_slice %arg20[%dma_wait3A_229] : memref<10000xf32, #tpu.memory_space<vmem_shared>> -> memref<2000xf32, #tpu.memory_space<vmem_shared>>
        tpu.wait_dma2 semaphore(%run_scoped3A : memref<!tpu.dma_semaphore, #tpu.memory_space<semaphore_mem>>) src(%arg19 : memref<2000xf32, #tpu.memory_space<vmem>>) dst(%dma_wait3A_230 : memref<2000xf32, #tpu.memory_space<vmem_shared>>)
        tpu.yield
      }) : () -> ()
      "tpu.region"() ({
        %run_scoped3A = tpu.sem_alloc : memref<!tpu.dma_semaphore, #tpu.memory_space<semaphore_mem>>
        %dma_start3A_223 = arith.constant 2000 : i32
        %dma_start3A_224 = tpu.memref_slice %arg20[%dma_start3A_223] : memref<10000xf32, #tpu.memory_space<vmem_shared>> -> memref<2000xf32, #tpu.memory_space<vmem_shared>>
        %dma_start3A_225 = arith.constant 2000 : i32
        %dma_start3A_226 = tpu.memref_slice %arg20[%dma_start3A_225] : memref<10000xf32, #tpu.memory_space<vmem_shared>> -> memref<2000xf32, #tpu.memory_space<vmem_shared>>
        tpu.enqueue_dma source(%arg19 : memref<2000xf32, #tpu.memory_space<vmem>>) target(%dma_start3A_226 : memref<2000xf32, #tpu.memory_space<vmem_shared>>) target_semaphore(%run_scoped3A : memref<!tpu.dma_semaphore, #tpu.memory_space<semaphore_mem>>)
        %dma_wait3A_227 = arith.constant 2000 : i32
        %dma_wait3A_228 = tpu.memref_slice %arg20[%dma_wait3A_227] : memref<10000xf32, #tpu.memory_space<vmem_shared>> -> memref<2000xf32, #tpu.memory_space<vmem_shared>>
        %dma_wait3A_229 = arith.constant 2000 : i32
        %dma_wait3A_230 = tpu.memref_slice %arg20[%dma_wait3A_229] : memref<10000xf32, #tpu.memory_space<vmem_shared>> -> memref<2000xf32, #tpu.memory_space<vmem_shared>>
        tpu.wait_dma2 semaphore(%run_scoped3A : memref<!tpu.dma_semaphore, #tpu.memory_space<semaphore_mem>>) src(%arg19 : memref<2000xf32, #tpu.memory_space<vmem>>) dst(%dma_wait3A_230 : memref<2000xf32, #tpu.memory_space<vmem_shared>>)
        tpu.yield
      }) : () -> ()
      "tpu.region"() ({
        %run_scoped3A = tpu.sem_alloc : memref<!tpu.dma_semaphore, #tpu.memory_space<semaphore_mem>>
        %dma_start3A_223 = arith.constant 4000 : i32
        %dma_start3A_224 = tpu.memref_slice %arg20[%dma_start3A_223] : memref<10000xf32, #tpu.memory_space<vmem_shared>> -> memref<2000xf32, #tpu.memory_space<vmem_shared>>
        %dma_start3A_225 = arith.constant 4000 : i32
        %dma_start3A_226 = tpu.memref_slice %arg20[%dma_start3A_225] : memref<10000xf32, #tpu.memory_space<vmem_shared>> -> memref<2000xf32, #tpu.memory_space<vmem_shared>>
        tpu.enqueue_dma source(%arg19 : memref<2000xf32, #tpu.memory_space<vmem>>) target(%dma_start3A_226 : memref<2000xf32, #tpu.memory_space<vmem_shared>>) target_semaphore(%run_scoped3A : memref<!tpu.dma_semaphore, #tpu.memory_space<semaphore_mem>>)
        %dma_wait3A_227 = arith.constant 4000 : i32
        %dma_wait3A_228 = tpu.memref_slice %arg20[%dma_wait3A_227] : memref<10000xf32, #tpu.memory_space<vmem_shared>> -> memref<2000xf32, #tpu.memory_space<vmem_shared>>
        %dma_wait3A_229 = arith.constant 4000 : i32
        %dma_wait3A_230 = tpu.memref_slice %arg20[%dma_wait3A_229] : memref<10000xf32, #tpu.memory_space<vmem_shared>> -> memref<2000xf32, #tpu.memory_space<vmem_shared>>
        tpu.wait_dma2 semaphore(%run_scoped3A : memref<!tpu.dma_semaphore, #tpu.memory_space<semaphore_mem>>) src(%arg19 : memref<2000xf32, #tpu.memory_space<vmem>>) dst(%dma_wait3A_230 : memref<2000xf32, #tpu.memory_space<vmem_shared>>)
        tpu.yield
      }) : () -> ()
      "tpu.region"() ({
        %run_scoped3A = tpu.sem_alloc : memref<!tpu.dma_semaphore, #tpu.memory_space<semaphore_mem>>
        %dma_start3A_223 = arith.constant 6000 : i32
        %dma_start3A_224 = tpu.memref_slice %arg20[%dma_start3A_223] : memref<10000xf32, #tpu.memory_space<vmem_shared>> -> memref<2000xf32, #tpu.memory_space<vmem_shared>>
        %dma_start3A_225 = arith.constant 6000 : i32
        %dma_start3A_226 = tpu.memref_slice %arg20[%dma_start3A_225] : memref<10000xf32, #tpu.memory_space<vmem_shared>> -> memref<2000xf32, #tpu.memory_space<vmem_shared>>
        tpu.enqueue_dma source(%arg19 : memref<2000xf32, #tpu.memory_space<vmem>>) target(%dma_start3A_226 : memref<2000xf32, #tpu.memory_space<vmem_shared>>) target_semaphore(%run_scoped3A : memref<!tpu.dma_semaphore, #tpu.memory_space<semaphore_mem>>)
        %dma_wait3A_227 = arith.constant 6000 : i32
        %dma_wait3A_228 = tpu.memref_slice %arg20[%dma_wait3A_227] : memref<10000xf32, #tpu.memory_space<vmem_shared>> -> memref<2000xf32, #tpu.memory_space<vmem_shared>>
        %dma_wait3A_229 = arith.constant 6000 : i32
        %dma_wait3A_230 = tpu.memref_slice %arg20[%dma_wait3A_229] : memref<10000xf32, #tpu.memory_space<vmem_shared>> -> memref<2000xf32, #tpu.memory_space<vmem_shared>>
        tpu.wait_dma2 semaphore(%run_scoped3A : memref<!tpu.dma_semaphore, #tpu.memory_space<semaphore_mem>>) src(%arg19 : memref<2000xf32, #tpu.memory_space<vmem>>) dst(%dma_wait3A_230 : memref<2000xf32, #tpu.memory_space<vmem_shared>>)
        tpu.yield
      }) : () -> ()
      "tpu.region"() ({
        %run_scoped3A = tpu.sem_alloc : memref<!tpu.dma_semaphore, #tpu.memory_space<semaphore_mem>>
        %dma_start3A_223 = arith.constant 8000 : i32
        %dma_start3A_224 = tpu.memref_slice %arg20[%dma_start3A_223] : memref<10000xf32, #tpu.memory_space<vmem_shared>> -> memref<2000xf32, #tpu.memory_space<vmem_shared>>
        %dma_start3A_225 = arith.constant 8000 : i32
        %dma_start3A_226 = tpu.memref_slice %arg20[%dma_start3A_225] : memref<10000xf32, #tpu.memory_space<vmem_shared>> -> memref<2000xf32, #tpu.memory_space<vmem_shared>>
        tpu.enqueue_dma source(%arg19 : memref<2000xf32, #tpu.memory_space<vmem>>) target(%dma_start3A_226 : memref<2000xf32, #tpu.memory_space<vmem_shared>>) target_semaphore(%run_scoped3A : memref<!tpu.dma_semaphore, #tpu.memory_space<semaphore_mem>>)
        %dma_wait3A_227 = arith.constant 8000 : i32
        %dma_wait3A_228 = tpu.memref_slice %arg20[%dma_wait3A_227] : memref<10000xf32, #tpu.memory_space<vmem_shared>> -> memref<2000xf32, #tpu.memory_space<vmem_shared>>
        %dma_wait3A_229 = arith.constant 8000 : i32
        %dma_wait3A_230 = tpu.memref_slice %arg20[%dma_wait3A_229] : memref<10000xf32, #tpu.memory_space<vmem_shared>> -> memref<2000xf32, #tpu.memory_space<vmem_shared>>
        tpu.wait_dma2 semaphore(%run_scoped3A : memref<!tpu.dma_semaphore, #tpu.memory_space<semaphore_mem>>) src(%arg19 : memref<2000xf32, #tpu.memory_space<vmem>>) dst(%dma_wait3A_230 : memref<2000xf32, #tpu.memory_space<vmem_shared>>)
        tpu.yield
      }) : () -> ()
    } else {
    }
    %barrier3A = arith.constant 0 : index
    tpu.barrier barrier_id(%barrier3A)
    %add3A_56 = arith.constant 0 : i32
    %add3A_57 = arith.addi %mul3A_3, %add3A_56 : i32
    %dma_wait3A = arith.constant 0 : i32
    %dma_wait3A_58 = tpu.memref_slice %arg3[%add3A_57, %dma_wait3A] : memref<2500x128xi32, #tpu.memory_space<hbm>> -> memref<26x128xi32, #tpu.memory_space<hbm>>
    %dma_wait3A_59 = arith.constant 0 : i32
    %dma_wait3A_60 = tpu.memref_slice %arg3[%add3A_57, %dma_wait3A_59] : memref<2500x128xi32, #tpu.memory_space<hbm>> -> memref<26x128xi32, #tpu.memory_space<hbm>>
    tpu.wait_dma2 semaphore(%arg17 : memref<!tpu.dma_semaphore, #tpu.memory_space<semaphore_mem>>) src(%dma_wait3A_60 : memref<26x128xi32, #tpu.memory_space<hbm>>) dst(%arg7 : memref<26x128xi32, #tpu.memory_space<vmem>>)
    %dma_wait3A_61 = arith.constant 0 : i32
    %dma_wait3A_62 = tpu.memref_slice %arg4[%add3A_57, %dma_wait3A_61] : memref<2500x128xi32, #tpu.memory_space<hbm>> -> memref<26x128xi32, #tpu.memory_space<hbm>>
    %dma_wait3A_63 = arith.constant 0 : i32
    %dma_wait3A_64 = tpu.memref_slice %arg4[%add3A_57, %dma_wait3A_63] : memref<2500x128xi32, #tpu.memory_space<hbm>> -> memref<26x128xi32, #tpu.memory_space<hbm>>
    tpu.wait_dma2 semaphore(%arg17 : memref<!tpu.dma_semaphore, #tpu.memory_space<semaphore_mem>>) src(%dma_wait3A_64 : memref<26x128xi32, #tpu.memory_space<hbm>>) dst(%arg8 : memref<26x128xi32, #tpu.memory_space<vmem>>)
    %dma_start3A_65 = arith.constant 0 : i32
    %dma_start3A_66 = arith.constant 0 : i32
    %dma_start3A_67 = tpu.memref_slice %arg7[%dma_start3A_65, %dma_start3A_66] : memref<26x128xi32, #tpu.memory_space<vmem>> -> memref<1x128xi32, #tpu.memory_space<vmem>>
    %dma_start3A_68 = tpu.memref_squeeze %dma_start3A_67 : memref<1x128xi32, #tpu.memory_space<vmem>> -> memref<128xi32, #tpu.memory_space<vmem>>
    %dma_start3A_69 = arith.constant 0 : i32
    %dma_start3A_70 = arith.constant 0 : i32
    %dma_start3A_71 = tpu.memref_slice %arg2[%dma_start3A_69, %dma_start3A_70] : memref<10000x128xf32, #tpu.memory_space<hbm>> -> memref<10000x128xf32, #tpu.memory_space<hbm>>
    tpu.enqueue_indirect_dma source(%dma_start3A_71 : memref<10000x128xf32, #tpu.memory_space<hbm>>) target(%arg11 : memref<128x128xf32, #tpu.memory_space<vmem>>) offsets(%dma_start3A_68 : memref<128xi32, #tpu.memory_space<vmem>>) semaphore(%arg14 : memref<!tpu.dma_semaphore, #tpu.memory_space<semaphore_mem>>)
    %scan3A_72 = arith.constant 0 : i32
    %scan3A_73 = arith.constant 13 : i32
    %scan3A_74 = arith.addi %scan3A_72, %scan3A_73 : i32
    %scan3A_75 = arith.constant 1 : i32
    scf.for %scan3A_218 = %scan3A_72 to %scan3A_74 step %scan3A_75  : i32 {
      %mul3A_219 = arith.constant 1 : i32
      %mul3A_220 = arith.muli %scan3A_218, %mul3A_219 : i32
      %add3A_221 = arith.constant 0 : i32
      %add3A_222 = arith.addi %add3A_221, %mul3A_220 : i32
      %mul3A_223 = arith.constant 2 : i32
      %mul3A_224 = arith.muli %mul3A_223, %add3A_222 : i32
      %dma_wait3A_225 = arith.constant 0 : i32
      %dma_wait3A_226 = tpu.memref_slice %arg7[%mul3A_224, %dma_wait3A_225] : memref<26x128xi32, #tpu.memory_space<vmem>> -> memref<1x128xi32, #tpu.memory_space<vmem>>
      %dma_wait3A_227 = tpu.memref_squeeze %dma_wait3A_226 : memref<1x128xi32, #tpu.memory_space<vmem>> -> memref<128xi32, #tpu.memory_space<vmem>>
      %dma_wait3A_228 = arith.constant 0 : i32
      %dma_wait3A_229 = arith.constant 0 : i32
      %dma_wait3A_230 = tpu.memref_slice %arg2[%dma_wait3A_228, %dma_wait3A_229] : memref<10000x128xf32, #tpu.memory_space<hbm>> -> memref<10000x128xf32, #tpu.memory_space<hbm>>
      tpu.wait_indirect_dma semaphore(%arg14 : memref<!tpu.dma_semaphore, #tpu.memory_space<semaphore_mem>>) src(%dma_wait3A_230 : memref<10000x128xf32, #tpu.memory_space<hbm>>) dst(%arg11 : memref<128x128xf32, #tpu.memory_space<vmem>>)
      %gt3A = arith.constant 0 : i32
      %gt3A_231 = arith.cmpi sgt, %add3A_222, %gt3A : i32
      %convert_element_type3A_232 = arith.extui %gt3A_231 : i1 to i32
      %cond3A_233 = arith.constant 0 : i32
      %cond3A_234 = arith.cmpi ne, %convert_element_type3A_232, %cond3A_233 : i32
      scf.if %cond3A_234 {
        %dma_wait3A_289 = arith.constant 0 : i32
        %dma_wait3A_290 = arith.constant 0 : i32
        %dma_wait3A_291 = tpu.memref_slice %arg8[%dma_wait3A_289, %dma_wait3A_290] : memref<26x128xi32, #tpu.memory_space<vmem>> -> memref<1x128xi32, #tpu.memory_space<vmem>>
        %dma_wait3A_292 = tpu.memref_squeeze %dma_wait3A_291 : memref<1x128xi32, #tpu.memory_space<vmem>> -> memref<128xi32, #tpu.memory_space<vmem>>
        %dma_wait3A_293 = arith.constant 0 : i32
        %dma_wait3A_294 = arith.constant 0 : i32
        %dma_wait3A_295 = tpu.memref_slice %arg13[%dma_wait3A_293, %dma_wait3A_294] : memref<10000x128xf32, #tpu.memory_space<vmem_shared>> -> memref<10000x128xf32, #tpu.memory_space<vmem_shared>>
        tpu.wait_indirect_dma semaphore(%arg15 : memref<!tpu.dma_semaphore, #tpu.memory_space<semaphore_mem>>) src(%arg12 : memref<128x128xf32, #tpu.memory_space<vmem>>) dst(%dma_wait3A_295 : memref<10000x128xf32, #tpu.memory_space<vmem_shared>>)
      } else {
      }
      %add3A_235 = arith.constant 1 : i32
      %add3A_236 = arith.addi %mul3A_224, %add3A_235 : i32
      %dma_start3A_237 = arith.constant 0 : i32
      %dma_start3A_238 = tpu.memref_slice %arg7[%add3A_236, %dma_start3A_237] : memref<26x128xi32, #tpu.memory_space<vmem>> -> memref<1x128xi32, #tpu.memory_space<vmem>>
      %dma_start3A_239 = tpu.memref_squeeze %dma_start3A_238 : memref<1x128xi32, #tpu.memory_space<vmem>> -> memref<128xi32, #tpu.memory_space<vmem>>
      %dma_start3A_240 = arith.constant 0 : i32
      %dma_start3A_241 = arith.constant 0 : i32
      %dma_start3A_242 = tpu.memref_slice %arg2[%dma_start3A_240, %dma_start3A_241] : memref<10000x128xf32, #tpu.memory_space<hbm>> -> memref<10000x128xf32, #tpu.memory_space<hbm>>
      tpu.enqueue_indirect_dma source(%dma_start3A_242 : memref<10000x128xf32, #tpu.memory_space<hbm>>) target(%arg12 : memref<128x128xf32, #tpu.memory_space<vmem>>) offsets(%dma_start3A_239 : memref<128xi32, #tpu.memory_space<vmem>>) semaphore(%arg14 : memref<!tpu.dma_semaphore, #tpu.memory_space<semaphore_mem>>)
      %dma_start3A_243 = arith.constant 0 : i32
      %dma_start3A_244 = tpu.memref_slice %arg8[%mul3A_224, %dma_start3A_243] : memref<26x128xi32, #tpu.memory_space<vmem>> -> memref<1x128xi32, #tpu.memory_space<vmem>>
      %dma_start3A_245 = tpu.memref_squeeze %dma_start3A_244 : memref<1x128xi32, #tpu.memory_space<vmem>> -> memref<128xi32, #tpu.memory_space<vmem>>
      %dma_start3A_246 = arith.constant 0 : i32
      %dma_start3A_247 = arith.constant 0 : i32
      %dma_start3A_248 = tpu.memref_slice %arg13[%dma_start3A_246, %dma_start3A_247] : memref<10000x128xf32, #tpu.memory_space<vmem_shared>> -> memref<10000x128xf32, #tpu.memory_space<vmem_shared>>
      tpu.enqueue_indirect_dma source(%arg11 : memref<128x128xf32, #tpu.memory_space<vmem>>) target(%dma_start3A_248 : memref<10000x128xf32, #tpu.memory_space<vmem_shared>>) offsets(%dma_start3A_245 : memref<128xi32, #tpu.memory_space<vmem>>) semaphore(%arg15 : memref<!tpu.dma_semaphore, #tpu.memory_space<semaphore_mem>>) {add = true}
      %dma_start3A_249 = arith.constant 0 : i32
      %dma_start3A_250 = tpu.memref_slice %arg8[%mul3A_224, %dma_start3A_249] : memref<26x128xi32, #tpu.memory_space<vmem>> -> memref<1x128xi32, #tpu.memory_space<vmem>>
      %dma_start3A_251 = tpu.memref_squeeze %dma_start3A_250 : memref<1x128xi32, #tpu.memory_space<vmem>> -> memref<128xi32, #tpu.memory_space<vmem>>
      %dma_start3A_252 = arith.constant 0 : i32
      %dma_start3A_253 = tpu.memref_slice %arg20[%dma_start3A_252] : memref<10000xf32, #tpu.memory_space<vmem_shared>> -> memref<10000xf32, #tpu.memory_space<vmem_shared>>
      tpu.enqueue_indirect_dma source(%arg18 : memref<128xf32, #tpu.memory_space<vmem>>) target(%dma_start3A_253 : memref<10000xf32, #tpu.memory_space<vmem_shared>>) offsets(%dma_start3A_251 : memref<128xi32, #tpu.memory_space<vmem>>) semaphore(%arg16 : memref<!tpu.dma_semaphore, #tpu.memory_space<semaphore_mem>>) {add = true}
      %add3A_254 = arith.constant 1 : i32
      %add3A_255 = arith.addi %mul3A_224, %add3A_254 : i32
      %dma_wait3A_256 = arith.constant 0 : i32
      %dma_wait3A_257 = tpu.memref_slice %arg7[%add3A_255, %dma_wait3A_256] : memref<26x128xi32, #tpu.memory_space<vmem>> -> memref<1x128xi32, #tpu.memory_space<vmem>>
      %dma_wait3A_258 = tpu.memref_squeeze %dma_wait3A_257 : memref<1x128xi32, #tpu.memory_space<vmem>> -> memref<128xi32, #tpu.memory_space<vmem>>
      %dma_wait3A_259 = arith.constant 0 : i32
      %dma_wait3A_260 = arith.constant 0 : i32
      %dma_wait3A_261 = tpu.memref_slice %arg2[%dma_wait3A_259, %dma_wait3A_260] : memref<10000x128xf32, #tpu.memory_space<hbm>> -> memref<10000x128xf32, #tpu.memory_space<hbm>>
      tpu.wait_indirect_dma semaphore(%arg14 : memref<!tpu.dma_semaphore, #tpu.memory_space<semaphore_mem>>) src(%dma_wait3A_261 : memref<10000x128xf32, #tpu.memory_space<hbm>>) dst(%arg12 : memref<128x128xf32, #tpu.memory_space<vmem>>)
      %dma_wait3A_262 = arith.constant 0 : i32
      %dma_wait3A_263 = arith.constant 0 : i32
      %dma_wait3A_264 = tpu.memref_slice %arg8[%dma_wait3A_262, %dma_wait3A_263] : memref<26x128xi32, #tpu.memory_space<vmem>> -> memref<1x128xi32, #tpu.memory_space<vmem>>
      %dma_wait3A_265 = tpu.memref_squeeze %dma_wait3A_264 : memref<1x128xi32, #tpu.memory_space<vmem>> -> memref<128xi32, #tpu.memory_space<vmem>>
      %dma_wait3A_266 = arith.constant 0 : i32
      %dma_wait3A_267 = arith.constant 0 : i32
      %dma_wait3A_268 = tpu.memref_slice %arg13[%dma_wait3A_266, %dma_wait3A_267] : memref<10000x128xf32, #tpu.memory_space<vmem_shared>> -> memref<10000x128xf32, #tpu.memory_space<vmem_shared>>
      tpu.wait_indirect_dma semaphore(%arg15 : memref<!tpu.dma_semaphore, #tpu.memory_space<semaphore_mem>>) src(%arg11 : memref<128x128xf32, #tpu.memory_space<vmem>>) dst(%dma_wait3A_268 : memref<10000x128xf32, #tpu.memory_space<vmem_shared>>)
      %lt3A_269 = arith.constant 12 : i32
      %lt3A_270 = arith.cmpi slt, %add3A_222, %lt3A_269 : i32
      %convert_element_type3A_271 = arith.extui %lt3A_270 : i1 to i32
      %cond3A_272 = arith.constant 0 : i32
      %cond3A_273 = arith.cmpi ne, %convert_element_type3A_271, %cond3A_272 : i32
      scf.if %cond3A_273 {
        %add3A_289 = arith.constant 2 : i32
        %add3A_290 = arith.addi %mul3A_224, %add3A_289 : i32
        %dma_start3A_291 = arith.constant 0 : i32
        %dma_start3A_292 = tpu.memref_slice %arg7[%add3A_290, %dma_start3A_291] : memref<26x128xi32, #tpu.memory_space<vmem>> -> memref<1x128xi32, #tpu.memory_space<vmem>>
        %dma_start3A_293 = tpu.memref_squeeze %dma_start3A_292 : memref<1x128xi32, #tpu.memory_space<vmem>> -> memref<128xi32, #tpu.memory_space<vmem>>
        %dma_start3A_294 = arith.constant 0 : i32
        %dma_start3A_295 = arith.constant 0 : i32
        %dma_start3A_296 = tpu.memref_slice %arg2[%dma_start3A_294, %dma_start3A_295] : memref<10000x128xf32, #tpu.memory_space<hbm>> -> memref<10000x128xf32, #tpu.memory_space<hbm>>
        tpu.enqueue_indirect_dma source(%dma_start3A_296 : memref<10000x128xf32, #tpu.memory_space<hbm>>) target(%arg11 : memref<128x128xf32, #tpu.memory_space<vmem>>) offsets(%dma_start3A_293 : memref<128xi32, #tpu.memory_space<vmem>>) semaphore(%arg14 : memref<!tpu.dma_semaphore, #tpu.memory_space<semaphore_mem>>)
      } else {
      }
      %add3A_274 = arith.constant 1 : i32
      %add3A_275 = arith.addi %mul3A_224, %add3A_274 : i32
      %dma_start3A_276 = arith.constant 0 : i32
      %dma_start3A_277 = tpu.memref_slice %arg8[%add3A_275, %dma_start3A_276] : memref<26x128xi32, #tpu.memory_space<vmem>> -> memref<1x128xi32, #tpu.memory_space<vmem>>
      %dma_start3A_278 = tpu.memref_squeeze %dma_start3A_277 : memref<1x128xi32, #tpu.memory_space<vmem>> -> memref<128xi32, #tpu.memory_space<vmem>>
      %dma_start3A_279 = arith.constant 0 : i32
      %dma_start3A_280 = arith.constant 0 : i32
      %dma_start3A_281 = tpu.memref_slice %arg13[%dma_start3A_279, %dma_start3A_280] : memref<10000x128xf32, #tpu.memory_space<vmem_shared>> -> memref<10000x128xf32, #tpu.memory_space<vmem_shared>>
      tpu.enqueue_indirect_dma source(%arg12 : memref<128x128xf32, #tpu.memory_space<vmem>>) target(%dma_start3A_281 : memref<10000x128xf32, #tpu.memory_space<vmem_shared>>) offsets(%dma_start3A_278 : memref<128xi32, #tpu.memory_space<vmem>>) semaphore(%arg15 : memref<!tpu.dma_semaphore, #tpu.memory_space<semaphore_mem>>) {add = true}
      %add3A_282 = arith.constant 1 : i32
      %add3A_283 = arith.addi %mul3A_224, %add3A_282 : i32
      %dma_start3A_284 = arith.constant 0 : i32
      %dma_start3A_285 = tpu.memref_slice %arg8[%add3A_283, %dma_start3A_284] : memref<26x128xi32, #tpu.memory_space<vmem>> -> memref<1x128xi32, #tpu.memory_space<vmem>>
      %dma_start3A_286 = tpu.memref_squeeze %dma_start3A_285 : memref<1x128xi32, #tpu.memory_space<vmem>> -> memref<128xi32, #tpu.memory_space<vmem>>
      %dma_start3A_287 = arith.constant 0 : i32
      %dma_start3A_288 = tpu.memref_slice %arg20[%dma_start3A_287] : memref<10000xf32, #tpu.memory_space<vmem_shared>> -> memref<10000xf32, #tpu.memory_space<vmem_shared>>
      tpu.enqueue_indirect_dma source(%arg18 : memref<128xf32, #tpu.memory_space<vmem>>) target(%dma_start3A_288 : memref<10000xf32, #tpu.memory_space<vmem_shared>>) offsets(%dma_start3A_286 : memref<128xi32, #tpu.memory_space<vmem>>) semaphore(%arg16 : memref<!tpu.dma_semaphore, #tpu.memory_space<semaphore_mem>>) {add = true}
    }
    %scan3A_76 = arith.constant 13 : i32
    %dma_wait3A_77 = arith.constant 0 : i32
    %dma_wait3A_78 = arith.constant 0 : i32
    %dma_wait3A_79 = tpu.memref_slice %arg8[%dma_wait3A_77, %dma_wait3A_78] : memref<26x128xi32, #tpu.memory_space<vmem>> -> memref<1x128xi32, #tpu.memory_space<vmem>>
    %dma_wait3A_80 = tpu.memref_squeeze %dma_wait3A_79 : memref<1x128xi32, #tpu.memory_space<vmem>> -> memref<128xi32, #tpu.memory_space<vmem>>
    %dma_wait3A_81 = arith.constant 0 : i32
    %dma_wait3A_82 = arith.constant 0 : i32
    %dma_wait3A_83 = tpu.memref_slice %arg13[%dma_wait3A_81, %dma_wait3A_82] : memref<10000x128xf32, #tpu.memory_space<vmem_shared>> -> memref<10000x128xf32, #tpu.memory_space<vmem_shared>>
    tpu.wait_indirect_dma semaphore(%arg15 : memref<!tpu.dma_semaphore, #tpu.memory_space<semaphore_mem>>) src(%arg12 : memref<128x128xf32, #tpu.memory_space<vmem>>) dst(%dma_wait3A_83 : memref<10000x128xf32, #tpu.memory_space<vmem_shared>>)
    %dma_wait3A_84 = arith.constant 0 : i32
    %dma_wait3A_85 = arith.constant 0 : i32
    %dma_wait3A_86 = tpu.memref_slice %arg11[%dma_wait3A_84, %dma_wait3A_85] : memref<128x128xf32, #tpu.memory_space<vmem>> -> memref<26x128xf32, #tpu.memory_space<vmem>>
    %dma_wait3A_87 = arith.constant 0 : i32
    %dma_wait3A_88 = arith.constant 0 : i32
    %dma_wait3A_89 = tpu.memref_slice %arg2[%dma_wait3A_87, %dma_wait3A_88] : memref<10000x128xf32, #tpu.memory_space<hbm>> -> memref<26x128xf32, #tpu.memory_space<hbm>>
    %dma_wait3A_90 = arith.constant 0 : i32
    %dma_wait3A_91 = arith.constant 0 : i32
    %dma_wait3A_92 = tpu.memref_slice %arg11[%dma_wait3A_90, %dma_wait3A_91] : memref<128x128xf32, #tpu.memory_space<vmem>> -> memref<26x128xf32, #tpu.memory_space<vmem>>
    %dma_wait3A_93 = arith.constant 0 : i32
    %dma_wait3A_94 = arith.constant 0 : i32
    %dma_wait3A_95 = tpu.memref_slice %arg2[%dma_wait3A_93, %dma_wait3A_94] : memref<10000x128xf32, #tpu.memory_space<hbm>> -> memref<26x128xf32, #tpu.memory_space<hbm>>
    tpu.wait_dma2 semaphore(%arg16 : memref<!tpu.dma_semaphore, #tpu.memory_space<semaphore_mem>>) src(%dma_wait3A_95 : memref<26x128xf32, #tpu.memory_space<hbm>>) dst(%dma_wait3A_92 : memref<26x128xf32, #tpu.memory_space<vmem>>)
    %add3A_96 = arith.constant 52 : i32
    %add3A_97 = arith.addi %mul3A_3, %add3A_96 : i32
    %dma_start3A_98 = arith.constant 0 : i32
    %dma_start3A_99 = tpu.memref_slice %arg3[%add3A_97, %dma_start3A_98] : memref<2500x128xi32, #tpu.memory_space<hbm>> -> memref<26x128xi32, #tpu.memory_space<hbm>>
    %dma_start3A_100 = arith.constant 0 : i32
    %dma_start3A_101 = tpu.memref_slice %arg3[%add3A_97, %dma_start3A_100] : memref<2500x128xi32, #tpu.memory_space<hbm>> -> memref<26x128xi32, #tpu.memory_space<hbm>>
    tpu.enqueue_dma source(%dma_start3A_101 : memref<26x128xi32, #tpu.memory_space<hbm>>) target(%arg7 : memref<26x128xi32, #tpu.memory_space<vmem>>) target_semaphore(%arg17 : memref<!tpu.dma_semaphore, #tpu.memory_space<semaphore_mem>>)
    %dma_start3A_102 = arith.constant 0 : i32
    %dma_start3A_103 = tpu.memref_slice %arg4[%add3A_97, %dma_start3A_102] : memref<2500x128xi32, #tpu.memory_space<hbm>> -> memref<26x128xi32, #tpu.memory_space<hbm>>
    %dma_start3A_104 = arith.constant 0 : i32
    %dma_start3A_105 = tpu.memref_slice %arg4[%add3A_97, %dma_start3A_104] : memref<2500x128xi32, #tpu.memory_space<hbm>> -> memref<26x128xi32, #tpu.memory_space<hbm>>
    tpu.enqueue_dma source(%dma_start3A_105 : memref<26x128xi32, #tpu.memory_space<hbm>>) target(%arg8 : memref<26x128xi32, #tpu.memory_space<vmem>>) target_semaphore(%arg17 : memref<!tpu.dma_semaphore, #tpu.memory_space<semaphore_mem>>)
    %add3A_106 = arith.constant 26 : i32
    %add3A_107 = arith.addi %mul3A_3, %add3A_106 : i32
    %dma_wait3A_108 = arith.constant 0 : i32
    %dma_wait3A_109 = tpu.memref_slice %arg3[%add3A_107, %dma_wait3A_108] : memref<2500x128xi32, #tpu.memory_space<hbm>> -> memref<26x128xi32, #tpu.memory_space<hbm>>
    %dma_wait3A_110 = arith.constant 0 : i32
    %dma_wait3A_111 = tpu.memref_slice %arg3[%add3A_107, %dma_wait3A_110] : memref<2500x128xi32, #tpu.memory_space<hbm>> -> memref<26x128xi32, #tpu.memory_space<hbm>>
    tpu.wait_dma2 semaphore(%arg17 : memref<!tpu.dma_semaphore, #tpu.memory_space<semaphore_mem>>) src(%dma_wait3A_111 : memref<26x128xi32, #tpu.memory_space<hbm>>) dst(%arg9 : memref<26x128xi32, #tpu.memory_space<vmem>>)
    %dma_wait3A_112 = arith.constant 0 : i32
    %dma_wait3A_113 = tpu.memref_slice %arg4[%add3A_107, %dma_wait3A_112] : memref<2500x128xi32, #tpu.memory_space<hbm>> -> memref<26x128xi32, #tpu.memory_space<hbm>>
    %dma_wait3A_114 = arith.constant 0 : i32
    %dma_wait3A_115 = tpu.memref_slice %arg4[%add3A_107, %dma_wait3A_114] : memref<2500x128xi32, #tpu.memory_space<hbm>> -> memref<26x128xi32, #tpu.memory_space<hbm>>
    tpu.wait_dma2 semaphore(%arg17 : memref<!tpu.dma_semaphore, #tpu.memory_space<semaphore_mem>>) src(%dma_wait3A_115 : memref<26x128xi32, #tpu.memory_space<hbm>>) dst(%arg10 : memref<26x128xi32, #tpu.memory_space<vmem>>)
    %dma_start3A_116 = arith.constant 0 : i32
    %dma_start3A_117 = arith.constant 0 : i32
    %dma_start3A_118 = tpu.memref_slice %arg9[%dma_start3A_116, %dma_start3A_117] : memref<26x128xi32, #tpu.memory_space<vmem>> -> memref<1x128xi32, #tpu.memory_space<vmem>>
    %dma_start3A_119 = tpu.memref_squeeze %dma_start3A_118 : memref<1x128xi32, #tpu.memory_space<vmem>> -> memref<128xi32, #tpu.memory_space<vmem>>
    %dma_start3A_120 = arith.constant 0 : i32
    %dma_start3A_121 = arith.constant 0 : i32
    %dma_start3A_122 = tpu.memref_slice %arg2[%dma_start3A_120, %dma_start3A_121] : memref<10000x128xf32, #tpu.memory_space<hbm>> -> memref<10000x128xf32, #tpu.memory_space<hbm>>
    tpu.enqueue_indirect_dma source(%dma_start3A_122 : memref<10000x128xf32, #tpu.memory_space<hbm>>) target(%arg11 : memref<128x128xf32, #tpu.memory_space<vmem>>) offsets(%dma_start3A_119 : memref<128xi32, #tpu.memory_space<vmem>>) semaphore(%arg14 : memref<!tpu.dma_semaphore, #tpu.memory_space<semaphore_mem>>)
    %scan3A_123 = arith.constant 0 : i32
    %scan3A_124 = arith.constant 13 : i32
    %scan3A_125 = arith.addi %scan3A_123, %scan3A_124 : i32
    %scan3A_126 = arith.constant 1 : i32
    scf.for %scan3A_218 = %scan3A_123 to %scan3A_125 step %scan3A_126  : i32 {
      %mul3A_219 = arith.constant 1 : i32
      %mul3A_220 = arith.muli %scan3A_218, %mul3A_219 : i32
      %add3A_221 = arith.constant 0 : i32
      %add3A_222 = arith.addi %add3A_221, %mul3A_220 : i32
      %mul3A_223 = arith.constant 2 : i32
      %mul3A_224 = arith.muli %mul3A_223, %add3A_222 : i32
      %dma_wait3A_225 = arith.constant 0 : i32
      %dma_wait3A_226 = tpu.memref_slice %arg9[%mul3A_224, %dma_wait3A_225] : memref<26x128xi32, #tpu.memory_space<vmem>> -> memref<1x128xi32, #tpu.memory_space<vmem>>
      %dma_wait3A_227 = tpu.memref_squeeze %dma_wait3A_226 : memref<1x128xi32, #tpu.memory_space<vmem>> -> memref<128xi32, #tpu.memory_space<vmem>>
      %dma_wait3A_228 = arith.constant 0 : i32
      %dma_wait3A_229 = arith.constant 0 : i32
      %dma_wait3A_230 = tpu.memref_slice %arg2[%dma_wait3A_228, %dma_wait3A_229] : memref<10000x128xf32, #tpu.memory_space<hbm>> -> memref<10000x128xf32, #tpu.memory_space<hbm>>
      tpu.wait_indirect_dma semaphore(%arg14 : memref<!tpu.dma_semaphore, #tpu.memory_space<semaphore_mem>>) src(%dma_wait3A_230 : memref<10000x128xf32, #tpu.memory_space<hbm>>) dst(%arg11 : memref<128x128xf32, #tpu.memory_space<vmem>>)
      %gt3A = arith.constant 0 : i32
      %gt3A_231 = arith.cmpi sgt, %add3A_222, %gt3A : i32
      %convert_element_type3A_232 = arith.extui %gt3A_231 : i1 to i32
      %cond3A_233 = arith.constant 0 : i32
      %cond3A_234 = arith.cmpi ne, %convert_element_type3A_232, %cond3A_233 : i32
      scf.if %cond3A_234 {
        %dma_wait3A_289 = arith.constant 0 : i32
        %dma_wait3A_290 = arith.constant 0 : i32
        %dma_wait3A_291 = tpu.memref_slice %arg10[%dma_wait3A_289, %dma_wait3A_290] : memref<26x128xi32, #tpu.memory_space<vmem>> -> memref<1x128xi32, #tpu.memory_space<vmem>>
        %dma_wait3A_292 = tpu.memref_squeeze %dma_wait3A_291 : memref<1x128xi32, #tpu.memory_space<vmem>> -> memref<128xi32, #tpu.memory_space<vmem>>
        %dma_wait3A_293 = arith.constant 0 : i32
        %dma_wait3A_294 = arith.constant 0 : i32
        %dma_wait3A_295 = tpu.memref_slice %arg13[%dma_wait3A_293, %dma_wait3A_294] : memref<10000x128xf32, #tpu.memory_space<vmem_shared>> -> memref<10000x128xf32, #tpu.memory_space<vmem_shared>>
        tpu.wait_indirect_dma semaphore(%arg15 : memref<!tpu.dma_semaphore, #tpu.memory_space<semaphore_mem>>) src(%arg12 : memref<128x128xf32, #tpu.memory_space<vmem>>) dst(%dma_wait3A_295 : memref<10000x128xf32, #tpu.memory_space<vmem_shared>>)
      } else {
      }
      %add3A_235 = arith.constant 1 : i32
      %add3A_236 = arith.addi %mul3A_224, %add3A_235 : i32
      %dma_start3A_237 = arith.constant 0 : i32
      %dma_start3A_238 = tpu.memref_slice %arg9[%add3A_236, %dma_start3A_237] : memref<26x128xi32, #tpu.memory_space<vmem>> -> memref<1x128xi32, #tpu.memory_space<vmem>>
      %dma_start3A_239 = tpu.memref_squeeze %dma_start3A_238 : memref<1x128xi32, #tpu.memory_space<vmem>> -> memref<128xi32, #tpu.memory_space<vmem>>
      %dma_start3A_240 = arith.constant 0 : i32
      %dma_start3A_241 = arith.constant 0 : i32
      %dma_start3A_242 = tpu.memref_slice %arg2[%dma_start3A_240, %dma_start3A_241] : memref<10000x128xf32, #tpu.memory_space<hbm>> -> memref<10000x128xf32, #tpu.memory_space<hbm>>
      tpu.enqueue_indirect_dma source(%dma_start3A_242 : memref<10000x128xf32, #tpu.memory_space<hbm>>) target(%arg12 : memref<128x128xf32, #tpu.memory_space<vmem>>) offsets(%dma_start3A_239 : memref<128xi32, #tpu.memory_space<vmem>>) semaphore(%arg14 : memref<!tpu.dma_semaphore, #tpu.memory_space<semaphore_mem>>)
      %dma_start3A_243 = arith.constant 0 : i32
      %dma_start3A_244 = tpu.memref_slice %arg10[%mul3A_224, %dma_start3A_243] : memref<26x128xi32, #tpu.memory_space<vmem>> -> memref<1x128xi32, #tpu.memory_space<vmem>>
      %dma_start3A_245 = tpu.memref_squeeze %dma_start3A_244 : memref<1x128xi32, #tpu.memory_space<vmem>> -> memref<128xi32, #tpu.memory_space<vmem>>
      %dma_start3A_246 = arith.constant 0 : i32
      %dma_start3A_247 = arith.constant 0 : i32
      %dma_start3A_248 = tpu.memref_slice %arg13[%dma_start3A_246, %dma_start3A_247] : memref<10000x128xf32, #tpu.memory_space<vmem_shared>> -> memref<10000x128xf32, #tpu.memory_space<vmem_shared>>
      tpu.enqueue_indirect_dma source(%arg11 : memref<128x128xf32, #tpu.memory_space<vmem>>) target(%dma_start3A_248 : memref<10000x128xf32, #tpu.memory_space<vmem_shared>>) offsets(%dma_start3A_245 : memref<128xi32, #tpu.memory_space<vmem>>) semaphore(%arg15 : memref<!tpu.dma_semaphore, #tpu.memory_space<semaphore_mem>>) {add = true}
      %dma_start3A_249 = arith.constant 0 : i32
      %dma_start3A_250 = tpu.memref_slice %arg10[%mul3A_224, %dma_start3A_249] : memref<26x128xi32, #tpu.memory_space<vmem>> -> memref<1x128xi32, #tpu.memory_space<vmem>>
      %dma_start3A_251 = tpu.memref_squeeze %dma_start3A_250 : memref<1x128xi32, #tpu.memory_space<vmem>> -> memref<128xi32, #tpu.memory_space<vmem>>
      %dma_start3A_252 = arith.constant 0 : i32
      %dma_start3A_253 = tpu.memref_slice %arg20[%dma_start3A_252] : memref<10000xf32, #tpu.memory_space<vmem_shared>> -> memref<10000xf32, #tpu.memory_space<vmem_shared>>
      tpu.enqueue_indirect_dma source(%arg18 : memref<128xf32, #tpu.memory_space<vmem>>) target(%dma_start3A_253 : memref<10000xf32, #tpu.memory_space<vmem_shared>>) offsets(%dma_start3A_251 : memref<128xi32, #tpu.memory_space<vmem>>) semaphore(%arg16 : memref<!tpu.dma_semaphore, #tpu.memory_space<semaphore_mem>>) {add = true}
      %add3A_254 = arith.constant 1 : i32
      %add3A_255 = arith.addi %mul3A_224, %add3A_254 : i32
      %dma_wait3A_256 = arith.constant 0 : i32
      %dma_wait3A_257 = tpu.memref_slice %arg9[%add3A_255, %dma_wait3A_256] : memref<26x128xi32, #tpu.memory_space<vmem>> -> memref<1x128xi32, #tpu.memory_space<vmem>>
      %dma_wait3A_258 = tpu.memref_squeeze %dma_wait3A_257 : memref<1x128xi32, #tpu.memory_space<vmem>> -> memref<128xi32, #tpu.memory_space<vmem>>
      %dma_wait3A_259 = arith.constant 0 : i32
      %dma_wait3A_260 = arith.constant 0 : i32
      %dma_wait3A_261 = tpu.memref_slice %arg2[%dma_wait3A_259, %dma_wait3A_260] : memref<10000x128xf32, #tpu.memory_space<hbm>> -> memref<10000x128xf32, #tpu.memory_space<hbm>>
      tpu.wait_indirect_dma semaphore(%arg14 : memref<!tpu.dma_semaphore, #tpu.memory_space<semaphore_mem>>) src(%dma_wait3A_261 : memref<10000x128xf32, #tpu.memory_space<hbm>>) dst(%arg12 : memref<128x128xf32, #tpu.memory_space<vmem>>)
      %dma_wait3A_262 = arith.constant 0 : i32
      %dma_wait3A_263 = arith.constant 0 : i32
      %dma_wait3A_264 = tpu.memref_slice %arg10[%dma_wait3A_262, %dma_wait3A_263] : memref<26x128xi32, #tpu.memory_space<vmem>> -> memref<1x128xi32, #tpu.memory_space<vmem>>
      %dma_wait3A_265 = tpu.memref_squeeze %dma_wait3A_264 : memref<1x128xi32, #tpu.memory_space<vmem>> -> memref<128xi32, #tpu.memory_space<vmem>>
      %dma_wait3A_266 = arith.constant 0 : i32
      %dma_wait3A_267 = arith.constant 0 : i32
      %dma_wait3A_268 = tpu.memref_slice %arg13[%dma_wait3A_266, %dma_wait3A_267] : memref<10000x128xf32, #tpu.memory_space<vmem_shared>> -> memref<10000x128xf32, #tpu.memory_space<vmem_shared>>
      tpu.wait_indirect_dma semaphore(%arg15 : memref<!tpu.dma_semaphore, #tpu.memory_space<semaphore_mem>>) src(%arg11 : memref<128x128xf32, #tpu.memory_space<vmem>>) dst(%dma_wait3A_268 : memref<10000x128xf32, #tpu.memory_space<vmem_shared>>)
      %lt3A_269 = arith.constant 12 : i32
      %lt3A_270 = arith.cmpi slt, %add3A_222, %lt3A_269 : i32
      %convert_element_type3A_271 = arith.extui %lt3A_270 : i1 to i32
      %cond3A_272 = arith.constant 0 : i32
      %cond3A_273 = arith.cmpi ne, %convert_element_type3A_271, %cond3A_272 : i32
      scf.if %cond3A_273 {
        %add3A_289 = arith.constant 2 : i32
        %add3A_290 = arith.addi %mul3A_224, %add3A_289 : i32
        %dma_start3A_291 = arith.constant 0 : i32
        %dma_start3A_292 = tpu.memref_slice %arg9[%add3A_290, %dma_start3A_291] : memref<26x128xi32, #tpu.memory_space<vmem>> -> memref<1x128xi32, #tpu.memory_space<vmem>>
        %dma_start3A_293 = tpu.memref_squeeze %dma_start3A_292 : memref<1x128xi32, #tpu.memory_space<vmem>> -> memref<128xi32, #tpu.memory_space<vmem>>
        %dma_start3A_294 = arith.constant 0 : i32
        %dma_start3A_295 = arith.constant 0 : i32
        %dma_start3A_296 = tpu.memref_slice %arg2[%dma_start3A_294, %dma_start3A_295] : memref<10000x128xf32, #tpu.memory_space<hbm>> -> memref<10000x128xf32, #tpu.memory_space<hbm>>
        tpu.enqueue_indirect_dma source(%dma_start3A_296 : memref<10000x128xf32, #tpu.memory_space<hbm>>) target(%arg11 : memref<128x128xf32, #tpu.memory_space<vmem>>) offsets(%dma_start3A_293 : memref<128xi32, #tpu.memory_space<vmem>>) semaphore(%arg14 : memref<!tpu.dma_semaphore, #tpu.memory_space<semaphore_mem>>)
      } else {
      }
      %add3A_274 = arith.constant 1 : i32
      %add3A_275 = arith.addi %mul3A_224, %add3A_274 : i32
      %dma_start3A_276 = arith.constant 0 : i32
      %dma_start3A_277 = tpu.memref_slice %arg10[%add3A_275, %dma_start3A_276] : memref<26x128xi32, #tpu.memory_space<vmem>> -> memref<1x128xi32, #tpu.memory_space<vmem>>
      %dma_start3A_278 = tpu.memref_squeeze %dma_start3A_277 : memref<1x128xi32, #tpu.memory_space<vmem>> -> memref<128xi32, #tpu.memory_space<vmem>>
      %dma_start3A_279 = arith.constant 0 : i32
      %dma_start3A_280 = arith.constant 0 : i32
      %dma_start3A_281 = tpu.memref_slice %arg13[%dma_start3A_279, %dma_start3A_280] : memref<10000x128xf32, #tpu.memory_space<vmem_shared>> -> memref<10000x128xf32, #tpu.memory_space<vmem_shared>>
      tpu.enqueue_indirect_dma source(%arg12 : memref<128x128xf32, #tpu.memory_space<vmem>>) target(%dma_start3A_281 : memref<10000x128xf32, #tpu.memory_space<vmem_shared>>) offsets(%dma_start3A_278 : memref<128xi32, #tpu.memory_space<vmem>>) semaphore(%arg15 : memref<!tpu.dma_semaphore, #tpu.memory_space<semaphore_mem>>) {add = true}
      %add3A_282 = arith.constant 1 : i32
      %add3A_283 = arith.addi %mul3A_224, %add3A_282 : i32
      %dma_start3A_284 = arith.constant 0 : i32
      %dma_start3A_285 = tpu.memref_slice %arg10[%add3A_283, %dma_start3A_284] : memref<26x128xi32, #tpu.memory_space<vmem>> -> memref<1x128xi32, #tpu.memory_space<vmem>>
      %dma_start3A_286 = tpu.memref_squeeze %dma_start3A_285 : memref<1x128xi32, #tpu.memory_space<vmem>> -> memref<128xi32, #tpu.memory_space<vmem>>
      %dma_start3A_287 = arith.constant 0 : i32
      %dma_start3A_288 = tpu.memref_slice %arg20[%dma_start3A_287] : memref<10000xf32, #tpu.memory_space<vmem_shared>> -> memref<10000xf32, #tpu.memory_space<vmem_shared>>
      tpu.enqueue_indirect_dma source(%arg18 : memref<128xf32, #tpu.memory_space<vmem>>) target(%dma_start3A_288 : memref<10000xf32, #tpu.memory_space<vmem_shared>>) offsets(%dma_start3A_286 : memref<128xi32, #tpu.memory_space<vmem>>) semaphore(%arg16 : memref<!tpu.dma_semaphore, #tpu.memory_space<semaphore_mem>>) {add = true}
    }
    %scan3A_127 = arith.constant 13 : i32
    %dma_wait3A_128 = arith.constant 0 : i32
    %dma_wait3A_129 = arith.constant 0 : i32
    %dma_wait3A_130 = tpu.memref_slice %arg10[%dma_wait3A_128, %dma_wait3A_129] : memref<26x128xi32, #tpu.memory_space<vmem>> -> memref<1x128xi32, #tpu.memory_space<vmem>>
    %dma_wait3A_131 = tpu.memref_squeeze %dma_wait3A_130 : memref<1x128xi32, #tpu.memory_space<vmem>> -> memref<128xi32, #tpu.memory_space<vmem>>
    %dma_wait3A_132 = arith.constant 0 : i32
    %dma_wait3A_133 = arith.constant 0 : i32
    %dma_wait3A_134 = tpu.memref_slice %arg13[%dma_wait3A_132, %dma_wait3A_133] : memref<10000x128xf32, #tpu.memory_space<vmem_shared>> -> memref<10000x128xf32, #tpu.memory_space<vmem_shared>>
    tpu.wait_indirect_dma semaphore(%arg15 : memref<!tpu.dma_semaphore, #tpu.memory_space<semaphore_mem>>) src(%arg12 : memref<128x128xf32, #tpu.memory_space<vmem>>) dst(%dma_wait3A_134 : memref<10000x128xf32, #tpu.memory_space<vmem_shared>>)
    %dma_wait3A_135 = arith.constant 0 : i32
    %dma_wait3A_136 = arith.constant 0 : i32
    %dma_wait3A_137 = tpu.memref_slice %arg11[%dma_wait3A_135, %dma_wait3A_136] : memref<128x128xf32, #tpu.memory_space<vmem>> -> memref<26x128xf32, #tpu.memory_space<vmem>>
    %dma_wait3A_138 = arith.constant 0 : i32
    %dma_wait3A_139 = arith.constant 0 : i32
    %dma_wait3A_140 = tpu.memref_slice %arg2[%dma_wait3A_138, %dma_wait3A_139] : memref<10000x128xf32, #tpu.memory_space<hbm>> -> memref<26x128xf32, #tpu.memory_space<hbm>>
    %dma_wait3A_141 = arith.constant 0 : i32
    %dma_wait3A_142 = arith.constant 0 : i32
    %dma_wait3A_143 = tpu.memref_slice %arg11[%dma_wait3A_141, %dma_wait3A_142] : memref<128x128xf32, #tpu.memory_space<vmem>> -> memref<26x128xf32, #tpu.memory_space<vmem>>
    %dma_wait3A_144 = arith.constant 0 : i32
    %dma_wait3A_145 = arith.constant 0 : i32
    %dma_wait3A_146 = tpu.memref_slice %arg2[%dma_wait3A_144, %dma_wait3A_145] : memref<10000x128xf32, #tpu.memory_space<hbm>> -> memref<26x128xf32, #tpu.memory_space<hbm>>
    tpu.wait_dma2 semaphore(%arg16 : memref<!tpu.dma_semaphore, #tpu.memory_space<semaphore_mem>>) src(%dma_wait3A_146 : memref<26x128xf32, #tpu.memory_space<hbm>>) dst(%dma_wait3A_143 : memref<26x128xf32, #tpu.memory_space<vmem>>)
    %add3A_147 = arith.constant 52 : i32
    %add3A_148 = arith.addi %mul3A_3, %add3A_147 : i32
    %dma_wait3A_149 = arith.constant 0 : i32
    %dma_wait3A_150 = tpu.memref_slice %arg3[%add3A_148, %dma_wait3A_149] : memref<2500x128xi32, #tpu.memory_space<hbm>> -> memref<26x128xi32, #tpu.memory_space<hbm>>
    %dma_wait3A_151 = arith.constant 0 : i32
    %dma_wait3A_152 = tpu.memref_slice %arg3[%add3A_148, %dma_wait3A_151] : memref<2500x128xi32, #tpu.memory_space<hbm>> -> memref<26x128xi32, #tpu.memory_space<hbm>>
    tpu.wait_dma2 semaphore(%arg17 : memref<!tpu.dma_semaphore, #tpu.memory_space<semaphore_mem>>) src(%dma_wait3A_152 : memref<26x128xi32, #tpu.memory_space<hbm>>) dst(%arg7 : memref<26x128xi32, #tpu.memory_space<vmem>>)
    %dma_wait3A_153 = arith.constant 0 : i32
    %dma_wait3A_154 = tpu.memref_slice %arg4[%add3A_148, %dma_wait3A_153] : memref<2500x128xi32, #tpu.memory_space<hbm>> -> memref<26x128xi32, #tpu.memory_space<hbm>>
    %dma_wait3A_155 = arith.constant 0 : i32
    %dma_wait3A_156 = tpu.memref_slice %arg4[%add3A_148, %dma_wait3A_155] : memref<2500x128xi32, #tpu.memory_space<hbm>> -> memref<26x128xi32, #tpu.memory_space<hbm>>
    tpu.wait_dma2 semaphore(%arg17 : memref<!tpu.dma_semaphore, #tpu.memory_space<semaphore_mem>>) src(%dma_wait3A_156 : memref<26x128xi32, #tpu.memory_space<hbm>>) dst(%arg8 : memref<26x128xi32, #tpu.memory_space<vmem>>)
    %dma_start3A_157 = arith.constant 0 : i32
    %dma_start3A_158 = arith.constant 0 : i32
    %dma_start3A_159 = tpu.memref_slice %arg7[%dma_start3A_157, %dma_start3A_158] : memref<26x128xi32, #tpu.memory_space<vmem>> -> memref<1x128xi32, #tpu.memory_space<vmem>>
    %dma_start3A_160 = tpu.memref_squeeze %dma_start3A_159 : memref<1x128xi32, #tpu.memory_space<vmem>> -> memref<128xi32, #tpu.memory_space<vmem>>
    %dma_start3A_161 = arith.constant 0 : i32
    %dma_start3A_162 = arith.constant 0 : i32
    %dma_start3A_163 = tpu.memref_slice %arg2[%dma_start3A_161, %dma_start3A_162] : memref<10000x128xf32, #tpu.memory_space<hbm>> -> memref<10000x128xf32, #tpu.memory_space<hbm>>
    tpu.enqueue_indirect_dma source(%dma_start3A_163 : memref<10000x128xf32, #tpu.memory_space<hbm>>) target(%arg11 : memref<128x128xf32, #tpu.memory_space<vmem>>) offsets(%dma_start3A_160 : memref<128xi32, #tpu.memory_space<vmem>>) semaphore(%arg14 : memref<!tpu.dma_semaphore, #tpu.memory_space<semaphore_mem>>)
    %scan3A_164 = arith.constant 0 : i32
    %scan3A_165 = arith.constant 13 : i32
    %scan3A_166 = arith.addi %scan3A_164, %scan3A_165 : i32
    %scan3A_167 = arith.constant 1 : i32
    scf.for %scan3A_218 = %scan3A_164 to %scan3A_166 step %scan3A_167  : i32 {
      %mul3A_219 = arith.constant 1 : i32
      %mul3A_220 = arith.muli %scan3A_218, %mul3A_219 : i32
      %add3A_221 = arith.constant 0 : i32
      %add3A_222 = arith.addi %add3A_221, %mul3A_220 : i32
      %mul3A_223 = arith.constant 2 : i32
      %mul3A_224 = arith.muli %mul3A_223, %add3A_222 : i32
      %dma_wait3A_225 = arith.constant 0 : i32
      %dma_wait3A_226 = tpu.memref_slice %arg7[%mul3A_224, %dma_wait3A_225] : memref<26x128xi32, #tpu.memory_space<vmem>> -> memref<1x128xi32, #tpu.memory_space<vmem>>
      %dma_wait3A_227 = tpu.memref_squeeze %dma_wait3A_226 : memref<1x128xi32, #tpu.memory_space<vmem>> -> memref<128xi32, #tpu.memory_space<vmem>>
      %dma_wait3A_228 = arith.constant 0 : i32
      %dma_wait3A_229 = arith.constant 0 : i32
      %dma_wait3A_230 = tpu.memref_slice %arg2[%dma_wait3A_228, %dma_wait3A_229] : memref<10000x128xf32, #tpu.memory_space<hbm>> -> memref<10000x128xf32, #tpu.memory_space<hbm>>
      tpu.wait_indirect_dma semaphore(%arg14 : memref<!tpu.dma_semaphore, #tpu.memory_space<semaphore_mem>>) src(%dma_wait3A_230 : memref<10000x128xf32, #tpu.memory_space<hbm>>) dst(%arg11 : memref<128x128xf32, #tpu.memory_space<vmem>>)
      %gt3A = arith.constant 0 : i32
      %gt3A_231 = arith.cmpi sgt, %add3A_222, %gt3A : i32
      %convert_element_type3A_232 = arith.extui %gt3A_231 : i1 to i32
      %cond3A_233 = arith.constant 0 : i32
      %cond3A_234 = arith.cmpi ne, %convert_element_type3A_232, %cond3A_233 : i32
      scf.if %cond3A_234 {
        %dma_wait3A_289 = arith.constant 0 : i32
        %dma_wait3A_290 = arith.constant 0 : i32
        %dma_wait3A_291 = tpu.memref_slice %arg8[%dma_wait3A_289, %dma_wait3A_290] : memref<26x128xi32, #tpu.memory_space<vmem>> -> memref<1x128xi32, #tpu.memory_space<vmem>>
        %dma_wait3A_292 = tpu.memref_squeeze %dma_wait3A_291 : memref<1x128xi32, #tpu.memory_space<vmem>> -> memref<128xi32, #tpu.memory_space<vmem>>
        %dma_wait3A_293 = arith.constant 0 : i32
        %dma_wait3A_294 = arith.constant 0 : i32
        %dma_wait3A_295 = tpu.memref_slice %arg13[%dma_wait3A_293, %dma_wait3A_294] : memref<10000x128xf32, #tpu.memory_space<vmem_shared>> -> memref<10000x128xf32, #tpu.memory_space<vmem_shared>>
        tpu.wait_indirect_dma semaphore(%arg15 : memref<!tpu.dma_semaphore, #tpu.memory_space<semaphore_mem>>) src(%arg12 : memref<128x128xf32, #tpu.memory_space<vmem>>) dst(%dma_wait3A_295 : memref<10000x128xf32, #tpu.memory_space<vmem_shared>>)
      } else {
      }
      %add3A_235 = arith.constant 1 : i32
      %add3A_236 = arith.addi %mul3A_224, %add3A_235 : i32
      %dma_start3A_237 = arith.constant 0 : i32
      %dma_start3A_238 = tpu.memref_slice %arg7[%add3A_236, %dma_start3A_237] : memref<26x128xi32, #tpu.memory_space<vmem>> -> memref<1x128xi32, #tpu.memory_space<vmem>>
      %dma_start3A_239 = tpu.memref_squeeze %dma_start3A_238 : memref<1x128xi32, #tpu.memory_space<vmem>> -> memref<128xi32, #tpu.memory_space<vmem>>
      %dma_start3A_240 = arith.constant 0 : i32
      %dma_start3A_241 = arith.constant 0 : i32
      %dma_start3A_242 = tpu.memref_slice %arg2[%dma_start3A_240, %dma_start3A_241] : memref<10000x128xf32, #tpu.memory_space<hbm>> -> memref<10000x128xf32, #tpu.memory_space<hbm>>
      tpu.enqueue_indirect_dma source(%dma_start3A_242 : memref<10000x128xf32, #tpu.memory_space<hbm>>) target(%arg12 : memref<128x128xf32, #tpu.memory_space<vmem>>) offsets(%dma_start3A_239 : memref<128xi32, #tpu.memory_space<vmem>>) semaphore(%arg14 : memref<!tpu.dma_semaphore, #tpu.memory_space<semaphore_mem>>)
      %dma_start3A_243 = arith.constant 0 : i32
      %dma_start3A_244 = tpu.memref_slice %arg8[%mul3A_224, %dma_start3A_243] : memref<26x128xi32, #tpu.memory_space<vmem>> -> memref<1x128xi32, #tpu.memory_space<vmem>>
      %dma_start3A_245 = tpu.memref_squeeze %dma_start3A_244 : memref<1x128xi32, #tpu.memory_space<vmem>> -> memref<128xi32, #tpu.memory_space<vmem>>
      %dma_start3A_246 = arith.constant 0 : i32
      %dma_start3A_247 = arith.constant 0 : i32
      %dma_start3A_248 = tpu.memref_slice %arg13[%dma_start3A_246, %dma_start3A_247] : memref<10000x128xf32, #tpu.memory_space<vmem_shared>> -> memref<10000x128xf32, #tpu.memory_space<vmem_shared>>
      tpu.enqueue_indirect_dma source(%arg11 : memref<128x128xf32, #tpu.memory_space<vmem>>) target(%dma_start3A_248 : memref<10000x128xf32, #tpu.memory_space<vmem_shared>>) offsets(%dma_start3A_245 : memref<128xi32, #tpu.memory_space<vmem>>) semaphore(%arg15 : memref<!tpu.dma_semaphore, #tpu.memory_space<semaphore_mem>>) {add = true}
      %dma_start3A_249 = arith.constant 0 : i32
      %dma_start3A_250 = tpu.memref_slice %arg8[%mul3A_224, %dma_start3A_249] : memref<26x128xi32, #tpu.memory_space<vmem>> -> memref<1x128xi32, #tpu.memory_space<vmem>>
      %dma_start3A_251 = tpu.memref_squeeze %dma_start3A_250 : memref<1x128xi32, #tpu.memory_space<vmem>> -> memref<128xi32, #tpu.memory_space<vmem>>
      %dma_start3A_252 = arith.constant 0 : i32
      %dma_start3A_253 = tpu.memref_slice %arg20[%dma_start3A_252] : memref<10000xf32, #tpu.memory_space<vmem_shared>> -> memref<10000xf32, #tpu.memory_space<vmem_shared>>
      tpu.enqueue_indirect_dma source(%arg18 : memref<128xf32, #tpu.memory_space<vmem>>) target(%dma_start3A_253 : memref<10000xf32, #tpu.memory_space<vmem_shared>>) offsets(%dma_start3A_251 : memref<128xi32, #tpu.memory_space<vmem>>) semaphore(%arg16 : memref<!tpu.dma_semaphore, #tpu.memory_space<semaphore_mem>>) {add = true}
      %add3A_254 = arith.constant 1 : i32
      %add3A_255 = arith.addi %mul3A_224, %add3A_254 : i32
      %dma_wait3A_256 = arith.constant 0 : i32
      %dma_wait3A_257 = tpu.memref_slice %arg7[%add3A_255, %dma_wait3A_256] : memref<26x128xi32, #tpu.memory_space<vmem>> -> memref<1x128xi32, #tpu.memory_space<vmem>>
      %dma_wait3A_258 = tpu.memref_squeeze %dma_wait3A_257 : memref<1x128xi32, #tpu.memory_space<vmem>> -> memref<128xi32, #tpu.memory_space<vmem>>
      %dma_wait3A_259 = arith.constant 0 : i32
      %dma_wait3A_260 = arith.constant 0 : i32
      %dma_wait3A_261 = tpu.memref_slice %arg2[%dma_wait3A_259, %dma_wait3A_260] : memref<10000x128xf32, #tpu.memory_space<hbm>> -> memref<10000x128xf32, #tpu.memory_space<hbm>>
      tpu.wait_indirect_dma semaphore(%arg14 : memref<!tpu.dma_semaphore, #tpu.memory_space<semaphore_mem>>) src(%dma_wait3A_261 : memref<10000x128xf32, #tpu.memory_space<hbm>>) dst(%arg12 : memref<128x128xf32, #tpu.memory_space<vmem>>)
      %dma_wait3A_262 = arith.constant 0 : i32
      %dma_wait3A_263 = arith.constant 0 : i32
      %dma_wait3A_264 = tpu.memref_slice %arg8[%dma_wait3A_262, %dma_wait3A_263] : memref<26x128xi32, #tpu.memory_space<vmem>> -> memref<1x128xi32, #tpu.memory_space<vmem>>
      %dma_wait3A_265 = tpu.memref_squeeze %dma_wait3A_264 : memref<1x128xi32, #tpu.memory_space<vmem>> -> memref<128xi32, #tpu.memory_space<vmem>>
      %dma_wait3A_266 = arith.constant 0 : i32
      %dma_wait3A_267 = arith.constant 0 : i32
      %dma_wait3A_268 = tpu.memref_slice %arg13[%dma_wait3A_266, %dma_wait3A_267] : memref<10000x128xf32, #tpu.memory_space<vmem_shared>> -> memref<10000x128xf32, #tpu.memory_space<vmem_shared>>
      tpu.wait_indirect_dma semaphore(%arg15 : memref<!tpu.dma_semaphore, #tpu.memory_space<semaphore_mem>>) src(%arg11 : memref<128x128xf32, #tpu.memory_space<vmem>>) dst(%dma_wait3A_268 : memref<10000x128xf32, #tpu.memory_space<vmem_shared>>)
      %lt3A_269 = arith.constant 12 : i32
      %lt3A_270 = arith.cmpi slt, %add3A_222, %lt3A_269 : i32
      %convert_element_type3A_271 = arith.extui %lt3A_270 : i1 to i32
      %cond3A_272 = arith.constant 0 : i32
      %cond3A_273 = arith.cmpi ne, %convert_element_type3A_271, %cond3A_272 : i32
      scf.if %cond3A_273 {
        %add3A_289 = arith.constant 2 : i32
        %add3A_290 = arith.addi %mul3A_224, %add3A_289 : i32
        %dma_start3A_291 = arith.constant 0 : i32
        %dma_start3A_292 = tpu.memref_slice %arg7[%add3A_290, %dma_start3A_291] : memref<26x128xi32, #tpu.memory_space<vmem>> -> memref<1x128xi32, #tpu.memory_space<vmem>>
        %dma_start3A_293 = tpu.memref_squeeze %dma_start3A_292 : memref<1x128xi32, #tpu.memory_space<vmem>> -> memref<128xi32, #tpu.memory_space<vmem>>
        %dma_start3A_294 = arith.constant 0 : i32
        %dma_start3A_295 = arith.constant 0 : i32
        %dma_start3A_296 = tpu.memref_slice %arg2[%dma_start3A_294, %dma_start3A_295] : memref<10000x128xf32, #tpu.memory_space<hbm>> -> memref<10000x128xf32, #tpu.memory_space<hbm>>
        tpu.enqueue_indirect_dma source(%dma_start3A_296 : memref<10000x128xf32, #tpu.memory_space<hbm>>) target(%arg11 : memref<128x128xf32, #tpu.memory_space<vmem>>) offsets(%dma_start3A_293 : memref<128xi32, #tpu.memory_space<vmem>>) semaphore(%arg14 : memref<!tpu.dma_semaphore, #tpu.memory_space<semaphore_mem>>)
      } else {
      }
      %add3A_274 = arith.constant 1 : i32
      %add3A_275 = arith.addi %mul3A_224, %add3A_274 : i32
      %dma_start3A_276 = arith.constant 0 : i32
      %dma_start3A_277 = tpu.memref_slice %arg8[%add3A_275, %dma_start3A_276] : memref<26x128xi32, #tpu.memory_space<vmem>> -> memref<1x128xi32, #tpu.memory_space<vmem>>
      %dma_start3A_278 = tpu.memref_squeeze %dma_start3A_277 : memref<1x128xi32, #tpu.memory_space<vmem>> -> memref<128xi32, #tpu.memory_space<vmem>>
      %dma_start3A_279 = arith.constant 0 : i32
      %dma_start3A_280 = arith.constant 0 : i32
      %dma_start3A_281 = tpu.memref_slice %arg13[%dma_start3A_279, %dma_start3A_280] : memref<10000x128xf32, #tpu.memory_space<vmem_shared>> -> memref<10000x128xf32, #tpu.memory_space<vmem_shared>>
      tpu.enqueue_indirect_dma source(%arg12 : memref<128x128xf32, #tpu.memory_space<vmem>>) target(%dma_start3A_281 : memref<10000x128xf32, #tpu.memory_space<vmem_shared>>) offsets(%dma_start3A_278 : memref<128xi32, #tpu.memory_space<vmem>>) semaphore(%arg15 : memref<!tpu.dma_semaphore, #tpu.memory_space<semaphore_mem>>) {add = true}
      %add3A_282 = arith.constant 1 : i32
      %add3A_283 = arith.addi %mul3A_224, %add3A_282 : i32
      %dma_start3A_284 = arith.constant 0 : i32
      %dma_start3A_285 = tpu.memref_slice %arg8[%add3A_283, %dma_start3A_284] : memref<26x128xi32, #tpu.memory_space<vmem>> -> memref<1x128xi32, #tpu.memory_space<vmem>>
      %dma_start3A_286 = tpu.memref_squeeze %dma_start3A_285 : memref<1x128xi32, #tpu.memory_space<vmem>> -> memref<128xi32, #tpu.memory_space<vmem>>
      %dma_start3A_287 = arith.constant 0 : i32
      %dma_start3A_288 = tpu.memref_slice %arg20[%dma_start3A_287] : memref<10000xf32, #tpu.memory_space<vmem_shared>> -> memref<10000xf32, #tpu.memory_space<vmem_shared>>
      tpu.enqueue_indirect_dma source(%arg18 : memref<128xf32, #tpu.memory_space<vmem>>) target(%dma_start3A_288 : memref<10000xf32, #tpu.memory_space<vmem_shared>>) offsets(%dma_start3A_286 : memref<128xi32, #tpu.memory_space<vmem>>) semaphore(%arg16 : memref<!tpu.dma_semaphore, #tpu.memory_space<semaphore_mem>>) {add = true}
    }
    %scan3A_168 = arith.constant 13 : i32
    %dma_wait3A_169 = arith.constant 0 : i32
    %dma_wait3A_170 = arith.constant 0 : i32
    %dma_wait3A_171 = tpu.memref_slice %arg8[%dma_wait3A_169, %dma_wait3A_170] : memref<26x128xi32, #tpu.memory_space<vmem>> -> memref<1x128xi32, #tpu.memory_space<vmem>>
    %dma_wait3A_172 = tpu.memref_squeeze %dma_wait3A_171 : memref<1x128xi32, #tpu.memory_space<vmem>> -> memref<128xi32, #tpu.memory_space<vmem>>
    %dma_wait3A_173 = arith.constant 0 : i32
    %dma_wait3A_174 = arith.constant 0 : i32
    %dma_wait3A_175 = tpu.memref_slice %arg13[%dma_wait3A_173, %dma_wait3A_174] : memref<10000x128xf32, #tpu.memory_space<vmem_shared>> -> memref<10000x128xf32, #tpu.memory_space<vmem_shared>>
    tpu.wait_indirect_dma semaphore(%arg15 : memref<!tpu.dma_semaphore, #tpu.memory_space<semaphore_mem>>) src(%arg12 : memref<128x128xf32, #tpu.memory_space<vmem>>) dst(%dma_wait3A_175 : memref<10000x128xf32, #tpu.memory_space<vmem_shared>>)
    %dma_wait3A_176 = arith.constant 0 : i32
    %dma_wait3A_177 = arith.constant 0 : i32
    %dma_wait3A_178 = tpu.memref_slice %arg11[%dma_wait3A_176, %dma_wait3A_177] : memref<128x128xf32, #tpu.memory_space<vmem>> -> memref<26x128xf32, #tpu.memory_space<vmem>>
    %dma_wait3A_179 = arith.constant 0 : i32
    %dma_wait3A_180 = arith.constant 0 : i32
    %dma_wait3A_181 = tpu.memref_slice %arg2[%dma_wait3A_179, %dma_wait3A_180] : memref<10000x128xf32, #tpu.memory_space<hbm>> -> memref<26x128xf32, #tpu.memory_space<hbm>>
    %dma_wait3A_182 = arith.constant 0 : i32
    %dma_wait3A_183 = arith.constant 0 : i32
    %dma_wait3A_184 = tpu.memref_slice %arg11[%dma_wait3A_182, %dma_wait3A_183] : memref<128x128xf32, #tpu.memory_space<vmem>> -> memref<26x128xf32, #tpu.memory_space<vmem>>
    %dma_wait3A_185 = arith.constant 0 : i32
    %dma_wait3A_186 = arith.constant 0 : i32
    %dma_wait3A_187 = tpu.memref_slice %arg2[%dma_wait3A_185, %dma_wait3A_186] : memref<10000x128xf32, #tpu.memory_space<hbm>> -> memref<26x128xf32, #tpu.memory_space<hbm>>
    tpu.wait_dma2 semaphore(%arg16 : memref<!tpu.dma_semaphore, #tpu.memory_space<semaphore_mem>>) src(%dma_wait3A_187 : memref<26x128xf32, #tpu.memory_space<hbm>>) dst(%dma_wait3A_184 : memref<26x128xf32, #tpu.memory_space<vmem>>)
    %lt3A = arith.constant 4 : i32
    %lt3A_188 = arith.cmpi slt, %add3A, %lt3A : i32
    %convert_element_type3A_189 = arith.extui %lt3A_188 : i1 to i32
    %cond3A_190 = arith.constant 0 : i32
    %cond3A_191 = arith.cmpi ne, %convert_element_type3A_189, %cond3A_190 : i32
    scf.if %cond3A_191 {
      %add3A_218 = arith.constant 2496 : i32
      %add3A_219 = arith.addi %add3A_218, %add3A : i32
      "tpu.region"() ({
        %run_scoped3A_235 = tpu.sem_alloc : memref<!tpu.dma_semaphore, #tpu.memory_space<semaphore_mem>>
        %dma_start3A_236 = arith.constant 0 : i32
        %dma_start3A_237 = arith.constant 0 : i32
        %dma_start3A_238 = tpu.memref_slice %arg7[%dma_start3A_236, %dma_start3A_237] : memref<26x128xi32, #tpu.memory_space<vmem>> -> memref<1x128xi32, #tpu.memory_space<vmem>>
        %dma_start3A_239 = arith.constant 0 : i32
        %dma_start3A_240 = tpu.memref_slice %arg3[%add3A_219, %dma_start3A_239] : memref<2500x128xi32, #tpu.memory_space<hbm>> -> memref<1x128xi32, #tpu.memory_space<hbm>>
        %dma_start3A_241 = arith.constant 0 : i32
        %dma_start3A_242 = arith.constant 0 : i32
        %dma_start3A_243 = tpu.memref_slice %arg7[%dma_start3A_241, %dma_start3A_242] : memref<26x128xi32, #tpu.memory_space<vmem>> -> memref<1x128xi32, #tpu.memory_space<vmem>>
        %dma_start3A_244 = arith.constant 0 : i32
        %dma_start3A_245 = tpu.memref_slice %arg3[%add3A_219, %dma_start3A_244] : memref<2500x128xi32, #tpu.memory_space<hbm>> -> memref<1x128xi32, #tpu.memory_space<hbm>>
        tpu.enqueue_dma source(%dma_start3A_245 : memref<1x128xi32, #tpu.memory_space<hbm>>) target(%dma_start3A_243 : memref<1x128xi32, #tpu.memory_space<vmem>>) target_semaphore(%run_scoped3A_235 : memref<!tpu.dma_semaphore, #tpu.memory_space<semaphore_mem>>)
        %dma_wait3A_246 = arith.constant 0 : i32
        %dma_wait3A_247 = arith.constant 0 : i32
        %dma_wait3A_248 = tpu.memref_slice %arg7[%dma_wait3A_246, %dma_wait3A_247] : memref<26x128xi32, #tpu.memory_space<vmem>> -> memref<1x128xi32, #tpu.memory_space<vmem>>
        %dma_wait3A_249 = arith.constant 0 : i32
        %dma_wait3A_250 = tpu.memref_slice %arg3[%add3A_219, %dma_wait3A_249] : memref<2500x128xi32, #tpu.memory_space<hbm>> -> memref<1x128xi32, #tpu.memory_space<hbm>>
        %dma_wait3A_251 = arith.constant 0 : i32
        %dma_wait3A_252 = arith.constant 0 : i32
        %dma_wait3A_253 = tpu.memref_slice %arg7[%dma_wait3A_251, %dma_wait3A_252] : memref<26x128xi32, #tpu.memory_space<vmem>> -> memref<1x128xi32, #tpu.memory_space<vmem>>
        %dma_wait3A_254 = arith.constant 0 : i32
        %dma_wait3A_255 = tpu.memref_slice %arg3[%add3A_219, %dma_wait3A_254] : memref<2500x128xi32, #tpu.memory_space<hbm>> -> memref<1x128xi32, #tpu.memory_space<hbm>>
        tpu.wait_dma2 semaphore(%run_scoped3A_235 : memref<!tpu.dma_semaphore, #tpu.memory_space<semaphore_mem>>) src(%dma_wait3A_255 : memref<1x128xi32, #tpu.memory_space<hbm>>) dst(%dma_wait3A_253 : memref<1x128xi32, #tpu.memory_space<vmem>>)
        tpu.yield
      }) : () -> ()
      "tpu.region"() ({
        %run_scoped3A_235 = tpu.sem_alloc : memref<!tpu.dma_semaphore, #tpu.memory_space<semaphore_mem>>
        %dma_start3A_236 = arith.constant 0 : i32
        %dma_start3A_237 = arith.constant 0 : i32
        %dma_start3A_238 = tpu.memref_slice %arg8[%dma_start3A_236, %dma_start3A_237] : memref<26x128xi32, #tpu.memory_space<vmem>> -> memref<1x128xi32, #tpu.memory_space<vmem>>
        %dma_start3A_239 = arith.constant 0 : i32
        %dma_start3A_240 = tpu.memref_slice %arg4[%add3A_219, %dma_start3A_239] : memref<2500x128xi32, #tpu.memory_space<hbm>> -> memref<1x128xi32, #tpu.memory_space<hbm>>
        %dma_start3A_241 = arith.constant 0 : i32
        %dma_start3A_242 = arith.constant 0 : i32
        %dma_start3A_243 = tpu.memref_slice %arg8[%dma_start3A_241, %dma_start3A_242] : memref<26x128xi32, #tpu.memory_space<vmem>> -> memref<1x128xi32, #tpu.memory_space<vmem>>
        %dma_start3A_244 = arith.constant 0 : i32
        %dma_start3A_245 = tpu.memref_slice %arg4[%add3A_219, %dma_start3A_244] : memref<2500x128xi32, #tpu.memory_space<hbm>> -> memref<1x128xi32, #tpu.memory_space<hbm>>
        tpu.enqueue_dma source(%dma_start3A_245 : memref<1x128xi32, #tpu.memory_space<hbm>>) target(%dma_start3A_243 : memref<1x128xi32, #tpu.memory_space<vmem>>) target_semaphore(%run_scoped3A_235 : memref<!tpu.dma_semaphore, #tpu.memory_space<semaphore_mem>>)
        %dma_wait3A_246 = arith.constant 0 : i32
        %dma_wait3A_247 = arith.constant 0 : i32
        %dma_wait3A_248 = tpu.memref_slice %arg8[%dma_wait3A_246, %dma_wait3A_247] : memref<26x128xi32, #tpu.memory_space<vmem>> -> memref<1x128xi32, #tpu.memory_space<vmem>>
        %dma_wait3A_249 = arith.constant 0 : i32
        %dma_wait3A_250 = tpu.memref_slice %arg4[%add3A_219, %dma_wait3A_249] : memref<2500x128xi32, #tpu.memory_space<hbm>> -> memref<1x128xi32, #tpu.memory_space<hbm>>
        %dma_wait3A_251 = arith.constant 0 : i32
        %dma_wait3A_252 = arith.constant 0 : i32
        %dma_wait3A_253 = tpu.memref_slice %arg8[%dma_wait3A_251, %dma_wait3A_252] : memref<26x128xi32, #tpu.memory_space<vmem>> -> memref<1x128xi32, #tpu.memory_space<vmem>>
        %dma_wait3A_254 = arith.constant 0 : i32
        %dma_wait3A_255 = tpu.memref_slice %arg4[%add3A_219, %dma_wait3A_254] : memref<2500x128xi32, #tpu.memory_space<hbm>> -> memref<1x128xi32, #tpu.memory_space<hbm>>
        tpu.wait_dma2 semaphore(%run_scoped3A_235 : memref<!tpu.dma_semaphore, #tpu.memory_space<semaphore_mem>>) src(%dma_wait3A_255 : memref<1x128xi32, #tpu.memory_space<hbm>>) dst(%dma_wait3A_253 : memref<1x128xi32, #tpu.memory_space<vmem>>)
        tpu.yield
      }) : () -> ()
      %dma_start3A_220 = arith.constant 0 : i32
      %dma_start3A_221 = arith.constant 0 : i32
      %dma_start3A_222 = tpu.memref_slice %arg7[%dma_start3A_220, %dma_start3A_221] : memref<26x128xi32, #tpu.memory_space<vmem>> -> memref<1x128xi32, #tpu.memory_space<vmem>>
      %dma_start3A_223 = tpu.memref_squeeze %dma_start3A_222 : memref<1x128xi32, #tpu.memory_space<vmem>> -> memref<128xi32, #tpu.memory_space<vmem>>
      %dma_start3A_224 = arith.constant 0 : i32
      %dma_start3A_225 = arith.constant 0 : i32
      %dma_start3A_226 = tpu.memref_slice %arg2[%dma_start3A_224, %dma_start3A_225] : memref<10000x128xf32, #tpu.memory_space<hbm>> -> memref<10000x128xf32, #tpu.memory_space<hbm>>
      tpu.enqueue_indirect_dma source(%dma_start3A_226 : memref<10000x128xf32, #tpu.memory_space<hbm>>) target(%arg11 : memref<128x128xf32, #tpu.memory_space<vmem>>) offsets(%dma_start3A_223 : memref<128xi32, #tpu.memory_space<vmem>>) semaphore(%arg14 : memref<!tpu.dma_semaphore, #tpu.memory_space<semaphore_mem>>)
      %dma_wait3A_227 = arith.constant 0 : i32
      %dma_wait3A_228 = arith.constant 0 : i32
      %dma_wait3A_229 = tpu.memref_slice %arg7[%dma_wait3A_227, %dma_wait3A_228] : memref<26x128xi32, #tpu.memory_space<vmem>> -> memref<1x128xi32, #tpu.memory_space<vmem>>
      %dma_wait3A_230 = tpu.memref_squeeze %dma_wait3A_229 : memref<1x128xi32, #tpu.memory_space<vmem>> -> memref<128xi32, #tpu.memory_space<vmem>>
      %dma_wait3A_231 = arith.constant 0 : i32
      %dma_wait3A_232 = arith.constant 0 : i32
      %dma_wait3A_233 = tpu.memref_slice %arg2[%dma_wait3A_231, %dma_wait3A_232] : memref<10000x128xf32, #tpu.memory_space<hbm>> -> memref<10000x128xf32, #tpu.memory_space<hbm>>
      tpu.wait_indirect_dma semaphore(%arg14 : memref<!tpu.dma_semaphore, #tpu.memory_space<semaphore_mem>>) src(%dma_wait3A_233 : memref<10000x128xf32, #tpu.memory_space<hbm>>) dst(%arg11 : memref<128x128xf32, #tpu.memory_space<vmem>>)
      %run_scoped3A = arith.constant 0 : i32
      "tpu.region"() ({
        %run_scoped3A_235 = tpu.sem_alloc : memref<!tpu.dma_semaphore, #tpu.memory_space<semaphore_mem>>
        %dma_start3A_236 = arith.constant 0 : i32
        %dma_start3A_237 = tpu.memref_slice %arg8[%run_scoped3A, %dma_start3A_236] : memref<26x128xi32, #tpu.memory_space<vmem>> -> memref<1x128xi32, #tpu.memory_space<vmem>>
        %dma_start3A_238 = tpu.memref_squeeze %dma_start3A_237 : memref<1x128xi32, #tpu.memory_space<vmem>> -> memref<128xi32, #tpu.memory_space<vmem>>
        %dma_start3A_239 = arith.constant 0 : i32
        %dma_start3A_240 = arith.constant 0 : i32
        %dma_start3A_241 = tpu.memref_slice %arg13[%dma_start3A_239, %dma_start3A_240] : memref<10000x128xf32, #tpu.memory_space<vmem_shared>> -> memref<10000x128xf32, #tpu.memory_space<vmem_shared>>
        tpu.enqueue_indirect_dma source(%arg11 : memref<128x128xf32, #tpu.memory_space<vmem>>) target(%dma_start3A_241 : memref<10000x128xf32, #tpu.memory_space<vmem_shared>>) offsets(%dma_start3A_238 : memref<128xi32, #tpu.memory_space<vmem>>) semaphore(%run_scoped3A_235 : memref<!tpu.dma_semaphore, #tpu.memory_space<semaphore_mem>>) {add = true}
        %dma_wait3A_242 = arith.constant 0 : i32
        %dma_wait3A_243 = tpu.memref_slice %arg8[%run_scoped3A, %dma_wait3A_242] : memref<26x128xi32, #tpu.memory_space<vmem>> -> memref<1x128xi32, #tpu.memory_space<vmem>>
        %dma_wait3A_244 = tpu.memref_squeeze %dma_wait3A_243 : memref<1x128xi32, #tpu.memory_space<vmem>> -> memref<128xi32, #tpu.memory_space<vmem>>
        %dma_wait3A_245 = arith.constant 0 : i32
        %dma_wait3A_246 = arith.constant 0 : i32
        %dma_wait3A_247 = tpu.memref_slice %arg13[%dma_wait3A_245, %dma_wait3A_246] : memref<10000x128xf32, #tpu.memory_space<vmem_shared>> -> memref<10000x128xf32, #tpu.memory_space<vmem_shared>>
        tpu.wait_indirect_dma semaphore(%run_scoped3A_235 : memref<!tpu.dma_semaphore, #tpu.memory_space<semaphore_mem>>) src(%arg11 : memref<128x128xf32, #tpu.memory_space<vmem>>) dst(%dma_wait3A_247 : memref<10000x128xf32, #tpu.memory_space<vmem_shared>>)
        tpu.yield
      }) : () -> ()
      %run_scoped3A_234 = arith.constant 0 : i32
      "tpu.region"() ({
        %run_scoped3A_235 = tpu.sem_alloc : memref<!tpu.dma_semaphore, #tpu.memory_space<semaphore_mem>>
        %dma_start3A_236 = arith.constant 0 : i32
        %dma_start3A_237 = tpu.memref_slice %arg8[%run_scoped3A_234, %dma_start3A_236] : memref<26x128xi32, #tpu.memory_space<vmem>> -> memref<1x128xi32, #tpu.memory_space<vmem>>
        %dma_start3A_238 = tpu.memref_squeeze %dma_start3A_237 : memref<1x128xi32, #tpu.memory_space<vmem>> -> memref<128xi32, #tpu.memory_space<vmem>>
        %dma_start3A_239 = arith.constant 0 : i32
        %dma_start3A_240 = tpu.memref_slice %arg20[%dma_start3A_239] : memref<10000xf32, #tpu.memory_space<vmem_shared>> -> memref<10000xf32, #tpu.memory_space<vmem_shared>>
        tpu.enqueue_indirect_dma source(%arg18 : memref<128xf32, #tpu.memory_space<vmem>>) target(%dma_start3A_240 : memref<10000xf32, #tpu.memory_space<vmem_shared>>) offsets(%dma_start3A_238 : memref<128xi32, #tpu.memory_space<vmem>>) semaphore(%run_scoped3A_235 : memref<!tpu.dma_semaphore, #tpu.memory_space<semaphore_mem>>) {add = true}
        %dma_wait3A_241 = arith.constant 0 : i32
        %dma_wait3A_242 = tpu.memref_slice %arg8[%run_scoped3A_234, %dma_wait3A_241] : memref<26x128xi32, #tpu.memory_space<vmem>> -> memref<1x128xi32, #tpu.memory_space<vmem>>
        %dma_wait3A_243 = tpu.memref_squeeze %dma_wait3A_242 : memref<1x128xi32, #tpu.memory_space<vmem>> -> memref<128xi32, #tpu.memory_space<vmem>>
        %dma_wait3A_244 = arith.constant 0 : i32
        %dma_wait3A_245 = tpu.memref_slice %arg20[%dma_wait3A_244] : memref<10000xf32, #tpu.memory_space<vmem_shared>> -> memref<10000xf32, #tpu.memory_space<vmem_shared>>
        tpu.wait_indirect_dma semaphore(%run_scoped3A_235 : memref<!tpu.dma_semaphore, #tpu.memory_space<semaphore_mem>>) src(%arg18 : memref<128xf32, #tpu.memory_space<vmem>>) dst(%dma_wait3A_245 : memref<10000xf32, #tpu.memory_space<vmem_shared>>)
        tpu.yield
      }) : () -> ()
    } else {
    }
    %barrier3A_192 = arith.constant 0 : index
    tpu.barrier barrier_id(%barrier3A_192)
    %mul3A_193 = arith.constant 625 : i32
    %mul3A_194 = arith.muli %arg1, %mul3A_193 : i32
    %add3A_195 = arith.constant 0 : i32
    %add3A_196 = arith.addi %mul3A_194, %add3A_195 : i32
    "tpu.region"() ({
      %run_scoped3A = tpu.sem_alloc : memref<!tpu.dma_semaphore, #tpu.memory_space<semaphore_mem>>
      %dma_start3A_218 = arith.constant 0 : i32
      %dma_start3A_219 = arith.constant 0 : i32
      %dma_start3A_220 = tpu.memref_slice %arg11[%dma_start3A_218, %dma_start3A_219] : memref<128x128xf32, #tpu.memory_space<vmem>> -> memref<125x128xf32, #tpu.memory_space<vmem>>
      %dma_start3A_221 = arith.constant 0 : i32
      %dma_start3A_222 = tpu.memref_slice %arg13[%add3A_196, %dma_start3A_221] : memref<10000x128xf32, #tpu.memory_space<vmem_shared>> -> memref<125x128xf32, #tpu.memory_space<vmem_shared>>
      %dma_start3A_223 = arith.constant 0 : i32
      %dma_start3A_224 = arith.constant 0 : i32
      %dma_start3A_225 = tpu.memref_slice %arg11[%dma_start3A_223, %dma_start3A_224] : memref<128x128xf32, #tpu.memory_space<vmem>> -> memref<125x128xf32, #tpu.memory_space<vmem>>
      %dma_start3A_226 = arith.constant 0 : i32
      %dma_start3A_227 = tpu.memref_slice %arg13[%add3A_196, %dma_start3A_226] : memref<10000x128xf32, #tpu.memory_space<vmem_shared>> -> memref<125x128xf32, #tpu.memory_space<vmem_shared>>
      tpu.enqueue_dma source(%dma_start3A_227 : memref<125x128xf32, #tpu.memory_space<vmem_shared>>) target(%dma_start3A_225 : memref<125x128xf32, #tpu.memory_space<vmem>>) target_semaphore(%run_scoped3A : memref<!tpu.dma_semaphore, #tpu.memory_space<semaphore_mem>>)
      %dma_wait3A_228 = arith.constant 0 : i32
      %dma_wait3A_229 = arith.constant 0 : i32
      %dma_wait3A_230 = tpu.memref_slice %arg11[%dma_wait3A_228, %dma_wait3A_229] : memref<128x128xf32, #tpu.memory_space<vmem>> -> memref<125x128xf32, #tpu.memory_space<vmem>>
      %dma_wait3A_231 = arith.constant 0 : i32
      %dma_wait3A_232 = tpu.memref_slice %arg13[%add3A_196, %dma_wait3A_231] : memref<10000x128xf32, #tpu.memory_space<vmem_shared>> -> memref<125x128xf32, #tpu.memory_space<vmem_shared>>
      %dma_wait3A_233 = arith.constant 0 : i32
      %dma_wait3A_234 = arith.constant 0 : i32
      %dma_wait3A_235 = tpu.memref_slice %arg11[%dma_wait3A_233, %dma_wait3A_234] : memref<128x128xf32, #tpu.memory_space<vmem>> -> memref<125x128xf32, #tpu.memory_space<vmem>>
      %dma_wait3A_236 = arith.constant 0 : i32
      %dma_wait3A_237 = tpu.memref_slice %arg13[%add3A_196, %dma_wait3A_236] : memref<10000x128xf32, #tpu.memory_space<vmem_shared>> -> memref<125x128xf32, #tpu.memory_space<vmem_shared>>
      tpu.wait_dma2 semaphore(%run_scoped3A : memref<!tpu.dma_semaphore, #tpu.memory_space<semaphore_mem>>) src(%dma_wait3A_237 : memref<125x128xf32, #tpu.memory_space<vmem_shared>>) dst(%dma_wait3A_235 : memref<125x128xf32, #tpu.memory_space<vmem>>)
      tpu.yield
    }) : () -> ()
    "tpu.region"() ({
      %run_scoped3A = tpu.sem_alloc : memref<!tpu.dma_semaphore, #tpu.memory_space<semaphore_mem>>
      %dma_start3A_218 = arith.constant 0 : i32
      %dma_start3A_219 = arith.constant 0 : i32
      %dma_start3A_220 = tpu.memref_slice %arg11[%dma_start3A_218, %dma_start3A_219] : memref<128x128xf32, #tpu.memory_space<vmem>> -> memref<125x128xf32, #tpu.memory_space<vmem>>
      %dma_start3A_221 = arith.constant 0 : i32
      %dma_start3A_222 = tpu.memref_slice %arg5[%arg0, %add3A_196, %dma_start3A_221] : memref<2x10000x128xf32, #tpu.memory_space<hbm>> -> memref<1x125x128xf32, #tpu.memory_space<hbm>>
      %dma_start3A_223 = tpu.memref_squeeze %dma_start3A_222 : memref<1x125x128xf32, #tpu.memory_space<hbm>> -> memref<125x128xf32, #tpu.memory_space<hbm>>
      %dma_start3A_224 = arith.constant 0 : i32
      %dma_start3A_225 = tpu.memref_slice %arg5[%arg0, %add3A_196, %dma_start3A_224] : memref<2x10000x128xf32, #tpu.memory_space<hbm>> -> memref<1x125x128xf32, #tpu.memory_space<hbm>>
      %dma_start3A_226 = tpu.memref_squeeze %dma_start3A_225 : memref<1x125x128xf32, #tpu.memory_space<hbm>> -> memref<125x128xf32, #tpu.memory_space<hbm>>
      %dma_start3A_227 = arith.constant 0 : i32
      %dma_start3A_228 = arith.constant 0 : i32
      %dma_start3A_229 = tpu.memref_slice %arg11[%dma_start3A_227, %dma_start3A_228] : memref<128x128xf32, #tpu.memory_space<vmem>> -> memref<125x128xf32, #tpu.memory_space<vmem>>
      tpu.enqueue_dma source(%dma_start3A_229 : memref<125x128xf32, #tpu.memory_space<vmem>>) target(%dma_start3A_226 : memref<125x128xf32, #tpu.memory_space<hbm>>) target_semaphore(%run_scoped3A : memref<!tpu.dma_semaphore, #tpu.memory_space<semaphore_mem>>)
      %dma_wait3A_230 = arith.constant 0 : i32
      %dma_wait3A_231 = arith.constant 0 : i32
      %dma_wait3A_232 = tpu.memref_slice %arg11[%dma_wait3A_230, %dma_wait3A_231] : memref<128x128xf32, #tpu.memory_space<vmem>> -> memref<125x128xf32, #tpu.memory_space<vmem>>
      %dma_wait3A_233 = arith.constant 0 : i32
      %dma_wait3A_234 = tpu.memref_slice %arg5[%arg0, %add3A_196, %dma_wait3A_233] : memref<2x10000x128xf32, #tpu.memory_space<hbm>> -> memref<1x125x128xf32, #tpu.memory_space<hbm>>
      %dma_wait3A_235 = tpu.memref_squeeze %dma_wait3A_234 : memref<1x125x128xf32, #tpu.memory_space<hbm>> -> memref<125x128xf32, #tpu.memory_space<hbm>>
      %dma_wait3A_236 = arith.constant 0 : i32
      %dma_wait3A_237 = tpu.memref_slice %arg5[%arg0, %add3A_196, %dma_wait3A_236] : memref<2x10000x128xf32, #tpu.memory_space<hbm>> -> memref<1x125x128xf32, #tpu.memory_space<hbm>>
      %dma_wait3A_238 = tpu.memref_squeeze %dma_wait3A_237 : memref<1x125x128xf32, #tpu.memory_space<hbm>> -> memref<125x128xf32, #tpu.memory_space<hbm>>
      %dma_wait3A_239 = arith.constant 0 : i32
      %dma_wait3A_240 = arith.constant 0 : i32
      %dma_wait3A_241 = tpu.memref_slice %arg11[%dma_wait3A_239, %dma_wait3A_240] : memref<128x128xf32, #tpu.memory_space<vmem>> -> memref<125x128xf32, #tpu.memory_space<vmem>>
      tpu.wait_dma2 semaphore(%run_scoped3A : memref<!tpu.dma_semaphore, #tpu.memory_space<semaphore_mem>>) src(%dma_wait3A_241 : memref<125x128xf32, #tpu.memory_space<vmem>>) dst(%dma_wait3A_238 : memref<125x128xf32, #tpu.memory_space<hbm>>)
      tpu.yield
    }) : () -> ()
    %mul3A_197 = arith.constant 625 : i32
    %mul3A_198 = arith.muli %arg1, %mul3A_197 : i32
    %add3A_199 = arith.constant 125 : i32
    %add3A_200 = arith.addi %mul3A_198, %add3A_199 : i32
    "tpu.region"() ({
      %run_scoped3A = tpu.sem_alloc : memref<!tpu.dma_semaphore, #tpu.memory_space<semaphore_mem>>
      %dma_start3A_218 = arith.constant 0 : i32
      %dma_start3A_219 = arith.constant 0 : i32
      %dma_start3A_220 = tpu.memref_slice %arg11[%dma_start3A_218, %dma_start3A_219] : memref<128x128xf32, #tpu.memory_space<vmem>> -> memref<125x128xf32, #tpu.memory_space<vmem>>
      %dma_start3A_221 = arith.constant 0 : i32
      %dma_start3A_222 = tpu.memref_slice %arg13[%add3A_200, %dma_start3A_221] : memref<10000x128xf32, #tpu.memory_space<vmem_shared>> -> memref<125x128xf32, #tpu.memory_space<vmem_shared>>
      %dma_start3A_223 = arith.constant 0 : i32
      %dma_start3A_224 = arith.constant 0 : i32
      %dma_start3A_225 = tpu.memref_slice %arg11[%dma_start3A_223, %dma_start3A_224] : memref<128x128xf32, #tpu.memory_space<vmem>> -> memref<125x128xf32, #tpu.memory_space<vmem>>
      %dma_start3A_226 = arith.constant 0 : i32
      %dma_start3A_227 = tpu.memref_slice %arg13[%add3A_200, %dma_start3A_226] : memref<10000x128xf32, #tpu.memory_space<vmem_shared>> -> memref<125x128xf32, #tpu.memory_space<vmem_shared>>
      tpu.enqueue_dma source(%dma_start3A_227 : memref<125x128xf32, #tpu.memory_space<vmem_shared>>) target(%dma_start3A_225 : memref<125x128xf32, #tpu.memory_space<vmem>>) target_semaphore(%run_scoped3A : memref<!tpu.dma_semaphore, #tpu.memory_space<semaphore_mem>>)
      %dma_wait3A_228 = arith.constant 0 : i32
      %dma_wait3A_229 = arith.constant 0 : i32
      %dma_wait3A_230 = tpu.memref_slice %arg11[%dma_wait3A_228, %dma_wait3A_229] : memref<128x128xf32, #tpu.memory_space<vmem>> -> memref<125x128xf32, #tpu.memory_space<vmem>>
      %dma_wait3A_231 = arith.constant 0 : i32
      %dma_wait3A_232 = tpu.memref_slice %arg13[%add3A_200, %dma_wait3A_231] : memref<10000x128xf32, #tpu.memory_space<vmem_shared>> -> memref<125x128xf32, #tpu.memory_space<vmem_shared>>
      %dma_wait3A_233 = arith.constant 0 : i32
      %dma_wait3A_234 = arith.constant 0 : i32
      %dma_wait3A_235 = tpu.memref_slice %arg11[%dma_wait3A_233, %dma_wait3A_234] : memref<128x128xf32, #tpu.memory_space<vmem>> -> memref<125x128xf32, #tpu.memory_space<vmem>>
      %dma_wait3A_236 = arith.constant 0 : i32
      %dma_wait3A_237 = tpu.memref_slice %arg13[%add3A_200, %dma_wait3A_236] : memref<10000x128xf32, #tpu.memory_space<vmem_shared>> -> memref<125x128xf32, #tpu.memory_space<vmem_shared>>
      tpu.wait_dma2 semaphore(%run_scoped3A : memref<!tpu.dma_semaphore, #tpu.memory_space<semaphore_mem>>) src(%dma_wait3A_237 : memref<125x128xf32, #tpu.memory_space<vmem_shared>>) dst(%dma_wait3A_235 : memref<125x128xf32, #tpu.memory_space<vmem>>)
      tpu.yield
    }) : () -> ()
    "tpu.region"() ({
      %run_scoped3A = tpu.sem_alloc : memref<!tpu.dma_semaphore, #tpu.memory_space<semaphore_mem>>
      %dma_start3A_218 = arith.constant 0 : i32
      %dma_start3A_219 = arith.constant 0 : i32
      %dma_start3A_220 = tpu.memref_slice %arg11[%dma_start3A_218, %dma_start3A_219] : memref<128x128xf32, #tpu.memory_space<vmem>> -> memref<125x128xf32, #tpu.memory_space<vmem>>
      %dma_start3A_221 = arith.constant 0 : i32
      %dma_start3A_222 = tpu.memref_slice %arg5[%arg0, %add3A_200, %dma_start3A_221] : memref<2x10000x128xf32, #tpu.memory_space<hbm>> -> memref<1x125x128xf32, #tpu.memory_space<hbm>>
      %dma_start3A_223 = tpu.memref_squeeze %dma_start3A_222 : memref<1x125x128xf32, #tpu.memory_space<hbm>> -> memref<125x128xf32, #tpu.memory_space<hbm>>
      %dma_start3A_224 = arith.constant 0 : i32
      %dma_start3A_225 = tpu.memref_slice %arg5[%arg0, %add3A_200, %dma_start3A_224] : memref<2x10000x128xf32, #tpu.memory_space<hbm>> -> memref<1x125x128xf32, #tpu.memory_space<hbm>>
      %dma_start3A_226 = tpu.memref_squeeze %dma_start3A_225 : memref<1x125x128xf32, #tpu.memory_space<hbm>> -> memref<125x128xf32, #tpu.memory_space<hbm>>
      %dma_start3A_227 = arith.constant 0 : i32
      %dma_start3A_228 = arith.constant 0 : i32
      %dma_start3A_229 = tpu.memref_slice %arg11[%dma_start3A_227, %dma_start3A_228] : memref<128x128xf32, #tpu.memory_space<vmem>> -> memref<125x128xf32, #tpu.memory_space<vmem>>
      tpu.enqueue_dma source(%dma_start3A_229 : memref<125x128xf32, #tpu.memory_space<vmem>>) target(%dma_start3A_226 : memref<125x128xf32, #tpu.memory_space<hbm>>) target_semaphore(%run_scoped3A : memref<!tpu.dma_semaphore, #tpu.memory_space<semaphore_mem>>)
      %dma_wait3A_230 = arith.constant 0 : i32
      %dma_wait3A_231 = arith.constant 0 : i32
      %dma_wait3A_232 = tpu.memref_slice %arg11[%dma_wait3A_230, %dma_wait3A_231] : memref<128x128xf32, #tpu.memory_space<vmem>> -> memref<125x128xf32, #tpu.memory_space<vmem>>
      %dma_wait3A_233 = arith.constant 0 : i32
      %dma_wait3A_234 = tpu.memref_slice %arg5[%arg0, %add3A_200, %dma_wait3A_233] : memref<2x10000x128xf32, #tpu.memory_space<hbm>> -> memref<1x125x128xf32, #tpu.memory_space<hbm>>
      %dma_wait3A_235 = tpu.memref_squeeze %dma_wait3A_234 : memref<1x125x128xf32, #tpu.memory_space<hbm>> -> memref<125x128xf32, #tpu.memory_space<hbm>>
      %dma_wait3A_236 = arith.constant 0 : i32
      %dma_wait3A_237 = tpu.memref_slice %arg5[%arg0, %add3A_200, %dma_wait3A_236] : memref<2x10000x128xf32, #tpu.memory_space<hbm>> -> memref<1x125x128xf32, #tpu.memory_space<hbm>>
      %dma_wait3A_238 = tpu.memref_squeeze %dma_wait3A_237 : memref<1x125x128xf32, #tpu.memory_space<hbm>> -> memref<125x128xf32, #tpu.memory_space<hbm>>
      %dma_wait3A_239 = arith.constant 0 : i32
      %dma_wait3A_240 = arith.constant 0 : i32
      %dma_wait3A_241 = tpu.memref_slice %arg11[%dma_wait3A_239, %dma_wait3A_240] : memref<128x128xf32, #tpu.memory_space<vmem>> -> memref<125x128xf32, #tpu.memory_space<vmem>>
      tpu.wait_dma2 semaphore(%run_scoped3A : memref<!tpu.dma_semaphore, #tpu.memory_space<semaphore_mem>>) src(%dma_wait3A_241 : memref<125x128xf32, #tpu.memory_space<vmem>>) dst(%dma_wait3A_238 : memref<125x128xf32, #tpu.memory_space<hbm>>)
      tpu.yield
    }) : () -> ()
    %mul3A_201 = arith.constant 625 : i32
    %mul3A_202 = arith.muli %arg1, %mul3A_201 : i32
    %add3A_203 = arith.constant 250 : i32
    %add3A_204 = arith.addi %mul3A_202, %add3A_203 : i32
    "tpu.region"() ({
      %run_scoped3A = tpu.sem_alloc : memref<!tpu.dma_semaphore, #tpu.memory_space<semaphore_mem>>
      %dma_start3A_218 = arith.constant 0 : i32
      %dma_start3A_219 = arith.constant 0 : i32
      %dma_start3A_220 = tpu.memref_slice %arg11[%dma_start3A_218, %dma_start3A_219] : memref<128x128xf32, #tpu.memory_space<vmem>> -> memref<125x128xf32, #tpu.memory_space<vmem>>
      %dma_start3A_221 = arith.constant 0 : i32
      %dma_start3A_222 = tpu.memref_slice %arg13[%add3A_204, %dma_start3A_221] : memref<10000x128xf32, #tpu.memory_space<vmem_shared>> -> memref<125x128xf32, #tpu.memory_space<vmem_shared>>
      %dma_start3A_223 = arith.constant 0 : i32
      %dma_start3A_224 = arith.constant 0 : i32
      %dma_start3A_225 = tpu.memref_slice %arg11[%dma_start3A_223, %dma_start3A_224] : memref<128x128xf32, #tpu.memory_space<vmem>> -> memref<125x128xf32, #tpu.memory_space<vmem>>
      %dma_start3A_226 = arith.constant 0 : i32
      %dma_start3A_227 = tpu.memref_slice %arg13[%add3A_204, %dma_start3A_226] : memref<10000x128xf32, #tpu.memory_space<vmem_shared>> -> memref<125x128xf32, #tpu.memory_space<vmem_shared>>
      tpu.enqueue_dma source(%dma_start3A_227 : memref<125x128xf32, #tpu.memory_space<vmem_shared>>) target(%dma_start3A_225 : memref<125x128xf32, #tpu.memory_space<vmem>>) target_semaphore(%run_scoped3A : memref<!tpu.dma_semaphore, #tpu.memory_space<semaphore_mem>>)
      %dma_wait3A_228 = arith.constant 0 : i32
      %dma_wait3A_229 = arith.constant 0 : i32
      %dma_wait3A_230 = tpu.memref_slice %arg11[%dma_wait3A_228, %dma_wait3A_229] : memref<128x128xf32, #tpu.memory_space<vmem>> -> memref<125x128xf32, #tpu.memory_space<vmem>>
      %dma_wait3A_231 = arith.constant 0 : i32
      %dma_wait3A_232 = tpu.memref_slice %arg13[%add3A_204, %dma_wait3A_231] : memref<10000x128xf32, #tpu.memory_space<vmem_shared>> -> memref<125x128xf32, #tpu.memory_space<vmem_shared>>
      %dma_wait3A_233 = arith.constant 0 : i32
      %dma_wait3A_234 = arith.constant 0 : i32
      %dma_wait3A_235 = tpu.memref_slice %arg11[%dma_wait3A_233, %dma_wait3A_234] : memref<128x128xf32, #tpu.memory_space<vmem>> -> memref<125x128xf32, #tpu.memory_space<vmem>>
      %dma_wait3A_236 = arith.constant 0 : i32
      %dma_wait3A_237 = tpu.memref_slice %arg13[%add3A_204, %dma_wait3A_236] : memref<10000x128xf32, #tpu.memory_space<vmem_shared>> -> memref<125x128xf32, #tpu.memory_space<vmem_shared>>
      tpu.wait_dma2 semaphore(%run_scoped3A : memref<!tpu.dma_semaphore, #tpu.memory_space<semaphore_mem>>) src(%dma_wait3A_237 : memref<125x128xf32, #tpu.memory_space<vmem_shared>>) dst(%dma_wait3A_235 : memref<125x128xf32, #tpu.memory_space<vmem>>)
      tpu.yield
    }) : () -> ()
    "tpu.region"() ({
      %run_scoped3A = tpu.sem_alloc : memref<!tpu.dma_semaphore, #tpu.memory_space<semaphore_mem>>
      %dma_start3A_218 = arith.constant 0 : i32
      %dma_start3A_219 = arith.constant 0 : i32
      %dma_start3A_220 = tpu.memref_slice %arg11[%dma_start3A_218, %dma_start3A_219] : memref<128x128xf32, #tpu.memory_space<vmem>> -> memref<125x128xf32, #tpu.memory_space<vmem>>
      %dma_start3A_221 = arith.constant 0 : i32
      %dma_start3A_222 = tpu.memref_slice %arg5[%arg0, %add3A_204, %dma_start3A_221] : memref<2x10000x128xf32, #tpu.memory_space<hbm>> -> memref<1x125x128xf32, #tpu.memory_space<hbm>>
      %dma_start3A_223 = tpu.memref_squeeze %dma_start3A_222 : memref<1x125x128xf32, #tpu.memory_space<hbm>> -> memref<125x128xf32, #tpu.memory_space<hbm>>
      %dma_start3A_224 = arith.constant 0 : i32
      %dma_start3A_225 = tpu.memref_slice %arg5[%arg0, %add3A_204, %dma_start3A_224] : memref<2x10000x128xf32, #tpu.memory_space<hbm>> -> memref<1x125x128xf32, #tpu.memory_space<hbm>>
      %dma_start3A_226 = tpu.memref_squeeze %dma_start3A_225 : memref<1x125x128xf32, #tpu.memory_space<hbm>> -> memref<125x128xf32, #tpu.memory_space<hbm>>
      %dma_start3A_227 = arith.constant 0 : i32
      %dma_start3A_228 = arith.constant 0 : i32
      %dma_start3A_229 = tpu.memref_slice %arg11[%dma_start3A_227, %dma_start3A_228] : memref<128x128xf32, #tpu.memory_space<vmem>> -> memref<125x128xf32, #tpu.memory_space<vmem>>
      tpu.enqueue_dma source(%dma_start3A_229 : memref<125x128xf32, #tpu.memory_space<vmem>>) target(%dma_start3A_226 : memref<125x128xf32, #tpu.memory_space<hbm>>) target_semaphore(%run_scoped3A : memref<!tpu.dma_semaphore, #tpu.memory_space<semaphore_mem>>)
      %dma_wait3A_230 = arith.constant 0 : i32
      %dma_wait3A_231 = arith.constant 0 : i32
      %dma_wait3A_232 = tpu.memref_slice %arg11[%dma_wait3A_230, %dma_wait3A_231] : memref<128x128xf32, #tpu.memory_space<vmem>> -> memref<125x128xf32, #tpu.memory_space<vmem>>
      %dma_wait3A_233 = arith.constant 0 : i32
      %dma_wait3A_234 = tpu.memref_slice %arg5[%arg0, %add3A_204, %dma_wait3A_233] : memref<2x10000x128xf32, #tpu.memory_space<hbm>> -> memref<1x125x128xf32, #tpu.memory_space<hbm>>
      %dma_wait3A_235 = tpu.memref_squeeze %dma_wait3A_234 : memref<1x125x128xf32, #tpu.memory_space<hbm>> -> memref<125x128xf32, #tpu.memory_space<hbm>>
      %dma_wait3A_236 = arith.constant 0 : i32
      %dma_wait3A_237 = tpu.memref_slice %arg5[%arg0, %add3A_204, %dma_wait3A_236] : memref<2x10000x128xf32, #tpu.memory_space<hbm>> -> memref<1x125x128xf32, #tpu.memory_space<hbm>>
      %dma_wait3A_238 = tpu.memref_squeeze %dma_wait3A_237 : memref<1x125x128xf32, #tpu.memory_space<hbm>> -> memref<125x128xf32, #tpu.memory_space<hbm>>
      %dma_wait3A_239 = arith.constant 0 : i32
      %dma_wait3A_240 = arith.constant 0 : i32
      %dma_wait3A_241 = tpu.memref_slice %arg11[%dma_wait3A_239, %dma_wait3A_240] : memref<128x128xf32, #tpu.memory_space<vmem>> -> memref<125x128xf32, #tpu.memory_space<vmem>>
      tpu.wait_dma2 semaphore(%run_scoped3A : memref<!tpu.dma_semaphore, #tpu.memory_space<semaphore_mem>>) src(%dma_wait3A_241 : memref<125x128xf32, #tpu.memory_space<vmem>>) dst(%dma_wait3A_238 : memref<125x128xf32, #tpu.memory_space<hbm>>)
      tpu.yield
    }) : () -> ()
    %mul3A_205 = arith.constant 625 : i32
    %mul3A_206 = arith.muli %arg1, %mul3A_205 : i32
    %add3A_207 = arith.constant 375 : i32
    %add3A_208 = arith.addi %mul3A_206, %add3A_207 : i32
    "tpu.region"() ({
      %run_scoped3A = tpu.sem_alloc : memref<!tpu.dma_semaphore, #tpu.memory_space<semaphore_mem>>
      %dma_start3A_218 = arith.constant 0 : i32
      %dma_start3A_219 = arith.constant 0 : i32
      %dma_start3A_220 = tpu.memref_slice %arg11[%dma_start3A_218, %dma_start3A_219] : memref<128x128xf32, #tpu.memory_space<vmem>> -> memref<125x128xf32, #tpu.memory_space<vmem>>
      %dma_start3A_221 = arith.constant 0 : i32
      %dma_start3A_222 = tpu.memref_slice %arg13[%add3A_208, %dma_start3A_221] : memref<10000x128xf32, #tpu.memory_space<vmem_shared>> -> memref<125x128xf32, #tpu.memory_space<vmem_shared>>
      %dma_start3A_223 = arith.constant 0 : i32
      %dma_start3A_224 = arith.constant 0 : i32
      %dma_start3A_225 = tpu.memref_slice %arg11[%dma_start3A_223, %dma_start3A_224] : memref<128x128xf32, #tpu.memory_space<vmem>> -> memref<125x128xf32, #tpu.memory_space<vmem>>
      %dma_start3A_226 = arith.constant 0 : i32
      %dma_start3A_227 = tpu.memref_slice %arg13[%add3A_208, %dma_start3A_226] : memref<10000x128xf32, #tpu.memory_space<vmem_shared>> -> memref<125x128xf32, #tpu.memory_space<vmem_shared>>
      tpu.enqueue_dma source(%dma_start3A_227 : memref<125x128xf32, #tpu.memory_space<vmem_shared>>) target(%dma_start3A_225 : memref<125x128xf32, #tpu.memory_space<vmem>>) target_semaphore(%run_scoped3A : memref<!tpu.dma_semaphore, #tpu.memory_space<semaphore_mem>>)
      %dma_wait3A_228 = arith.constant 0 : i32
      %dma_wait3A_229 = arith.constant 0 : i32
      %dma_wait3A_230 = tpu.memref_slice %arg11[%dma_wait3A_228, %dma_wait3A_229] : memref<128x128xf32, #tpu.memory_space<vmem>> -> memref<125x128xf32, #tpu.memory_space<vmem>>
      %dma_wait3A_231 = arith.constant 0 : i32
      %dma_wait3A_232 = tpu.memref_slice %arg13[%add3A_208, %dma_wait3A_231] : memref<10000x128xf32, #tpu.memory_space<vmem_shared>> -> memref<125x128xf32, #tpu.memory_space<vmem_shared>>
      %dma_wait3A_233 = arith.constant 0 : i32
      %dma_wait3A_234 = arith.constant 0 : i32
      %dma_wait3A_235 = tpu.memref_slice %arg11[%dma_wait3A_233, %dma_wait3A_234] : memref<128x128xf32, #tpu.memory_space<vmem>> -> memref<125x128xf32, #tpu.memory_space<vmem>>
      %dma_wait3A_236 = arith.constant 0 : i32
      %dma_wait3A_237 = tpu.memref_slice %arg13[%add3A_208, %dma_wait3A_236] : memref<10000x128xf32, #tpu.memory_space<vmem_shared>> -> memref<125x128xf32, #tpu.memory_space<vmem_shared>>
      tpu.wait_dma2 semaphore(%run_scoped3A : memref<!tpu.dma_semaphore, #tpu.memory_space<semaphore_mem>>) src(%dma_wait3A_237 : memref<125x128xf32, #tpu.memory_space<vmem_shared>>) dst(%dma_wait3A_235 : memref<125x128xf32, #tpu.memory_space<vmem>>)
      tpu.yield
    }) : () -> ()
    "tpu.region"() ({
      %run_scoped3A = tpu.sem_alloc : memref<!tpu.dma_semaphore, #tpu.memory_space<semaphore_mem>>
      %dma_start3A_218 = arith.constant 0 : i32
      %dma_start3A_219 = arith.constant 0 : i32
      %dma_start3A_220 = tpu.memref_slice %arg11[%dma_start3A_218, %dma_start3A_219] : memref<128x128xf32, #tpu.memory_space<vmem>> -> memref<125x128xf32, #tpu.memory_space<vmem>>
      %dma_start3A_221 = arith.constant 0 : i32
      %dma_start3A_222 = tpu.memref_slice %arg5[%arg0, %add3A_208, %dma_start3A_221] : memref<2x10000x128xf32, #tpu.memory_space<hbm>> -> memref<1x125x128xf32, #tpu.memory_space<hbm>>
      %dma_start3A_223 = tpu.memref_squeeze %dma_start3A_222 : memref<1x125x128xf32, #tpu.memory_space<hbm>> -> memref<125x128xf32, #tpu.memory_space<hbm>>
      %dma_start3A_224 = arith.constant 0 : i32
      %dma_start3A_225 = tpu.memref_slice %arg5[%arg0, %add3A_208, %dma_start3A_224] : memref<2x10000x128xf32, #tpu.memory_space<hbm>> -> memref<1x125x128xf32, #tpu.memory_space<hbm>>
      %dma_start3A_226 = tpu.memref_squeeze %dma_start3A_225 : memref<1x125x128xf32, #tpu.memory_space<hbm>> -> memref<125x128xf32, #tpu.memory_space<hbm>>
      %dma_start3A_227 = arith.constant 0 : i32
      %dma_start3A_228 = arith.constant 0 : i32
      %dma_start3A_229 = tpu.memref_slice %arg11[%dma_start3A_227, %dma_start3A_228] : memref<128x128xf32, #tpu.memory_space<vmem>> -> memref<125x128xf32, #tpu.memory_space<vmem>>
      tpu.enqueue_dma source(%dma_start3A_229 : memref<125x128xf32, #tpu.memory_space<vmem>>) target(%dma_start3A_226 : memref<125x128xf32, #tpu.memory_space<hbm>>) target_semaphore(%run_scoped3A : memref<!tpu.dma_semaphore, #tpu.memory_space<semaphore_mem>>)
      %dma_wait3A_230 = arith.constant 0 : i32
      %dma_wait3A_231 = arith.constant 0 : i32
      %dma_wait3A_232 = tpu.memref_slice %arg11[%dma_wait3A_230, %dma_wait3A_231] : memref<128x128xf32, #tpu.memory_space<vmem>> -> memref<125x128xf32, #tpu.memory_space<vmem>>
      %dma_wait3A_233 = arith.constant 0 : i32
      %dma_wait3A_234 = tpu.memref_slice %arg5[%arg0, %add3A_208, %dma_wait3A_233] : memref<2x10000x128xf32, #tpu.memory_space<hbm>> -> memref<1x125x128xf32, #tpu.memory_space<hbm>>
      %dma_wait3A_235 = tpu.memref_squeeze %dma_wait3A_234 : memref<1x125x128xf32, #tpu.memory_space<hbm>> -> memref<125x128xf32, #tpu.memory_space<hbm>>
      %dma_wait3A_236 = arith.constant 0 : i32
      %dma_wait3A_237 = tpu.memref_slice %arg5[%arg0, %add3A_208, %dma_wait3A_236] : memref<2x10000x128xf32, #tpu.memory_space<hbm>> -> memref<1x125x128xf32, #tpu.memory_space<hbm>>
      %dma_wait3A_238 = tpu.memref_squeeze %dma_wait3A_237 : memref<1x125x128xf32, #tpu.memory_space<hbm>> -> memref<125x128xf32, #tpu.memory_space<hbm>>
      %dma_wait3A_239 = arith.constant 0 : i32
      %dma_wait3A_240 = arith.constant 0 : i32
      %dma_wait3A_241 = tpu.memref_slice %arg11[%dma_wait3A_239, %dma_wait3A_240] : memref<128x128xf32, #tpu.memory_space<vmem>> -> memref<125x128xf32, #tpu.memory_space<vmem>>
      tpu.wait_dma2 semaphore(%run_scoped3A : memref<!tpu.dma_semaphore, #tpu.memory_space<semaphore_mem>>) src(%dma_wait3A_241 : memref<125x128xf32, #tpu.memory_space<vmem>>) dst(%dma_wait3A_238 : memref<125x128xf32, #tpu.memory_space<hbm>>)
      tpu.yield
    }) : () -> ()
    %mul3A_209 = arith.constant 625 : i32
    %mul3A_210 = arith.muli %arg1, %mul3A_209 : i32
    %add3A_211 = arith.constant 500 : i32
    %add3A_212 = arith.addi %mul3A_210, %add3A_211 : i32
    "tpu.region"() ({
      %run_scoped3A = tpu.sem_alloc : memref<!tpu.dma_semaphore, #tpu.memory_space<semaphore_mem>>
      %dma_start3A_218 = arith.constant 0 : i32
      %dma_start3A_219 = arith.constant 0 : i32
      %dma_start3A_220 = tpu.memref_slice %arg11[%dma_start3A_218, %dma_start3A_219] : memref<128x128xf32, #tpu.memory_space<vmem>> -> memref<125x128xf32, #tpu.memory_space<vmem>>
      %dma_start3A_221 = arith.constant 0 : i32
      %dma_start3A_222 = tpu.memref_slice %arg13[%add3A_212, %dma_start3A_221] : memref<10000x128xf32, #tpu.memory_space<vmem_shared>> -> memref<125x128xf32, #tpu.memory_space<vmem_shared>>
      %dma_start3A_223 = arith.constant 0 : i32
      %dma_start3A_224 = arith.constant 0 : i32
      %dma_start3A_225 = tpu.memref_slice %arg11[%dma_start3A_223, %dma_start3A_224] : memref<128x128xf32, #tpu.memory_space<vmem>> -> memref<125x128xf32, #tpu.memory_space<vmem>>
      %dma_start3A_226 = arith.constant 0 : i32
      %dma_start3A_227 = tpu.memref_slice %arg13[%add3A_212, %dma_start3A_226] : memref<10000x128xf32, #tpu.memory_space<vmem_shared>> -> memref<125x128xf32, #tpu.memory_space<vmem_shared>>
      tpu.enqueue_dma source(%dma_start3A_227 : memref<125x128xf32, #tpu.memory_space<vmem_shared>>) target(%dma_start3A_225 : memref<125x128xf32, #tpu.memory_space<vmem>>) target_semaphore(%run_scoped3A : memref<!tpu.dma_semaphore, #tpu.memory_space<semaphore_mem>>)
      %dma_wait3A_228 = arith.constant 0 : i32
      %dma_wait3A_229 = arith.constant 0 : i32
      %dma_wait3A_230 = tpu.memref_slice %arg11[%dma_wait3A_228, %dma_wait3A_229] : memref<128x128xf32, #tpu.memory_space<vmem>> -> memref<125x128xf32, #tpu.memory_space<vmem>>
      %dma_wait3A_231 = arith.constant 0 : i32
      %dma_wait3A_232 = tpu.memref_slice %arg13[%add3A_212, %dma_wait3A_231] : memref<10000x128xf32, #tpu.memory_space<vmem_shared>> -> memref<125x128xf32, #tpu.memory_space<vmem_shared>>
      %dma_wait3A_233 = arith.constant 0 : i32
      %dma_wait3A_234 = arith.constant 0 : i32
      %dma_wait3A_235 = tpu.memref_slice %arg11[%dma_wait3A_233, %dma_wait3A_234] : memref<128x128xf32, #tpu.memory_space<vmem>> -> memref<125x128xf32, #tpu.memory_space<vmem>>
      %dma_wait3A_236 = arith.constant 0 : i32
      %dma_wait3A_237 = tpu.memref_slice %arg13[%add3A_212, %dma_wait3A_236] : memref<10000x128xf32, #tpu.memory_space<vmem_shared>> -> memref<125x128xf32, #tpu.memory_space<vmem_shared>>
      tpu.wait_dma2 semaphore(%run_scoped3A : memref<!tpu.dma_semaphore, #tpu.memory_space<semaphore_mem>>) src(%dma_wait3A_237 : memref<125x128xf32, #tpu.memory_space<vmem_shared>>) dst(%dma_wait3A_235 : memref<125x128xf32, #tpu.memory_space<vmem>>)
      tpu.yield
    }) : () -> ()
    "tpu.region"() ({
      %run_scoped3A = tpu.sem_alloc : memref<!tpu.dma_semaphore, #tpu.memory_space<semaphore_mem>>
      %dma_start3A_218 = arith.constant 0 : i32
      %dma_start3A_219 = arith.constant 0 : i32
      %dma_start3A_220 = tpu.memref_slice %arg11[%dma_start3A_218, %dma_start3A_219] : memref<128x128xf32, #tpu.memory_space<vmem>> -> memref<125x128xf32, #tpu.memory_space<vmem>>
      %dma_start3A_221 = arith.constant 0 : i32
      %dma_start3A_222 = tpu.memref_slice %arg5[%arg0, %add3A_212, %dma_start3A_221] : memref<2x10000x128xf32, #tpu.memory_space<hbm>> -> memref<1x125x128xf32, #tpu.memory_space<hbm>>
      %dma_start3A_223 = tpu.memref_squeeze %dma_start3A_222 : memref<1x125x128xf32, #tpu.memory_space<hbm>> -> memref<125x128xf32, #tpu.memory_space<hbm>>
      %dma_start3A_224 = arith.constant 0 : i32
      %dma_start3A_225 = tpu.memref_slice %arg5[%arg0, %add3A_212, %dma_start3A_224] : memref<2x10000x128xf32, #tpu.memory_space<hbm>> -> memref<1x125x128xf32, #tpu.memory_space<hbm>>
      %dma_start3A_226 = tpu.memref_squeeze %dma_start3A_225 : memref<1x125x128xf32, #tpu.memory_space<hbm>> -> memref<125x128xf32, #tpu.memory_space<hbm>>
      %dma_start3A_227 = arith.constant 0 : i32
      %dma_start3A_228 = arith.constant 0 : i32
      %dma_start3A_229 = tpu.memref_slice %arg11[%dma_start3A_227, %dma_start3A_228] : memref<128x128xf32, #tpu.memory_space<vmem>> -> memref<125x128xf32, #tpu.memory_space<vmem>>
      tpu.enqueue_dma source(%dma_start3A_229 : memref<125x128xf32, #tpu.memory_space<vmem>>) target(%dma_start3A_226 : memref<125x128xf32, #tpu.memory_space<hbm>>) target_semaphore(%run_scoped3A : memref<!tpu.dma_semaphore, #tpu.memory_space<semaphore_mem>>)
      %dma_wait3A_230 = arith.constant 0 : i32
      %dma_wait3A_231 = arith.constant 0 : i32
      %dma_wait3A_232 = tpu.memref_slice %arg11[%dma_wait3A_230, %dma_wait3A_231] : memref<128x128xf32, #tpu.memory_space<vmem>> -> memref<125x128xf32, #tpu.memory_space<vmem>>
      %dma_wait3A_233 = arith.constant 0 : i32
      %dma_wait3A_234 = tpu.memref_slice %arg5[%arg0, %add3A_212, %dma_wait3A_233] : memref<2x10000x128xf32, #tpu.memory_space<hbm>> -> memref<1x125x128xf32, #tpu.memory_space<hbm>>
      %dma_wait3A_235 = tpu.memref_squeeze %dma_wait3A_234 : memref<1x125x128xf32, #tpu.memory_space<hbm>> -> memref<125x128xf32, #tpu.memory_space<hbm>>
      %dma_wait3A_236 = arith.constant 0 : i32
      %dma_wait3A_237 = tpu.memref_slice %arg5[%arg0, %add3A_212, %dma_wait3A_236] : memref<2x10000x128xf32, #tpu.memory_space<hbm>> -> memref<1x125x128xf32, #tpu.memory_space<hbm>>
      %dma_wait3A_238 = tpu.memref_squeeze %dma_wait3A_237 : memref<1x125x128xf32, #tpu.memory_space<hbm>> -> memref<125x128xf32, #tpu.memory_space<hbm>>
      %dma_wait3A_239 = arith.constant 0 : i32
      %dma_wait3A_240 = arith.constant 0 : i32
      %dma_wait3A_241 = tpu.memref_slice %arg11[%dma_wait3A_239, %dma_wait3A_240] : memref<128x128xf32, #tpu.memory_space<vmem>> -> memref<125x128xf32, #tpu.memory_space<vmem>>
      tpu.wait_dma2 semaphore(%run_scoped3A : memref<!tpu.dma_semaphore, #tpu.memory_space<semaphore_mem>>) src(%dma_wait3A_241 : memref<125x128xf32, #tpu.memory_space<vmem>>) dst(%dma_wait3A_238 : memref<125x128xf32, #tpu.memory_space<hbm>>)
      tpu.yield
    }) : () -> ()
    %eq3A_213 = arith.constant 0 : i32
    %eq3A_214 = arith.cmpi eq, %arg1, %eq3A_213 : i32
    %convert_element_type3A_215 = arith.extui %eq3A_214 : i1 to i32
    %cond3A_216 = arith.constant 0 : i32
    %cond3A_217 = arith.cmpi ne, %convert_element_type3A_215, %cond3A_216 : i32
    scf.if %cond3A_217 {
      "tpu.region"() ({
        %run_scoped3A = tpu.sem_alloc : memref<!tpu.dma_semaphore, #tpu.memory_space<semaphore_mem>>
        %dma_start3A_218 = arith.constant 0 : i32
        %dma_start3A_219 = tpu.memref_slice %arg20[%dma_start3A_218] : memref<10000xf32, #tpu.memory_space<vmem_shared>> -> memref<2000xf32, #tpu.memory_space<vmem_shared>>
        %dma_start3A_220 = arith.constant 0 : i32
        %dma_start3A_221 = tpu.memref_slice %arg20[%dma_start3A_220] : memref<10000xf32, #tpu.memory_space<vmem_shared>> -> memref<2000xf32, #tpu.memory_space<vmem_shared>>
        tpu.enqueue_dma source(%dma_start3A_221 : memref<2000xf32, #tpu.memory_space<vmem_shared>>) target(%arg19 : memref<2000xf32, #tpu.memory_space<vmem>>) target_semaphore(%run_scoped3A : memref<!tpu.dma_semaphore, #tpu.memory_space<semaphore_mem>>)
        %dma_wait3A_222 = arith.constant 0 : i32
        %dma_wait3A_223 = tpu.memref_slice %arg20[%dma_wait3A_222] : memref<10000xf32, #tpu.memory_space<vmem_shared>> -> memref<2000xf32, #tpu.memory_space<vmem_shared>>
        %dma_wait3A_224 = arith.constant 0 : i32
        %dma_wait3A_225 = tpu.memref_slice %arg20[%dma_wait3A_224] : memref<10000xf32, #tpu.memory_space<vmem_shared>> -> memref<2000xf32, #tpu.memory_space<vmem_shared>>
        tpu.wait_dma2 semaphore(%run_scoped3A : memref<!tpu.dma_semaphore, #tpu.memory_space<semaphore_mem>>) src(%dma_wait3A_225 : memref<2000xf32, #tpu.memory_space<vmem_shared>>) dst(%arg19 : memref<2000xf32, #tpu.memory_space<vmem>>)
        tpu.yield
      }) : () -> ()
      "tpu.region"() ({
        %run_scoped3A = tpu.sem_alloc : memref<!tpu.dma_semaphore, #tpu.memory_space<semaphore_mem>>
        %dma_start3A_218 = arith.constant 0 : i32
        %dma_start3A_219 = tpu.memref_slice %arg6[%arg0, %dma_start3A_218] : memref<2x10000xf32, #tpu.memory_space<hbm>> -> memref<1x2000xf32, #tpu.memory_space<hbm>>
        %dma_start3A_220 = tpu.memref_squeeze %dma_start3A_219 : memref<1x2000xf32, #tpu.memory_space<hbm>> -> memref<2000xf32, #tpu.memory_space<hbm>>
        %dma_start3A_221 = arith.constant 0 : i32
        %dma_start3A_222 = tpu.memref_slice %arg6[%arg0, %dma_start3A_221] : memref<2x10000xf32, #tpu.memory_space<hbm>> -> memref<1x2000xf32, #tpu.memory_space<hbm>>
        %dma_start3A_223 = tpu.memref_squeeze %dma_start3A_222 : memref<1x2000xf32, #tpu.memory_space<hbm>> -> memref<2000xf32, #tpu.memory_space<hbm>>
        tpu.enqueue_dma source(%arg19 : memref<2000xf32, #tpu.memory_space<vmem>>) target(%dma_start3A_223 : memref<2000xf32, #tpu.memory_space<hbm>>) target_semaphore(%run_scoped3A : memref<!tpu.dma_semaphore, #tpu.memory_space<semaphore_mem>>)
        %dma_wait3A_224 = arith.constant 0 : i32
        %dma_wait3A_225 = tpu.memref_slice %arg6[%arg0, %dma_wait3A_224] : memref<2x10000xf32, #tpu.memory_space<hbm>> -> memref<1x2000xf32, #tpu.memory_space<hbm>>
        %dma_wait3A_226 = tpu.memref_squeeze %dma_wait3A_225 : memref<1x2000xf32, #tpu.memory_space<hbm>> -> memref<2000xf32, #tpu.memory_space<hbm>>
        %dma_wait3A_227 = arith.constant 0 : i32
        %dma_wait3A_228 = tpu.memref_slice %arg6[%arg0, %dma_wait3A_227] : memref<2x10000xf32, #tpu.memory_space<hbm>> -> memref<1x2000xf32, #tpu.memory_space<hbm>>
        %dma_wait3A_229 = tpu.memref_squeeze %dma_wait3A_228 : memref<1x2000xf32, #tpu.memory_space<hbm>> -> memref<2000xf32, #tpu.memory_space<hbm>>
        tpu.wait_dma2 semaphore(%run_scoped3A : memref<!tpu.dma_semaphore, #tpu.memory_space<semaphore_mem>>) src(%arg19 : memref<2000xf32, #tpu.memory_space<vmem>>) dst(%dma_wait3A_229 : memref<2000xf32, #tpu.memory_space<hbm>>)
        tpu.yield
      }) : () -> ()
      "tpu.region"() ({
        %run_scoped3A = tpu.sem_alloc : memref<!tpu.dma_semaphore, #tpu.memory_space<semaphore_mem>>
        %dma_start3A_218 = arith.constant 2000 : i32
        %dma_start3A_219 = tpu.memref_slice %arg20[%dma_start3A_218] : memref<10000xf32, #tpu.memory_space<vmem_shared>> -> memref<2000xf32, #tpu.memory_space<vmem_shared>>
        %dma_start3A_220 = arith.constant 2000 : i32
        %dma_start3A_221 = tpu.memref_slice %arg20[%dma_start3A_220] : memref<10000xf32, #tpu.memory_space<vmem_shared>> -> memref<2000xf32, #tpu.memory_space<vmem_shared>>
        tpu.enqueue_dma source(%dma_start3A_221 : memref<2000xf32, #tpu.memory_space<vmem_shared>>) target(%arg19 : memref<2000xf32, #tpu.memory_space<vmem>>) target_semaphore(%run_scoped3A : memref<!tpu.dma_semaphore, #tpu.memory_space<semaphore_mem>>)
        %dma_wait3A_222 = arith.constant 2000 : i32
        %dma_wait3A_223 = tpu.memref_slice %arg20[%dma_wait3A_222] : memref<10000xf32, #tpu.memory_space<vmem_shared>> -> memref<2000xf32, #tpu.memory_space<vmem_shared>>
        %dma_wait3A_224 = arith.constant 2000 : i32
        %dma_wait3A_225 = tpu.memref_slice %arg20[%dma_wait3A_224] : memref<10000xf32, #tpu.memory_space<vmem_shared>> -> memref<2000xf32, #tpu.memory_space<vmem_shared>>
        tpu.wait_dma2 semaphore(%run_scoped3A : memref<!tpu.dma_semaphore, #tpu.memory_space<semaphore_mem>>) src(%dma_wait3A_225 : memref<2000xf32, #tpu.memory_space<vmem_shared>>) dst(%arg19 : memref<2000xf32, #tpu.memory_space<vmem>>)
        tpu.yield
      }) : () -> ()
      "tpu.region"() ({
        %run_scoped3A = tpu.sem_alloc : memref<!tpu.dma_semaphore, #tpu.memory_space<semaphore_mem>>
        %dma_start3A_218 = arith.constant 2000 : i32
        %dma_start3A_219 = tpu.memref_slice %arg6[%arg0, %dma_start3A_218] : memref<2x10000xf32, #tpu.memory_space<hbm>> -> memref<1x2000xf32, #tpu.memory_space<hbm>>
        %dma_start3A_220 = tpu.memref_squeeze %dma_start3A_219 : memref<1x2000xf32, #tpu.memory_space<hbm>> -> memref<2000xf32, #tpu.memory_space<hbm>>
        %dma_start3A_221 = arith.constant 2000 : i32
        %dma_start3A_222 = tpu.memref_slice %arg6[%arg0, %dma_start3A_221] : memref<2x10000xf32, #tpu.memory_space<hbm>> -> memref<1x2000xf32, #tpu.memory_space<hbm>>
        %dma_start3A_223 = tpu.memref_squeeze %dma_start3A_222 : memref<1x2000xf32, #tpu.memory_space<hbm>> -> memref<2000xf32, #tpu.memory_space<hbm>>
        tpu.enqueue_dma source(%arg19 : memref<2000xf32, #tpu.memory_space<vmem>>) target(%dma_start3A_223 : memref<2000xf32, #tpu.memory_space<hbm>>) target_semaphore(%run_scoped3A : memref<!tpu.dma_semaphore, #tpu.memory_space<semaphore_mem>>)
        %dma_wait3A_224 = arith.constant 2000 : i32
        %dma_wait3A_225 = tpu.memref_slice %arg6[%arg0, %dma_wait3A_224] : memref<2x10000xf32, #tpu.memory_space<hbm>> -> memref<1x2000xf32, #tpu.memory_space<hbm>>
        %dma_wait3A_226 = tpu.memref_squeeze %dma_wait3A_225 : memref<1x2000xf32, #tpu.memory_space<hbm>> -> memref<2000xf32, #tpu.memory_space<hbm>>
        %dma_wait3A_227 = arith.constant 2000 : i32
        %dma_wait3A_228 = tpu.memref_slice %arg6[%arg0, %dma_wait3A_227] : memref<2x10000xf32, #tpu.memory_space<hbm>> -> memref<1x2000xf32, #tpu.memory_space<hbm>>
        %dma_wait3A_229 = tpu.memref_squeeze %dma_wait3A_228 : memref<1x2000xf32, #tpu.memory_space<hbm>> -> memref<2000xf32, #tpu.memory_space<hbm>>
        tpu.wait_dma2 semaphore(%run_scoped3A : memref<!tpu.dma_semaphore, #tpu.memory_space<semaphore_mem>>) src(%arg19 : memref<2000xf32, #tpu.memory_space<vmem>>) dst(%dma_wait3A_229 : memref<2000xf32, #tpu.memory_space<hbm>>)
        tpu.yield
      }) : () -> ()
      "tpu.region"() ({
        %run_scoped3A = tpu.sem_alloc : memref<!tpu.dma_semaphore, #tpu.memory_space<semaphore_mem>>
        %dma_start3A_218 = arith.constant 4000 : i32
        %dma_start3A_219 = tpu.memref_slice %arg20[%dma_start3A_218] : memref<10000xf32, #tpu.memory_space<vmem_shared>> -> memref<2000xf32, #tpu.memory_space<vmem_shared>>
        %dma_start3A_220 = arith.constant 4000 : i32
        %dma_start3A_221 = tpu.memref_slice %arg20[%dma_start3A_220] : memref<10000xf32, #tpu.memory_space<vmem_shared>> -> memref<2000xf32, #tpu.memory_space<vmem_shared>>
        tpu.enqueue_dma source(%dma_start3A_221 : memref<2000xf32, #tpu.memory_space<vmem_shared>>) target(%arg19 : memref<2000xf32, #tpu.memory_space<vmem>>) target_semaphore(%run_scoped3A : memref<!tpu.dma_semaphore, #tpu.memory_space<semaphore_mem>>)
        %dma_wait3A_222 = arith.constant 4000 : i32
        %dma_wait3A_223 = tpu.memref_slice %arg20[%dma_wait3A_222] : memref<10000xf32, #tpu.memory_space<vmem_shared>> -> memref<2000xf32, #tpu.memory_space<vmem_shared>>
        %dma_wait3A_224 = arith.constant 4000 : i32
        %dma_wait3A_225 = tpu.memref_slice %arg20[%dma_wait3A_224] : memref<10000xf32, #tpu.memory_space<vmem_shared>> -> memref<2000xf32, #tpu.memory_space<vmem_shared>>
        tpu.wait_dma2 semaphore(%run_scoped3A : memref<!tpu.dma_semaphore, #tpu.memory_space<semaphore_mem>>) src(%dma_wait3A_225 : memref<2000xf32, #tpu.memory_space<vmem_shared>>) dst(%arg19 : memref<2000xf32, #tpu.memory_space<vmem>>)
        tpu.yield
      }) : () -> ()
      "tpu.region"() ({
        %run_scoped3A = tpu.sem_alloc : memref<!tpu.dma_semaphore, #tpu.memory_space<semaphore_mem>>
        %dma_start3A_218 = arith.constant 4000 : i32
        %dma_start3A_219 = tpu.memref_slice %arg6[%arg0, %dma_start3A_218] : memref<2x10000xf32, #tpu.memory_space<hbm>> -> memref<1x2000xf32, #tpu.memory_space<hbm>>
        %dma_start3A_220 = tpu.memref_squeeze %dma_start3A_219 : memref<1x2000xf32, #tpu.memory_space<hbm>> -> memref<2000xf32, #tpu.memory_space<hbm>>
        %dma_start3A_221 = arith.constant 4000 : i32
        %dma_start3A_222 = tpu.memref_slice %arg6[%arg0, %dma_start3A_221] : memref<2x10000xf32, #tpu.memory_space<hbm>> -> memref<1x2000xf32, #tpu.memory_space<hbm>>
        %dma_start3A_223 = tpu.memref_squeeze %dma_start3A_222 : memref<1x2000xf32, #tpu.memory_space<hbm>> -> memref<2000xf32, #tpu.memory_space<hbm>>
        tpu.enqueue_dma source(%arg19 : memref<2000xf32, #tpu.memory_space<vmem>>) target(%dma_start3A_223 : memref<2000xf32, #tpu.memory_space<hbm>>) target_semaphore(%run_scoped3A : memref<!tpu.dma_semaphore, #tpu.memory_space<semaphore_mem>>)
        %dma_wait3A_224 = arith.constant 4000 : i32
        %dma_wait3A_225 = tpu.memref_slice %arg6[%arg0, %dma_wait3A_224] : memref<2x10000xf32, #tpu.memory_space<hbm>> -> memref<1x2000xf32, #tpu.memory_space<hbm>>
        %dma_wait3A_226 = tpu.memref_squeeze %dma_wait3A_225 : memref<1x2000xf32, #tpu.memory_space<hbm>> -> memref<2000xf32, #tpu.memory_space<hbm>>
        %dma_wait3A_227 = arith.constant 4000 : i32
        %dma_wait3A_228 = tpu.memref_slice %arg6[%arg0, %dma_wait3A_227] : memref<2x10000xf32, #tpu.memory_space<hbm>> -> memref<1x2000xf32, #tpu.memory_space<hbm>>
        %dma_wait3A_229 = tpu.memref_squeeze %dma_wait3A_228 : memref<1x2000xf32, #tpu.memory_space<hbm>> -> memref<2000xf32, #tpu.memory_space<hbm>>
        tpu.wait_dma2 semaphore(%run_scoped3A : memref<!tpu.dma_semaphore, #tpu.memory_space<semaphore_mem>>) src(%arg19 : memref<2000xf32, #tpu.memory_space<vmem>>) dst(%dma_wait3A_229 : memref<2000xf32, #tpu.memory_space<hbm>>)
        tpu.yield
      }) : () -> ()
      "tpu.region"() ({
        %run_scoped3A = tpu.sem_alloc : memref<!tpu.dma_semaphore, #tpu.memory_space<semaphore_mem>>
        %dma_start3A_218 = arith.constant 6000 : i32
        %dma_start3A_219 = tpu.memref_slice %arg20[%dma_start3A_218] : memref<10000xf32, #tpu.memory_space<vmem_shared>> -> memref<2000xf32, #tpu.memory_space<vmem_shared>>
        %dma_start3A_220 = arith.constant 6000 : i32
        %dma_start3A_221 = tpu.memref_slice %arg20[%dma_start3A_220] : memref<10000xf32, #tpu.memory_space<vmem_shared>> -> memref<2000xf32, #tpu.memory_space<vmem_shared>>
        tpu.enqueue_dma source(%dma_start3A_221 : memref<2000xf32, #tpu.memory_space<vmem_shared>>) target(%arg19 : memref<2000xf32, #tpu.memory_space<vmem>>) target_semaphore(%run_scoped3A : memref<!tpu.dma_semaphore, #tpu.memory_space<semaphore_mem>>)
        %dma_wait3A_222 = arith.constant 6000 : i32
        %dma_wait3A_223 = tpu.memref_slice %arg20[%dma_wait3A_222] : memref<10000xf32, #tpu.memory_space<vmem_shared>> -> memref<2000xf32, #tpu.memory_space<vmem_shared>>
        %dma_wait3A_224 = arith.constant 6000 : i32
        %dma_wait3A_225 = tpu.memref_slice %arg20[%dma_wait3A_224] : memref<10000xf32, #tpu.memory_space<vmem_shared>> -> memref<2000xf32, #tpu.memory_space<vmem_shared>>
        tpu.wait_dma2 semaphore(%run_scoped3A : memref<!tpu.dma_semaphore, #tpu.memory_space<semaphore_mem>>) src(%dma_wait3A_225 : memref<2000xf32, #tpu.memory_space<vmem_shared>>) dst(%arg19 : memref<2000xf32, #tpu.memory_space<vmem>>)
        tpu.yield
      }) : () -> ()
      "tpu.region"() ({
        %run_scoped3A = tpu.sem_alloc : memref<!tpu.dma_semaphore, #tpu.memory_space<semaphore_mem>>
        %dma_start3A_218 = arith.constant 6000 : i32
        %dma_start3A_219 = tpu.memref_slice %arg6[%arg0, %dma_start3A_218] : memref<2x10000xf32, #tpu.memory_space<hbm>> -> memref<1x2000xf32, #tpu.memory_space<hbm>>
        %dma_start3A_220 = tpu.memref_squeeze %dma_start3A_219 : memref<1x2000xf32, #tpu.memory_space<hbm>> -> memref<2000xf32, #tpu.memory_space<hbm>>
        %dma_start3A_221 = arith.constant 6000 : i32
        %dma_start3A_222 = tpu.memref_slice %arg6[%arg0, %dma_start3A_221] : memref<2x10000xf32, #tpu.memory_space<hbm>> -> memref<1x2000xf32, #tpu.memory_space<hbm>>
        %dma_start3A_223 = tpu.memref_squeeze %dma_start3A_222 : memref<1x2000xf32, #tpu.memory_space<hbm>> -> memref<2000xf32, #tpu.memory_space<hbm>>
        tpu.enqueue_dma source(%arg19 : memref<2000xf32, #tpu.memory_space<vmem>>) target(%dma_start3A_223 : memref<2000xf32, #tpu.memory_space<hbm>>) target_semaphore(%run_scoped3A : memref<!tpu.dma_semaphore, #tpu.memory_space<semaphore_mem>>)
        %dma_wait3A_224 = arith.constant 6000 : i32
        %dma_wait3A_225 = tpu.memref_slice %arg6[%arg0, %dma_wait3A_224] : memref<2x10000xf32, #tpu.memory_space<hbm>> -> memref<1x2000xf32, #tpu.memory_space<hbm>>
        %dma_wait3A_226 = tpu.memref_squeeze %dma_wait3A_225 : memref<1x2000xf32, #tpu.memory_space<hbm>> -> memref<2000xf32, #tpu.memory_space<hbm>>
        %dma_wait3A_227 = arith.constant 6000 : i32
        %dma_wait3A_228 = tpu.memref_slice %arg6[%arg0, %dma_wait3A_227] : memref<2x10000xf32, #tpu.memory_space<hbm>> -> memref<1x2000xf32, #tpu.memory_space<hbm>>
        %dma_wait3A_229 = tpu.memref_squeeze %dma_wait3A_228 : memref<1x2000xf32, #tpu.memory_space<hbm>> -> memref<2000xf32, #tpu.memory_space<hbm>>
        tpu.wait_dma2 semaphore(%run_scoped3A : memref<!tpu.dma_semaphore, #tpu.memory_space<semaphore_mem>>) src(%arg19 : memref<2000xf32, #tpu.memory_space<vmem>>) dst(%dma_wait3A_229 : memref<2000xf32, #tpu.memory_space<hbm>>)
        tpu.yield
      }) : () -> ()
      "tpu.region"() ({
        %run_scoped3A = tpu.sem_alloc : memref<!tpu.dma_semaphore, #tpu.memory_space<semaphore_mem>>
        %dma_start3A_218 = arith.constant 8000 : i32
        %dma_start3A_219 = tpu.memref_slice %arg20[%dma_start3A_218] : memref<10000xf32, #tpu.memory_space<vmem_shared>> -> memref<2000xf32, #tpu.memory_space<vmem_shared>>
        %dma_start3A_220 = arith.constant 8000 : i32
        %dma_start3A_221 = tpu.memref_slice %arg20[%dma_start3A_220] : memref<10000xf32, #tpu.memory_space<vmem_shared>> -> memref<2000xf32, #tpu.memory_space<vmem_shared>>
        tpu.enqueue_dma source(%dma_start3A_221 : memref<2000xf32, #tpu.memory_space<vmem_shared>>) target(%arg19 : memref<2000xf32, #tpu.memory_space<vmem>>) target_semaphore(%run_scoped3A : memref<!tpu.dma_semaphore, #tpu.memory_space<semaphore_mem>>)
        %dma_wait3A_222 = arith.constant 8000 : i32
        %dma_wait3A_223 = tpu.memref_slice %arg20[%dma_wait3A_222] : memref<10000xf32, #tpu.memory_space<vmem_shared>> -> memref<2000xf32, #tpu.memory_space<vmem_shared>>
        %dma_wait3A_224 = arith.constant 8000 : i32
        %dma_wait3A_225 = tpu.memref_slice %arg20[%dma_wait3A_224] : memref<10000xf32, #tpu.memory_space<vmem_shared>> -> memref<2000xf32, #tpu.memory_space<vmem_shared>>
        tpu.wait_dma2 semaphore(%run_scoped3A : memref<!tpu.dma_semaphore, #tpu.memory_space<semaphore_mem>>) src(%dma_wait3A_225 : memref<2000xf32, #tpu.memory_space<vmem_shared>>) dst(%arg19 : memref<2000xf32, #tpu.memory_space<vmem>>)
        tpu.yield
      }) : () -> ()
      "tpu.region"() ({
        %run_scoped3A = tpu.sem_alloc : memref<!tpu.dma_semaphore, #tpu.memory_space<semaphore_mem>>
        %dma_start3A_218 = arith.constant 8000 : i32
        %dma_start3A_219 = tpu.memref_slice %arg6[%arg0, %dma_start3A_218] : memref<2x10000xf32, #tpu.memory_space<hbm>> -> memref<1x2000xf32, #tpu.memory_space<hbm>>
        %dma_start3A_220 = tpu.memref_squeeze %dma_start3A_219 : memref<1x2000xf32, #tpu.memory_space<hbm>> -> memref<2000xf32, #tpu.memory_space<hbm>>
        %dma_start3A_221 = arith.constant 8000 : i32
        %dma_start3A_222 = tpu.memref_slice %arg6[%arg0, %dma_start3A_221] : memref<2x10000xf32, #tpu.memory_space<hbm>> -> memref<1x2000xf32, #tpu.memory_space<hbm>>
        %dma_start3A_223 = tpu.memref_squeeze %dma_start3A_222 : memref<1x2000xf32, #tpu.memory_space<hbm>> -> memref<2000xf32, #tpu.memory_space<hbm>>
        tpu.enqueue_dma source(%arg19 : memref<2000xf32, #tpu.memory_space<vmem>>) target(%dma_start3A_223 : memref<2000xf32, #tpu.memory_space<hbm>>) target_semaphore(%run_scoped3A : memref<!tpu.dma_semaphore, #tpu.memory_space<semaphore_mem>>)
        %dma_wait3A_224 = arith.constant 8000 : i32
        %dma_wait3A_225 = tpu.memref_slice %arg6[%arg0, %dma_wait3A_224] : memref<2x10000xf32, #tpu.memory_space<hbm>> -> memref<1x2000xf32, #tpu.memory_space<hbm>>
        %dma_wait3A_226 = tpu.memref_squeeze %dma_wait3A_225 : memref<1x2000xf32, #tpu.memory_space<hbm>> -> memref<2000xf32, #tpu.memory_space<hbm>>
        %dma_wait3A_227 = arith.constant 8000 : i32
        %dma_wait3A_228 = tpu.memref_slice %arg6[%arg0, %dma_wait3A_227] : memref<2x10000xf32, #tpu.memory_space<hbm>> -> memref<1x2000xf32, #tpu.memory_space<hbm>>
        %dma_wait3A_229 = tpu.memref_squeeze %dma_wait3A_228 : memref<1x2000xf32, #tpu.memory_space<hbm>> -> memref<2000xf32, #tpu.memory_space<hbm>>
        tpu.wait_dma2 semaphore(%run_scoped3A : memref<!tpu.dma_semaphore, #tpu.memory_space<semaphore_mem>>) src(%arg19 : memref<2000xf32, #tpu.memory_space<vmem>>) dst(%dma_wait3A_229 : memref<2000xf32, #tpu.memory_space<hbm>>)
        tpu.yield
      }) : () -> ()
    } else {
    }
    return
  }
}

module attributes {stable_mosaic.version = 14 : i64} {
  func.func @_layer_body(%arg0: i32, %arg1: memref<2x1000x128xf32, #tpu.memory_space<vmem>>, %arg2: memref<2x1000x1xf32, #tpu.memory_space<vmem>>, %arg3: memref<1000x128xf32, #tpu.memory_space<vmem>>, %arg4: memref<128x128xf32, #tpu.memory_space<vmem>>, %arg5: memref<1000x128xf32, #tpu.memory_space<vmem>>) attributes {dimension_semantics = [#tpu.dimension_semantics<arbitrary>], iteration_bounds = array<i64: 10>, scalar_prefetch = 0 : i64, scratch_operands = 0 : i64, tpu.core_type = #tpu.core_type<tc>, window_params = [{transform_indices = @transform_0, window_bounds = array<i64: 2, 1000, 128>}, {transform_indices = @transform_1, window_bounds = array<i64: 2, 1000, 1>}, {transform_indices = @transform_2, window_bounds = array<i64: 1000, 128>}, {pipeline_mode = #tpu.pipeline_mode<synchronous>, transform_indices = @transform_3, window_bounds = array<i64: 128, 128>}, {transform_indices = @transform_4, window_bounds = array<i64: 1000, 128>}]} {
    %get3A = arith.constant 0 : index
    %get3A_0 = arith.constant 0 : index
    %get3A_1 = arith.constant 0 : index
    %get3A_2 = vector.load %arg1[%get3A, %get3A_0, %get3A_1] : memref<2x1000x128xf32, #tpu.memory_space<vmem>>, vector<1x1000x128xf32>
    %get3A_3 = vector.shape_cast %get3A_2 : vector<1x1000x128xf32> to vector<1000x128xf32>
    %get3A_4 = arith.constant 1 : index
    %get3A_5 = arith.constant 0 : index
    %get3A_6 = arith.constant 0 : index
    %get3A_7 = vector.load %arg1[%get3A_4, %get3A_5, %get3A_6] : memref<2x1000x128xf32, #tpu.memory_space<vmem>>, vector<1x1000x128xf32>
    %get3A_8 = vector.shape_cast %get3A_7 : vector<1x1000x128xf32> to vector<1000x128xf32>
    %add3A = arith.addf %get3A_3, %get3A_8 : vector<1000x128xf32>
    %get3A_9 = arith.constant 0 : index
    %get3A_10 = arith.constant 0 : index
    %get3A_11 = arith.constant 0 : index
    %get3A_12 = vector.load %arg2[%get3A_9, %get3A_10, %get3A_11] : memref<2x1000x1xf32, #tpu.memory_space<vmem>>, vector<1x1000x1xf32>
    %get3A_13 = vector.shape_cast %get3A_12 : vector<1x1000x1xf32> to vector<1000x1xf32>
    %get3A_14 = arith.constant 1 : index
    %get3A_15 = arith.constant 0 : index
    %get3A_16 = arith.constant 0 : index
    %get3A_17 = vector.load %arg2[%get3A_14, %get3A_15, %get3A_16] : memref<2x1000x1xf32, #tpu.memory_space<vmem>>, vector<1x1000x1xf32>
    %get3A_18 = vector.shape_cast %get3A_17 : vector<1x1000x1xf32> to vector<1000x1xf32>
    %add3A_19 = arith.addf %get3A_13, %get3A_18 : vector<1000x1xf32>
    %max3A = arith.constant 1.000000e+00 : f32
    %max3A_20 = vector.broadcast %max3A : f32 to vector<1000x1xf32>
    %max3A_21 = arith.maximumf %add3A_19, %max3A_20 : vector<1000x1xf32>
    %div3A = vector.broadcast %max3A_21 : vector<1000x1xf32> to vector<1000x128xf32>
    %div3A_22 = arith.divf %add3A, %div3A : vector<1000x128xf32>
    %get3A_23 = arith.constant 0 : index
    %get3A_24 = arith.constant 0 : index
    %get3A_25 = vector.load %arg4[%get3A_23, %get3A_24] : memref<128x128xf32, #tpu.memory_space<vmem>>, vector<128x128xf32>
    %dot_general3A = arith.constant dense<0.000000e+00> : vector<1000x128xf32>
    %dot_general3A_26 = tpu.matmul %div3A_22, %get3A_25, %dot_general3A {dimension_numbers = #tpu.dot_dimension_numbers<[1], [1], [0], [0], [0, 0, 1, 0], [], []>, transpose_lhs_hint = false} : vector<1000x128xf32>, vector<128x128xf32>, vector<1000x128xf32> -> vector<1000x128xf32>
    %get3A_27 = arith.constant 0 : index
    %get3A_28 = arith.constant 0 : index
    %get3A_29 = vector.load %arg3[%get3A_27, %get3A_28] : memref<1000x128xf32, #tpu.memory_space<vmem>>, vector<1000x128xf32>
    %add3A_30 = arith.addf %dot_general3A_26, %get3A_29 : vector<1000x128xf32>
    %max3A_31 = arith.constant 0.000000e+00 : f32
    %max3A_32 = vector.broadcast %max3A_31 : f32 to vector<1000x128xf32>
    %max3A_33 = arith.maximumf %add3A_30, %max3A_32 : vector<1000x128xf32>
    %swap3A = arith.constant 0 : index
    %swap3A_34 = arith.constant 0 : index
    %swap3A_35 = vector.load %arg5[%swap3A, %swap3A_34] : memref<1000x128xf32, #tpu.memory_space<vmem>>, vector<1000x128xf32>
    tpu.vector_store %arg5[%swap3A, %swap3A_34], %max3A_33 {strides = array<i32>} : memref<1000x128xf32, #tpu.memory_space<vmem>>, vector<1000x128xf32>,
    return
  }
  func.func @transform_0(%arg0: i32) -> (i32, i32, i32) {
    %c0_i32 = arith.constant 0 : i32
    %c0_i32_0 = arith.constant 0 : i32
    %c0_i32_1 = arith.constant 0 : i32
    return %c0_i32, %arg0, %c0_i32_0 : i32, i32, i32
  }
  func.func @transform_1(%arg0: i32) -> (i32, i32, i32) {
    %c0_i32 = arith.constant 0 : i32
    %c0_i32_0 = arith.constant 0 : i32
    %c0_i32_1 = arith.constant 0 : i32
    return %c0_i32, %arg0, %c0_i32_0 : i32, i32, i32
  }
  func.func @transform_2(%arg0: i32) -> (i32, i32) {
    %c0_i32 = arith.constant 0 : i32
    %c0_i32_0 = arith.constant 0 : i32
    return %arg0, %c0_i32 : i32, i32
  }
  func.func @transform_3(%arg0: i32) -> (i32, i32) {
    %c0_i32 = arith.constant 0 : i32
    %c0_i32_0 = arith.constant 0 : i32
    %c0_i32_1 = arith.constant 0 : i32
    return %c0_i32, %c0_i32_0 : i32, i32
  }
  func.func @transform_4(%arg0: i32) -> (i32, i32) {
    %c0_i32 = arith.constant 0 : i32
    %c0_i32_0 = arith.constant 0 : i32
    return %arg0, %c0_i32 : i32, i32
  }
}

module attributes {stable_mosaic.version = 14 : i64} {
  func.func @_root_body(%arg0: i32, %arg1: memref<1000x128xf32, #tpu.memory_space<vmem>>, %arg2: memref<128x128xf32, #tpu.memory_space<vmem>>, %arg3: memref<1x128xf32, #tpu.memory_space<vmem>>, %arg4: memref<1000x128xf32, #tpu.memory_space<vmem>>) attributes {dimension_semantics = [#tpu.dimension_semantics<arbitrary>], iteration_bounds = array<i64: 10>, scalar_prefetch = 0 : i64, scratch_operands = 0 : i64, tpu.core_type = #tpu.core_type<tc>, window_params = [{transform_indices = @transform_0, window_bounds = array<i64: 1000, 128>}, {pipeline_mode = #tpu.pipeline_mode<synchronous>, transform_indices = @transform_1, window_bounds = array<i64: 128, 128>}, {pipeline_mode = #tpu.pipeline_mode<synchronous>, transform_indices = @transform_2, window_bounds = array<i64: 1, 128>}, {transform_indices = @transform_3, window_bounds = array<i64: 1000, 128>}]} {
    %get3A = arith.constant 0 : index
    %get3A_0 = arith.constant 0 : index
    %get3A_1 = vector.load %arg1[%get3A, %get3A_0] : memref<1000x128xf32, #tpu.memory_space<vmem>>, vector<1000x128xf32>
    %get3A_2 = arith.constant 0 : index
    %get3A_3 = arith.constant 0 : index
    %get3A_4 = vector.load %arg2[%get3A_2, %get3A_3] : memref<128x128xf32, #tpu.memory_space<vmem>>, vector<128x128xf32>
    %dot_general3A = arith.constant dense<0.000000e+00> : vector<1000x128xf32>
    %dot_general3A_5 = tpu.matmul %get3A_1, %get3A_4, %dot_general3A {dimension_numbers = #tpu.dot_dimension_numbers<[1], [1], [0], [0], [0, 0, 1, 0], [], []>, transpose_lhs_hint = false} : vector<1000x128xf32>, vector<128x128xf32>, vector<1000x128xf32> -> vector<1000x128xf32>
    %get3A_6 = arith.constant 0 : index
    %get3A_7 = arith.constant 0 : index
    %get3A_8 = vector.load %arg3[%get3A_6, %get3A_7] : memref<1x128xf32, #tpu.memory_space<vmem>>, vector<1x128xf32>
    %add3A = vector.broadcast %get3A_8 : vector<1x128xf32> to vector<1000x128xf32>
    %add3A_9 = arith.addf %dot_general3A_5, %add3A : vector<1000x128xf32>
    %swap3A = arith.constant 0 : index
    %swap3A_10 = arith.constant 0 : index
    %swap3A_11 = vector.load %arg4[%swap3A, %swap3A_10] : memref<1000x128xf32, #tpu.memory_space<vmem>>, vector<1000x128xf32>
    tpu.vector_store %arg4[%swap3A, %swap3A_10], %add3A_9 {strides = array<i32>} : memref<1000x128xf32, #tpu.memory_space<vmem>>, vector<1000x128xf32>,
    return
  }
  func.func @transform_0(%arg0: i32) -> (i32, i32) {
    %c0_i32 = arith.constant 0 : i32
    %c0_i32_0 = arith.constant 0 : i32
    return %arg0, %c0_i32 : i32, i32
  }
  func.func @transform_1(%arg0: i32) -> (i32, i32) {
    %c0_i32 = arith.constant 0 : i32
    %c0_i32_0 = arith.constant 0 : i32
    %c0_i32_1 = arith.constant 0 : i32
    return %c0_i32, %c0_i32_0 : i32, i32
  }
  func.func @transform_2(%arg0: i32) -> (i32, i32) {
    %c0_i32 = arith.constant 0 : i32
    %c0_i32_0 = arith.constant 0 : i32
    %c0_i32_1 = arith.constant 0 : i32
    return %c0_i32, %c0_i32_0 : i32, i32
  }
  func.func @transform_3(%arg0: i32) -> (i32, i32) {
    %c0_i32 = arith.constant 0 : i32
    %c0_i32_0 = arith.constant 0 : i32
    return %arg0, %c0_i32 : i32, i32
  }
}

module attributes {stable_mosaic.version = 14 : i64} {
  func.func @_layer_body(%arg0: i32, %arg1: memref<2x1000x128xf32, #tpu.memory_space<vmem>>, %arg2: memref<2x1000x1xf32, #tpu.memory_space<vmem>>, %arg3: memref<1000x128xf32, #tpu.memory_space<vmem>>, %arg4: memref<128x128xf32, #tpu.memory_space<vmem>>, %arg5: memref<1000x128xf32, #tpu.memory_space<vmem>>) attributes {dimension_semantics = [#tpu.dimension_semantics<arbitrary>], iteration_bounds = array<i64: 10>, scalar_prefetch = 0 : i64, scratch_operands = 0 : i64, tpu.core_type = #tpu.core_type<tc>, window_params = [{transform_indices = @transform_0, window_bounds = array<i64: 2, 1000, 128>}, {transform_indices = @transform_1, window_bounds = array<i64: 2, 1000, 1>}, {transform_indices = @transform_2, window_bounds = array<i64: 1000, 128>}, {pipeline_mode = #tpu.pipeline_mode<synchronous>, transform_indices = @transform_3, window_bounds = array<i64: 128, 128>}, {transform_indices = @transform_4, window_bounds = array<i64: 1000, 128>}]} {
    %get3A = arith.constant 0 : index
    %get3A_0 = arith.constant 0 : index
    %get3A_1 = arith.constant 0 : index
    %get3A_2 = vector.load %arg1[%get3A, %get3A_0, %get3A_1] : memref<2x1000x128xf32, #tpu.memory_space<vmem>>, vector<1x1000x128xf32>
    %get3A_3 = vector.shape_cast %get3A_2 : vector<1x1000x128xf32> to vector<1000x128xf32>
    %get3A_4 = arith.constant 1 : index
    %get3A_5 = arith.constant 0 : index
    %get3A_6 = arith.constant 0 : index
    %get3A_7 = vector.load %arg1[%get3A_4, %get3A_5, %get3A_6] : memref<2x1000x128xf32, #tpu.memory_space<vmem>>, vector<1x1000x128xf32>
    %get3A_8 = vector.shape_cast %get3A_7 : vector<1x1000x128xf32> to vector<1000x128xf32>
    %add3A = arith.addf %get3A_3, %get3A_8 : vector<1000x128xf32>
    %get3A_9 = arith.constant 0 : index
    %get3A_10 = arith.constant 0 : index
    %get3A_11 = arith.constant 0 : index
    %get3A_12 = vector.load %arg2[%get3A_9, %get3A_10, %get3A_11] : memref<2x1000x1xf32, #tpu.memory_space<vmem>>, vector<1x1000x1xf32>
    %get3A_13 = vector.shape_cast %get3A_12 : vector<1x1000x1xf32> to vector<1000x1xf32>
    %get3A_14 = arith.constant 1 : index
    %get3A_15 = arith.constant 0 : index
    %get3A_16 = arith.constant 0 : index
    %get3A_17 = vector.load %arg2[%get3A_14, %get3A_15, %get3A_16] : memref<2x1000x1xf32, #tpu.memory_space<vmem>>, vector<1x1000x1xf32>
    %get3A_18 = vector.shape_cast %get3A_17 : vector<1x1000x1xf32> to vector<1000x1xf32>
    %add3A_19 = arith.addf %get3A_13, %get3A_18 : vector<1000x1xf32>
    %max3A = arith.constant 1.000000e+00 : f32
    %max3A_20 = vector.broadcast %max3A : f32 to vector<1000x1xf32>
    %max3A_21 = arith.maximumf %add3A_19, %max3A_20 : vector<1000x1xf32>
    %div3A = vector.broadcast %max3A_21 : vector<1000x1xf32> to vector<1000x128xf32>
    %div3A_22 = arith.divf %add3A, %div3A : vector<1000x128xf32>
    %get3A_23 = arith.constant 0 : index
    %get3A_24 = arith.constant 0 : index
    %get3A_25 = vector.load %arg4[%get3A_23, %get3A_24] : memref<128x128xf32, #tpu.memory_space<vmem>>, vector<128x128xf32>
    %dot_general3A = arith.constant dense<0.000000e+00> : vector<1000x128xf32>
    %dot_general3A_26 = tpu.matmul %div3A_22, %get3A_25, %dot_general3A {dimension_numbers = #tpu.dot_dimension_numbers<[1], [1], [0], [0], [0, 0, 1, 0], [], []>, transpose_lhs_hint = false} : vector<1000x128xf32>, vector<128x128xf32>, vector<1000x128xf32> -> vector<1000x128xf32>
    %get3A_27 = arith.constant 0 : index
    %get3A_28 = arith.constant 0 : index
    %get3A_29 = vector.load %arg3[%get3A_27, %get3A_28] : memref<1000x128xf32, #tpu.memory_space<vmem>>, vector<1000x128xf32>
    %add3A_30 = arith.addf %dot_general3A_26, %get3A_29 : vector<1000x128xf32>
    %swap3A = arith.constant 0 : index
    %swap3A_31 = arith.constant 0 : index
    %swap3A_32 = vector.load %arg5[%swap3A, %swap3A_31] : memref<1000x128xf32, #tpu.memory_space<vmem>>, vector<1000x128xf32>
    tpu.vector_store %arg5[%swap3A, %swap3A_31], %add3A_30 {strides = array<i32>} : memref<1000x128xf32, #tpu.memory_space<vmem>>, vector<1000x128xf32>,
    return
  }
  func.func @transform_0(%arg0: i32) -> (i32, i32, i32) {
    %c0_i32 = arith.constant 0 : i32
    %c0_i32_0 = arith.constant 0 : i32
    %c0_i32_1 = arith.constant 0 : i32
    return %c0_i32, %arg0, %c0_i32_0 : i32, i32, i32
  }
  func.func @transform_1(%arg0: i32) -> (i32, i32, i32) {
    %c0_i32 = arith.constant 0 : i32
    %c0_i32_0 = arith.constant 0 : i32
    %c0_i32_1 = arith.constant 0 : i32
    return %c0_i32, %arg0, %c0_i32_0 : i32, i32, i32
  }
  func.func @transform_2(%arg0: i32) -> (i32, i32) {
    %c0_i32 = arith.constant 0 : i32
    %c0_i32_0 = arith.constant 0 : i32
    return %arg0, %c0_i32 : i32, i32
  }
  func.func @transform_3(%arg0: i32) -> (i32, i32) {
    %c0_i32 = arith.constant 0 : i32
    %c0_i32_0 = arith.constant 0 : i32
    %c0_i32_1 = arith.constant 0 : i32
    return %c0_i32, %c0_i32_0 : i32, i32
  }
  func.func @transform_4(%arg0: i32) -> (i32, i32) {
    %c0_i32 = arith.constant 0 : i32
    %c0_i32_0 = arith.constant 0 : i32
    return %arg0, %c0_i32 : i32, i32
  }
}

</mosaic_0001>

<sc_bundles>
// kernel: kernel.11.cloned.1.call-start
scs
__scs_entry_jumppad:
0x0: {  	(pc) =	sbr.rel $0x88, $3  }
0x1: {  	(tag) =	ssettag $0x0;
	lr =	simm.s32 $0x1  }
0x2: {  	[smem:$0x3F99] =	sst lr;
	_ =	strace $0xD0000000  }
0x3: {  	_ = 	snop  }
0x4: {  	_ = 	snop  }
0x5: {  	_ = 	snop  }
0x6: {  	_ = 	snop  }
0x7: {  	_ = 	snop  }
__scs_overlays_trampoline_lowered:
0x8: {  	[smem:$0x3FA8] =	sst s0  }
0x9: {  	[smem:$0x3FA9] =	sst s1  }
0xa: {  	[smem:$0x3FAA] =	sst s2  }
0xb: {  	[smem:$0x3FAB] =	sst s3  }
0xc: {  	[smem:$0x3FAC] =	sst s4  }
0xd: {  	[smem:$0x3FAD] =	sst s5  }
0xe: {  	[smem:$0x3FAE] =	sst s6  }
0xf: {  	[smem:$0x3FAF] =	sst s7  }
0x10: {  	[smem:$0x3FB0] =	sst s8  }
0x11: {  	[smem:$0x3FB1] =	sst s9;
	s0 =	simm.s32 @!p0 $0x0  }
0x12: {  	s1 =	sld [smem:$0x3F97];
	s0 =	simm.s32 @p0 $0x1  }
0x13: {  	[smem:$0x3FB2] =	sst s0;
	s0 =	simm.s32 @!p1 $0x0  }
0x14: {  	s2 =	sld [smem:$0x3F96];
	s0 =	simm.s32 @p1 $0x1  }
0x15: {  	[smem:$0x3FB3] =	sst s0;
	s0 =	simm.s32 @!p2 $0x0  }
0x16: {  	s3 =	sld [smem:$0x3FDB];
	s0 =	simm.s32 @p2 $0x1  }
0x17: {  	s4 =	simm.s32 $0x1BF5;
	[smem:$0x3FB5] =	sst s0  }
0x18: {  	s0 =	sld [smem:$0x3F98];
	_ =	swait.ge [sflag:s4], $0x0  }
0x19: {  	s7 =	sld [smem:$0x3F99]  }
0x1a: {  	s8 =	sadd.s32 $0xFFFFE003, lr  }
0x1b: {  	s9 =	sadd.s32 $0xFFFFFEF7, lr;
	s5 =	simm.s32 $0xFFFFFFFF;
	p2 =	slt.u32 s8, $0xFFFFF086  }
0x1c: {  	p1 =	slt.u32 s9, $0xF7A;
	s5 =	simm.s32 @!p2 $0x0  }
0x1d: {  	s5 =	simm.s32 @p1 $0x1;
	p0 =	seq.s32 s7, s2  }
0x1e: {  	s7 =	smul.u32 @!p0 $0xF7A, s2;
	p2 =	seq.s32 @!p0 s5, $0x0  }
0x1f: {  	s9 =	smul.u32 $0xF7A, s1;
	s8 =	simm.s32 @!p0 $0x1BF5;
	p2 =	por !p2, p0  }
0x20: {  	[sflag:s8] =	ssyncset.s32 @!p0 $0xFFFFF086;
	s6 =	sadd.s32 @!p0 s3, s7;
	s7 =	simm.s32 @!p0 $0x108  }
0x21: {  	s3 =	sadd.s32 s3, s9;
	s6 =	sadd.s32 @!p0 $0x88, s6;
	s7 =	simm.s32 @p2 $0x1082  }
0x22: {  	[simem:s7], [sflag:s8] =	dma.local @!p0 [hbm:s6], $0xF7A  }
0x23: {  	s9 =	sor.u32 $0xD0000000, s2;
	s6 =	simm.s32 $0x108;
	_ =	swait.ge @!p0 [sflag:s8], $0x0  }
0x24: {  	s3 =	sadd.s32 $0x88, s3;
	s6 =	simm.s32 @!p1 $0x1082;
	[sflag:s4] =	ssyncset.s32 $0xFFFFF086  }
0x25: {  	[simem:s6], [sflag:s4] =	dma.local [hbm:s3], $0xF7A  }
0x26: {  	[smem:$0x3F99] =	sst s1;
	(tag) =	ssettag s2;
	_ =	strace s9  }
0x27: {  	s1 =	sld [smem:$0x3FA9]  }
0x28: {  	s2 =	sld [smem:$0x3FAA]  }
0x29: {  	s4 =	sld [smem:$0x3FAC]  }
0x2a: {  	p0 =	seq.s32 s5, $0x0;
	s5 =	sld [smem:$0x3FAD]  }
0x2b: {  	s6 =	sld [smem:$0x3FAE]  }
0x2c: {  	s7 =	sld [smem:$0x3FAF]  }
0x2d: {  	s3 =	simm.s32 $0x108;
	s8 =	sld [smem:$0x3FB0]  }
0x2e: {  	s3 =	simm.s32 @!p0 $0x1082;
	s9 =	sld [smem:$0x3FB1]  }
0x2f: {  	lr =	sadd.s32 s0, s3;
	s0 =	sld [smem:$0x3FA8]  }
0x30: {  	s3 =	sld [smem:$0x3FAB]  }
0x31: {  	[smem:$0x3FB4] =	sst s10  }
0x32: {  	s10 =	sld [smem:$0x3FB2];
	_ =	sdelay $0x3  }
0x33: {  	p0 =	seq.s32 s10, $0x1;
	s10 =	sld [smem:$0x3FB4];
	_ =	sdelay $0x3  }
0x34: {  	[smem:$0x3FB4] =	sst s10  }
0x35: {  	s10 =	sld [smem:$0x3FB3];
	_ =	sdelay $0x3  }
0x36: {  	p1 =	seq.s32 s10, $0x1;
	s10 =	sld [smem:$0x3FB4];
	_ =	sdelay $0x3  }
0x37: {  	[smem:$0x3FB4] =	sst s10  }
0x38: {  	s10 =	sld [smem:$0x3FB5]  }
0x39: {  	_ = 	snop;
	(pc) =	sbr.ind lr, $3  }
0x3a: {  	_ = 	snop  }
0x3b: {  	_ = 	snop  }
0x3c: {  	p2 =	seq.s32 s10, $0x1;
	s10 =	sld [smem:$0x3FB4]  }
0x3d: {  	_ =	shalt  }
0x3e: {  	_ =	shalt  }
0x3f: {  	_ =	shalt  }
0x40: {  	_ =	shalt  }
0x41: {  	_ =	shalt  }
0x42: {  	_ =	shalt  }
0x43: {  	_ =	shalt  }
0x44: {  	_ =	shalt  }
0x45: {  	_ =	shalt  }
0x46: {  	_ =	shalt  }
0x47: {  	_ =	shalt  }
0x48: {  	_ =	shalt  }
0x49: {  	_ =	shalt  }
0x4a: {  	_ =	shalt  }
0x4b: {  	_ =	shalt  }
0x4c: {  	_ =	shalt  }
0x4d: {  	_ =	shalt  }
0x4e: {  	_ =	shalt  }
0x4f: {  	_ =	shalt  }
0x50: {  	_ =	shalt  }
0x51: {  	_ =	shalt  }
0x52: {  	_ =	shalt  }
0x53: {  	_ =	shalt  }
0x54: {  	_ =	shalt  }
0x55: {  	_ =	shalt  }
0x56: {  	_ =	shalt  }
0x57: {  	_ =	shalt  }
0x58: {  	_ =	shalt  }
0x59: {  	_ =	shalt  }
0x5a: {  	_ =	shalt  }
0x5b: {  	_ =	shalt  }
0x5c: {  	_ =	shalt  }
0x5d: {  	_ =	shalt  }
0x5e: {  	_ =	shalt  }
0x5f: {  	_ =	shalt  }
0x60: {  	_ =	shalt  }
0x61: {  	_ =	shalt  }
0x62: {  	_ =	shalt  }
0x63: {  	_ =	shalt  }
0x64: {  	_ =	shalt  }
0x65: {  	_ =	shalt  }
0x66: {  	_ =	shalt  }
0x67: {  	_ =	shalt  }
0x68: {  	_ =	shalt  }
0x69: {  	_ =	shalt  }
0x6a: {  	_ =	shalt  }
0x6b: {  	_ =	shalt  }
0x6c: {  	_ =	shalt  }
0x6d: {  	_ =	shalt  }
0x6e: {  	_ =	shalt  }
0x6f: {  	_ =	shalt  }
0x70: {  	_ =	shalt  }
0x71: {  	_ =	shalt  }
0x72: {  	_ =	shalt  }
0x73: {  	_ =	shalt  }
0x74: {  	_ =	shalt  }
0x75: {  	_ =	shalt  }
0x76: {  	_ =	shalt  }
0x77: {  	_ =	shalt  }
0x78: {  	_ =	shalt  }
0x79: {  	_ =	shalt  }
0x7a: {  	_ =	shalt  }
0x7b: {  	_ =	shalt  }
0x7c: {  	_ =	shalt  }
0x7d: {  	_ =	shalt  }
0x7e: {  	_ =	shalt  }
0x7f: {  	_ =	shalt  }
0x80: {  	_ =	shalt  }
0x81: {  	_ =	shalt  }
0x82: {  	_ =	shalt  }
0x83: {  	_ =	shalt  }
0x84: {  	_ =	shalt  }
0x85: {  	_ =	shalt  }
0x86: {  	_ =	shalt  }
0x87: {  	_ =	shalt  }
.Lfunc_end0:
.L_simem_size_0:
called_computation.1_lowered:
.L_overlay_start_0:
0x88: {  	s2 =	sld [smem:$0x3FD9]  }
0x89: {  	s3 =	sld [smem:$0x3FFE];
	_ =	sdelay $0x1  }
0x8a: {  	s1 =	srdreg.scid  }
0x8b: {  	s0 =	sand.u32 $0x1, s1  }
0x8c: {  	s17 =	sshll.u32 s0, $0xA;
	s2 =	sadd.s32 s3, s2  }
0x8d: {  	s2 =	sadd.s32 s2, s17  }
0x8e: {  	[smem:$0x3FC0] =	sst s2  }
0x8f: {  	_ = 	snop  }
0x90: {  	s2 =	sld [smem:$0x3FD0];
	(tm) =	ssettm $0x1  }
0x91: {  	s18 =	sld [smem:$0x3FFB];
	_ =	sdelay $0x3  }
0x92: {  	_ =	strace s18  }
0x93: {  	s3 =	sld [smem:$0x3FFC];
	_ =	sdelay $0x3  }
0x94: {  	_ =	strace s3  }
0x95: {  	s3 =	sld [smem:$0x3FFD];
	_ =	sdelay $0x3  }
0x96: {  	_ =	strace s3  }
0x97: {  	_ =	strace $0x8FFFFFFF  }
0x98: {  	s19 =	sld [smem:$0x3FDB];
	_ =	sdelay $0x1  }
0x99: {  	s4 =	simm.s32 $_scs_section_size  }
0x9a: {  	s5 =	simm.s32 $_size__tile_overlayer_lowered;
	s6 =	simm.s32 $_tile_overlayer_lowered  }
0x9b: {  	s22 =	simm.s32 $0x1BFF;
	s21 =	sshll.u32 s6, $0x1;
	s3 =	sadd.s32 s4, s19  }
0x9c: {  	s7 =	simm.s32 $0x0;
	s20 =	sshll.u32 s5, $0x1;
	s5 =	sadd.s32 s21, s3  }
0x9d: {  	[timem:s7], [sflag:s22] =	dma.local [hbm:s5], s20  }
0x9e: {  	_ =	swait.ge [sflag:s22], s20  }
0x9f: {  	s4 =	ssub.s32 $0x0, s20;
	[sflag:s22] =	ssyncset.done $0x0  }
0xa0: {  	[sflag:s22] =	ssyncadd.s32 s4;
	_ =	sdelay $0x1  }
0xa1: {  	s23 =	simm.s32 $0x1B8B  }
0xa2: {  	_ =	swait.ge [sflag:s23], $0x1  }
0xa3: {  	[sflag:s23] =	ssyncset.done $0x0  }
0xa4: {  	s25 =	simm.s32 $0x1B8E;
	s24 =	sld [smem:$0x3FFE];
	[sflag:s23] =	ssyncadd.s32 $0xFFFFFFFF  }
0xa5: {  	s26 =	simm.s32 $execute0_lowered;
	[smem:$0x3FD2] =	sst s25  }
0xa6: {  	s5 =	sshll.u32 s26, $0x1;
	_ =	strace $0x80000049;
	[dreg:$0x1] =	wrdreg $0xFFFFFFFF  }
0xa7: {  	s28 =	simm.s32 $_size_execute0_lowered;
	s3 =	sadd.s32 s3, s5;
	[dreg:$0x0] =	wrdreg $0x0  }
0xa8: {  	s5 =	sshll.u32 s28, $0x1;
	[dreg:$0x2] =	wrdreg s3  }
0xa9: {  	[dreg:$0x3] =	wrdreg s5  }
0xaa: {  	[dreg:$0x4] =	wrdreg $0xC0  }
0xab: {  	_ =	task [dreg:s7], $0x5FFFF  }
0xac: {  	[dreg:$0x1] =	wrdreg $0xFFFFFFFF  }
0xad: {  	[dreg:$0x0] =	wrdreg $0x60  }
0xae: {  	[dreg:$0x2] =	wrdreg s2  }
0xaf: {  	[dreg:$0x3] =	wrdreg s24  }
0xb0: {  	[dreg:$0x4] =	wrdreg $0xB4000  }
0xb1: {  	[dreg:$0x5] =	wrdreg $0x9  }
0xb2: {  	_ =	task.clear_ibuf [dreg:s7], $0x6FFFF;
	_ =	strace $0x90000049  }
0xb3: {  	s29 =	simm.s32 $0x9;
	_ =	strace $0x8000004B  }
0xb4: {  	_ =	swait.ge [sflag:s29], $0x1  }
0xb5: {  	[sflag:s29] =	ssyncadd.s32 $0xFFFFFFFF  }
0xb6: {  	_ =	strace $0x9000004B  }
0xb7: {  	_ =	sfence  }
0xb8: {  	s30 =	sld [smem:$0x0];
	_ =	sdelay $0x2  }
0xb9: {  	s31 =	sshll.u32 s1, $0xD;
	s1 =	sshrl.u32 s1, $0x2  }
0xba: {  	s3 =	sand.u32 $0x4000, s31;
	s1 =	sadd.s32 s1, s30  }
0xbb: {  	s0 =	sor.u32 s3, s0;
	s1 =	sshll.u32 s1, $0x11  }
0xbc: {  	s0 =	sor.u32 s1, s0  }
0xbd: {  	s0 =	sadd.s32 $0x8F2B, s0  }
0xbe: {  	[sflag:s0] =	ssyncadd.remote.s32 $0x1  }
0xbf: {  	_ =	sfence.sel $0xFFFF  }
0xc0: {  	[dreg:$0x0] =	wrdreg $0xFFFFFFFF;
	(pc) =	sbr.abs _section_cstart, $3  }
0xc1: {  	[dreg:$0x1] =	wrdreg $0xFFFFFFFF  }
0xc2: {  	_ =	task.clear_ibuf [dreg:s7], $0x2FFFF;
	_ =	strace $0x9FFFFFFF  }
0xc3: {  	(tm) =	ssettm $0x7FFFFFFF  }
tec
execute0_lowered:
.L_overlay_start_1:
0x0: {  	(tag) =	ssettag $0x1  }
0x1: {  	s1 =	rddreg [dreg:$0x0]  }
0x2: {  	s0 =	rddreg [dreg:$0x1]  }
0x3: {  	s2 =	rddreg [dreg:$0x2];
	s3 =	srdreg.scid;
	s4 =	simm.s32 $0x0  }
0x4: {  	s16 =	stileid.u32;
	s28 =	simm.s32 $0x3400;
	s29 =	simm.s32 $0x4  }
0x5: {  	s30 =	simm.s32 $0x3;
	s31 =	simm.s32 $0x80;
	s3 =	sand.u32 $0x1, s3  }
0x6: {  	[smem:$0x7FF] =	sst s4;
	s6 =	sadd.s32 $0xBE00, s0;
	s8 =	sadd.s32 $0x2000, s0  }
0x7: {  	s0 =	sadd.s32 $0x15C00, s0;
	s14 =	smul.u32 $0x13880, s16;
	s5 =	sshll.u32 s3, $0x4  }
0x8: {  	s9 =	ssub.s32 $0x2, s3;
	s3 =	smul.u32 $0x138800, s3;
	s5 =	sor.u32 s16, s5  }
0x9: {  	_ =	strace $0x8000004A;
	s10 =	sshrl.u32 s9, $0x1;
	s7 =	smul.u32 $0x2700, s5  }
0xa: {  	s16 =	sshll.u32 s16, $0x4;
	s22 =	sadd.s32 $0xFA00, s14;
	s11 =	smul.u32 $0x4E0, s5  }
0xb: {  	s13 =	ssub.s32 s9, s10;
	s16 =	sor.u32 $0x9C00, s16;
	s20 =	sadd.s32 s14, s3  }
0xc: {  	p0 =	sgt.u32 s5, $0x3;
	s5 =	simm.s32 $0x2;
	s15 =	sadd.s32 s6, s11  }
0xd: {  	s7 =	sshrl.u32 s7, $0x3;
	s17 =	sadd.s32 s8, s11;
	[dreg:$0x4] =	wrdreg s15  }
0xe: {  	s12 =	sadd.s32 $0x1A0, s7;
	[dreg:$0x5] =	wrdreg s17;
	s15 =	sadd.s32 $0x3E80, s14  }
0xf: {  	s17 =	sadd.s32 $0x7D00, s14;
	s7 =	sadd.s32 $0x340, s7;
	s18 =	sadd.s32 s6, s12  }
0x10: {  	s9 =	sadd.s32 s8, s12;
	s10 =	sadd.s32 s15, s2;
	s11 =	sadd.s32 s17, s2  }
0x11: {  	s19 =	sadd.s32 s6, s7;
	s7 =	sadd.s32 s8, s7;
	[dreg:$0x6] =	wrdreg s18  }
0x12: {  	s6 =	sadd.s32 s6, s16;
	s21 =	sadd.s32 s3, s15;
	[dreg:$0x7] =	wrdreg s9  }
0x13: {  	s23 =	sadd.s32 s3, s17;
	s17 =	sadd.s32 s22, s2;
	[dreg:$0x8] =	wrdreg s19  }
0x14: {  	s9 =	sadd.s32 s14, s2;
	s18 =	sadd.s32 $0xBB80, s14;
	[dreg:$0x9] =	wrdreg s7  }
0x15: {  	[dreg:$0xa] =	wrdreg s6;
	s19 =	sadd.s32 s8, s16;
	s6 =	sshrl.u32 s20, $0x3  }
0x16: {  	s7 =	sshrl.u32 s21, $0x3;
	s25 =	sshrl.u32 s23, $0x3;
	s23 =	smax.u32 s13, $0x1  }
0x17: {  	s8 =	simm.s32 $0x0;
	s12 =	sadd.s32 s18, s2;
	[dreg:$0xb] =	wrdreg s19  }
0x18: {  	s24 =	sadd.s32 s3, s18;
	s3 =	sadd.s32 s3, s22;
	s6 =	sadd.s32 s0, s6  }
.Ltmp0:
0x19: {  	s19 =	sadd.s32 s0, s7;
	s20 =	sadd.s32 s0, s25;
	(pc) =	sbr.rel .LBB2_1-.Ltmp0, $4  }
0x1a: {  	s25 =	simm.s32 $0x1A00;
	s7 =	simm.s32 $0xD80;
	[dreg:$0xc] =	wrdreg s6  }
0x1b: {  	s26 =	sshrl.u32 s24, $0x3;
	s3 =	sshrl.u32 s3, $0x3;
	s24 =	simm.s32 $0xD00  }
0x1c: {  	s6 =	simm.s32 $0x100;
	s21 =	sadd.s32 s0, s26;
	s22 =	sadd.s32 s0, s3  }
0x1d: {  	v0 =	vimm.f32 $0.0e+00;
	s26 =	simm.s32 $0x2700;
	s0 =	simm.s32 $0x1;
	s3 =	simm.s32 $0x7400  }
.LBB2_12:
0x1e: {  	[spmem:s2] =	stream.indirect.scatter.add.f32 [tilespmem:s3], [sflag:$0x2], $0x80, s15, s31, $0xb8;
	[tilespmem:$0x1EC80] =	vst v63  }
0x1f: {  	_ =	swait.ge [sflag:s5], $0x4000  }
0x20: {  	[sflag:s5] =	ssyncset.done $0x0  }
0x21: {  	s13 =	simm.s32 @!p0 $0x0;
	s14 =	rddreg [dreg:$0xa];
	[sflag:s5] =	ssyncadd.s32 $0xFFFFC000  }
0x22: {  	[tilespmem:s13], [sflag:$0x4] =	stream.linear.gather @!p0 [hbm4b:s14+s13], $0x80, $0x38;
	[tilespmem:$0x1EC80] =	vst v63  }
0x23: {  	s14 =	simm.s32 @!p0 $0x4  }
0x24: {  	_ =	swait.ge @!p0 [sflag:s14], $0x80  }
0x25: {  	[sflag:s14] =	ssyncset.done @!p0 $0x0  }
0x26: {  	s15 =	simm.s32 @!p0 $0xD00;
	s16 =	rddreg [dreg:$0xb];
	[sflag:s14] =	ssyncadd.s32 @!p0 $0xFFFFFF80  }
0x27: {  	[tilespmem:s15], [sflag:$0x4] =	stream.linear.gather @!p0 [hbm4b:s16+s13], $0x80, $0x38;
	[tilespmem:$0x1EC80] =	vst v63  }
0x28: {  	_ =	swait.ge @!p0 [sflag:s14], $0x80  }
0x29: {  	[sflag:s14] =	ssyncset.done @!p0 $0x0  }
0x2a: {  	s18 =	simm.s32 @!p0 $0x3400;
	s16 =	simm.s32 @!p0 $0x80;
	[sflag:s14] =	ssyncadd.s32 @!p0 $0xFFFFFF80  }
0x2b: {  	[tilespmem:s18], [sflag:$0x1] =	stream.indirect.gather @!p0 [hbm4b:s1+s16], $0x80, s13, s16, $0xb8;
	[tilespmem:$0x1EC80] =	vst v63  }
0x2c: {  	s13 =	simm.s32 @!p0 $0x1  }
0x2d: {  	_ =	swait.ge @!p0 [sflag:s13], $0x4000  }
0x2e: {  	[sflag:s13] =	ssyncset.done @!p0 $0x0  }
0x2f: {  	[sflag:s13] =	ssyncadd.s32 @!p0 $0xFFFFC000  }
0x30: {  	[spmem:s2] =	stream.indirect.scatter.add.f32 @!p0 [tilespmem:s18], [sflag:$0x4], $0x80, s15, s16, $0xb8;
	[tilespmem:$0x1EC80] =	vst v63  }
0x31: {  	_ =	swait.ge @!p0 [sflag:s14], $0x4000  }
0x32: {  	[sflag:s14] =	ssyncset.done @!p0 $0x0  }
0x33: {  	[sflag:s14] =	ssyncadd.s32 @!p0 $0xFFFFC000  }
0x34: {  	[bflag:$0x0] =	sbarrier.arrive $0xFFFF  }
0x35: {  	[tilespmem:s28], [sflag:$0x4] =	stream.linear.gather [spmem:s9], $0x3E80, $0x38;
	[tilespmem:$0x1EC80] =	vst v63  }
0x36: {  	_ =	swait.ge [sflag:s29], $0x3E80  }
0x37: {  	[sflag:s29] =	ssyncset.done $0x0  }
0x38: {  	s18 =	rddreg [dreg:$0xc];
	[sflag:s29] =	ssyncadd.s32 $0xFFFFC180  }
0x39: {  	[hbm4b:s18+s4] =	stream.linear.scatter [tilespmem:s28], [sflag:$0x4], $0x3E80, $0x38;
	[tilespmem:$0x1EC80] =	vst v63  }
0x3a: {  	_ =	swait.ge [sflag:s29], $0x3E80  }
0x3b: {  	[sflag:s29] =	ssyncset.done $0x0  }
0x3c: {  	[sflag:s29] =	ssyncadd.s32 $0xFFFFC180  }
0x3d: {  	[tilespmem:s28], [sflag:$0x4] =	stream.linear.gather [spmem:s10], $0x3E80, $0x38;
	[tilespmem:$0x1EC80] =	vst v63  }
0x3e: {  	_ =	swait.ge [sflag:s29], $0x3E80  }
0x3f: {  	[sflag:s29] =	ssyncset.done $0x0  }
0x40: {  	[sflag:s29] =	ssyncadd.s32 $0xFFFFC180  }
0x41: {  	[hbm4b:s19+s4] =	stream.linear.scatter [tilespmem:s28], [sflag:$0x4], $0x3E80, $0x38;
	[tilespmem:$0x1EC80] =	vst v63  }
0x42: {  	_ =	swait.ge [sflag:s29], $0x3E80  }
0x43: {  	[sflag:s29] =	ssyncset.done $0x0  }
0x44: {  	[sflag:s29] =	ssyncadd.s32 $0xFFFFC180  }
0x45: {  	[tilespmem:s28], [sflag:$0x4] =	stream.linear.gather [spmem:s11], $0x3E80, $0x38;
	[tilespmem:$0x1EC80] =	vst v63  }
0x46: {  	_ =	swait.ge [sflag:s29], $0x3E80  }
0x47: {  	[sflag:s29] =	ssyncset.done $0x0  }
0x48: {  	[sflag:s29] =	ssyncadd.s32 $0xFFFFC180  }
0x49: {  	[hbm4b:s20+s4] =	stream.linear.scatter [tilespmem:s28], [sflag:$0x4], $0x3E80, $0x38;
	[tilespmem:$0x1EC80] =	vst v63  }
0x4a: {  	_ =	swait.ge [sflag:s29], $0x3E80  }
0x4b: {  	[sflag:s29] =	ssyncset.done $0x0  }
0x4c: {  	[sflag:s29] =	ssyncadd.s32 $0xFFFFC180  }
0x4d: {  	[tilespmem:s28], [sflag:$0x4] =	stream.linear.gather [spmem:s12], $0x3E80, $0x38;
	[tilespmem:$0x1EC80] =	vst v63  }
0x4e: {  	_ =	swait.ge [sflag:s29], $0x3E80  }
0x4f: {  	[sflag:s29] =	ssyncset.done $0x0  }
0x50: {  	[sflag:s29] =	ssyncadd.s32 $0xFFFFC180  }
0x51: {  	[hbm4b:s21+s4] =	stream.linear.scatter [tilespmem:s28], [sflag:$0x4], $0x3E80, $0x38;
	[tilespmem:$0x1EC80] =	vst v63  }
0x52: {  	_ =	swait.ge [sflag:s29], $0x3E80  }
0x53: {  	[sflag:s29] =	ssyncset.done $0x0  }
0x54: {  	[sflag:s29] =	ssyncadd.s32 $0xFFFFC180  }
0x55: {  	[tilespmem:s28], [sflag:$0x4] =	stream.linear.gather [spmem:s17], $0x3E80, $0x38;
	[tilespmem:$0x1EC80] =	vst v63  }
0x56: {  	s8 =	sadd.s32 $0x1, s8;
	_ =	swait.ge [sflag:s29], $0x3E80  }
0x57: {  	p1 =	sne.s32 s8, s23;
	[sflag:s29] =	ssyncset.done $0x0  }
.Ltmp1:
0x58: {  	[sflag:s29] =	ssyncadd.s32 $0xFFFFC180;
	(pc) =	sbr.rel @!p1 .LBB2_13-.Ltmp1, $4  }
0x59: {  	[hbm4b:s22+s4] =	stream.linear.scatter [tilespmem:s28], [sflag:$0x4], $0x3E80, $0x38;
	[tilespmem:$0x1EC80] =	vst v63  }
0x5a: {  	_ =	swait.ge [sflag:s29], $0x3E80  }
0x5b: {  	[sflag:s29] =	ssyncset.done $0x0  }
0x5c: {  	[sflag:s29] =	ssyncadd.s32 $0xFFFFC180  }
.LBB2_1:
0x5d: {  	s13 =	rddreg [dreg:$0x4]  }
0x5e: {  	[tilespmem:s4], [sflag:$0x3] =	stream.linear.gather [hbm4b:s13+s4], $0xD00, $0x38;
	[tilespmem:$0x1EC80] =	vst v63  }
0x5f: {  	s15 =	rddreg [dreg:$0x5]  }
0x60: {  	[tilespmem:s24], [sflag:$0x3] =	stream.linear.gather [hbm4b:s15+s4], $0xD00, $0x38;
	[tilespmem:$0x1EC80] =	vst v63  }
0x61: {  	s16 =	rddreg [dreg:$0x6]  }
0x62: {  	[tilespmem:s25], [sflag:$0x3] =	stream.linear.gather [hbm4b:s16+s4], $0xD00, $0x38;
	[tilespmem:$0x1EC80] =	vst v63  }
0x63: {  	s18 =	rddreg [dreg:$0x7];
	s14 =	simm.s32 $0x200;
	s13 =	simm.s32 $0x0  }
0x64: {  	[tilespmem:s26], [sflag:$0x3] =	stream.linear.gather [hbm4b:s18+s4], $0xD00, $0x38;
	[tilespmem:$0x1EC80] =	vst v63  }
.LBB2_2:
0x65: {  	p1 =	sne.s32 s14, $0xF800;
	[tilespmem:s13+$0x3470] =	vst v0  }
0x66: {  	[tilespmem:s13+$0x3400] =	vst v0  }
0x67: {  	[tilespmem:s13+$0x3410] =	vst v0  }
.Ltmp2:
0x68: {  	[tilespmem:s13+$0x3420] =	vst v0;
	(pc) =	sbr.rel @p1 .LBB2_2-.Ltmp2, $4  }
0x69: {  	[tilespmem:s13+$0x3430] =	vst v0  }
0x6a: {  	[tilespmem:s13+$0x3440] =	vst v0  }
0x6b: {  	[tilespmem:s13+$0x3450] =	vst v0  }
0x6c: {  	[tilespmem:s13+$0x3460] =	vst v0;
	s13 =	sshra.s32 s14, $0x2;
	s14 =	sadd.s32 $0x200, s14  }
0x6d: {  	[tilespmem:s13+$0x3470] =	vst v0  }
0x6e: {  	[tilespmem:s13+$0x3400] =	vst v0  }
0x6f: {  	[tilespmem:s13+$0x3410] =	vst v0  }
0x70: {  	[tilespmem:s13+$0x3420] =	vst v0  }
0x71: {  	[tilespmem:s13+$0x3430] =	vst v0  }
0x72: {  	[tilespmem:s13+$0x3440] =	vst v0  }
0x73: {  	[tilespmem:s13+$0x3450] =	vst v0  }
0x74: {  	[tilespmem:s13+$0x3460] =	vst v0  }
0x75: {  	[spmem:s9] =	stream.linear.scatter [tilespmem:s28], [sflag:$0x4], $0x3E80, $0x38;
	[tilespmem:$0x1EC80] =	vst v63  }
0x76: {  	_ =	swait.ge [sflag:s29], $0x3E80  }
0x77: {  	[sflag:s29] =	ssyncset.done $0x0  }
0x78: {  	[sflag:s29] =	ssyncadd.s32 $0xFFFFC180  }
0x79: {  	[spmem:s10] =	stream.linear.scatter [tilespmem:s28], [sflag:$0x4], $0x3E80, $0x38;
	[tilespmem:$0x1EC80] =	vst v63  }
0x7a: {  	_ =	swait.ge [sflag:s29], $0x3E80  }
0x7b: {  	[sflag:s29] =	ssyncset.done $0x0  }
0x7c: {  	[sflag:s29] =	ssyncadd.s32 $0xFFFFC180  }
0x7d: {  	[spmem:s11] =	stream.linear.scatter [tilespmem:s28], [sflag:$0x4], $0x3E80, $0x38;
	[tilespmem:$0x1EC80] =	vst v63  }
0x7e: {  	_ =	swait.ge [sflag:s29], $0x3E80  }
0x7f: {  	[sflag:s29] =	ssyncset.done $0x0  }
0x80: {  	[sflag:s29] =	ssyncadd.s32 $0xFFFFC180  }
0x81: {  	[spmem:s12] =	stream.linear.scatter [tilespmem:s28], [sflag:$0x4], $0x3E80, $0x38;
	[tilespmem:$0x1EC80] =	vst v63  }
0x82: {  	_ =	swait.ge [sflag:s29], $0x3E80  }
0x83: {  	[sflag:s29] =	ssyncset.done $0x0  }
0x84: {  	[sflag:s29] =	ssyncadd.s32 $0xFFFFC180  }
0x85: {  	[spmem:s17] =	stream.linear.scatter [tilespmem:s28], [sflag:$0x4], $0x3E80, $0x38;
	[tilespmem:$0x1EC80] =	vst v63  }
0x86: {  	_ =	swait.ge [sflag:s29], $0x3E80  }
0x87: {  	[sflag:s29] =	ssyncset.done $0x0  }
0x88: {  	[sflag:s29] =	ssyncadd.s32 $0xFFFFC180  }
0x89: {  	[bflag:$0x0] =	sbarrier.arrive $0xFFFF  }
0x8a: {  	_ =	swait.ge [sflag:s30], $0xD00  }
0x8b: {  	[sflag:s30] =	ssyncset.done $0x0  }
0x8c: {  	[sflag:s30] =	ssyncadd.s32 $0xFFFFF300  }
0x8d: {  	_ =	swait.ge [sflag:s30], $0xD00  }
0x8e: {  	[sflag:s30] =	ssyncset.done $0x0  }
0x8f: {  	[sflag:s30] =	ssyncadd.s32 $0xFFFFF300  }
0x90: {  	[tilespmem:s28], [sflag:$0x1] =	stream.indirect.gather [hbm4b:s1+s31], $0x80, s4, s31, $0xb8;
	[tilespmem:$0x1EC80] =	vst v63  }
0x91: {  	_ =	swait.ge [sflag:s0], $0x4000  }
0x92: {  	[sflag:s0] =	ssyncset.done $0x0  }
0x93: {  	[sflag:s0] =	ssyncadd.s32 $0xFFFFC000  }
0x94: {  	[tilespmem:s3], [sflag:$0x1] =	stream.indirect.gather [hbm4b:s1+s31], $0x80, s31, s31, $0xb8;
	[tilespmem:$0x1EC80] =	vst v63  }
0x95: {  	_ = 	snop  }
0x96: {  	[spmem:s2] =	stream.indirect.scatter.add.f32 [tilespmem:s28], [sflag:$0x2], $0x80, s24, s31, $0xb8;
	[tilespmem:$0x1EC80] =	vst v63  }
0x97: {  	_ =	swait.ge [sflag:s0], $0x4000  }
0x98: {  	[sflag:s0] =	ssyncset.done $0x0  }
0x99: {  	[sflag:s0] =	ssyncadd.s32 $0xFFFFC000  }
0x9a: {  	_ =	swait.ge [sflag:s5], $0x4000  }
0x9b: {  	[sflag:s5] =	ssyncset.done $0x0  }
0x9c: {  	[sflag:s5] =	ssyncadd.s32 $0xFFFFC000  }
0x9d: {  	[tilespmem:s28], [sflag:$0x1] =	stream.indirect.gather [hbm4b:s1+s31], $0x80, s6, s31, $0xb8;
	[tilespmem:$0x1EC80] =	vst v63  }
0x9e: {  	s13 =	simm.s32 $0xFFFFD400  }
0x9f: {  	[spmem:s2] =	stream.indirect.scatter.add.f32 [tilespmem:s3], [sflag:$0x2], $0x80, s7, s31, $0xb8;
	[tilespmem:$0x1EC80] =	vst v63  }
.LBB2_4:
0xa0: {  	_ =	swait.ge [sflag:s0], $0x4000  }
0xa1: {  	[sflag:s0] =	ssyncset.done $0x0  }
0xa2: {  	[sflag:s0] =	ssyncadd.s32 $0xFFFFC000  }
0xa3: {  	_ =	swait.ge [sflag:s5], $0x4000  }
0xa4: {  	s14 =	sshra.s32 s13, $0x2;
	[sflag:s5] =	ssyncset.done $0x0  }
0xa5: {  	s15 =	sadd.s32 $0xC80, s14;
	[sflag:s5] =	ssyncadd.s32 $0xFFFFC000  }
0xa6: {  	[tilespmem:s3], [sflag:$0x1] =	stream.indirect.gather [hbm4b:s1+s31], $0x80, s15, s31, $0xb8;
	[tilespmem:$0x1EC80] =	vst v63  }
0xa7: {  	s18 =	sadd.s32 $0x1900, s14  }
0xa8: {  	[spmem:s2] =	stream.indirect.scatter.add.f32 [tilespmem:s28], [sflag:$0x2], $0x80, s18, s31, $0xb8;
	[tilespmem:$0x1EC80] =	vst v63  }
0xa9: {  	p1 =	seq.s32 s13, $0x0;
	_ =	swait.ge [sflag:s0], $0x4000  }
.Ltmp3:
0xaa: {  	[sflag:s0] =	ssyncset.done $0x0;
	(pc) =	sbr.rel @p1 .LBB2_6-.Ltmp3, $4  }
0xab: {  	[sflag:s0] =	ssyncadd.s32 $0xFFFFC000  }
0xac: {  	_ =	swait.ge [sflag:s5], $0x4000  }
0xad: {  	[sflag:s5] =	ssyncset.done $0x0  }
0xae: {  	s15 =	sadd.s32 $0x1980, s14;
	[sflag:s5] =	ssyncadd.s32 $0xFFFFC000  }
.Ltmp4:
0xaf: {  	(pc) =	sbr.rel .LBB2_4-.Ltmp4, $4  }
0xb0: {  	s14 =	sadd.s32 $0xD00, s14  }
0xb1: {  	[tilespmem:s28], [sflag:$0x1] =	stream.indirect.gather [hbm4b:s1+s31], $0x80, s14, s31, $0xb8;
	[tilespmem:$0x1EC80] =	vst v63  }
0xb2: {  	s13 =	sadd.s32 $0x400, s13  }
0xb3: {  	[spmem:s2] =	stream.indirect.scatter.add.f32 [tilespmem:s3], [sflag:$0x2], $0x80, s15, s31, $0xb8;
	[tilespmem:$0x1EC80] =	vst v63  }
.LBB2_6:
0xb4: {  	[spmem:s2] =	stream.indirect.scatter.add.f32 [tilespmem:s3], [sflag:$0x2], $0x80, s15, s31, $0xb8;
	[tilespmem:$0x1EC80] =	vst v63  }
0xb5: {  	_ =	swait.ge [sflag:s5], $0x4000  }
0xb6: {  	[sflag:s5] =	ssyncset.done $0x0  }
0xb7: {  	s13 =	rddreg [dreg:$0x8];
	[sflag:s5] =	ssyncadd.s32 $0xFFFFC000  }
0xb8: {  	[tilespmem:s4], [sflag:$0x3] =	stream.linear.gather [hbm4b:s13+s4], $0xD00, $0x38;
	[tilespmem:$0x1EC80] =	vst v63  }
0xb9: {  	s14 =	rddreg [dreg:$0x9]  }
0xba: {  	[tilespmem:s24], [sflag:$0x3] =	stream.linear.gather [hbm4b:s14+s4], $0xD00, $0x38;
	[tilespmem:$0x1EC80] =	vst v63  }
0xbb: {  	_ =	swait.ge [sflag:s30], $0xD00  }
0xbc: {  	[sflag:s30] =	ssyncset.done $0x0  }
0xbd: {  	[sflag:s30] =	ssyncadd.s32 $0xFFFFF300  }
0xbe: {  	_ =	swait.ge [sflag:s30], $0xD00  }
0xbf: {  	[sflag:s30] =	ssyncset.done $0x0  }
0xc0: {  	[sflag:s30] =	ssyncadd.s32 $0xFFFFF300  }
0xc1: {  	[tilespmem:s28], [sflag:$0x1] =	stream.indirect.gather [hbm4b:s1+s31], $0x80, s25, s31, $0xb8;
	[tilespmem:$0x1EC80] =	vst v63  }
0xc2: {  	_ =	swait.ge [sflag:s0], $0x4000  }
0xc3: {  	[sflag:s0] =	ssyncset.done $0x0  }
0xc4: {  	s15 =	simm.s32 $0x1A80;
	[sflag:s0] =	ssyncadd.s32 $0xFFFFC000  }
0xc5: {  	[tilespmem:s3], [sflag:$0x1] =	stream.indirect.gather [hbm4b:s1+s31], $0x80, s15, s31, $0xb8;
	[tilespmem:$0x1EC80] =	vst v63  }
0xc6: {  	_ = 	snop  }
0xc7: {  	[spmem:s2] =	stream.indirect.scatter.add.f32 [tilespmem:s28], [sflag:$0x2], $0x80, s26, s31, $0xb8;
	[tilespmem:$0x1EC80] =	vst v63  }
0xc8: {  	_ =	swait.ge [sflag:s0], $0x4000  }
0xc9: {  	[sflag:s0] =	ssyncset.done $0x0  }
0xca: {  	[sflag:s0] =	ssyncadd.s32 $0xFFFFC000  }
0xcb: {  	_ =	swait.ge [sflag:s5], $0x4000  }
0xcc: {  	[sflag:s5] =	ssyncset.done $0x0  }
0xcd: {  	s16 =	simm.s32 $0x1B00;
	[sflag:s5] =	ssyncadd.s32 $0xFFFFC000  }
0xce: {  	[tilespmem:s28], [sflag:$0x1] =	stream.indirect.gather [hbm4b:s1+s31], $0x80, s16, s31, $0xb8;
	[tilespmem:$0x1EC80] =	vst v63  }
0xcf: {  	s18 =	simm.s32 $0x2780;
	s13 =	simm.s32 $0xFFFFD400  }
0xd0: {  	[spmem:s2] =	stream.indirect.scatter.add.f32 [tilespmem:s3], [sflag:$0x2], $0x80, s18, s31, $0xb8;
	[tilespmem:$0x1EC80] =	vst v63  }
.LBB2_7:
0xd1: {  	_ =	swait.ge [sflag:s0], $0x4000  }
0xd2: {  	[sflag:s0] =	ssyncset.done $0x0  }
0xd3: {  	[sflag:s0] =	ssyncadd.s32 $0xFFFFC000  }
0xd4: {  	_ =	swait.ge [sflag:s5], $0x4000  }
0xd5: {  	s14 =	sshra.s32 s13, $0x2;
	[sflag:s5] =	ssyncset.done $0x0  }
0xd6: {  	s15 =	sadd.s32 $0x2680, s14;
	[sflag:s5] =	ssyncadd.s32 $0xFFFFC000  }
0xd7: {  	[tilespmem:s3], [sflag:$0x1] =	stream.indirect.gather [hbm4b:s1+s31], $0x80, s15, s31, $0xb8;
	[tilespmem:$0x1EC80] =	vst v63  }
0xd8: {  	s18 =	sadd.s32 $0x3300, s14  }
0xd9: {  	[spmem:s2] =	stream.indirect.scatter.add.f32 [tilespmem:s28], [sflag:$0x2], $0x80, s18, s31, $0xb8;
	[tilespmem:$0x1EC80] =	vst v63  }
0xda: {  	p1 =	seq.s32 s13, $0x0;
	_ =	swait.ge [sflag:s0], $0x4000  }
.Ltmp5:
0xdb: {  	[sflag:s0] =	ssyncset.done $0x0;
	(pc) =	sbr.rel @p1 .LBB2_9-.Ltmp5, $4  }
0xdc: {  	[sflag:s0] =	ssyncadd.s32 $0xFFFFC000  }
0xdd: {  	_ =	swait.ge [sflag:s5], $0x4000  }
0xde: {  	[sflag:s5] =	ssyncset.done $0x0  }
0xdf: {  	s15 =	sadd.s32 $0x3380, s14;
	[sflag:s5] =	ssyncadd.s32 $0xFFFFC000  }
.Ltmp6:
0xe0: {  	(pc) =	sbr.rel .LBB2_7-.Ltmp6, $4  }
0xe1: {  	s14 =	sadd.s32 $0x2700, s14  }
0xe2: {  	[tilespmem:s28], [sflag:$0x1] =	stream.indirect.gather [hbm4b:s1+s31], $0x80, s14, s31, $0xb8;
	[tilespmem:$0x1EC80] =	vst v63  }
0xe3: {  	s13 =	sadd.s32 $0x400, s13  }
0xe4: {  	[spmem:s2] =	stream.indirect.scatter.add.f32 [tilespmem:s3], [sflag:$0x2], $0x80, s15, s31, $0xb8;
	[tilespmem:$0x1EC80] =	vst v63  }
.LBB2_9:
0xe5: {  	[spmem:s2] =	stream.indirect.scatter.add.f32 [tilespmem:s3], [sflag:$0x2], $0x80, s15, s31, $0xb8;
	[tilespmem:$0x1EC80] =	vst v63  }
0xe6: {  	_ =	swait.ge [sflag:s5], $0x4000  }
0xe7: {  	[sflag:s5] =	ssyncset.done $0x0  }
0xe8: {  	[sflag:s5] =	ssyncadd.s32 $0xFFFFC000  }
0xe9: {  	_ =	swait.ge [sflag:s30], $0xD00  }
0xea: {  	[sflag:s30] =	ssyncset.done $0x0  }
0xeb: {  	[sflag:s30] =	ssyncadd.s32 $0xFFFFF300  }
0xec: {  	_ =	swait.ge [sflag:s30], $0xD00  }
0xed: {  	[sflag:s30] =	ssyncset.done $0x0  }
0xee: {  	[sflag:s30] =	ssyncadd.s32 $0xFFFFF300  }
0xef: {  	[tilespmem:s28], [sflag:$0x1] =	stream.indirect.gather [hbm4b:s1+s31], $0x80, s4, s31, $0xb8;
	[tilespmem:$0x1EC80] =	vst v63  }
0xf0: {  	_ =	swait.ge [sflag:s0], $0x4000  }
0xf1: {  	[sflag:s0] =	ssyncset.done $0x0  }
0xf2: {  	[sflag:s0] =	ssyncadd.s32 $0xFFFFC000  }
0xf3: {  	[tilespmem:s3], [sflag:$0x1] =	stream.indirect.gather [hbm4b:s1+s31], $0x80, s31, s31, $0xb8;
	[tilespmem:$0x1EC80] =	vst v63  }
0xf4: {  	_ = 	snop  }
0xf5: {  	[spmem:s2] =	stream.indirect.scatter.add.f32 [tilespmem:s28], [sflag:$0x2], $0x80, s24, s31, $0xb8;
	[tilespmem:$0x1EC80] =	vst v63  }
0xf6: {  	_ =	swait.ge [sflag:s0], $0x4000  }
0xf7: {  	[sflag:s0] =	ssyncset.done $0x0  }
0xf8: {  	[sflag:s0] =	ssyncadd.s32 $0xFFFFC000  }
0xf9: {  	_ =	swait.ge [sflag:s5], $0x4000  }
0xfa: {  	[sflag:s5] =	ssyncset.done $0x0  }
0xfb: {  	[sflag:s5] =	ssyncadd.s32 $0xFFFFC000  }
0xfc: {  	[tilespmem:s28], [sflag:$0x1] =	stream.indirect.gather [hbm4b:s1+s31], $0x80, s6, s31, $0xb8;
	[tilespmem:$0x1EC80] =	vst v63  }
0xfd: {  	s13 =	simm.s32 $0xFFFFD400  }
0xfe: {  	[spmem:s2] =	stream.indirect.scatter.add.f32 [tilespmem:s3], [sflag:$0x2], $0x80, s7, s31, $0xb8;
	[tilespmem:$0x1EC80] =	vst v63  }
.LBB2_10:
0xff: {  	_ =	swait.ge [sflag:s0], $0x4000  }
0x100: {  	[sflag:s0] =	ssyncset.done $0x0  }
0x101: {  	[sflag:s0] =	ssyncadd.s32 $0xFFFFC000  }
0x102: {  	_ =	swait.ge [sflag:s5], $0x4000  }
0x103: {  	s14 =	sshra.s32 s13, $0x2;
	[sflag:s5] =	ssyncset.done $0x0  }
0x104: {  	s15 =	sadd.s32 $0xC80, s14;
	[sflag:s5] =	ssyncadd.s32 $0xFFFFC000  }
0x105: {  	[tilespmem:s3], [sflag:$0x1] =	stream.indirect.gather [hbm4b:s1+s31], $0x80, s15, s31, $0xb8;
	[tilespmem:$0x1EC80] =	vst v63  }
0x106: {  	s18 =	sadd.s32 $0x1900, s14  }
0x107: {  	[spmem:s2] =	stream.indirect.scatter.add.f32 [tilespmem:s28], [sflag:$0x2], $0x80, s18, s31, $0xb8;
	[tilespmem:$0x1EC80] =	vst v63  }
0x108: {  	p1 =	seq.s32 s13, $0x0;
	_ =	swait.ge [sflag:s0], $0x4000  }
.Ltmp7:
0x109: {  	[sflag:s0] =	ssyncset.done $0x0;
	(pc) =	sbr.rel @p1 .LBB2_12-.Ltmp7, $4  }
0x10a: {  	[sflag:s0] =	ssyncadd.s32 $0xFFFFC000  }
0x10b: {  	_ =	swait.ge [sflag:s5], $0x4000  }
0x10c: {  	[sflag:s5] =	ssyncset.done $0x0  }
0x10d: {  	s15 =	sadd.s32 $0x1980, s14;
	[sflag:s5] =	ssyncadd.s32 $0xFFFFC000  }
.Ltmp8:
0x10e: {  	(pc) =	sbr.rel .LBB2_10-.Ltmp8, $4  }
0x10f: {  	s14 =	sadd.s32 $0xD00, s14  }
0x110: {  	[tilespmem:s28], [sflag:$0x1] =	stream.indirect.gather [hbm4b:s1+s31], $0x80, s14, s31, $0xb8;
	[tilespmem:$0x1EC80] =	vst v63  }
0x111: {  	s13 =	sadd.s32 $0x400, s13  }
0x112: {  	[spmem:s2] =	stream.indirect.scatter.add.f32 [tilespmem:s3], [sflag:$0x2], $0x80, s15, s31, $0xb8;
	[tilespmem:$0x1EC80] =	vst v63  }
.LBB2_13:
0x113: {  	_ =	sfence.sel $0x180000  }
0x114: {  	[bflag:$0x0] =	sbarrier.arrive $0xFFFF  }
0x115: {  	_ =	strace $0x9000004A  }
0x116: {  	s0 =	stileid.u32;
	[bflag:$0x2] =	sbarrier.arrive $0xFFFF  }
0x117: {  	p0 =	sne.s32 s0, $0x0;
	s0 =	rddreg [dreg:$0x3]  }
0x118: {  	s0 =	sadd.s32 @!p0 $0x100000, s0  }
0x119: {  	[sflag:s0] =	ssyncadd.tile.s32 @!p0 $0x1;
	_ =	shalt  }
.Lfunc_end2:
_tile_overlayer_lowered:
.L_overlay_start_2:
0x11a: {  	(tag) =	ssettag $0x2  }
0x11b: {  	s0 =	rddreg [dreg:$0x0];
	s2 =	stileid.u32  }
0x11c: {  	s1 =	rddreg [dreg:$0x1];
	p0 =	sne.s32 s2, $0x0  }
0x11d: {  	s3 =	rddreg [dreg:$0x2];
	[bflag:$0x3] =	sbarrier.arrive $0xFFFF;
	s2 =	simm.s32 @!p0 $0x1C04  }
0x11e: {  	[timem:s3], [sflag:s2] =	dma.local @!p0 [hbm:s0], s1  }
0x11f: {  	s0 =	simm.s32 @!p0 $0x4  }
0x120: {  	_ =	swait.ge @!p0 [sflag:s0], s1  }
0x121: {  	s1 =	ssub.s32 @!p0 $0x0, s1;
	[sflag:s0] =	ssyncset.done @!p0 $0x0  }
0x122: {  	[sflag:s0] =	ssyncadd.s32 @!p0 s1  }
0x123: {  	[bflag:$0x3] =	sbarrier.arrive $0xFFFF  }
0x124: {  	_ =	shalt  }

// kernel: kernel.8.cloned.1.call-start
scs
__scs_entry_jumppad:
0x0: {  	(pc) =	sbr.rel $0x88, $3  }
0x1: {  	(tag) =	ssettag $0x0;
	lr =	simm.s32 $0x1  }
0x2: {  	[smem:$0x3F99] =	sst lr;
	_ =	strace $0xD0000000  }
0x3: {  	_ = 	snop  }
0x4: {  	_ = 	snop  }
0x5: {  	_ = 	snop  }
0x6: {  	_ = 	snop  }
0x7: {  	_ = 	snop  }
__scs_overlays_trampoline_lowered:
0x8: {  	[smem:$0x3FA8] =	sst s0  }
0x9: {  	[smem:$0x3FA9] =	sst s1  }
0xa: {  	[smem:$0x3FAA] =	sst s2  }
0xb: {  	[smem:$0x3FAB] =	sst s3  }
0xc: {  	[smem:$0x3FAC] =	sst s4  }
0xd: {  	[smem:$0x3FAD] =	sst s5  }
0xe: {  	[smem:$0x3FAE] =	sst s6  }
0xf: {  	[smem:$0x3FAF] =	sst s7  }
0x10: {  	[smem:$0x3FB0] =	sst s8  }
0x11: {  	[smem:$0x3FB1] =	sst s9;
	s0 =	simm.s32 @!p0 $0x0  }
0x12: {  	s1 =	sld [smem:$0x3F97];
	s0 =	simm.s32 @p0 $0x1  }
0x13: {  	[smem:$0x3FB2] =	sst s0;
	s0 =	simm.s32 @!p1 $0x0  }
0x14: {  	s2 =	sld [smem:$0x3F96];
	s0 =	simm.s32 @p1 $0x1  }
0x15: {  	[smem:$0x3FB3] =	sst s0;
	s0 =	simm.s32 @!p2 $0x0  }
0x16: {  	s3 =	sld [smem:$0x3FDB];
	s0 =	simm.s32 @p2 $0x1  }
0x17: {  	s4 =	simm.s32 $0x1BF5;
	[smem:$0x3FB5] =	sst s0  }
0x18: {  	s0 =	sld [smem:$0x3F98];
	_ =	swait.ge [sflag:s4], $0x0  }
0x19: {  	s7 =	sld [smem:$0x3F99]  }
0x1a: {  	s8 =	sadd.s32 $0xFFFFE003, lr  }
0x1b: {  	s9 =	sadd.s32 $0xFFFFFEF7, lr;
	s5 =	simm.s32 $0xFFFFFFFF;
	p2 =	slt.u32 s8, $0xFFFFF086  }
0x1c: {  	p1 =	slt.u32 s9, $0xF7A;
	s5 =	simm.s32 @!p2 $0x0  }
0x1d: {  	s5 =	simm.s32 @p1 $0x1;
	p0 =	seq.s32 s7, s2  }
0x1e: {  	s7 =	smul.u32 @!p0 $0xF7A, s2;
	p2 =	seq.s32 @!p0 s5, $0x0  }
0x1f: {  	s9 =	smul.u32 $0xF7A, s1;
	s8 =	simm.s32 @!p0 $0x1BF5;
	p2 =	por !p2, p0  }
0x20: {  	[sflag:s8] =	ssyncset.s32 @!p0 $0xFFFFF086;
	s6 =	sadd.s32 @!p0 s3, s7;
	s7 =	simm.s32 @!p0 $0x108  }
0x21: {  	s3 =	sadd.s32 s3, s9;
	s6 =	sadd.s32 @!p0 $0x88, s6;
	s7 =	simm.s32 @p2 $0x1082  }
0x22: {  	[simem:s7], [sflag:s8] =	dma.local @!p0 [hbm:s6], $0xF7A  }
0x23: {  	s9 =	sor.u32 $0xD0000000, s2;
	s6 =	simm.s32 $0x108;
	_ =	swait.ge @!p0 [sflag:s8], $0x0  }
0x24: {  	s3 =	sadd.s32 $0x88, s3;
	s6 =	simm.s32 @!p1 $0x1082;
	[sflag:s4] =	ssyncset.s32 $0xFFFFF086  }
0x25: {  	[simem:s6], [sflag:s4] =	dma.local [hbm:s3], $0xF7A  }
0x26: {  	[smem:$0x3F99] =	sst s1;
	(tag) =	ssettag s2;
	_ =	strace s9  }
0x27: {  	s1 =	sld [smem:$0x3FA9]  }
0x28: {  	s2 =	sld [smem:$0x3FAA]  }
0x29: {  	s4 =	sld [smem:$0x3FAC]  }
0x2a: {  	p0 =	seq.s32 s5, $0x0;
	s5 =	sld [smem:$0x3FAD]  }
0x2b: {  	s6 =	sld [smem:$0x3FAE]  }
0x2c: {  	s7 =	sld [smem:$0x3FAF]  }
0x2d: {  	s3 =	simm.s32 $0x108;
	s8 =	sld [smem:$0x3FB0]  }
0x2e: {  	s3 =	simm.s32 @!p0 $0x1082;
	s9 =	sld [smem:$0x3FB1]  }
0x2f: {  	lr =	sadd.s32 s0, s3;
	s0 =	sld [smem:$0x3FA8]  }
0x30: {  	s3 =	sld [smem:$0x3FAB]  }
0x31: {  	[smem:$0x3FB4] =	sst s10  }
0x32: {  	s10 =	sld [smem:$0x3FB2];
	_ =	sdelay $0x3  }
0x33: {  	p0 =	seq.s32 s10, $0x1;
	s10 =	sld [smem:$0x3FB4];
	_ =	sdelay $0x3  }
0x34: {  	[smem:$0x3FB4] =	sst s10  }
0x35: {  	s10 =	sld [smem:$0x3FB3];
	_ =	sdelay $0x3  }
0x36: {  	p1 =	seq.s32 s10, $0x1;
	s10 =	sld [smem:$0x3FB4];
	_ =	sdelay $0x3  }
0x37: {  	[smem:$0x3FB4] =	sst s10  }
0x38: {  	s10 =	sld [smem:$0x3FB5]  }
0x39: {  	_ = 	snop;
	(pc) =	sbr.ind lr, $3  }
0x3a: {  	_ = 	snop  }
0x3b: {  	_ = 	snop  }
0x3c: {  	p2 =	seq.s32 s10, $0x1;
	s10 =	sld [smem:$0x3FB4]  }
0x3d: {  	_ =	shalt  }
0x3e: {  	_ =	shalt  }
0x3f: {  	_ =	shalt  }
0x40: {  	_ =	shalt  }
0x41: {  	_ =	shalt  }
0x42: {  	_ =	shalt  }
0x43: {  	_ =	shalt  }
0x44: {  	_ =	shalt  }
0x45: {  	_ =	shalt  }
0x46: {  	_ =	shalt  }
0x47: {  	_ =	shalt  }
0x48: {  	_ =	shalt  }
0x49: {  	_ =	shalt  }
0x4a: {  	_ =	shalt  }
0x4b: {  	_ =	shalt  }
0x4c: {  	_ =	shalt  }
0x4d: {  	_ =	shalt  }
0x4e: {  	_ =	shalt  }
0x4f: {  	_ =	shalt  }
0x50: {  	_ =	shalt  }
0x51: {  	_ =	shalt  }
0x52: {  	_ =	shalt  }
0x53: {  	_ =	shalt  }
0x54: {  	_ =	shalt  }
0x55: {  	_ =	shalt  }
0x56: {  	_ =	shalt  }
0x57: {  	_ =	shalt  }
0x58: {  	_ =	shalt  }
0x59: {  	_ =	shalt  }
0x5a: {  	_ =	shalt  }
0x5b: {  	_ =	shalt  }
0x5c: {  	_ =	shalt  }
0x5d: {  	_ =	shalt  }
0x5e: {  	_ =	shalt  }
0x5f: {  	_ =	shalt  }
0x60: {  	_ =	shalt  }
0x61: {  	_ =	shalt  }
0x62: {  	_ =	shalt  }
0x63: {  	_ =	shalt  }
0x64: {  	_ =	shalt  }
0x65: {  	_ =	shalt  }
0x66: {  	_ =	shalt  }
0x67: {  	_ =	shalt  }
0x68: {  	_ =	shalt  }
0x69: {  	_ =	shalt  }
0x6a: {  	_ =	shalt  }
0x6b: {  	_ =	shalt  }
0x6c: {  	_ =	shalt  }
0x6d: {  	_ =	shalt  }
0x6e: {  	_ =	shalt  }
0x6f: {  	_ =	shalt  }
0x70: {  	_ =	shalt  }
0x71: {  	_ =	shalt  }
0x72: {  	_ =	shalt  }
0x73: {  	_ =	shalt  }
0x74: {  	_ =	shalt  }
0x75: {  	_ =	shalt  }
0x76: {  	_ =	shalt  }
0x77: {  	_ =	shalt  }
0x78: {  	_ =	shalt  }
0x79: {  	_ =	shalt  }
0x7a: {  	_ =	shalt  }
0x7b: {  	_ =	shalt  }
0x7c: {  	_ =	shalt  }
0x7d: {  	_ =	shalt  }
0x7e: {  	_ =	shalt  }
0x7f: {  	_ =	shalt  }
0x80: {  	_ =	shalt  }
0x81: {  	_ =	shalt  }
0x82: {  	_ =	shalt  }
0x83: {  	_ =	shalt  }
0x84: {  	_ =	shalt  }
0x85: {  	_ =	shalt  }
0x86: {  	_ =	shalt  }
0x87: {  	_ =	shalt  }
.Lfunc_end0:
.L_simem_size_0:
called_computation_lowered:
.L_overlay_start_0:
0x88: {  	s2 =	sld [smem:$0x3FD9]  }
0x89: {  	s3 =	sld [smem:$0x3FFE];
	_ =	sdelay $0x1  }
0x8a: {  	s1 =	srdreg.scid  }
0x8b: {  	s0 =	sand.u32 $0x1, s1  }
0x8c: {  	s17 =	sshll.u32 s0, $0xA;
	s2 =	sadd.s32 s3, s2  }
0x8d: {  	s2 =	sadd.s32 s2, s17  }
0x8e: {  	[smem:$0x3FC0] =	sst s2  }
0x8f: {  	_ = 	snop  }
0x90: {  	s2 =	sld [smem:$0x3FC9]  }
0x91: {  	s18 =	sld [smem:$0x3FD0];
	(tm) =	ssettm $0x1  }
0x92: {  	s4 =	sld [smem:$0x3FFB];
	_ =	sdelay $0x3  }
0x93: {  	_ =	strace s4  }
0x94: {  	s4 =	sld [smem:$0x3FFC];
	_ =	sdelay $0x3  }
0x95: {  	_ =	strace s4  }
0x96: {  	s4 =	sld [smem:$0x3FFD];
	_ =	sdelay $0x3  }
0x97: {  	_ =	strace s4  }
0x98: {  	_ =	strace $0x8FFFFFFF  }
0x99: {  	s19 =	sld [smem:$0x3FDB];
	_ =	sdelay $0x1  }
0x9a: {  	s5 =	simm.s32 $_scs_section_size  }
0x9b: {  	s6 =	simm.s32 $_size__tile_overlayer_lowered;
	s7 =	simm.s32 $_tile_overlayer_lowered  }
0x9c: {  	s22 =	simm.s32 $0x1BFF;
	s21 =	sshll.u32 s7, $0x1;
	s4 =	sadd.s32 s5, s19  }
0x9d: {  	s8 =	simm.s32 $0x0;
	s20 =	sshll.u32 s6, $0x1;
	s6 =	sadd.s32 s21, s4  }
0x9e: {  	[timem:s8], [sflag:s22] =	dma.local [hbm:s6], s20  }
0x9f: {  	_ =	swait.ge [sflag:s22], s20  }
0xa0: {  	s5 =	ssub.s32 $0x0, s20;
	[sflag:s22] =	ssyncset.done $0x0  }
0xa1: {  	[sflag:s22] =	ssyncadd.s32 s5;
	_ =	sdelay $0x1  }
0xa2: {  	s23 =	simm.s32 $0x1B8B  }
0xa3: {  	_ =	swait.ge [sflag:s23], $0x1  }
0xa4: {  	[sflag:s23] =	ssyncset.done $0x0  }
0xa5: {  	s25 =	simm.s32 $0x1B8E;
	s24 =	sld [smem:$0x3FFE];
	[sflag:s23] =	ssyncadd.s32 $0xFFFFFFFF  }
0xa6: {  	s26 =	simm.s32 $execute0_lowered;
	[smem:$0x3FD2] =	sst s25  }
0xa7: {  	s6 =	sshll.u32 s26, $0x1;
	_ =	strace $0x80000046;
	[dreg:$0x1] =	wrdreg $0xFFFFFFFF  }
0xa8: {  	s28 =	simm.s32 $_size_execute0_lowered;
	s4 =	sadd.s32 s4, s6;
	[dreg:$0x0] =	wrdreg $0x0  }
0xa9: {  	s6 =	sshll.u32 s28, $0x1;
	[dreg:$0x2] =	wrdreg s4  }
0xaa: {  	[dreg:$0x3] =	wrdreg s6  }
0xab: {  	[dreg:$0x4] =	wrdreg $0xC0  }
0xac: {  	_ =	task [dreg:s8], $0x5FFFF  }
0xad: {  	[dreg:$0x1] =	wrdreg $0xFFFFFFFF  }
0xae: {  	[dreg:$0x0] =	wrdreg $0x60  }
0xaf: {  	[dreg:$0x2] =	wrdreg s2  }
0xb0: {  	[dreg:$0x3] =	wrdreg s24  }
0xb1: {  	[dreg:$0x4] =	wrdreg s18  }
0xb2: {  	[dreg:$0x5] =	wrdreg $0xB4000  }
0xb3: {  	[dreg:$0x6] =	wrdreg $0x1F4D00  }
0xb4: {  	[dreg:$0x7] =	wrdreg $0x9  }
0xb5: {  	_ =	task.clear_ibuf [dreg:s8], $0x8FFFF;
	_ =	strace $0x90000046  }
0xb6: {  	s29 =	simm.s32 $0x9;
	_ =	strace $0x80000048  }
0xb7: {  	_ =	swait.ge [sflag:s29], $0x1  }
0xb8: {  	[sflag:s29] =	ssyncadd.s32 $0xFFFFFFFF  }
0xb9: {  	_ =	strace $0x90000048  }
0xba: {  	_ =	sfence  }
0xbb: {  	s30 =	sld [smem:$0x0];
	_ =	sdelay $0x2  }
0xbc: {  	s31 =	sshll.u32 s1, $0xD;
	s1 =	sshrl.u32 s1, $0x2  }
0xbd: {  	s3 =	sand.u32 $0x4000, s31;
	s1 =	sadd.s32 s1, s30  }
0xbe: {  	s0 =	sor.u32 s3, s0;
	s1 =	sshll.u32 s1, $0x11  }
0xbf: {  	s0 =	sor.u32 s1, s0  }
0xc0: {  	s0 =	sadd.s32 $0x8F2B, s0  }
0xc1: {  	[sflag:s0] =	ssyncadd.remote.s32 $0x1  }
0xc2: {  	_ =	sfence.sel $0xFFFF  }
0xc3: {  	[dreg:$0x0] =	wrdreg $0xFFFFFFFF;
	(pc) =	sbr.abs _section_cstart, $3  }
0xc4: {  	[dreg:$0x1] =	wrdreg $0xFFFFFFFF  }
0xc5: {  	_ =	task.clear_ibuf [dreg:s8], $0x2FFFF;
	_ =	strace $0x9FFFFFFF  }
0xc6: {  	(tm) =	ssettm $0x7FFFFFFF  }
0xc7: {  	_ =	shalt  }
tec
execute0_lowered:
.L_overlay_start_1:
0x0: {  	(tag) =	ssettag $0x1  }
0x1: {  	s0 =	rddreg [dreg:$0x0]  }
0x2: {  	s2 =	rddreg [dreg:$0x1]  }
0x3: {  	s1 =	srdreg.scid;
	s3 =	rddreg [dreg:$0x2]  }
0x4: {  	s5 =	stileid.u32;
	s30 =	simm.s32 $0x1900;
	s31 =	simm.s32 $0x1980  }
0x5: {  	s4 =	sand.u32 $0x1, s1;
	s1 =	simm.s32 $0x0;
	s7 =	sadd.s32 $0xBE00, s2  }
0x6: {  	s10 =	sadd.s32 $0x2000, s2;
	s2 =	sadd.s32 $0x15C00, s2;
	s13 =	smul.u32 $0x13880, s5  }
0x7: {  	s14 =	sshll.u32 s5, $0x4;
	p0 =	sne.s32 s5, $0x0;
	s6 =	sshll.u32 s4, $0x4  }
0x8: {  	[smem:$0x7FF] =	sst s1;
	s8 =	ssub.s32 $0x2, s4;
	s14 =	sor.u32 $0x9C00, s14  }
0x9: {  	s6 =	sor.u32 s5, s6;
	s11 =	sshrl.u32 s8, $0x1;
	s15 =	sadd.s32 $0xBB80, s13  }
0xa: {  	s20 =	sadd.s32 s10, s14;
	s5 =	simm.s32 $0x2700;
	s12 =	smul.u32 $0x4E0, s6  }
0xb: {  	s9 =	smul.u32 $0x2700, s6;
	s8 =	ssub.s32 s8, s11;
	[dreg:$0xd] =	wrdreg s20  }
0xc: {  	p1 =	sgt.u32 s6, $0x3;
	s6 =	simm.s32 $0x3400;
	s16 =	sadd.s32 s7, s12  }
0xd: {  	s9 =	sshrl.u32 s9, $0x3;
	s12 =	sadd.s32 s10, s12;
	[dreg:$0x6] =	wrdreg s16  }
0xe: {  	s17 =	sadd.s32 $0x1A0, s9;
	[dreg:$0x7] =	wrdreg s12;
	s12 =	sadd.s32 $0x7D00, s13  }
0xf: {  	s9 =	sadd.s32 $0x340, s9;
	s16 =	smul.u32 $0x138800, s4;
	s18 =	sadd.s32 s7, s17  }
0x10: {  	s4 =	smul.u32 $0x2710, s4;
	s11 =	sadd.s32 s10, s17;
	[dreg:$0x8] =	wrdreg s18  }
0x11: {  	s17 =	sadd.s32 $0xFA00, s13;
	[dreg:$0x9] =	wrdreg s11;
	s11 =	sadd.s32 $0x3E80, s13  }
0x12: {  	s18 =	sadd.s32 s7, s9;
	s7 =	sadd.s32 s7, s14;
	s14 =	rddreg [dreg:$0x3]  }
0x13: {  	s9 =	sadd.s32 s10, s9;
	s19 =	sadd.s32 s13, s16;
	[dreg:$0xa] =	wrdreg s18  }
0x14: {  	s23 =	sadd.s32 s16, s12;
	s25 =	sadd.s32 s16, s15;
	[dreg:$0xb] =	wrdreg s9  }
0x15: {  	s4 =	sshrl.u32 s4, $0x3;
	[dreg:$0xc] =	wrdreg s7;
	s7 =	sshrl.u32 s19, $0x3  }
0x16: {  	s21 =	sadd.s32 s16, s11;
	s24 =	sshrl.u32 s23, $0x3;
	s26 =	sshrl.u32 s25, $0x3  }
0x17: {  	s9 =	sadd.s32 s16, s17;
	s16 =	rddreg [dreg:$0x4];
	s10 =	sadd.s32 s3, s4  }
0x18: {  	s19 =	sadd.s32 s13, s14;
	s7 =	sadd.s32 s2, s7;
	s22 =	sshrl.u32 s21, $0x3  }
0x19: {  	s20 =	sadd.s32 s11, s14;
	[dreg:$0xe] =	wrdreg s7;
	s7 =	sadd.s32 s2, s22  }
0x1a: {  	s23 =	sadd.s32 s17, s14;
	[dreg:$0xf] =	wrdreg s7;
	s7 =	sadd.s32 s2, s24  }
0x1b: {  	s17 =	smax.u32 s8, $0x1;
	[dreg:$0x10] =	wrdreg s7;
	s7 =	sadd.s32 s2, s26  }
0x1c: {  	s3 =	simm.s32 $0xD00;
	[dreg:$0x11] =	wrdreg s7;
	s7 =	sshrl.u32 s9, $0x3  }
0x1d: {  	s8 =	simm.s32 $0x4;
	s11 =	simm.s32 $0x7400;
	s2 =	sadd.s32 s2, s7  }
0x1e: {  	s22 =	sadd.s32 s15, s14;
	s15 =	sadd.s32 $0x7D0, s16;
	[dreg:$0x12] =	wrdreg s2  }
0x1f: {  	s13 =	simm.s32 $0x2;
	_ =	strace $0x80000047;
	[dreg:$0x14] =	wrdreg s15  }
0x20: {  	s4 =	simm.s32 $0xD80;
	s18 =	sadd.s32 $0xFA0, s16;
	[dreg:$0x15] =	wrdreg s17  }
0x21: {  	s21 =	sadd.s32 s12, s14;
	s24 =	sadd.s32 $0xFA, s10;
	[dreg:$0x16] =	wrdreg s18  }
0x22: {  	s28 =	sadd.s32 $0x1770, s16;
	s25 =	sadd.s32 $0x1F4, s10;
	[dreg:$0x17] =	wrdreg s24  }
0x23: {  	s29 =	sadd.s32 $0x1F40, s16;
	s26 =	sadd.s32 $0x2EE, s10;
	[dreg:$0x18] =	wrdreg s25  }
0x24: {  	s12 =	simm.s32 $0x1EC80;
	s9 =	simm.s32 $0x80;
	[dreg:$0x19] =	wrdreg s26  }
0x25: {  	s7 =	simm.s32 $0x5;
	s2 =	sadd.s32 $0x3E8, s10;
	[dreg:$0x13] =	wrdreg s10  }
0x26: {  	[dreg:$0x1a] =	wrdreg s2;
	s24 =	simm.s32 $0x1A00;
	s10 =	simm.s32 $0x1  }
0x27: {  	v0 =	vimm.f32 $0.0e+00;
	v1 =	vimm.f32 $1.000000000e+00;
	s26 =	simm.s32 $0x100;
	s15 =	simm.s32 $0x3;
	s2 =	simm.s32 $0x0  }
.LBB2_1:
0x28: {  	s17 =	rddreg [dreg:$0x6]  }
0x29: {  	[tilespmem:s1], [sflag:$0x4] =	stream.linear.gather [hbm4b:s17+s1], $0xD00, $0x38;
	[tilespmem:$0x1F748] =	vst v63  }
0x2a: {  	s25 =	rddreg [dreg:$0x7]  }
0x2b: {  	[tilespmem:s3], [sflag:$0x4] =	stream.linear.gather [hbm4b:s25+s1], $0xD00, $0x38;
	[tilespmem:$0x1F748] =	vst v63  }
0x2c: {  	s18 =	rddreg [dreg:$0x8]  }
0x2d: {  	[tilespmem:s24], [sflag:$0x4] =	stream.linear.gather [hbm4b:s18+s1], $0xD00, $0x38;
	[tilespmem:$0x1F748] =	vst v63  }
0x2e: {  	s25 =	rddreg [dreg:$0x9]  }
0x2f: {  	[tilespmem:s5], [sflag:$0x4] =	stream.linear.gather [hbm4b:s25+s1], $0xD00, $0x38;
	[tilespmem:$0x1F748] =	vst v63  }
0x30: {  	s17 =	simm.s32 $0x0;
	s25 =	simm.s32 $0x200  }
.LBB2_2:
0x31: {  	p2 =	sne.s32 s25, $0xF800;
	[tilespmem:s17+$0x3470] =	vst v0  }
0x32: {  	[tilespmem:s17+$0x3400] =	vst v0  }
0x33: {  	[tilespmem:s17+$0x3410] =	vst v0  }
.Ltmp0:
0x34: {  	[tilespmem:s17+$0x3420] =	vst v0;
	(pc) =	sbr.rel @p2 .LBB2_2-.Ltmp0, $4  }
0x35: {  	[tilespmem:s17+$0x3430] =	vst v0  }
0x36: {  	[tilespmem:s17+$0x3440] =	vst v0  }
0x37: {  	[tilespmem:s17+$0x3450] =	vst v0  }
0x38: {  	[tilespmem:s17+$0x3460] =	vst v0;
	s17 =	sshra.s32 s25, $0x2;
	s25 =	sadd.s32 $0x200, s25  }
0x39: {  	[tilespmem:s17+$0x3470] =	vst v0  }
0x3a: {  	[tilespmem:s17+$0x3400] =	vst v0  }
0x3b: {  	[tilespmem:s17+$0x3410] =	vst v0  }
0x3c: {  	[tilespmem:s17+$0x3420] =	vst v0  }
0x3d: {  	[tilespmem:s17+$0x3430] =	vst v0  }
0x3e: {  	[tilespmem:s17+$0x3440] =	vst v0  }
0x3f: {  	[tilespmem:s17+$0x3450] =	vst v0  }
0x40: {  	[tilespmem:s17+$0x3460] =	vst v0  }
0x41: {  	[spmem:s19] =	stream.linear.scatter [tilespmem:s6], [sflag:$0x5], $0x3E80, $0x38;
	[tilespmem:$0x1F748] =	vst v63  }
0x42: {  	_ =	swait.ge [sflag:s7], $0x3E80  }
0x43: {  	[sflag:s7] =	ssyncset.done $0x0  }
0x44: {  	[sflag:s7] =	ssyncadd.s32 $0xFFFFC180  }
0x45: {  	[spmem:s20] =	stream.linear.scatter [tilespmem:s6], [sflag:$0x5], $0x3E80, $0x38;
	[tilespmem:$0x1F748] =	vst v63  }
0x46: {  	_ =	swait.ge [sflag:s7], $0x3E80  }
0x47: {  	[sflag:s7] =	ssyncset.done $0x0  }
0x48: {  	[sflag:s7] =	ssyncadd.s32 $0xFFFFC180  }
0x49: {  	[spmem:s21] =	stream.linear.scatter [tilespmem:s6], [sflag:$0x5], $0x3E80, $0x38;
	[tilespmem:$0x1F748] =	vst v63  }
0x4a: {  	_ =	swait.ge [sflag:s7], $0x3E80  }
0x4b: {  	[sflag:s7] =	ssyncset.done $0x0  }
0x4c: {  	[sflag:s7] =	ssyncadd.s32 $0xFFFFC180  }
0x4d: {  	[spmem:s22] =	stream.linear.scatter [tilespmem:s6], [sflag:$0x5], $0x3E80, $0x38;
	[tilespmem:$0x1F748] =	vst v63  }
0x4e: {  	_ =	swait.ge [sflag:s7], $0x3E80  }
0x4f: {  	[sflag:s7] =	ssyncset.done $0x0  }
0x50: {  	[sflag:s7] =	ssyncadd.s32 $0xFFFFC180  }
0x51: {  	[spmem:s23] =	stream.linear.scatter [tilespmem:s6], [sflag:$0x5], $0x3E80, $0x38;
	[tilespmem:$0x1F748] =	vst v63  }
0x52: {  	_ =	swait.ge [sflag:s7], $0x3E80  }
0x53: {  	[sflag:s7] =	ssyncset.done $0x0  }
0x54: {  	[sflag:s7] =	ssyncadd.s32 $0xFFFFC180  }
0x55: {  	[tilespmem:$0x1EC80] =	vst v1  }
0x56: {  	[tilespmem:$0x1EC90] =	vst v1  }
0x57: {  	[tilespmem:$0x1ECA0] =	vst v1  }
.Ltmp1:
0x58: {  	[tilespmem:$0x1ECB0] =	vst v1;
	(pc) =	sbr.rel @p0 .LBB2_7-.Ltmp1, $4  }
0x59: {  	[tilespmem:$0x1ECC0] =	vst v1  }
0x5a: {  	[tilespmem:$0x1ECD0] =	vst v1  }
0x5b: {  	[tilespmem:$0x1ECE0] =	vst v1  }
0x5c: {  	[tilespmem:$0x1ECF0] =	vst v1  }
0x5d: {  	s17 =	simm.s32 $0x40;
	s25 =	simm.s32 $0x0  }
.LBB2_5:
0x5e: {  	p2 =	sne.s32 s17, $0x1F00;
	[tilespmem:s25+$0x1ED00] =	vst v0;
	s25 =	smov.u32 s17;
	s17 =	sadd.s32 $0x40, s17  }
.Ltmp2:
0x5f: {  	(pc) =	sbr.rel @p2 .LBB2_5-.Ltmp2, $2  }
0x60: {  	_ =	sdelay $0x2  }
0x61: {  	s25 =	sshra.s32 s25, $0x2  }
0x62: {  	[tilespmem:s25+$0x1ED00] =	vst v0;
	s18 =	simm.s32 $0x1ED00  }
0x63: {  	[spmem:s16] =	stream.linear.scatter [tilespmem:s18], [sflag:$0x5], $0x7D0, $0x38;
	[tilespmem:$0x1F748] =	vst v63  }
0x64: {  	_ =	swait.ge [sflag:s7], $0x7D0  }
0x65: {  	[sflag:s7] =	ssyncset.done $0x0  }
0x66: {  	s17 =	rddreg [dreg:$0x14];
	[sflag:s7] =	ssyncadd.s32 $0xFFFFF830  }
0x67: {  	[spmem:s17] =	stream.linear.scatter [tilespmem:s18], [sflag:$0x5], $0x7D0, $0x38;
	[tilespmem:$0x1F748] =	vst v63  }
0x68: {  	_ =	swait.ge [sflag:s7], $0x7D0  }
0x69: {  	[sflag:s7] =	ssyncset.done $0x0  }
0x6a: {  	s25 =	rddreg [dreg:$0x16];
	[sflag:s7] =	ssyncadd.s32 $0xFFFFF830  }
0x6b: {  	[spmem:s25] =	stream.linear.scatter [tilespmem:s18], [sflag:$0x5], $0x7D0, $0x38;
	[tilespmem:$0x1F748] =	vst v63  }
0x6c: {  	_ =	swait.ge [sflag:s7], $0x7D0  }
0x6d: {  	[sflag:s7] =	ssyncset.done $0x0  }
0x6e: {  	[sflag:s7] =	ssyncadd.s32 $0xFFFFF830  }
0x6f: {  	[spmem:s28] =	stream.linear.scatter [tilespmem:s18], [sflag:$0x5], $0x7D0, $0x38;
	[tilespmem:$0x1F748] =	vst v63  }
0x70: {  	_ =	swait.ge [sflag:s7], $0x7D0  }
0x71: {  	[sflag:s7] =	ssyncset.done $0x0  }
0x72: {  	[sflag:s7] =	ssyncadd.s32 $0xFFFFF830  }
0x73: {  	[spmem:s29] =	stream.linear.scatter [tilespmem:s18], [sflag:$0x5], $0x7D0, $0x38;
	[tilespmem:$0x1F748] =	vst v63  }
0x74: {  	_ =	swait.ge [sflag:s7], $0x7D0  }
0x75: {  	[sflag:s7] =	ssyncset.done $0x0  }
0x76: {  	[sflag:s7] =	ssyncadd.s32 $0xFFFFF830  }
.LBB2_7:
0x77: {  	[bflag:$0x0] =	sbarrier.arrive $0xFFFF  }
0x78: {  	_ =	swait.ge [sflag:s8], $0xD00  }
0x79: {  	[sflag:s8] =	ssyncset.done $0x0  }
0x7a: {  	[sflag:s8] =	ssyncadd.s32 $0xFFFFF300  }
0x7b: {  	_ =	swait.ge [sflag:s8], $0xD00  }
0x7c: {  	[sflag:s8] =	ssyncset.done $0x0  }
0x7d: {  	[sflag:s8] =	ssyncadd.s32 $0xFFFFF300  }
0x7e: {  	[tilespmem:s6], [sflag:$0x1] =	stream.indirect.gather [hbm4b:s0+s9], $0x80, s1, s9, $0xb8;
	[tilespmem:$0x1F748] =	vst v63  }
0x7f: {  	_ =	swait.ge [sflag:s10], $0x4000  }
0x80: {  	[sflag:s10] =	ssyncset.done $0x0  }
0x81: {  	[sflag:s10] =	ssyncadd.s32 $0xFFFFC000  }
0x82: {  	[tilespmem:s11], [sflag:$0x1] =	stream.indirect.gather [hbm4b:s0+s9], $0x80, s9, s9, $0xb8;
	[tilespmem:$0x1F748] =	vst v63  }
0x83: {  	_ = 	snop  }
0x84: {  	[spmem:s14] =	stream.indirect.scatter.add.f32 [tilespmem:s6], [sflag:$0x2], $0x80, s3, s9, $0xb8;
	[tilespmem:$0x1F748] =	vst v63  }
0x85: {  	_ = 	snop  }
0x86: {  	[spmem:s16] =	stream.indirect.scatter.add.f32 [tilespmem:s12], [sflag:$0x3], $0x1, s3, s9, $0xb8;
	[tilespmem:$0x1F748] =	vst v63  }
0x87: {  	_ =	swait.ge [sflag:s10], $0x4000  }
0x88: {  	[sflag:s10] =	ssyncset.done $0x0  }
0x89: {  	[sflag:s10] =	ssyncadd.s32 $0xFFFFC000  }
0x8a: {  	_ =	swait.ge [sflag:s13], $0x4000  }
0x8b: {  	[sflag:s13] =	ssyncset.done $0x0  }
0x8c: {  	[sflag:s13] =	ssyncadd.s32 $0xFFFFC000  }
0x8d: {  	[tilespmem:s6], [sflag:$0x1] =	stream.indirect.gather [hbm4b:s0+s9], $0x80, s26, s9, $0xb8;
	[tilespmem:$0x1F748] =	vst v63  }
0x8e: {  	_ = 	snop  }
0x8f: {  	[spmem:s14] =	stream.indirect.scatter.add.f32 [tilespmem:s11], [sflag:$0x2], $0x80, s4, s9, $0xb8;
	[tilespmem:$0x1F748] =	vst v63  }
0x90: {  	_ = 	snop  }
0x91: {  	[spmem:s16] =	stream.indirect.scatter.add.f32 [tilespmem:s12], [sflag:$0x3], $0x1, s4, s9, $0xb8;
	[tilespmem:$0x1F748] =	vst v63  }
0x92: {  	_ =	swait.ge [sflag:s10], $0x4000  }
0x93: {  	[sflag:s10] =	ssyncset.done $0x0  }
0x94: {  	[sflag:s10] =	ssyncadd.s32 $0xFFFFC000  }
0x95: {  	_ =	swait.ge [sflag:s13], $0x4000  }
0x96: {  	[sflag:s13] =	ssyncset.done $0x0  }
0x97: {  	s17 =	simm.s32 $0x180;
	[sflag:s13] =	ssyncadd.s32 $0xFFFFC000  }
0x98: {  	[tilespmem:s11], [sflag:$0x1] =	stream.indirect.gather [hbm4b:s0+s9], $0x80, s17, s9, $0xb8;
	[tilespmem:$0x1F748] =	vst v63  }
0x99: {  	s18 =	simm.s32 $0xE00  }
0x9a: {  	[spmem:s14] =	stream.indirect.scatter.add.f32 [tilespmem:s6], [sflag:$0x2], $0x80, s18, s9, $0xb8;
	[tilespmem:$0x1F748] =	vst v63  }
0x9b: {  	_ = 	snop  }
0x9c: {  	[spmem:s16] =	stream.indirect.scatter.add.f32 [tilespmem:s12], [sflag:$0x3], $0x1, s18, s9, $0xb8;
	[tilespmem:$0x1F748] =	vst v63  }
0x9d: {  	_ =	swait.ge [sflag:s10], $0x4000  }
0x9e: {  	[sflag:s10] =	ssyncset.done $0x0  }
0x9f: {  	[sflag:s10] =	ssyncadd.s32 $0xFFFFC000  }
0xa0: {  	_ =	swait.ge [sflag:s13], $0x4000  }
0xa1: {  	[sflag:s13] =	ssyncset.done $0x0  }
0xa2: {  	s25 =	simm.s32 $0x200;
	[sflag:s13] =	ssyncadd.s32 $0xFFFFC000  }
0xa3: {  	[tilespmem:s6], [sflag:$0x1] =	stream.indirect.gather [hbm4b:s0+s9], $0x80, s25, s9, $0xb8;
	[tilespmem:$0x1F748] =	vst v63  }
0xa4: {  	s17 =	simm.s32 $0xFFFFD800;
	s25 =	simm.s32 $0xE80  }
0xa5: {  	[spmem:s14] =	stream.indirect.scatter.add.f32 [tilespmem:s11], [sflag:$0x2], $0x80, s25, s9, $0xb8;
	[tilespmem:$0x1F748] =	vst v63  }
.LBB2_8:
0xa6: {  	[spmem:s16] =	stream.indirect.scatter.add.f32 [tilespmem:s12], [sflag:$0x3], $0x1, s25, s9, $0xb8;
	[tilespmem:$0x1F748] =	vst v63  }
0xa7: {  	s25 =	smov.u32 s17  }
0xa8: {  	p2 =	sne.s32 s17, $0xFFFFFC00;
	s17 =	sadd.s32 $0x400, s17;
	_ =	swait.ge [sflag:s10], $0x4000  }
0xa9: {  	[sflag:s10] =	ssyncset.done $0x0  }
0xaa: {  	[sflag:s10] =	ssyncadd.s32 $0xFFFFC000  }
0xab: {  	_ =	swait.ge [sflag:s13], $0x4000  }
0xac: {  	s25 =	sshra.s32 s25, $0x2;
	[sflag:s13] =	ssyncset.done $0x0  }
0xad: {  	s18 =	sadd.s32 $0xC80, s25;
	[sflag:s13] =	ssyncadd.s32 $0xFFFFC000  }
0xae: {  	[tilespmem:s11], [sflag:$0x1] =	stream.indirect.gather [hbm4b:s0+s9], $0x80, s18, s9, $0xb8;
	[tilespmem:$0x1F748] =	vst v63  }
0xaf: {  	s18 =	sadd.s32 $0x1900, s25  }
0xb0: {  	[spmem:s14] =	stream.indirect.scatter.add.f32 [tilespmem:s6], [sflag:$0x2], $0x80, s18, s9, $0xb8;
	[tilespmem:$0x1F748] =	vst v63  }
0xb1: {  	_ = 	snop  }
0xb2: {  	[spmem:s16] =	stream.indirect.scatter.add.f32 [tilespmem:s12], [sflag:$0x3], $0x1, s18, s9, $0xb8;
	[tilespmem:$0x1F748] =	vst v63  }
0xb3: {  	_ =	swait.ge [sflag:s10], $0x4000  }
0xb4: {  	[sflag:s10] =	ssyncset.done $0x0  }
0xb5: {  	[sflag:s10] =	ssyncadd.s32 $0xFFFFC000  }
0xb6: {  	_ =	swait.ge [sflag:s13], $0x4000  }
.Ltmp3:
0xb7: {  	[sflag:s13] =	ssyncset.done $0x0;
	(pc) =	sbr.rel @p2 .LBB2_8-.Ltmp3, $4  }
0xb8: {  	s18 =	sadd.s32 $0xD00, s25;
	[sflag:s13] =	ssyncadd.s32 $0xFFFFC000  }
0xb9: {  	[tilespmem:s6], [sflag:$0x1] =	stream.indirect.gather [hbm4b:s0+s9], $0x80, s18, s9, $0xb8;
	[tilespmem:$0x1F748] =	vst v63  }
0xba: {  	s25 =	sadd.s32 $0x1980, s25  }
0xbb: {  	[spmem:s14] =	stream.indirect.scatter.add.f32 [tilespmem:s11], [sflag:$0x2], $0x80, s25, s9, $0xb8;
	[tilespmem:$0x1F748] =	vst v63  }
0xbc: {  	[spmem:s16] =	stream.indirect.scatter.add.f32 [tilespmem:s12], [sflag:$0x3], $0x1, s25, s9, $0xb8;
	[tilespmem:$0x1F748] =	vst v63  }
0xbd: {  	_ =	swait.ge [sflag:s10], $0x4000  }
0xbe: {  	[sflag:s10] =	ssyncset.done $0x0  }
0xbf: {  	[sflag:s10] =	ssyncadd.s32 $0xFFFFC000  }
0xc0: {  	_ =	swait.ge [sflag:s13], $0x4000  }
0xc1: {  	[sflag:s13] =	ssyncset.done $0x0  }
0xc2: {  	s17 =	simm.s32 $0xC80;
	[sflag:s13] =	ssyncadd.s32 $0xFFFFC000  }
0xc3: {  	[tilespmem:s11], [sflag:$0x1] =	stream.indirect.gather [hbm4b:s0+s9], $0x80, s17, s9, $0xb8;
	[tilespmem:$0x1F748] =	vst v63  }
0xc4: {  	_ = 	snop  }
0xc5: {  	[spmem:s14] =	stream.indirect.scatter.add.f32 [tilespmem:s6], [sflag:$0x2], $0x80, s30, s9, $0xb8;
	[tilespmem:$0x1F748] =	vst v63  }
0xc6: {  	_ = 	snop  }
0xc7: {  	[spmem:s16] =	stream.indirect.scatter.add.f32 [tilespmem:s12], [sflag:$0x3], $0x1, s30, s9, $0xb8;
	[tilespmem:$0x1F748] =	vst v63  }
0xc8: {  	_ =	swait.ge [sflag:s10], $0x4000  }
0xc9: {  	[sflag:s10] =	ssyncset.done $0x0  }
0xca: {  	[sflag:s10] =	ssyncadd.s32 $0xFFFFC000  }
0xcb: {  	_ =	swait.ge [sflag:s13], $0x4000  }
0xcc: {  	[sflag:s13] =	ssyncset.done $0x0  }
0xcd: {  	[sflag:s13] =	ssyncadd.s32 $0xFFFFC000  }
0xce: {  	[spmem:s14] =	stream.indirect.scatter.add.f32 [tilespmem:s11], [sflag:$0x2], $0x80, s31, s9, $0xb8;
	[tilespmem:$0x1F748] =	vst v63  }
0xcf: {  	_ = 	snop  }
0xd0: {  	[spmem:s16] =	stream.indirect.scatter.add.f32 [tilespmem:s12], [sflag:$0x3], $0x1, s31, s9, $0xb8;
	[tilespmem:$0x1F748] =	vst v63  }
0xd1: {  	_ =	swait.ge [sflag:s13], $0x4000  }
0xd2: {  	[sflag:s13] =	ssyncset.done $0x0  }
0xd3: {  	[sflag:s13] =	ssyncadd.s32 $0xFFFFC000  }
0xd4: {  	_ =	swait.ge [sflag:s15], $0xD00  }
0xd5: {  	[sflag:s15] =	ssyncset.done $0x0  }
0xd6: {  	s18 =	rddreg [dreg:$0xa];
	[sflag:s15] =	ssyncadd.s32 $0xFFFFF300  }
0xd7: {  	[tilespmem:s1], [sflag:$0x4] =	stream.linear.gather [hbm4b:s18+s1], $0xD00, $0x38;
	[tilespmem:$0x1F748] =	vst v63  }
0xd8: {  	s25 =	rddreg [dreg:$0xb]  }
0xd9: {  	[tilespmem:s3], [sflag:$0x4] =	stream.linear.gather [hbm4b:s25+s1], $0xD00, $0x38;
	[tilespmem:$0x1F748] =	vst v63  }
0xda: {  	_ =	swait.ge [sflag:s8], $0xD00  }
0xdb: {  	[sflag:s8] =	ssyncset.done $0x0  }
0xdc: {  	[sflag:s8] =	ssyncadd.s32 $0xFFFFF300  }
0xdd: {  	_ =	swait.ge [sflag:s8], $0xD00  }
0xde: {  	[sflag:s8] =	ssyncset.done $0x0  }
0xdf: {  	[sflag:s8] =	ssyncadd.s32 $0xFFFFF300  }
0xe0: {  	[tilespmem:s6], [sflag:$0x1] =	stream.indirect.gather [hbm4b:s0+s9], $0x80, s24, s9, $0xb8;
	[tilespmem:$0x1F748] =	vst v63  }
0xe1: {  	_ =	swait.ge [sflag:s10], $0x4000  }
0xe2: {  	[sflag:s10] =	ssyncset.done $0x0  }
0xe3: {  	s18 =	simm.s32 $0x1A80;
	[sflag:s10] =	ssyncadd.s32 $0xFFFFC000  }
0xe4: {  	[tilespmem:s11], [sflag:$0x1] =	stream.indirect.gather [hbm4b:s0+s9], $0x80, s18, s9, $0xb8;
	[tilespmem:$0x1F748] =	vst v63  }
0xe5: {  	_ = 	snop  }
0xe6: {  	[spmem:s14] =	stream.indirect.scatter.add.f32 [tilespmem:s6], [sflag:$0x2], $0x80, s5, s9, $0xb8;
	[tilespmem:$0x1F748] =	vst v63  }
0xe7: {  	_ = 	snop  }
0xe8: {  	[spmem:s16] =	stream.indirect.scatter.add.f32 [tilespmem:s12], [sflag:$0x3], $0x1, s5, s9, $0xb8;
	[tilespmem:$0x1F748] =	vst v63  }
0xe9: {  	_ =	swait.ge [sflag:s10], $0x4000  }
0xea: {  	[sflag:s10] =	ssyncset.done $0x0  }
0xeb: {  	[sflag:s10] =	ssyncadd.s32 $0xFFFFC000  }
0xec: {  	_ =	swait.ge [sflag:s13], $0x4000  }
0xed: {  	[sflag:s13] =	ssyncset.done $0x0  }
0xee: {  	s24 =	simm.s32 $0x1B00;
	[sflag:s13] =	ssyncadd.s32 $0xFFFFC000  }
0xef: {  	[tilespmem:s6], [sflag:$0x1] =	stream.indirect.gather [hbm4b:s0+s9], $0x80, s24, s9, $0xb8;
	[tilespmem:$0x1F748] =	vst v63  }
0xf0: {  	s25 =	simm.s32 $0x2780  }
0xf1: {  	[spmem:s14] =	stream.indirect.scatter.add.f32 [tilespmem:s11], [sflag:$0x2], $0x80, s25, s9, $0xb8;
	[tilespmem:$0x1F748] =	vst v63  }
0xf2: {  	_ = 	snop  }
0xf3: {  	[spmem:s16] =	stream.indirect.scatter.add.f32 [tilespmem:s12], [sflag:$0x3], $0x1, s25, s9, $0xb8;
	[tilespmem:$0x1F748] =	vst v63  }
0xf4: {  	_ =	swait.ge [sflag:s10], $0x4000  }
0xf5: {  	[sflag:s10] =	ssyncset.done $0x0  }
0xf6: {  	[sflag:s10] =	ssyncadd.s32 $0xFFFFC000  }
0xf7: {  	_ =	swait.ge [sflag:s13], $0x4000  }
0xf8: {  	[sflag:s13] =	ssyncset.done $0x0  }
0xf9: {  	s18 =	simm.s32 $0x1B80;
	[sflag:s13] =	ssyncadd.s32 $0xFFFFC000  }
0xfa: {  	[tilespmem:s11], [sflag:$0x1] =	stream.indirect.gather [hbm4b:s0+s9], $0x80, s18, s9, $0xb8;
	[tilespmem:$0x1F748] =	vst v63  }
0xfb: {  	s24 =	simm.s32 $0x2800  }
0xfc: {  	[spmem:s14] =	stream.indirect.scatter.add.f32 [tilespmem:s6], [sflag:$0x2], $0x80, s24, s9, $0xb8;
	[tilespmem:$0x1F748] =	vst v63  }
0xfd: {  	_ = 	snop  }
0xfe: {  	[spmem:s16] =	stream.indirect.scatter.add.f32 [tilespmem:s12], [sflag:$0x3], $0x1, s24, s9, $0xb8;
	[tilespmem:$0x1F748] =	vst v63  }
0xff: {  	_ =	swait.ge [sflag:s10], $0x4000  }
0x100: {  	[sflag:s10] =	ssyncset.done $0x0  }
0x101: {  	[sflag:s10] =	ssyncadd.s32 $0xFFFFC000  }
0x102: {  	_ =	swait.ge [sflag:s13], $0x4000  }
0x103: {  	[sflag:s13] =	ssyncset.done $0x0  }
0x104: {  	s25 =	simm.s32 $0x1C00;
	[sflag:s13] =	ssyncadd.s32 $0xFFFFC000  }
0x105: {  	[tilespmem:s6], [sflag:$0x1] =	stream.indirect.gather [hbm4b:s0+s9], $0x80, s25, s9, $0xb8;
	[tilespmem:$0x1F748] =	vst v63  }
0x106: {  	s17 =	simm.s32 $0xFFFFD800;
	s25 =	simm.s32 $0x2880  }
0x107: {  	[spmem:s14] =	stream.indirect.scatter.add.f32 [tilespmem:s11], [sflag:$0x2], $0x80, s25, s9, $0xb8;
	[tilespmem:$0x1F748] =	vst v63  }
.LBB2_10:
0x108: {  	[spmem:s16] =	stream.indirect.scatter.add.f32 [tilespmem:s12], [sflag:$0x3], $0x1, s25, s9, $0xb8;
	[tilespmem:$0x1F748] =	vst v63  }
0x109: {  	s18 =	smov.u32 s17  }
0x10a: {  	p2 =	sne.s32 s17, $0xFFFFFC00;
	s17 =	sadd.s32 $0x400, s17;
	_ =	swait.ge [sflag:s10], $0x4000  }
0x10b: {  	[sflag:s10] =	ssyncset.done $0x0  }
0x10c: {  	[sflag:s10] =	ssyncadd.s32 $0xFFFFC000  }
0x10d: {  	_ =	swait.ge [sflag:s13], $0x4000  }
0x10e: {  	s18 =	sshra.s32 s18, $0x2;
	[sflag:s13] =	ssyncset.done $0x0  }
0x10f: {  	s25 =	sadd.s32 $0x2680, s18;
	[sflag:s13] =	ssyncadd.s32 $0xFFFFC000  }
0x110: {  	[tilespmem:s11], [sflag:$0x1] =	stream.indirect.gather [hbm4b:s0+s9], $0x80, s25, s9, $0xb8;
	[tilespmem:$0x1F748] =	vst v63  }
0x111: {  	s25 =	sadd.s32 $0x3300, s18  }
0x112: {  	[spmem:s14] =	stream.indirect.scatter.add.f32 [tilespmem:s6], [sflag:$0x2], $0x80, s25, s9, $0xb8;
	[tilespmem:$0x1F748] =	vst v63  }
0x113: {  	_ = 	snop  }
0x114: {  	[spmem:s16] =	stream.indirect.scatter.add.f32 [tilespmem:s12], [sflag:$0x3], $0x1, s25, s9, $0xb8;
	[tilespmem:$0x1F748] =	vst v63  }
0x115: {  	_ =	swait.ge [sflag:s10], $0x4000  }
0x116: {  	[sflag:s10] =	ssyncset.done $0x0  }
0x117: {  	[sflag:s10] =	ssyncadd.s32 $0xFFFFC000  }
0x118: {  	_ =	swait.ge [sflag:s13], $0x4000  }
.Ltmp4:
0x119: {  	[sflag:s13] =	ssyncset.done $0x0;
	(pc) =	sbr.rel @p2 .LBB2_10-.Ltmp4, $4  }
0x11a: {  	s25 =	sadd.s32 $0x2700, s18;
	[sflag:s13] =	ssyncadd.s32 $0xFFFFC000  }
0x11b: {  	[tilespmem:s6], [sflag:$0x1] =	stream.indirect.gather [hbm4b:s0+s9], $0x80, s25, s9, $0xb8;
	[tilespmem:$0x1F748] =	vst v63  }
0x11c: {  	s25 =	sadd.s32 $0x3380, s18  }
0x11d: {  	[spmem:s14] =	stream.indirect.scatter.add.f32 [tilespmem:s11], [sflag:$0x2], $0x80, s25, s9, $0xb8;
	[tilespmem:$0x1F748] =	vst v63  }
0x11e: {  	[spmem:s16] =	stream.indirect.scatter.add.f32 [tilespmem:s12], [sflag:$0x3], $0x1, s25, s9, $0xb8;
	[tilespmem:$0x1F748] =	vst v63  }
0x11f: {  	_ =	swait.ge [sflag:s10], $0x4000  }
0x120: {  	[sflag:s10] =	ssyncset.done $0x0  }
0x121: {  	[sflag:s10] =	ssyncadd.s32 $0xFFFFC000  }
0x122: {  	_ =	swait.ge [sflag:s13], $0x4000  }
0x123: {  	[sflag:s13] =	ssyncset.done $0x0  }
0x124: {  	s17 =	simm.s32 $0x2680;
	[sflag:s13] =	ssyncadd.s32 $0xFFFFC000  }
0x125: {  	[tilespmem:s11], [sflag:$0x1] =	stream.indirect.gather [hbm4b:s0+s9], $0x80, s17, s9, $0xb8;
	[tilespmem:$0x1F748] =	vst v63  }
0x126: {  	s25 =	simm.s32 $0x3300  }
0x127: {  	[spmem:s14] =	stream.indirect.scatter.add.f32 [tilespmem:s6], [sflag:$0x2], $0x80, s25, s9, $0xb8;
	[tilespmem:$0x1F748] =	vst v63  }
0x128: {  	_ = 	snop  }
0x129: {  	[spmem:s16] =	stream.indirect.scatter.add.f32 [tilespmem:s12], [sflag:$0x3], $0x1, s25, s9, $0xb8;
	[tilespmem:$0x1F748] =	vst v63  }
0x12a: {  	_ =	swait.ge [sflag:s10], $0x4000  }
0x12b: {  	[sflag:s10] =	ssyncset.done $0x0  }
0x12c: {  	[sflag:s10] =	ssyncadd.s32 $0xFFFFC000  }
0x12d: {  	_ =	swait.ge [sflag:s13], $0x4000  }
0x12e: {  	[sflag:s13] =	ssyncset.done $0x0  }
0x12f: {  	s18 =	simm.s32 $0x3380;
	[sflag:s13] =	ssyncadd.s32 $0xFFFFC000  }
0x130: {  	[spmem:s14] =	stream.indirect.scatter.add.f32 [tilespmem:s11], [sflag:$0x2], $0x80, s18, s9, $0xb8;
	[tilespmem:$0x1F748] =	vst v63  }
0x131: {  	_ = 	snop  }
0x132: {  	[spmem:s16] =	stream.indirect.scatter.add.f32 [tilespmem:s12], [sflag:$0x3], $0x1, s18, s9, $0xb8;
	[tilespmem:$0x1F748] =	vst v63  }
0x133: {  	_ =	swait.ge [sflag:s13], $0x4000  }
0x134: {  	[sflag:s13] =	ssyncset.done $0x0  }
0x135: {  	[sflag:s13] =	ssyncadd.s32 $0xFFFFC000  }
0x136: {  	_ =	swait.ge [sflag:s15], $0xD00  }
0x137: {  	[sflag:s15] =	ssyncset.done $0x0  }
0x138: {  	[sflag:s15] =	ssyncadd.s32 $0xFFFFF300  }
0x139: {  	_ =	swait.ge [sflag:s8], $0xD00  }
0x13a: {  	[sflag:s8] =	ssyncset.done $0x0  }
0x13b: {  	[sflag:s8] =	ssyncadd.s32 $0xFFFFF300  }
0x13c: {  	_ =	swait.ge [sflag:s8], $0xD00  }
0x13d: {  	[sflag:s8] =	ssyncset.done $0x0  }
0x13e: {  	[sflag:s8] =	ssyncadd.s32 $0xFFFFF300  }
0x13f: {  	[tilespmem:s6], [sflag:$0x1] =	stream.indirect.gather [hbm4b:s0+s9], $0x80, s1, s9, $0xb8;
	[tilespmem:$0x1F748] =	vst v63  }
0x140: {  	_ =	swait.ge [sflag:s10], $0x4000  }
0x141: {  	[sflag:s10] =	ssyncset.done $0x0  }
0x142: {  	[sflag:s10] =	ssyncadd.s32 $0xFFFFC000  }
0x143: {  	[tilespmem:s11], [sflag:$0x1] =	stream.indirect.gather [hbm4b:s0+s9], $0x80, s9, s9, $0xb8;
	[tilespmem:$0x1F748] =	vst v63  }
0x144: {  	_ = 	snop  }
0x145: {  	[spmem:s14] =	stream.indirect.scatter.add.f32 [tilespmem:s6], [sflag:$0x2], $0x80, s3, s9, $0xb8;
	[tilespmem:$0x1F748] =	vst v63  }
0x146: {  	_ = 	snop  }
0x147: {  	[spmem:s16] =	stream.indirect.scatter.add.f32 [tilespmem:s12], [sflag:$0x3], $0x1, s3, s9, $0xb8;
	[tilespmem:$0x1F748] =	vst v63  }
0x148: {  	_ =	swait.ge [sflag:s10], $0x4000  }
0x149: {  	[sflag:s10] =	ssyncset.done $0x0  }
0x14a: {  	[sflag:s10] =	ssyncadd.s32 $0xFFFFC000  }
0x14b: {  	_ =	swait.ge [sflag:s13], $0x4000  }
0x14c: {  	[sflag:s13] =	ssyncset.done $0x0  }
0x14d: {  	[sflag:s13] =	ssyncadd.s32 $0xFFFFC000  }
0x14e: {  	[tilespmem:s6], [sflag:$0x1] =	stream.indirect.gather [hbm4b:s0+s9], $0x80, s26, s9, $0xb8;
	[tilespmem:$0x1F748] =	vst v63  }
0x14f: {  	_ = 	snop  }
0x150: {  	[spmem:s14] =	stream.indirect.scatter.add.f32 [tilespmem:s11], [sflag:$0x2], $0x80, s4, s9, $0xb8;
	[tilespmem:$0x1F748] =	vst v63  }
0x151: {  	_ = 	snop  }
0x152: {  	[spmem:s16] =	stream.indirect.scatter.add.f32 [tilespmem:s12], [sflag:$0x3], $0x1, s4, s9, $0xb8;
	[tilespmem:$0x1F748] =	vst v63  }
0x153: {  	_ =	swait.ge [sflag:s10], $0x4000  }
0x154: {  	[sflag:s10] =	ssyncset.done $0x0  }
0x155: {  	[sflag:s10] =	ssyncadd.s32 $0xFFFFC000  }
0x156: {  	_ =	swait.ge [sflag:s13], $0x4000  }
0x157: {  	[sflag:s13] =	ssyncset.done $0x0  }
0x158: {  	s24 =	simm.s32 $0x180;
	[sflag:s13] =	ssyncadd.s32 $0xFFFFC000  }
0x159: {  	[tilespmem:s11], [sflag:$0x1] =	stream.indirect.gather [hbm4b:s0+s9], $0x80, s24, s9, $0xb8;
	[tilespmem:$0x1F748] =	vst v63  }
0x15a: {  	s25 =	simm.s32 $0xE00  }
0x15b: {  	[spmem:s14] =	stream.indirect.scatter.add.f32 [tilespmem:s6], [sflag:$0x2], $0x80, s25, s9, $0xb8;
	[tilespmem:$0x1F748] =	vst v63  }
0x15c: {  	_ = 	snop  }
0x15d: {  	[spmem:s16] =	stream.indirect.scatter.add.f32 [tilespmem:s12], [sflag:$0x3], $0x1, s25, s9, $0xb8;
	[tilespmem:$0x1F748] =	vst v63  }
0x15e: {  	_ =	swait.ge [sflag:s10], $0x4000  }
0x15f: {  	[sflag:s10] =	ssyncset.done $0x0  }
0x160: {  	[sflag:s10] =	ssyncadd.s32 $0xFFFFC000  }
0x161: {  	_ =	swait.ge [sflag:s13], $0x4000  }
0x162: {  	[sflag:s13] =	ssyncset.done $0x0  }
0x163: {  	s26 =	simm.s32 $0x200;
	[sflag:s13] =	ssyncadd.s32 $0xFFFFC000  }
0x164: {  	[tilespmem:s6], [sflag:$0x1] =	stream.indirect.gather [hbm4b:s0+s9], $0x80, s26, s9, $0xb8;
	[tilespmem:$0x1F748] =	vst v63  }
0x165: {  	s17 =	simm.s32 $0xFFFFD800;
	s25 =	simm.s32 $0xE80  }
0x166: {  	[spmem:s14] =	stream.indirect.scatter.add.f32 [tilespmem:s11], [sflag:$0x2], $0x80, s25, s9, $0xb8;
	[tilespmem:$0x1F748] =	vst v63  }
.LBB2_12:
0x167: {  	[spmem:s16] =	stream.indirect.scatter.add.f32 [tilespmem:s12], [sflag:$0x3], $0x1, s25, s9, $0xb8;
	[tilespmem:$0x1F748] =	vst v63  }
0x168: {  	s18 =	smov.u32 s17  }
0x169: {  	p2 =	sne.s32 s17, $0xFFFFFC00;
	s17 =	sadd.s32 $0x400, s17;
	_ =	swait.ge [sflag:s10], $0x4000  }
0x16a: {  	[sflag:s10] =	ssyncset.done $0x0  }
0x16b: {  	[sflag:s10] =	ssyncadd.s32 $0xFFFFC000  }
0x16c: {  	_ =	swait.ge [sflag:s13], $0x4000  }
0x16d: {  	s18 =	sshra.s32 s18, $0x2;
	[sflag:s13] =	ssyncset.done $0x0  }
0x16e: {  	s25 =	sadd.s32 $0xC80, s18;
	[sflag:s13] =	ssyncadd.s32 $0xFFFFC000  }
0x16f: {  	[tilespmem:s11], [sflag:$0x1] =	stream.indirect.gather [hbm4b:s0+s9], $0x80, s25, s9, $0xb8;
	[tilespmem:$0x1F748] =	vst v63  }
0x170: {  	s25 =	sadd.s32 $0x1900, s18  }
0x171: {  	[spmem:s14] =	stream.indirect.scatter.add.f32 [tilespmem:s6], [sflag:$0x2], $0x80, s25, s9, $0xb8;
	[tilespmem:$0x1F748] =	vst v63  }
0x172: {  	_ = 	snop  }
0x173: {  	[spmem:s16] =	stream.indirect.scatter.add.f32 [tilespmem:s12], [sflag:$0x3], $0x1, s25, s9, $0xb8;
	[tilespmem:$0x1F748] =	vst v63  }
0x174: {  	_ =	swait.ge [sflag:s10], $0x4000  }
0x175: {  	[sflag:s10] =	ssyncset.done $0x0  }
0x176: {  	[sflag:s10] =	ssyncadd.s32 $0xFFFFC000  }
0x177: {  	_ =	swait.ge [sflag:s13], $0x4000  }
.Ltmp5:
0x178: {  	[sflag:s13] =	ssyncset.done $0x0;
	(pc) =	sbr.rel @p2 .LBB2_12-.Ltmp5, $4  }
0x179: {  	s25 =	sadd.s32 $0xD00, s18;
	[sflag:s13] =	ssyncadd.s32 $0xFFFFC000  }
0x17a: {  	[tilespmem:s6], [sflag:$0x1] =	stream.indirect.gather [hbm4b:s0+s9], $0x80, s25, s9, $0xb8;
	[tilespmem:$0x1F748] =	vst v63  }
0x17b: {  	s25 =	sadd.s32 $0x1980, s18  }
0x17c: {  	[spmem:s14] =	stream.indirect.scatter.add.f32 [tilespmem:s11], [sflag:$0x2], $0x80, s25, s9, $0xb8;
	[tilespmem:$0x1F748] =	vst v63  }
0x17d: {  	[spmem:s16] =	stream.indirect.scatter.add.f32 [tilespmem:s12], [sflag:$0x3], $0x1, s25, s9, $0xb8;
	[tilespmem:$0x1F748] =	vst v63  }
0x17e: {  	_ =	swait.ge [sflag:s10], $0x4000  }
0x17f: {  	[sflag:s10] =	ssyncset.done $0x0  }
0x180: {  	[sflag:s10] =	ssyncadd.s32 $0xFFFFC000  }
0x181: {  	_ =	swait.ge [sflag:s13], $0x4000  }
0x182: {  	[sflag:s13] =	ssyncset.done $0x0  }
0x183: {  	s17 =	simm.s32 $0xC80;
	[sflag:s13] =	ssyncadd.s32 $0xFFFFC000  }
0x184: {  	[tilespmem:s11], [sflag:$0x1] =	stream.indirect.gather [hbm4b:s0+s9], $0x80, s17, s9, $0xb8;
	[tilespmem:$0x1F748] =	vst v63  }
0x185: {  	_ = 	snop  }
0x186: {  	[spmem:s14] =	stream.indirect.scatter.add.f32 [tilespmem:s6], [sflag:$0x2], $0x80, s30, s9, $0xb8;
	[tilespmem:$0x1F748] =	vst v63  }
0x187: {  	_ = 	snop  }
0x188: {  	[spmem:s16] =	stream.indirect.scatter.add.f32 [tilespmem:s12], [sflag:$0x3], $0x1, s30, s9, $0xb8;
	[tilespmem:$0x1F748] =	vst v63  }
0x189: {  	_ =	swait.ge [sflag:s10], $0x4000  }
0x18a: {  	[sflag:s10] =	ssyncset.done $0x0  }
0x18b: {  	[sflag:s10] =	ssyncadd.s32 $0xFFFFC000  }
0x18c: {  	_ =	swait.ge [sflag:s13], $0x4000  }
0x18d: {  	[sflag:s13] =	ssyncset.done $0x0  }
0x18e: {  	[sflag:s13] =	ssyncadd.s32 $0xFFFFC000  }
0x18f: {  	[spmem:s14] =	stream.indirect.scatter.add.f32 [tilespmem:s11], [sflag:$0x2], $0x80, s31, s9, $0xb8;
	[tilespmem:$0x1F748] =	vst v63  }
0x190: {  	_ = 	snop  }
0x191: {  	[spmem:s16] =	stream.indirect.scatter.add.f32 [tilespmem:s12], [sflag:$0x3], $0x1, s31, s9, $0xb8;
	[tilespmem:$0x1F748] =	vst v63  }
0x192: {  	_ =	swait.ge [sflag:s13], $0x4000  }
0x193: {  	[sflag:s13] =	ssyncset.done $0x0  }
0x194: {  	[sflag:s13] =	ssyncadd.s32 $0xFFFFC000  }
0x195: {  	_ =	swait.ge [sflag:s15], $0xD00  }
0x196: {  	[sflag:s15] =	ssyncset.done $0x0  }
0x197: {  	s17 =	simm.s32 @!p1 $0x0;
	s18 =	rddreg [dreg:$0xc];
	[sflag:s15] =	ssyncadd.s32 $0xFFFFF300  }
0x198: {  	[tilespmem:s17], [sflag:$0x5] =	stream.linear.gather @!p1 [hbm4b:s18+s17], $0x80, $0x38;
	[tilespmem:$0x1F748] =	vst v63  }
0x199: {  	s18 =	simm.s32 @!p1 $0x5  }
0x19a: {  	_ =	swait.ge @!p1 [sflag:s18], $0x80  }
0x19b: {  	[sflag:s18] =	ssyncset.done @!p1 $0x0  }
0x19c: {  	s25 =	simm.s32 @!p1 $0xD00;
	s24 =	rddreg [dreg:$0xd];
	[sflag:s18] =	ssyncadd.s32 @!p1 $0xFFFFFF80  }
0x19d: {  	[tilespmem:s25], [sflag:$0x5] =	stream.linear.gather @!p1 [hbm4b:s24+s17], $0x80, $0x38;
	[tilespmem:$0x1F748] =	vst v63  }
0x19e: {  	_ =	swait.ge @!p1 [sflag:s18], $0x80  }
0x19f: {  	[sflag:s18] =	ssyncset.done @!p1 $0x0  }
0x1a0: {  	s26 =	simm.s32 @!p1 $0x3400;
	s24 =	simm.s32 @!p1 $0x80;
	[sflag:s18] =	ssyncadd.s32 @!p1 $0xFFFFFF80  }
0x1a1: {  	[tilespmem:s26], [sflag:$0x1] =	stream.indirect.gather @!p1 [hbm4b:s0+s24], $0x80, s17, s24, $0xb8;
	[tilespmem:$0x1F748] =	vst v63  }
0x1a2: {  	s17 =	simm.s32 @!p1 $0x1  }
0x1a3: {  	_ =	swait.ge @!p1 [sflag:s17], $0x4000  }
0x1a4: {  	[sflag:s17] =	ssyncset.done @!p1 $0x0  }
0x1a5: {  	[sflag:s17] =	ssyncadd.s32 @!p1 $0xFFFFC000  }
0x1a6: {  	[spmem:s14] =	stream.indirect.scatter.add.f32 @!p1 [tilespmem:s26], [sflag:$0x5], $0x80, s25, s24, $0xb8;
	[tilespmem:$0x1F748] =	vst v63  }
0x1a7: {  	_ =	swait.ge @!p1 [sflag:s18], $0x4000  }
0x1a8: {  	[sflag:s18] =	ssyncset.done @!p1 $0x0  }
0x1a9: {  	s17 =	simm.s32 @!p1 $0x1EC80;
	[sflag:s18] =	ssyncadd.s32 @!p1 $0xFFFFC000  }
0x1aa: {  	[spmem:s16] =	stream.indirect.scatter.add.f32 @!p1 [tilespmem:s17], [sflag:$0x5], $0x1, s25, s24, $0xb8;
	[tilespmem:$0x1F748] =	vst v63  }
0x1ab: {  	_ =	swait.ge @!p1 [sflag:s18], $0x80  }
0x1ac: {  	[sflag:s18] =	ssyncset.done @!p1 $0x0  }
0x1ad: {  	[sflag:s18] =	ssyncadd.s32 @!p1 $0xFFFFFF80  }
0x1ae: {  	[bflag:$0x0] =	sbarrier.arrive $0xFFFF  }
0x1af: {  	[tilespmem:s6], [sflag:$0x5] =	stream.linear.gather [spmem:s19], $0x3E80, $0x38;
	[tilespmem:$0x1F748] =	vst v63  }
0x1b0: {  	_ =	swait.ge [sflag:s7], $0x3E80  }
0x1b1: {  	[sflag:s7] =	ssyncset.done $0x0  }
0x1b2: {  	s25 =	rddreg [dreg:$0xe];
	[sflag:s7] =	ssyncadd.s32 $0xFFFFC180  }
0x1b3: {  	[hbm4b:s25+s1] =	stream.linear.scatter [tilespmem:s6], [sflag:$0x5], $0x3E80, $0x38;
	[tilespmem:$0x1F748] =	vst v63  }
0x1b4: {  	_ =	swait.ge [sflag:s7], $0x3E80  }
0x1b5: {  	[sflag:s7] =	ssyncset.done $0x0  }
0x1b6: {  	[sflag:s7] =	ssyncadd.s32 $0xFFFFC180  }
0x1b7: {  	[tilespmem:s6], [sflag:$0x5] =	stream.linear.gather [spmem:s20], $0x3E80, $0x38;
	[tilespmem:$0x1F748] =	vst v63  }
0x1b8: {  	_ =	swait.ge [sflag:s7], $0x3E80  }
0x1b9: {  	[sflag:s7] =	ssyncset.done $0x0  }
0x1ba: {  	s26 =	rddreg [dreg:$0xf];
	[sflag:s7] =	ssyncadd.s32 $0xFFFFC180  }
0x1bb: {  	[hbm4b:s26+s1] =	stream.linear.scatter [tilespmem:s6], [sflag:$0x5], $0x3E80, $0x38;
	[tilespmem:$0x1F748] =	vst v63  }
0x1bc: {  	_ =	swait.ge [sflag:s7], $0x3E80  }
0x1bd: {  	[sflag:s7] =	ssyncset.done $0x0  }
0x1be: {  	[sflag:s7] =	ssyncadd.s32 $0xFFFFC180  }
0x1bf: {  	[tilespmem:s6], [sflag:$0x5] =	stream.linear.gather [spmem:s21], $0x3E80, $0x38;
	[tilespmem:$0x1F748] =	vst v63  }
0x1c0: {  	_ =	swait.ge [sflag:s7], $0x3E80  }
0x1c1: {  	[sflag:s7] =	ssyncset.done $0x0  }
0x1c2: {  	s18 =	rddreg [dreg:$0x10];
	[sflag:s7] =	ssyncadd.s32 $0xFFFFC180  }
0x1c3: {  	[hbm4b:s18+s1] =	stream.linear.scatter [tilespmem:s6], [sflag:$0x5], $0x3E80, $0x38;
	[tilespmem:$0x1F748] =	vst v63  }
0x1c4: {  	_ =	swait.ge [sflag:s7], $0x3E80  }
0x1c5: {  	[sflag:s7] =	ssyncset.done $0x0  }
0x1c6: {  	[sflag:s7] =	ssyncadd.s32 $0xFFFFC180  }
0x1c7: {  	[tilespmem:s6], [sflag:$0x5] =	stream.linear.gather [spmem:s22], $0x3E80, $0x38;
	[tilespmem:$0x1F748] =	vst v63  }
0x1c8: {  	_ =	swait.ge [sflag:s7], $0x3E80  }
0x1c9: {  	[sflag:s7] =	ssyncset.done $0x0  }
0x1ca: {  	s24 =	rddreg [dreg:$0x11];
	[sflag:s7] =	ssyncadd.s32 $0xFFFFC180  }
0x1cb: {  	[hbm4b:s24+s1] =	stream.linear.scatter [tilespmem:s6], [sflag:$0x5], $0x3E80, $0x38;
	[tilespmem:$0x1F748] =	vst v63  }
0x1cc: {  	_ =	swait.ge [sflag:s7], $0x3E80  }
0x1cd: {  	[sflag:s7] =	ssyncset.done $0x0  }
0x1ce: {  	[sflag:s7] =	ssyncadd.s32 $0xFFFFC180  }
0x1cf: {  	[tilespmem:s6], [sflag:$0x5] =	stream.linear.gather [spmem:s23], $0x3E80, $0x38;
	[tilespmem:$0x1F748] =	vst v63  }
0x1d0: {  	_ =	swait.ge [sflag:s7], $0x3E80  }
0x1d1: {  	[sflag:s7] =	ssyncset.done $0x0  }
0x1d2: {  	s25 =	rddreg [dreg:$0x12];
	[sflag:s7] =	ssyncadd.s32 $0xFFFFC180  }
0x1d3: {  	[hbm4b:s25+s1] =	stream.linear.scatter [tilespmem:s6], [sflag:$0x5], $0x3E80, $0x38;
	[tilespmem:$0x1F748] =	vst v63  }
0x1d4: {  	_ =	swait.ge [sflag:s7], $0x3E80  }
0x1d5: {  	[sflag:s7] =	ssyncset.done $0x0  }
0x1d6: {  	s17 =	simm.s32 @!p0 $0x1ED00;
	s18 =	simm.s32 @!p0 $0x5;
	[sflag:s7] =	ssyncadd.s32 $0xFFFFC180  }
0x1d7: {  	[tilespmem:s17], [sflag:$0x5] =	stream.linear.gather @!p0 [spmem:s16], $0x7D0, $0x38;
	[tilespmem:$0x1F748] =	vst v63  }
0x1d8: {  	_ =	swait.ge @!p0 [sflag:s18], $0x7D0  }
0x1d9: {  	[sflag:s18] =	ssyncset.done @!p0 $0x0  }
0x1da: {  	s24 =	simm.s32 @!p0 $0x0;
	s25 =	rddreg [dreg:$0x13];
	[sflag:s18] =	ssyncadd.s32 @!p0 $0xFFFFF830  }
0x1db: {  	[hbm4b:s25+s24] =	stream.linear.scatter @!p0 [tilespmem:s17], [sflag:$0x5], $0x7D0, $0x38;
	[tilespmem:$0x1F748] =	vst v63  }
0x1dc: {  	_ =	swait.ge @!p0 [sflag:s18], $0x7D0  }
0x1dd: {  	[sflag:s18] =	ssyncset.done @!p0 $0x0  }
0x1de: {  	s25 =	rddreg [dreg:$0x14];
	[sflag:s18] =	ssyncadd.s32 @!p0 $0xFFFFF830  }
0x1df: {  	[tilespmem:s17], [sflag:$0x5] =	stream.linear.gather @!p0 [spmem:s25], $0x7D0, $0x38;
	[tilespmem:$0x1F748] =	vst v63  }
0x1e0: {  	_ =	swait.ge @!p0 [sflag:s18], $0x7D0  }
0x1e1: {  	[sflag:s18] =	ssyncset.done @!p0 $0x0  }
0x1e2: {  	s25 =	rddreg [dreg:$0x17];
	[sflag:s18] =	ssyncadd.s32 @!p0 $0xFFFFF830  }
0x1e3: {  	[hbm4b:s25+s24] =	stream.linear.scatter @!p0 [tilespmem:s17], [sflag:$0x5], $0x7D0, $0x38;
	[tilespmem:$0x1F748] =	vst v63  }
0x1e4: {  	_ =	swait.ge @!p0 [sflag:s18], $0x7D0  }
0x1e5: {  	[sflag:s18] =	ssyncset.done @!p0 $0x0  }
0x1e6: {  	s25 =	rddreg [dreg:$0x16];
	[sflag:s18] =	ssyncadd.s32 @!p0 $0xFFFFF830  }
0x1e7: {  	[tilespmem:s17], [sflag:$0x5] =	stream.linear.gather @!p0 [spmem:s25], $0x7D0, $0x38;
	[tilespmem:$0x1F748] =	vst v63  }
0x1e8: {  	_ =	swait.ge @!p0 [sflag:s18], $0x7D0  }
0x1e9: {  	[sflag:s18] =	ssyncset.done @!p0 $0x0  }
0x1ea: {  	s25 =	rddreg [dreg:$0x18];
	[sflag:s18] =	ssyncadd.s32 @!p0 $0xFFFFF830  }
0x1eb: {  	[hbm4b:s25+s24] =	stream.linear.scatter @!p0 [tilespmem:s17], [sflag:$0x5], $0x7D0, $0x38;
	[tilespmem:$0x1F748] =	vst v63  }
0x1ec: {  	_ =	swait.ge @!p0 [sflag:s18], $0x7D0  }
0x1ed: {  	[sflag:s18] =	ssyncset.done @!p0 $0x0  }
0x1ee: {  	[sflag:s18] =	ssyncadd.s32 @!p0 $0xFFFFF830  }
0x1ef: {  	[tilespmem:s17], [sflag:$0x5] =	stream.linear.gather @!p0 [spmem:s28], $0x7D0, $0x38;
	[tilespmem:$0x1F748] =	vst v63  }
0x1f0: {  	_ =	swait.ge @!p0 [sflag:s18], $0x7D0  }
0x1f1: {  	[sflag:s18] =	ssyncset.done @!p0 $0x0  }
0x1f2: {  	s25 =	rddreg [dreg:$0x19];
	[sflag:s18] =	ssyncadd.s32 @!p0 $0xFFFFF830  }
0x1f3: {  	[hbm4b:s25+s24] =	stream.linear.scatter @!p0 [tilespmem:s17], [sflag:$0x5], $0x7D0, $0x38;
	[tilespmem:$0x1F748] =	vst v63  }
0x1f4: {  	_ =	swait.ge @!p0 [sflag:s18], $0x7D0  }
0x1f5: {  	[sflag:s18] =	ssyncset.done @!p0 $0x0  }
0x1f6: {  	[sflag:s18] =	ssyncadd.s32 @!p0 $0xFFFFF830  }
0x1f7: {  	[tilespmem:s17], [sflag:$0x5] =	stream.linear.gather @!p0 [spmem:s29], $0x7D0, $0x38;
	[tilespmem:$0x1F748] =	vst v63  }
0x1f8: {  	_ =	swait.ge @!p0 [sflag:s18], $0x7D0  }
0x1f9: {  	[sflag:s18] =	ssyncset.done @!p0 $0x0  }
0x1fa: {  	s25 =	rddreg [dreg:$0x1a];
	[sflag:s18] =	ssyncadd.s32 @!p0 $0xFFFFF830  }
0x1fb: {  	[hbm4b:s25+s24] =	stream.linear.scatter @!p0 [tilespmem:s17], [sflag:$0x5], $0x7D0, $0x38;
	[tilespmem:$0x1F748] =	vst v63  }
0x1fc: {  	_ =	swait.ge @!p0 [sflag:s18], $0x7D0  }
0x1fd: {  	s2 =	sadd.s32 $0x1, s2;
	s26 =	rddreg [dreg:$0x15]  }
0x1fe: {  	p2 =	sne.s32 s2, s26  }
.Ltmp6:
0x1ff: {  	_ = 	snop;
	(pc) =	sbr.rel @p2 .LBB2_1-.Ltmp6, $3  }
0x200: {  	_ =	sdelay $0x1  }
0x201: {  	[sflag:s18] =	ssyncset.done @!p0 $0x0  }
0x202: {  	s24 =	simm.s32 $0x1A00;
	[sflag:s18] =	ssyncadd.s32 @!p0 $0xFFFFF830;
	s26 =	simm.s32 $0x100  }
0x203: {  	_ =	sfence.sel $0x180000  }
0x204: {  	[bflag:$0x0] =	sbarrier.arrive $0xFFFF  }
0x205: {  	_ =	strace $0x90000047  }
0x206: {  	[bflag:$0x2] =	sbarrier.arrive $0xFFFF  }
0x207: {  	s0 =	rddreg [dreg:$0x5]  }
0x208: {  	s0 =	sadd.s32 @!p0 $0x100000, s0  }
0x209: {  	[sflag:s0] =	ssyncadd.tile.s32 @!p0 $0x1;
	_ =	shalt  }
.Lfunc_end2:
_tile_overlayer_lowered:
.L_overlay_start_2:
0x20a: {  	(tag) =	ssettag $0x2  }
0x20b: {  	s0 =	rddreg [dreg:$0x0];
	s2 =	stileid.u32  }
0x20c: {  	s1 =	rddreg [dreg:$0x1];
	p0 =	sne.s32 s2, $0x0  }
0x20d: {  	s3 =	rddreg [dreg:$0x2];
	[bflag:$0x3] =	sbarrier.arrive $0xFFFF;
	s2 =	simm.s32 @!p0 $0x1C05  }
0x20e: {  	[timem:s3], [sflag:s2] =	dma.local @!p0 [hbm:s0], s1  }
0x20f: {  	s0 =	simm.s32 @!p0 $0x5  }
0x210: {  	_ =	swait.ge @!p0 [sflag:s0], s1  }
0x211: {  	s1 =	ssub.s32 @!p0 $0x0, s1;
	[sflag:s0] =	ssyncset.done @!p0 $0x0  }
0x212: {  	[sflag:s0] =	ssyncadd.s32 @!p0 s1  }
0x213: {  	[bflag:$0x3] =	sbarrier.arrive $0xFFFF  }
0x214: {  	_ =	shalt  }

</sc_bundles>
